<compile_context>
chip_gen: v7x
topology: tpu7x:2x2x1
jax: 0.10.2.dev20260603
libtpu: 0.0.44.dev20260713+nightly
codegen_flags: <defaults>
</compile_context>

<pallas_src>
import functools

import jax
import jax.numpy as jnp
from jax import lax
from jax.experimental import pallas as pl
from jax.experimental.pallas import tpu as pltpu
from jax.experimental.pallas import tpu_sc as plsc

_NC = 2
_NS = 16
_NW = _NC * _NS

_D = 128
_G = 2
_NBUF = 8
_PF = 3


def _make_gather(S: int, T: int):
    assert S % (_NW * _G) == 0
    s_per_w = S // _NW
    n_pairs = s_per_w // _G
    assert n_pairs % _NBUF == 0 and n_pairs // _NBUF >= 2
    n_groups = n_pairs // _NBUF
    mesh = plsc.VectorSubcoreMesh(core_axis_name="c", subcore_axis_name="s")

    @functools.partial(
        pl.kernel,
        mesh=mesh,
        out_type=jax.ShapeDtypeStruct((S, T, _D), jnp.float32),
        scratch_types=[
            pltpu.VMEM((s_per_w, T), jnp.int32),
            pltpu.VMEM((_NBUF, _G, T, _D), jnp.float32),
            pltpu.SemaphoreType.DMA((_NBUF,)),
            pltpu.SemaphoreType.DMA((_NBUF,)),
        ],
    )
    def k(table_hbm, idx_hbm, out_hbm, idx_v, rows_v, gsem, osem):
        wid = lax.axis_index("s") * _NC + lax.axis_index("c")
        base = wid * s_per_w
        pltpu.sync_copy(idx_hbm.at[pl.ds(base, s_per_w)], idx_v)

        def start_gather(q, b):
            for g in range(_G):
                pltpu.async_copy(
                    table_hbm.at[idx_v.at[q * _G + g]],
                    rows_v.at[b, g],
                    gsem.at[b],
                )

        def wait_gather(b):
            for g in range(_G):
                pltpu.make_async_copy(
                    table_hbm.at[idx_v.at[0]], rows_v.at[b, g], gsem.at[b]
                ).wait()

        def start_out(q, b):
            pltpu.async_copy(
                rows_v.at[b], out_hbm.at[pl.ds(base + q * _G, _G)], osem.at[b]
            )

        def wait_out(b):
            pltpu.make_async_copy(
                rows_v.at[b], out_hbm.at[pl.ds(base, _G)], osem.at[b]
            ).wait()

        for p in range(_PF):
            start_gather(p, p)
        for b in range(_NBUF):
            nxt = b + _PF
            if nxt >= _NBUF:
                wait_out(nxt % _NBUF)
            start_gather(nxt, nxt % _NBUF)
            wait_gather(b)
            start_out(b, b)

        def group(g, _):
            for b in range(_NBUF):
                q = g * _NBUF + b
                wait_out((b + _PF) % _NBUF)
                start_gather(q + _PF, (b + _PF) % _NBUF)
                wait_gather(b)
                start_out(q, b)
            return ()

        lax.fori_loop(1, n_groups - 1, group, (), unroll=False)

        for b in range(_NBUF):
            q = (n_groups - 1) * _NBUF + b
            if b < _NBUF - _PF:
                wait_out((b + _PF) % _NBUF)
                start_gather(q + _PF, (b + _PF) % _NBUF)
            wait_gather(b)
            start_out(q, b)

        for b in range(_NBUF):
            wait_out(b)

    return k


def kernel(token_ids, E):
    S, T = token_ids.shape
    return _make_gather(S, T)(E, token_ids.astype(jnp.int32))

# --- scband reference (transcript-rebuilt; emitter-appended) ---
"""Pipeline reference for scband-embedding-62775241998370 (READ-ONLY COPY).

The authoritative reference and input builder live on the scoring server;
editing this copy changes nothing except your own understanding.
"""

import jax, jax.numpy as jnp
import numpy as np

NUM_EMBEDDINGS = 100000
EMBEDDING_DIM = 128

def setup_inputs(seed: int = 0) -> dict:
    key = jax.random.key(seed)
    k_idx, k_tab = jax.random.split(key)
    token_ids = jax.random.randint(k_idx, (4096, 50), 0, NUM_EMBEDDINGS, dtype=jnp.int64 if jax.config.jax_enable_x64 else jnp.int32)
    # trunc_normal init (mean=0, std=1, a=-3, b=3)
    E = jax.random.truncated_normal(k_tab, -3.0, 3.0, (NUM_EMBEDDINGS, EMBEDDING_DIM), dtype=jnp.float32)
    return {"token_ids": token_ids, "E": E}

def reference(token_ids, E):
    # Faithful translation of: return self.E[token_ids]
    return jnp.take(E, token_ids, axis=0)

if __name__ == "__main__":
    import jax
    _d = setup_inputs()
    print(jax.jit(kernel)(*tuple(_d.values())))

</pallas_src>

<mosaic_0001>
#map = affine_map<(d0, d1) -> (0, 0)>
#map1 = affine_map<(d0, d1) -> (0, 0, 0)>
module attributes {stable_mosaic.version = 14 : i64} {
  func.func @k(%arg0: i32, %arg1: i32, %arg2: memref<100000x128xf32, #tpu.memory_space<hbm>>, %arg3: memref<4096x50xi32, #tpu.memory_space<hbm>>, %arg4: memref<4096x50x128xf32, #tpu.memory_space<hbm>>, %arg5: memref<128x50xi32, #tpu.memory_space<vmem>>, %arg6: memref<8x2x50x128xf32, #tpu.memory_space<vmem>>, %arg7: memref<8x!tpu.dma_semaphore, #tpu.memory_space<semaphore_mem>>, %arg8: memref<8x!tpu.dma_semaphore, #tpu.memory_space<semaphore_mem>>) attributes {dimension_semantics = [#tpu.dimension_semantics<core_parallel>, #tpu.dimension_semantics<subcore_parallel>], iteration_bounds = array<i64: 2, 16>, scalar_prefetch = 0 : i64, scratch_operands = 4 : i64, tpu.core_type = #tpu.core_type<sc_vector_subcore>, window_params = [{transform_indices = #map}, {transform_indices = #map}, {transform_indices = #map1}]} {
    %mul3A = arith.constant 2 : i32
    %mul3A_0 = arith.muli %arg1, %mul3A : i32
    %add3A = arith.addi %mul3A_0, %arg0 : i32
    %mul3A_1 = arith.constant 128 : i32
    %mul3A_2 = arith.muli %add3A, %mul3A_1 : i32
    "tpu.region"() ({
      %run_scoped3A = tpu.sem_alloc : memref<!tpu.dma_semaphore, #tpu.memory_space<semaphore_mem>>
      %dma_start3A_1701 = arith.constant 0 : i32
      %dma_start3A_1702 = tpu.memref_slice %arg3[%mul3A_2, %dma_start3A_1701] : memref<4096x50xi32, #tpu.memory_space<hbm>> -> memref<128x50xi32, #tpu.memory_space<hbm>>
      %dma_start3A_1703 = arith.constant 0 : i32
      %dma_start3A_1704 = tpu.memref_slice %arg3[%mul3A_2, %dma_start3A_1703] : memref<4096x50xi32, #tpu.memory_space<hbm>> -> memref<128x50xi32, #tpu.memory_space<hbm>>
      tpu.enqueue_dma source(%dma_start3A_1704 : memref<128x50xi32, #tpu.memory_space<hbm>>) target(%arg5 : memref<128x50xi32, #tpu.memory_space<vmem>>) target_semaphore(%run_scoped3A : memref<!tpu.dma_semaphore, #tpu.memory_space<semaphore_mem>>)
      %dma_wait3A_1705 = arith.constant 0 : i32
      %dma_wait3A_1706 = tpu.memref_slice %arg3[%mul3A_2, %dma_wait3A_1705] : memref<4096x50xi32, #tpu.memory_space<hbm>> -> memref<128x50xi32, #tpu.memory_space<hbm>>
      %dma_wait3A_1707 = arith.constant 0 : i32
      %dma_wait3A_1708 = tpu.memref_slice %arg3[%mul3A_2, %dma_wait3A_1707] : memref<4096x50xi32, #tpu.memory_space<hbm>> -> memref<128x50xi32, #tpu.memory_space<hbm>>
      tpu.wait_dma2 semaphore(%run_scoped3A : memref<!tpu.dma_semaphore, #tpu.memory_space<semaphore_mem>>) src(%dma_wait3A_1708 : memref<128x50xi32, #tpu.memory_space<hbm>>) dst(%arg5 : memref<128x50xi32, #tpu.memory_space<vmem>>)
      tpu.yield
    }) : () -> ()
    %dma_start3A = arith.constant 0 : i32
    %dma_start3A_3 = arith.constant 0 : i32
    %dma_start3A_4 = arith.constant 0 : i32
    %dma_start3A_5 = arith.constant 0 : i32
    %dma_start3A_6 = arith.constant 0 : i32
    %dma_start3A_7 = arith.constant 0 : i32
    %dma_start3A_8 = tpu.memref_slice %arg6[%dma_start3A_3, %dma_start3A_4, %dma_start3A_6, %dma_start3A_7] : memref<8x2x50x128xf32, #tpu.memory_space<vmem>> -> memref<1x1x50x128xf32, #tpu.memory_space<vmem>>
    %dma_start3A_9 = tpu.memref_squeeze %dma_start3A_8 : memref<1x1x50x128xf32, #tpu.memory_space<vmem>> -> memref<50x128xf32, #tpu.memory_space<vmem>>
    %dma_start3A_10 = arith.constant 0 : i32
    %dma_start3A_11 = tpu.memref_slice %arg5[%dma_start3A, %dma_start3A_10] : memref<128x50xi32, #tpu.memory_space<vmem>> -> memref<1x50xi32, #tpu.memory_space<vmem>>
    %dma_start3A_12 = tpu.memref_squeeze %dma_start3A_11 : memref<1x50xi32, #tpu.memory_space<vmem>> -> memref<50xi32, #tpu.memory_space<vmem>>
    %dma_start3A_13 = arith.constant 0 : i32
    %dma_start3A_14 = arith.constant 0 : i32
    %dma_start3A_15 = tpu.memref_slice %arg2[%dma_start3A_13, %dma_start3A_14] : memref<100000x128xf32, #tpu.memory_space<hbm>> -> memref<100000x128xf32, #tpu.memory_space<hbm>>
    %dma_start3A_16 = tpu.memref_slice %arg7[%dma_start3A_5] : memref<8x!tpu.dma_semaphore, #tpu.memory_space<semaphore_mem>> -> memref<1x!tpu.dma_semaphore, #tpu.memory_space<semaphore_mem>>
    %dma_start3A_17 = tpu.memref_squeeze %dma_start3A_16 : memref<1x!tpu.dma_semaphore, #tpu.memory_space<semaphore_mem>> -> memref<!tpu.dma_semaphore, #tpu.memory_space<semaphore_mem>>
    tpu.enqueue_indirect_dma source(%dma_start3A_15 : memref<100000x128xf32, #tpu.memory_space<hbm>>) target(%dma_start3A_9 : memref<50x128xf32, #tpu.memory_space<vmem>>) offsets(%dma_start3A_12 : memref<50xi32, #tpu.memory_space<vmem>>) semaphore(%dma_start3A_17 : memref<!tpu.dma_semaphore, #tpu.memory_space<semaphore_mem>>)
    %dma_start3A_18 = arith.constant 1 : i32
    %dma_start3A_19 = arith.constant 0 : i32
    %dma_start3A_20 = arith.constant 1 : i32
    %dma_start3A_21 = arith.constant 0 : i32
    %dma_start3A_22 = arith.constant 0 : i32
    %dma_start3A_23 = arith.constant 0 : i32
    %dma_start3A_24 = tpu.memref_slice %arg6[%dma_start3A_19, %dma_start3A_20, %dma_start3A_22, %dma_start3A_23] : memref<8x2x50x128xf32, #tpu.memory_space<vmem>> -> memref<1x1x50x128xf32, #tpu.memory_space<vmem>>
    %dma_start3A_25 = tpu.memref_squeeze %dma_start3A_24 : memref<1x1x50x128xf32, #tpu.memory_space<vmem>> -> memref<50x128xf32, #tpu.memory_space<vmem>>
    %dma_start3A_26 = arith.constant 0 : i32
    %dma_start3A_27 = tpu.memref_slice %arg5[%dma_start3A_18, %dma_start3A_26] : memref<128x50xi32, #tpu.memory_space<vmem>> -> memref<1x50xi32, #tpu.memory_space<vmem>>
    %dma_start3A_28 = tpu.memref_squeeze %dma_start3A_27 : memref<1x50xi32, #tpu.memory_space<vmem>> -> memref<50xi32, #tpu.memory_space<vmem>>
    %dma_start3A_29 = arith.constant 0 : i32
    %dma_start3A_30 = arith.constant 0 : i32
    %dma_start3A_31 = tpu.memref_slice %arg2[%dma_start3A_29, %dma_start3A_30] : memref<100000x128xf32, #tpu.memory_space<hbm>> -> memref<100000x128xf32, #tpu.memory_space<hbm>>
    %dma_start3A_32 = tpu.memref_slice %arg7[%dma_start3A_21] : memref<8x!tpu.dma_semaphore, #tpu.memory_space<semaphore_mem>> -> memref<1x!tpu.dma_semaphore, #tpu.memory_space<semaphore_mem>>
    %dma_start3A_33 = tpu.memref_squeeze %dma_start3A_32 : memref<1x!tpu.dma_semaphore, #tpu.memory_space<semaphore_mem>> -> memref<!tpu.dma_semaphore, #tpu.memory_space<semaphore_mem>>
    tpu.enqueue_indirect_dma source(%dma_start3A_31 : memref<100000x128xf32, #tpu.memory_space<hbm>>) target(%dma_start3A_25 : memref<50x128xf32, #tpu.memory_space<vmem>>) offsets(%dma_start3A_28 : memref<50xi32, #tpu.memory_space<vmem>>) semaphore(%dma_start3A_33 : memref<!tpu.dma_semaphore, #tpu.memory_space<semaphore_mem>>)
    %dma_start3A_34 = arith.constant 2 : i32
    %dma_start3A_35 = arith.constant 1 : i32
    %dma_start3A_36 = arith.constant 0 : i32
    %dma_start3A_37 = arith.constant 1 : i32
    %dma_start3A_38 = arith.constant 0 : i32
    %dma_start3A_39 = arith.constant 0 : i32
    %dma_start3A_40 = tpu.memref_slice %arg6[%dma_start3A_35, %dma_start3A_36, %dma_start3A_38, %dma_start3A_39] : memref<8x2x50x128xf32, #tpu.memory_space<vmem>> -> memref<1x1x50x128xf32, #tpu.memory_space<vmem>>
    %dma_start3A_41 = tpu.memref_squeeze %dma_start3A_40 : memref<1x1x50x128xf32, #tpu.memory_space<vmem>> -> memref<50x128xf32, #tpu.memory_space<vmem>>
    %dma_start3A_42 = arith.constant 0 : i32
    %dma_start3A_43 = tpu.memref_slice %arg5[%dma_start3A_34, %dma_start3A_42] : memref<128x50xi32, #tpu.memory_space<vmem>> -> memref<1x50xi32, #tpu.memory_space<vmem>>
    %dma_start3A_44 = tpu.memref_squeeze %dma_start3A_43 : memref<1x50xi32, #tpu.memory_space<vmem>> -> memref<50xi32, #tpu.memory_space<vmem>>
    %dma_start3A_45 = arith.constant 0 : i32
    %dma_start3A_46 = arith.constant 0 : i32
    %dma_start3A_47 = tpu.memref_slice %arg2[%dma_start3A_45, %dma_start3A_46] : memref<100000x128xf32, #tpu.memory_space<hbm>> -> memref<100000x128xf32, #tpu.memory_space<hbm>>
    %dma_start3A_48 = tpu.memref_slice %arg7[%dma_start3A_37] : memref<8x!tpu.dma_semaphore, #tpu.memory_space<semaphore_mem>> -> memref<1x!tpu.dma_semaphore, #tpu.memory_space<semaphore_mem>>
    %dma_start3A_49 = tpu.memref_squeeze %dma_start3A_48 : memref<1x!tpu.dma_semaphore, #tpu.memory_space<semaphore_mem>> -> memref<!tpu.dma_semaphore, #tpu.memory_space<semaphore_mem>>
    tpu.enqueue_indirect_dma source(%dma_start3A_47 : memref<100000x128xf32, #tpu.memory_space<hbm>>) target(%dma_start3A_41 : memref<50x128xf32, #tpu.memory_space<vmem>>) offsets(%dma_start3A_44 : memref<50xi32, #tpu.memory_space<vmem>>) semaphore(%dma_start3A_49 : memref<!tpu.dma_semaphore, #tpu.memory_space<semaphore_mem>>)
    %dma_start3A_50 = arith.constant 3 : i32
    %dma_start3A_51 = arith.constant 1 : i32
    %dma_start3A_52 = arith.constant 1 : i32
    %dma_start3A_53 = arith.constant 1 : i32
    %dma_start3A_54 = arith.constant 0 : i32
    %dma_start3A_55 = arith.constant 0 : i32
    %dma_start3A_56 = tpu.memref_slice %arg6[%dma_start3A_51, %dma_start3A_52, %dma_start3A_54, %dma_start3A_55] : memref<8x2x50x128xf32, #tpu.memory_space<vmem>> -> memref<1x1x50x128xf32, #tpu.memory_space<vmem>>
    %dma_start3A_57 = tpu.memref_squeeze %dma_start3A_56 : memref<1x1x50x128xf32, #tpu.memory_space<vmem>> -> memref<50x128xf32, #tpu.memory_space<vmem>>
    %dma_start3A_58 = arith.constant 0 : i32
    %dma_start3A_59 = tpu.memref_slice %arg5[%dma_start3A_50, %dma_start3A_58] : memref<128x50xi32, #tpu.memory_space<vmem>> -> memref<1x50xi32, #tpu.memory_space<vmem>>
    %dma_start3A_60 = tpu.memref_squeeze %dma_start3A_59 : memref<1x50xi32, #tpu.memory_space<vmem>> -> memref<50xi32, #tpu.memory_space<vmem>>
    %dma_start3A_61 = arith.constant 0 : i32
    %dma_start3A_62 = arith.constant 0 : i32
    %dma_start3A_63 = tpu.memref_slice %arg2[%dma_start3A_61, %dma_start3A_62] : memref<100000x128xf32, #tpu.memory_space<hbm>> -> memref<100000x128xf32, #tpu.memory_space<hbm>>
    %dma_start3A_64 = tpu.memref_slice %arg7[%dma_start3A_53] : memref<8x!tpu.dma_semaphore, #tpu.memory_space<semaphore_mem>> -> memref<1x!tpu.dma_semaphore, #tpu.memory_space<semaphore_mem>>
    %dma_start3A_65 = tpu.memref_squeeze %dma_start3A_64 : memref<1x!tpu.dma_semaphore, #tpu.memory_space<semaphore_mem>> -> memref<!tpu.dma_semaphore, #tpu.memory_space<semaphore_mem>>
    tpu.enqueue_indirect_dma source(%dma_start3A_63 : memref<100000x128xf32, #tpu.memory_space<hbm>>) target(%dma_start3A_57 : memref<50x128xf32, #tpu.memory_space<vmem>>) offsets(%dma_start3A_60 : memref<50xi32, #tpu.memory_space<vmem>>) semaphore(%dma_start3A_65 : memref<!tpu.dma_semaphore, #tpu.memory_space<semaphore_mem>>)
    %dma_start3A_66 = arith.constant 4 : i32
    %dma_start3A_67 = arith.constant 2 : i32
    %dma_start3A_68 = arith.constant 0 : i32
    %dma_start3A_69 = arith.constant 2 : i32
    %dma_start3A_70 = arith.constant 0 : i32
    %dma_start3A_71 = arith.constant 0 : i32
    %dma_start3A_72 = tpu.memref_slice %arg6[%dma_start3A_67, %dma_start3A_68, %dma_start3A_70, %dma_start3A_71] : memref<8x2x50x128xf32, #tpu.memory_space<vmem>> -> memref<1x1x50x128xf32, #tpu.memory_space<vmem>>
    %dma_start3A_73 = tpu.memref_squeeze %dma_start3A_72 : memref<1x1x50x128xf32, #tpu.memory_space<vmem>> -> memref<50x128xf32, #tpu.memory_space<vmem>>
    %dma_start3A_74 = arith.constant 0 : i32
    %dma_start3A_75 = tpu.memref_slice %arg5[%dma_start3A_66, %dma_start3A_74] : memref<128x50xi32, #tpu.memory_space<vmem>> -> memref<1x50xi32, #tpu.memory_space<vmem>>
    %dma_start3A_76 = tpu.memref_squeeze %dma_start3A_75 : memref<1x50xi32, #tpu.memory_space<vmem>> -> memref<50xi32, #tpu.memory_space<vmem>>
    %dma_start3A_77 = arith.constant 0 : i32
    %dma_start3A_78 = arith.constant 0 : i32
    %dma_start3A_79 = tpu.memref_slice %arg2[%dma_start3A_77, %dma_start3A_78] : memref<100000x128xf32, #tpu.memory_space<hbm>> -> memref<100000x128xf32, #tpu.memory_space<hbm>>
    %dma_start3A_80 = tpu.memref_slice %arg7[%dma_start3A_69] : memref<8x!tpu.dma_semaphore, #tpu.memory_space<semaphore_mem>> -> memref<1x!tpu.dma_semaphore, #tpu.memory_space<semaphore_mem>>
    %dma_start3A_81 = tpu.memref_squeeze %dma_start3A_80 : memref<1x!tpu.dma_semaphore, #tpu.memory_space<semaphore_mem>> -> memref<!tpu.dma_semaphore, #tpu.memory_space<semaphore_mem>>
    tpu.enqueue_indirect_dma source(%dma_start3A_79 : memref<100000x128xf32, #tpu.memory_space<hbm>>) target(%dma_start3A_73 : memref<50x128xf32, #tpu.memory_space<vmem>>) offsets(%dma_start3A_76 : memref<50xi32, #tpu.memory_space<vmem>>) semaphore(%dma_start3A_81 : memref<!tpu.dma_semaphore, #tpu.memory_space<semaphore_mem>>)
    %dma_start3A_82 = arith.constant 5 : i32
    %dma_start3A_83 = arith.constant 2 : i32
    %dma_start3A_84 = arith.constant 1 : i32
    %dma_start3A_85 = arith.constant 2 : i32
    %dma_start3A_86 = arith.constant 0 : i32
    %dma_start3A_87 = arith.constant 0 : i32
    %dma_start3A_88 = tpu.memref_slice %arg6[%dma_start3A_83, %dma_start3A_84, %dma_start3A_86, %dma_start3A_87] : memref<8x2x50x128xf32, #tpu.memory_space<vmem>> -> memref<1x1x50x128xf32, #tpu.memory_space<vmem>>
    %dma_start3A_89 = tpu.memref_squeeze %dma_start3A_88 : memref<1x1x50x128xf32, #tpu.memory_space<vmem>> -> memref<50x128xf32, #tpu.memory_space<vmem>>
    %dma_start3A_90 = arith.constant 0 : i32
    %dma_start3A_91 = tpu.memref_slice %arg5[%dma_start3A_82, %dma_start3A_90] : memref<128x50xi32, #tpu.memory_space<vmem>> -> memref<1x50xi32, #tpu.memory_space<vmem>>
    %dma_start3A_92 = tpu.memref_squeeze %dma_start3A_91 : memref<1x50xi32, #tpu.memory_space<vmem>> -> memref<50xi32, #tpu.memory_space<vmem>>
    %dma_start3A_93 = arith.constant 0 : i32
    %dma_start3A_94 = arith.constant 0 : i32
    %dma_start3A_95 = tpu.memref_slice %arg2[%dma_start3A_93, %dma_start3A_94] : memref<100000x128xf32, #tpu.memory_space<hbm>> -> memref<100000x128xf32, #tpu.memory_space<hbm>>
    %dma_start3A_96 = tpu.memref_slice %arg7[%dma_start3A_85] : memref<8x!tpu.dma_semaphore, #tpu.memory_space<semaphore_mem>> -> memref<1x!tpu.dma_semaphore, #tpu.memory_space<semaphore_mem>>
    %dma_start3A_97 = tpu.memref_squeeze %dma_start3A_96 : memref<1x!tpu.dma_semaphore, #tpu.memory_space<semaphore_mem>> -> memref<!tpu.dma_semaphore, #tpu.memory_space<semaphore_mem>>
    tpu.enqueue_indirect_dma source(%dma_start3A_95 : memref<100000x128xf32, #tpu.memory_space<hbm>>) target(%dma_start3A_89 : memref<50x128xf32, #tpu.memory_space<vmem>>) offsets(%dma_start3A_92 : memref<50xi32, #tpu.memory_space<vmem>>) semaphore(%dma_start3A_97 : memref<!tpu.dma_semaphore, #tpu.memory_space<semaphore_mem>>)
    %dma_start3A_98 = arith.constant 6 : i32
    %dma_start3A_99 = arith.constant 3 : i32
    %dma_start3A_100 = arith.constant 0 : i32
    %dma_start3A_101 = arith.constant 3 : i32
    %dma_start3A_102 = arith.constant 0 : i32
    %dma_start3A_103 = arith.constant 0 : i32
    %dma_start3A_104 = tpu.memref_slice %arg6[%dma_start3A_99, %dma_start3A_100, %dma_start3A_102, %dma_start3A_103] : memref<8x2x50x128xf32, #tpu.memory_space<vmem>> -> memref<1x1x50x128xf32, #tpu.memory_space<vmem>>
    %dma_start3A_105 = tpu.memref_squeeze %dma_start3A_104 : memref<1x1x50x128xf32, #tpu.memory_space<vmem>> -> memref<50x128xf32, #tpu.memory_space<vmem>>
    %dma_start3A_106 = arith.constant 0 : i32
    %dma_start3A_107 = tpu.memref_slice %arg5[%dma_start3A_98, %dma_start3A_106] : memref<128x50xi32, #tpu.memory_space<vmem>> -> memref<1x50xi32, #tpu.memory_space<vmem>>
    %dma_start3A_108 = tpu.memref_squeeze %dma_start3A_107 : memref<1x50xi32, #tpu.memory_space<vmem>> -> memref<50xi32, #tpu.memory_space<vmem>>
    %dma_start3A_109 = arith.constant 0 : i32
    %dma_start3A_110 = arith.constant 0 : i32
    %dma_start3A_111 = tpu.memref_slice %arg2[%dma_start3A_109, %dma_start3A_110] : memref<100000x128xf32, #tpu.memory_space<hbm>> -> memref<100000x128xf32, #tpu.memory_space<hbm>>
    %dma_start3A_112 = tpu.memref_slice %arg7[%dma_start3A_101] : memref<8x!tpu.dma_semaphore, #tpu.memory_space<semaphore_mem>> -> memref<1x!tpu.dma_semaphore, #tpu.memory_space<semaphore_mem>>
    %dma_start3A_113 = tpu.memref_squeeze %dma_start3A_112 : memref<1x!tpu.dma_semaphore, #tpu.memory_space<semaphore_mem>> -> memref<!tpu.dma_semaphore, #tpu.memory_space<semaphore_mem>>
    tpu.enqueue_indirect_dma source(%dma_start3A_111 : memref<100000x128xf32, #tpu.memory_space<hbm>>) target(%dma_start3A_105 : memref<50x128xf32, #tpu.memory_space<vmem>>) offsets(%dma_start3A_108 : memref<50xi32, #tpu.memory_space<vmem>>) semaphore(%dma_start3A_113 : memref<!tpu.dma_semaphore, #tpu.memory_space<semaphore_mem>>)
    %dma_start3A_114 = arith.constant 7 : i32
    %dma_start3A_115 = arith.constant 3 : i32
    %dma_start3A_116 = arith.constant 1 : i32
    %dma_start3A_117 = arith.constant 3 : i32
    %dma_start3A_118 = arith.constant 0 : i32
    %dma_start3A_119 = arith.constant 0 : i32
    %dma_start3A_120 = tpu.memref_slice %arg6[%dma_start3A_115, %dma_start3A_116, %dma_start3A_118, %dma_start3A_119] : memref<8x2x50x128xf32, #tpu.memory_space<vmem>> -> memref<1x1x50x128xf32, #tpu.memory_space<vmem>>
    %dma_start3A_121 = tpu.memref_squeeze %dma_start3A_120 : memref<1x1x50x128xf32, #tpu.memory_space<vmem>> -> memref<50x128xf32, #tpu.memory_space<vmem>>
    %dma_start3A_122 = arith.constant 0 : i32
    %dma_start3A_123 = tpu.memref_slice %arg5[%dma_start3A_114, %dma_start3A_122] : memref<128x50xi32, #tpu.memory_space<vmem>> -> memref<1x50xi32, #tpu.memory_space<vmem>>
    %dma_start3A_124 = tpu.memref_squeeze %dma_start3A_123 : memref<1x50xi32, #tpu.memory_space<vmem>> -> memref<50xi32, #tpu.memory_space<vmem>>
    %dma_start3A_125 = arith.constant 0 : i32
    %dma_start3A_126 = arith.constant 0 : i32
    %dma_start3A_127 = tpu.memref_slice %arg2[%dma_start3A_125, %dma_start3A_126] : memref<100000x128xf32, #tpu.memory_space<hbm>> -> memref<100000x128xf32, #tpu.memory_space<hbm>>
    %dma_start3A_128 = tpu.memref_slice %arg7[%dma_start3A_117] : memref<8x!tpu.dma_semaphore, #tpu.memory_space<semaphore_mem>> -> memref<1x!tpu.dma_semaphore, #tpu.memory_space<semaphore_mem>>
    %dma_start3A_129 = tpu.memref_squeeze %dma_start3A_128 : memref<1x!tpu.dma_semaphore, #tpu.memory_space<semaphore_mem>> -> memref<!tpu.dma_semaphore, #tpu.memory_space<semaphore_mem>>
    tpu.enqueue_indirect_dma source(%dma_start3A_127 : memref<100000x128xf32, #tpu.memory_space<hbm>>) target(%dma_start3A_121 : memref<50x128xf32, #tpu.memory_space<vmem>>) offsets(%dma_start3A_124 : memref<50xi32, #tpu.memory_space<vmem>>) semaphore(%dma_start3A_129 : memref<!tpu.dma_semaphore, #tpu.memory_space<semaphore_mem>>)
    %dma_wait3A = arith.constant 0 : i32
    %dma_wait3A_130 = arith.constant 0 : i32
    %dma_wait3A_131 = arith.constant 0 : i32
    %dma_wait3A_132 = arith.constant 0 : i32
    %dma_wait3A_133 = arith.constant 0 : i32
    %dma_wait3A_134 = arith.constant 0 : i32
    %dma_wait3A_135 = tpu.memref_slice %arg6[%dma_wait3A_130, %dma_wait3A_131, %dma_wait3A_133, %dma_wait3A_134] : memref<8x2x50x128xf32, #tpu.memory_space<vmem>> -> memref<1x1x50x128xf32, #tpu.memory_space<vmem>>
    %dma_wait3A_136 = tpu.memref_squeeze %dma_wait3A_135 : memref<1x1x50x128xf32, #tpu.memory_space<vmem>> -> memref<50x128xf32, #tpu.memory_space<vmem>>
    %dma_wait3A_137 = arith.constant 0 : i32
    %dma_wait3A_138 = tpu.memref_slice %arg5[%dma_wait3A, %dma_wait3A_137] : memref<128x50xi32, #tpu.memory_space<vmem>> -> memref<1x50xi32, #tpu.memory_space<vmem>>
    %dma_wait3A_139 = tpu.memref_squeeze %dma_wait3A_138 : memref<1x50xi32, #tpu.memory_space<vmem>> -> memref<50xi32, #tpu.memory_space<vmem>>
    %dma_wait3A_140 = arith.constant 0 : i32
    %dma_wait3A_141 = arith.constant 0 : i32
    %dma_wait3A_142 = tpu.memref_slice %arg2[%dma_wait3A_140, %dma_wait3A_141] : memref<100000x128xf32, #tpu.memory_space<hbm>> -> memref<100000x128xf32, #tpu.memory_space<hbm>>
    %dma_wait3A_143 = tpu.memref_slice %arg7[%dma_wait3A_132] : memref<8x!tpu.dma_semaphore, #tpu.memory_space<semaphore_mem>> -> memref<1x!tpu.dma_semaphore, #tpu.memory_space<semaphore_mem>>
    %dma_wait3A_144 = tpu.memref_squeeze %dma_wait3A_143 : memref<1x!tpu.dma_semaphore, #tpu.memory_space<semaphore_mem>> -> memref<!tpu.dma_semaphore, #tpu.memory_space<semaphore_mem>>
    tpu.wait_indirect_dma semaphore(%dma_wait3A_144 : memref<!tpu.dma_semaphore, #tpu.memory_space<semaphore_mem>>) src(%dma_wait3A_142 : memref<100000x128xf32, #tpu.memory_space<hbm>>) dst(%dma_wait3A_136 : memref<50x128xf32, #tpu.memory_space<vmem>>)
    %dma_wait3A_145 = arith.constant 0 : i32
    %dma_wait3A_146 = arith.constant 0 : i32
    %dma_wait3A_147 = arith.constant 1 : i32
    %dma_wait3A_148 = arith.constant 0 : i32
    %dma_wait3A_149 = arith.constant 0 : i32
    %dma_wait3A_150 = arith.constant 0 : i32
    %dma_wait3A_151 = tpu.memref_slice %arg6[%dma_wait3A_146, %dma_wait3A_147, %dma_wait3A_149, %dma_wait3A_150] : memref<8x2x50x128xf32, #tpu.memory_space<vmem>> -> memref<1x1x50x128xf32, #tpu.memory_space<vmem>>
    %dma_wait3A_152 = tpu.memref_squeeze %dma_wait3A_151 : memref<1x1x50x128xf32, #tpu.memory_space<vmem>> -> memref<50x128xf32, #tpu.memory_space<vmem>>
    %dma_wait3A_153 = arith.constant 0 : i32
    %dma_wait3A_154 = tpu.memref_slice %arg5[%dma_wait3A_145, %dma_wait3A_153] : memref<128x50xi32, #tpu.memory_space<vmem>> -> memref<1x50xi32, #tpu.memory_space<vmem>>
    %dma_wait3A_155 = tpu.memref_squeeze %dma_wait3A_154 : memref<1x50xi32, #tpu.memory_space<vmem>> -> memref<50xi32, #tpu.memory_space<vmem>>
    %dma_wait3A_156 = arith.constant 0 : i32
    %dma_wait3A_157 = arith.constant 0 : i32
    %dma_wait3A_158 = tpu.memref_slice %arg2[%dma_wait3A_156, %dma_wait3A_157] : memref<100000x128xf32, #tpu.memory_space<hbm>> -> memref<100000x128xf32, #tpu.memory_space<hbm>>
    %dma_wait3A_159 = tpu.memref_slice %arg7[%dma_wait3A_148] : memref<8x!tpu.dma_semaphore, #tpu.memory_space<semaphore_mem>> -> memref<1x!tpu.dma_semaphore, #tpu.memory_space<semaphore_mem>>
    %dma_wait3A_160 = tpu.memref_squeeze %dma_wait3A_159 : memref<1x!tpu.dma_semaphore, #tpu.memory_space<semaphore_mem>> -> memref<!tpu.dma_semaphore, #tpu.memory_space<semaphore_mem>>
    tpu.wait_indirect_dma semaphore(%dma_wait3A_160 : memref<!tpu.dma_semaphore, #tpu.memory_space<semaphore_mem>>) src(%dma_wait3A_158 : memref<100000x128xf32, #tpu.memory_space<hbm>>) dst(%dma_wait3A_152 : memref<50x128xf32, #tpu.memory_space<vmem>>)
    %add3A_161 = arith.constant 0 : i32
    %add3A_162 = arith.addi %mul3A_2, %add3A_161 : i32
    %dma_start3A_163 = arith.constant 0 : i32
    %dma_start3A_164 = arith.constant 0 : i32
    %dma_start3A_165 = arith.constant 0 : i32
    %dma_start3A_166 = arith.constant 0 : i32
    %dma_start3A_167 = arith.constant 0 : i32
    %dma_start3A_168 = tpu.memref_slice %arg6[%dma_start3A_163, %dma_start3A_165, %dma_start3A_166, %dma_start3A_167] : memref<8x2x50x128xf32, #tpu.memory_space<vmem>> -> memref<1x2x50x128xf32, #tpu.memory_space<vmem>>
    %dma_start3A_169 = tpu.memref_squeeze %dma_start3A_168 : memref<1x2x50x128xf32, #tpu.memory_space<vmem>> -> memref<2x50x128xf32, #tpu.memory_space<vmem>>
    %dma_start3A_170 = arith.constant 0 : i32
    %dma_start3A_171 = arith.constant 0 : i32
    %dma_start3A_172 = tpu.memref_slice %arg4[%add3A_162, %dma_start3A_170, %dma_start3A_171] : memref<4096x50x128xf32, #tpu.memory_space<hbm>> -> memref<2x50x128xf32, #tpu.memory_space<hbm>>
    %dma_start3A_173 = tpu.memref_slice %arg8[%dma_start3A_164] : memref<8x!tpu.dma_semaphore, #tpu.memory_space<semaphore_mem>> -> memref<1x!tpu.dma_semaphore, #tpu.memory_space<semaphore_mem>>
    %dma_start3A_174 = tpu.memref_squeeze %dma_start3A_173 : memref<1x!tpu.dma_semaphore, #tpu.memory_space<semaphore_mem>> -> memref<!tpu.dma_semaphore, #tpu.memory_space<semaphore_mem>>
    %dma_start3A_175 = arith.constant 0 : i32
    %dma_start3A_176 = arith.constant 0 : i32
    %dma_start3A_177 = tpu.memref_slice %arg4[%add3A_162, %dma_start3A_175, %dma_start3A_176] : memref<4096x50x128xf32, #tpu.memory_space<hbm>> -> memref<2x50x128xf32, #tpu.memory_space<hbm>>
    %dma_start3A_178 = arith.constant 0 : i32
    %dma_start3A_179 = arith.constant 0 : i32
    %dma_start3A_180 = arith.constant 0 : i32
    %dma_start3A_181 = tpu.memref_slice %arg6[%dma_start3A_163, %dma_start3A_178, %dma_start3A_179, %dma_start3A_180] : memref<8x2x50x128xf32, #tpu.memory_space<vmem>> -> memref<1x2x50x128xf32, #tpu.memory_space<vmem>>
    %dma_start3A_182 = tpu.memref_squeeze %dma_start3A_181 : memref<1x2x50x128xf32, #tpu.memory_space<vmem>> -> memref<2x50x128xf32, #tpu.memory_space<vmem>>
    tpu.enqueue_dma source(%dma_start3A_182 : memref<2x50x128xf32, #tpu.memory_space<vmem>>) target(%dma_start3A_177 : memref<2x50x128xf32, #tpu.memory_space<hbm>>) target_semaphore(%dma_start3A_174 : memref<!tpu.dma_semaphore, #tpu.memory_space<semaphore_mem>>)
    %dma_start3A_183 = arith.constant 8 : i32
    %dma_start3A_184 = arith.constant 4 : i32
    %dma_start3A_185 = arith.constant 0 : i32
    %dma_start3A_186 = arith.constant 4 : i32
    %dma_start3A_187 = arith.constant 0 : i32
    %dma_start3A_188 = arith.constant 0 : i32
    %dma_start3A_189 = tpu.memref_slice %arg6[%dma_start3A_184, %dma_start3A_185, %dma_start3A_187, %dma_start3A_188] : memref<8x2x50x128xf32, #tpu.memory_space<vmem>> -> memref<1x1x50x128xf32, #tpu.memory_space<vmem>>
    %dma_start3A_190 = tpu.memref_squeeze %dma_start3A_189 : memref<1x1x50x128xf32, #tpu.memory_space<vmem>> -> memref<50x128xf32, #tpu.memory_space<vmem>>
    %dma_start3A_191 = arith.constant 0 : i32
    %dma_start3A_192 = tpu.memref_slice %arg5[%dma_start3A_183, %dma_start3A_191] : memref<128x50xi32, #tpu.memory_space<vmem>> -> memref<1x50xi32, #tpu.memory_space<vmem>>
    %dma_start3A_193 = tpu.memref_squeeze %dma_start3A_192 : memref<1x50xi32, #tpu.memory_space<vmem>> -> memref<50xi32, #tpu.memory_space<vmem>>
    %dma_start3A_194 = arith.constant 0 : i32
    %dma_start3A_195 = arith.constant 0 : i32
    %dma_start3A_196 = tpu.memref_slice %arg2[%dma_start3A_194, %dma_start3A_195] : memref<100000x128xf32, #tpu.memory_space<hbm>> -> memref<100000x128xf32, #tpu.memory_space<hbm>>
    %dma_start3A_197 = tpu.memref_slice %arg7[%dma_start3A_186] : memref<8x!tpu.dma_semaphore, #tpu.memory_space<semaphore_mem>> -> memref<1x!tpu.dma_semaphore, #tpu.memory_space<semaphore_mem>>
    %dma_start3A_198 = tpu.memref_squeeze %dma_start3A_197 : memref<1x!tpu.dma_semaphore, #tpu.memory_space<semaphore_mem>> -> memref<!tpu.dma_semaphore, #tpu.memory_space<semaphore_mem>>
    tpu.enqueue_indirect_dma source(%dma_start3A_196 : memref<100000x128xf32, #tpu.memory_space<hbm>>) target(%dma_start3A_190 : memref<50x128xf32, #tpu.memory_space<vmem>>) offsets(%dma_start3A_193 : memref<50xi32, #tpu.memory_space<vmem>>) semaphore(%dma_start3A_198 : memref<!tpu.dma_semaphore, #tpu.memory_space<semaphore_mem>>)
    %dma_start3A_199 = arith.constant 9 : i32
    %dma_start3A_200 = arith.constant 4 : i32
    %dma_start3A_201 = arith.constant 1 : i32
    %dma_start3A_202 = arith.constant 4 : i32
    %dma_start3A_203 = arith.constant 0 : i32
    %dma_start3A_204 = arith.constant 0 : i32
    %dma_start3A_205 = tpu.memref_slice %arg6[%dma_start3A_200, %dma_start3A_201, %dma_start3A_203, %dma_start3A_204] : memref<8x2x50x128xf32, #tpu.memory_space<vmem>> -> memref<1x1x50x128xf32, #tpu.memory_space<vmem>>
    %dma_start3A_206 = tpu.memref_squeeze %dma_start3A_205 : memref<1x1x50x128xf32, #tpu.memory_space<vmem>> -> memref<50x128xf32, #tpu.memory_space<vmem>>
    %dma_start3A_207 = arith.constant 0 : i32
    %dma_start3A_208 = tpu.memref_slice %arg5[%dma_start3A_199, %dma_start3A_207] : memref<128x50xi32, #tpu.memory_space<vmem>> -> memref<1x50xi32, #tpu.memory_space<vmem>>
    %dma_start3A_209 = tpu.memref_squeeze %dma_start3A_208 : memref<1x50xi32, #tpu.memory_space<vmem>> -> memref<50xi32, #tpu.memory_space<vmem>>
    %dma_start3A_210 = arith.constant 0 : i32
    %dma_start3A_211 = arith.constant 0 : i32
    %dma_start3A_212 = tpu.memref_slice %arg2[%dma_start3A_210, %dma_start3A_211] : memref<100000x128xf32, #tpu.memory_space<hbm>> -> memref<100000x128xf32, #tpu.memory_space<hbm>>
    %dma_start3A_213 = tpu.memref_slice %arg7[%dma_start3A_202] : memref<8x!tpu.dma_semaphore, #tpu.memory_space<semaphore_mem>> -> memref<1x!tpu.dma_semaphore, #tpu.memory_space<semaphore_mem>>
    %dma_start3A_214 = tpu.memref_squeeze %dma_start3A_213 : memref<1x!tpu.dma_semaphore, #tpu.memory_space<semaphore_mem>> -> memref<!tpu.dma_semaphore, #tpu.memory_space<semaphore_mem>>
    tpu.enqueue_indirect_dma source(%dma_start3A_212 : memref<100000x128xf32, #tpu.memory_space<hbm>>) target(%dma_start3A_206 : memref<50x128xf32, #tpu.memory_space<vmem>>) offsets(%dma_start3A_209 : memref<50xi32, #tpu.memory_space<vmem>>) semaphore(%dma_start3A_214 : memref<!tpu.dma_semaphore, #tpu.memory_space<semaphore_mem>>)
    %dma_wait3A_215 = arith.constant 0 : i32
    %dma_wait3A_216 = arith.constant 1 : i32
    %dma_wait3A_217 = arith.constant 0 : i32
    %dma_wait3A_218 = arith.constant 1 : i32
    %dma_wait3A_219 = arith.constant 0 : i32
    %dma_wait3A_220 = arith.constant 0 : i32
    %dma_wait3A_221 = tpu.memref_slice %arg6[%dma_wait3A_216, %dma_wait3A_217, %dma_wait3A_219, %dma_wait3A_220] : memref<8x2x50x128xf32, #tpu.memory_space<vmem>> -> memref<1x1x50x128xf32, #tpu.memory_space<vmem>>
    %dma_wait3A_222 = tpu.memref_squeeze %dma_wait3A_221 : memref<1x1x50x128xf32, #tpu.memory_space<vmem>> -> memref<50x128xf32, #tpu.memory_space<vmem>>
    %dma_wait3A_223 = arith.constant 0 : i32
    %dma_wait3A_224 = tpu.memref_slice %arg5[%dma_wait3A_215, %dma_wait3A_223] : memref<128x50xi32, #tpu.memory_space<vmem>> -> memref<1x50xi32, #tpu.memory_space<vmem>>
    %dma_wait3A_225 = tpu.memref_squeeze %dma_wait3A_224 : memref<1x50xi32, #tpu.memory_space<vmem>> -> memref<50xi32, #tpu.memory_space<vmem>>
    %dma_wait3A_226 = arith.constant 0 : i32
    %dma_wait3A_227 = arith.constant 0 : i32
    %dma_wait3A_228 = tpu.memref_slice %arg2[%dma_wait3A_226, %dma_wait3A_227] : memref<100000x128xf32, #tpu.memory_space<hbm>> -> memref<100000x128xf32, #tpu.memory_space<hbm>>
    %dma_wait3A_229 = tpu.memref_slice %arg7[%dma_wait3A_218] : memref<8x!tpu.dma_semaphore, #tpu.memory_space<semaphore_mem>> -> memref<1x!tpu.dma_semaphore, #tpu.memory_space<semaphore_mem>>
    %dma_wait3A_230 = tpu.memref_squeeze %dma_wait3A_229 : memref<1x!tpu.dma_semaphore, #tpu.memory_space<semaphore_mem>> -> memref<!tpu.dma_semaphore, #tpu.memory_space<semaphore_mem>>
    tpu.wait_indirect_dma semaphore(%dma_wait3A_230 : memref<!tpu.dma_semaphore, #tpu.memory_space<semaphore_mem>>) src(%dma_wait3A_228 : memref<100000x128xf32, #tpu.memory_space<hbm>>) dst(%dma_wait3A_222 : memref<50x128xf32, #tpu.memory_space<vmem>>)
    %dma_wait3A_231 = arith.constant 0 : i32
    %dma_wait3A_232 = arith.constant 1 : i32
    %dma_wait3A_233 = arith.constant 1 : i32
    %dma_wait3A_234 = arith.constant 1 : i32
    %dma_wait3A_235 = arith.constant 0 : i32
    %dma_wait3A_236 = arith.constant 0 : i32
    %dma_wait3A_237 = tpu.memref_slice %arg6[%dma_wait3A_232, %dma_wait3A_233, %dma_wait3A_235, %dma_wait3A_236] : memref<8x2x50x128xf32, #tpu.memory_space<vmem>> -> memref<1x1x50x128xf32, #tpu.memory_space<vmem>>
    %dma_wait3A_238 = tpu.memref_squeeze %dma_wait3A_237 : memref<1x1x50x128xf32, #tpu.memory_space<vmem>> -> memref<50x128xf32, #tpu.memory_space<vmem>>
    %dma_wait3A_239 = arith.constant 0 : i32
    %dma_wait3A_240 = tpu.memref_slice %arg5[%dma_wait3A_231, %dma_wait3A_239] : memref<128x50xi32, #tpu.memory_space<vmem>> -> memref<1x50xi32, #tpu.memory_space<vmem>>
    %dma_wait3A_241 = tpu.memref_squeeze %dma_wait3A_240 : memref<1x50xi32, #tpu.memory_space<vmem>> -> memref<50xi32, #tpu.memory_space<vmem>>
    %dma_wait3A_242 = arith.constant 0 : i32
    %dma_wait3A_243 = arith.constant 0 : i32
    %dma_wait3A_244 = tpu.memref_slice %arg2[%dma_wait3A_242, %dma_wait3A_243] : memref<100000x128xf32, #tpu.memory_space<hbm>> -> memref<100000x128xf32, #tpu.memory_space<hbm>>
    %dma_wait3A_245 = tpu.memref_slice %arg7[%dma_wait3A_234] : memref<8x!tpu.dma_semaphore, #tpu.memory_space<semaphore_mem>> -> memref<1x!tpu.dma_semaphore, #tpu.memory_space<semaphore_mem>>
    %dma_wait3A_246 = tpu.memref_squeeze %dma_wait3A_245 : memref<1x!tpu.dma_semaphore, #tpu.memory_space<semaphore_mem>> -> memref<!tpu.dma_semaphore, #tpu.memory_space<semaphore_mem>>
    tpu.wait_indirect_dma semaphore(%dma_wait3A_246 : memref<!tpu.dma_semaphore, #tpu.memory_space<semaphore_mem>>) src(%dma_wait3A_244 : memref<100000x128xf32, #tpu.memory_space<hbm>>) dst(%dma_wait3A_238 : memref<50x128xf32, #tpu.memory_space<vmem>>)
    %add3A_247 = arith.constant 2 : i32
    %add3A_248 = arith.addi %mul3A_2, %add3A_247 : i32
    %dma_start3A_249 = arith.constant 1 : i32
    %dma_start3A_250 = arith.constant 1 : i32
    %dma_start3A_251 = arith.constant 0 : i32
    %dma_start3A_252 = arith.constant 0 : i32
    %dma_start3A_253 = arith.constant 0 : i32
    %dma_start3A_254 = tpu.memref_slice %arg6[%dma_start3A_249, %dma_start3A_251, %dma_start3A_252, %dma_start3A_253] : memref<8x2x50x128xf32, #tpu.memory_space<vmem>> -> memref<1x2x50x128xf32, #tpu.memory_space<vmem>>
    %dma_start3A_255 = tpu.memref_squeeze %dma_start3A_254 : memref<1x2x50x128xf32, #tpu.memory_space<vmem>> -> memref<2x50x128xf32, #tpu.memory_space<vmem>>
    %dma_start3A_256 = arith.constant 0 : i32
    %dma_start3A_257 = arith.constant 0 : i32
    %dma_start3A_258 = tpu.memref_slice %arg4[%add3A_248, %dma_start3A_256, %dma_start3A_257] : memref<4096x50x128xf32, #tpu.memory_space<hbm>> -> memref<2x50x128xf32, #tpu.memory_space<hbm>>
    %dma_start3A_259 = tpu.memref_slice %arg8[%dma_start3A_250] : memref<8x!tpu.dma_semaphore, #tpu.memory_space<semaphore_mem>> -> memref<1x!tpu.dma_semaphore, #tpu.memory_space<semaphore_mem>>
    %dma_start3A_260 = tpu.memref_squeeze %dma_start3A_259 : memref<1x!tpu.dma_semaphore, #tpu.memory_space<semaphore_mem>> -> memref<!tpu.dma_semaphore, #tpu.memory_space<semaphore_mem>>
    %dma_start3A_261 = arith.constant 0 : i32
    %dma_start3A_262 = arith.constant 0 : i32
    %dma_start3A_263 = tpu.memref_slice %arg4[%add3A_248, %dma_start3A_261, %dma_start3A_262] : memref<4096x50x128xf32, #tpu.memory_space<hbm>> -> memref<2x50x128xf32, #tpu.memory_space<hbm>>
    %dma_start3A_264 = arith.constant 0 : i32
    %dma_start3A_265 = arith.constant 0 : i32
    %dma_start3A_266 = arith.constant 0 : i32
    %dma_start3A_267 = tpu.memref_slice %arg6[%dma_start3A_249, %dma_start3A_264, %dma_start3A_265, %dma_start3A_266] : memref<8x2x50x128xf32, #tpu.memory_space<vmem>> -> memref<1x2x50x128xf32, #tpu.memory_space<vmem>>
    %dma_start3A_268 = tpu.memref_squeeze %dma_start3A_267 : memref<1x2x50x128xf32, #tpu.memory_space<vmem>> -> memref<2x50x128xf32, #tpu.memory_space<vmem>>
    tpu.enqueue_dma source(%dma_start3A_268 : memref<2x50x128xf32, #tpu.memory_space<vmem>>) target(%dma_start3A_263 : memref<2x50x128xf32, #tpu.memory_space<hbm>>) target_semaphore(%dma_start3A_260 : memref<!tpu.dma_semaphore, #tpu.memory_space<semaphore_mem>>)
    %dma_start3A_269 = arith.constant 10 : i32
    %dma_start3A_270 = arith.constant 5 : i32
    %dma_start3A_271 = arith.constant 0 : i32
    %dma_start3A_272 = arith.constant 5 : i32
    %dma_start3A_273 = arith.constant 0 : i32
    %dma_start3A_274 = arith.constant 0 : i32
    %dma_start3A_275 = tpu.memref_slice %arg6[%dma_start3A_270, %dma_start3A_271, %dma_start3A_273, %dma_start3A_274] : memref<8x2x50x128xf32, #tpu.memory_space<vmem>> -> memref<1x1x50x128xf32, #tpu.memory_space<vmem>>
    %dma_start3A_276 = tpu.memref_squeeze %dma_start3A_275 : memref<1x1x50x128xf32, #tpu.memory_space<vmem>> -> memref<50x128xf32, #tpu.memory_space<vmem>>
    %dma_start3A_277 = arith.constant 0 : i32
    %dma_start3A_278 = tpu.memref_slice %arg5[%dma_start3A_269, %dma_start3A_277] : memref<128x50xi32, #tpu.memory_space<vmem>> -> memref<1x50xi32, #tpu.memory_space<vmem>>
    %dma_start3A_279 = tpu.memref_squeeze %dma_start3A_278 : memref<1x50xi32, #tpu.memory_space<vmem>> -> memref<50xi32, #tpu.memory_space<vmem>>
    %dma_start3A_280 = arith.constant 0 : i32
    %dma_start3A_281 = arith.constant 0 : i32
    %dma_start3A_282 = tpu.memref_slice %arg2[%dma_start3A_280, %dma_start3A_281] : memref<100000x128xf32, #tpu.memory_space<hbm>> -> memref<100000x128xf32, #tpu.memory_space<hbm>>
    %dma_start3A_283 = tpu.memref_slice %arg7[%dma_start3A_272] : memref<8x!tpu.dma_semaphore, #tpu.memory_space<semaphore_mem>> -> memref<1x!tpu.dma_semaphore, #tpu.memory_space<semaphore_mem>>
    %dma_start3A_284 = tpu.memref_squeeze %dma_start3A_283 : memref<1x!tpu.dma_semaphore, #tpu.memory_space<semaphore_mem>> -> memref<!tpu.dma_semaphore, #tpu.memory_space<semaphore_mem>>
    tpu.enqueue_indirect_dma source(%dma_start3A_282 : memref<100000x128xf32, #tpu.memory_space<hbm>>) target(%dma_start3A_276 : memref<50x128xf32, #tpu.memory_space<vmem>>) offsets(%dma_start3A_279 : memref<50xi32, #tpu.memory_space<vmem>>) semaphore(%dma_start3A_284 : memref<!tpu.dma_semaphore, #tpu.memory_space<semaphore_mem>>)
    %dma_start3A_285 = arith.constant 11 : i32
    %dma_start3A_286 = arith.constant 5 : i32
    %dma_start3A_287 = arith.constant 1 : i32
    %dma_start3A_288 = arith.constant 5 : i32
    %dma_start3A_289 = arith.constant 0 : i32
    %dma_start3A_290 = arith.constant 0 : i32
    %dma_start3A_291 = tpu.memref_slice %arg6[%dma_start3A_286, %dma_start3A_287, %dma_start3A_289, %dma_start3A_290] : memref<8x2x50x128xf32, #tpu.memory_space<vmem>> -> memref<1x1x50x128xf32, #tpu.memory_space<vmem>>
    %dma_start3A_292 = tpu.memref_squeeze %dma_start3A_291 : memref<1x1x50x128xf32, #tpu.memory_space<vmem>> -> memref<50x128xf32, #tpu.memory_space<vmem>>
    %dma_start3A_293 = arith.constant 0 : i32
    %dma_start3A_294 = tpu.memref_slice %arg5[%dma_start3A_285, %dma_start3A_293] : memref<128x50xi32, #tpu.memory_space<vmem>> -> memref<1x50xi32, #tpu.memory_space<vmem>>
    %dma_start3A_295 = tpu.memref_squeeze %dma_start3A_294 : memref<1x50xi32, #tpu.memory_space<vmem>> -> memref<50xi32, #tpu.memory_space<vmem>>
    %dma_start3A_296 = arith.constant 0 : i32
    %dma_start3A_297 = arith.constant 0 : i32
    %dma_start3A_298 = tpu.memref_slice %arg2[%dma_start3A_296, %dma_start3A_297] : memref<100000x128xf32, #tpu.memory_space<hbm>> -> memref<100000x128xf32, #tpu.memory_space<hbm>>
    %dma_start3A_299 = tpu.memref_slice %arg7[%dma_start3A_288] : memref<8x!tpu.dma_semaphore, #tpu.memory_space<semaphore_mem>> -> memref<1x!tpu.dma_semaphore, #tpu.memory_space<semaphore_mem>>
    %dma_start3A_300 = tpu.memref_squeeze %dma_start3A_299 : memref<1x!tpu.dma_semaphore, #tpu.memory_space<semaphore_mem>> -> memref<!tpu.dma_semaphore, #tpu.memory_space<semaphore_mem>>
    tpu.enqueue_indirect_dma source(%dma_start3A_298 : memref<100000x128xf32, #tpu.memory_space<hbm>>) target(%dma_start3A_292 : memref<50x128xf32, #tpu.memory_space<vmem>>) offsets(%dma_start3A_295 : memref<50xi32, #tpu.memory_space<vmem>>) semaphore(%dma_start3A_300 : memref<!tpu.dma_semaphore, #tpu.memory_space<semaphore_mem>>)
    %dma_wait3A_301 = arith.constant 0 : i32
    %dma_wait3A_302 = arith.constant 2 : i32
    %dma_wait3A_303 = arith.constant 0 : i32
    %dma_wait3A_304 = arith.constant 2 : i32
    %dma_wait3A_305 = arith.constant 0 : i32
    %dma_wait3A_306 = arith.constant 0 : i32
    %dma_wait3A_307 = tpu.memref_slice %arg6[%dma_wait3A_302, %dma_wait3A_303, %dma_wait3A_305, %dma_wait3A_306] : memref<8x2x50x128xf32, #tpu.memory_space<vmem>> -> memref<1x1x50x128xf32, #tpu.memory_space<vmem>>
    %dma_wait3A_308 = tpu.memref_squeeze %dma_wait3A_307 : memref<1x1x50x128xf32, #tpu.memory_space<vmem>> -> memref<50x128xf32, #tpu.memory_space<vmem>>
    %dma_wait3A_309 = arith.constant 0 : i32
    %dma_wait3A_310 = tpu.memref_slice %arg5[%dma_wait3A_301, %dma_wait3A_309] : memref<128x50xi32, #tpu.memory_space<vmem>> -> memref<1x50xi32, #tpu.memory_space<vmem>>
    %dma_wait3A_311 = tpu.memref_squeeze %dma_wait3A_310 : memref<1x50xi32, #tpu.memory_space<vmem>> -> memref<50xi32, #tpu.memory_space<vmem>>
    %dma_wait3A_312 = arith.constant 0 : i32
    %dma_wait3A_313 = arith.constant 0 : i32
    %dma_wait3A_314 = tpu.memref_slice %arg2[%dma_wait3A_312, %dma_wait3A_313] : memref<100000x128xf32, #tpu.memory_space<hbm>> -> memref<100000x128xf32, #tpu.memory_space<hbm>>
    %dma_wait3A_315 = tpu.memref_slice %arg7[%dma_wait3A_304] : memref<8x!tpu.dma_semaphore, #tpu.memory_space<semaphore_mem>> -> memref<1x!tpu.dma_semaphore, #tpu.memory_space<semaphore_mem>>
    %dma_wait3A_316 = tpu.memref_squeeze %dma_wait3A_315 : memref<1x!tpu.dma_semaphore, #tpu.memory_space<semaphore_mem>> -> memref<!tpu.dma_semaphore, #tpu.memory_space<semaphore_mem>>
    tpu.wait_indirect_dma semaphore(%dma_wait3A_316 : memref<!tpu.dma_semaphore, #tpu.memory_space<semaphore_mem>>) src(%dma_wait3A_314 : memref<100000x128xf32, #tpu.memory_space<hbm>>) dst(%dma_wait3A_308 : memref<50x128xf32, #tpu.memory_space<vmem>>)
    %dma_wait3A_317 = arith.constant 0 : i32
    %dma_wait3A_318 = arith.constant 2 : i32
    %dma_wait3A_319 = arith.constant 1 : i32
    %dma_wait3A_320 = arith.constant 2 : i32
    %dma_wait3A_321 = arith.constant 0 : i32
    %dma_wait3A_322 = arith.constant 0 : i32
    %dma_wait3A_323 = tpu.memref_slice %arg6[%dma_wait3A_318, %dma_wait3A_319, %dma_wait3A_321, %dma_wait3A_322] : memref<8x2x50x128xf32, #tpu.memory_space<vmem>> -> memref<1x1x50x128xf32, #tpu.memory_space<vmem>>
    %dma_wait3A_324 = tpu.memref_squeeze %dma_wait3A_323 : memref<1x1x50x128xf32, #tpu.memory_space<vmem>> -> memref<50x128xf32, #tpu.memory_space<vmem>>
    %dma_wait3A_325 = arith.constant 0 : i32
    %dma_wait3A_326 = tpu.memref_slice %arg5[%dma_wait3A_317, %dma_wait3A_325] : memref<128x50xi32, #tpu.memory_space<vmem>> -> memref<1x50xi32, #tpu.memory_space<vmem>>
    %dma_wait3A_327 = tpu.memref_squeeze %dma_wait3A_326 : memref<1x50xi32, #tpu.memory_space<vmem>> -> memref<50xi32, #tpu.memory_space<vmem>>
    %dma_wait3A_328 = arith.constant 0 : i32
    %dma_wait3A_329 = arith.constant 0 : i32
    %dma_wait3A_330 = tpu.memref_slice %arg2[%dma_wait3A_328, %dma_wait3A_329] : memref<100000x128xf32, #tpu.memory_space<hbm>> -> memref<100000x128xf32, #tpu.memory_space<hbm>>
    %dma_wait3A_331 = tpu.memref_slice %arg7[%dma_wait3A_320] : memref<8x!tpu.dma_semaphore, #tpu.memory_space<semaphore_mem>> -> memref<1x!tpu.dma_semaphore, #tpu.memory_space<semaphore_mem>>
    %dma_wait3A_332 = tpu.memref_squeeze %dma_wait3A_331 : memref<1x!tpu.dma_semaphore, #tpu.memory_space<semaphore_mem>> -> memref<!tpu.dma_semaphore, #tpu.memory_space<semaphore_mem>>
    tpu.wait_indirect_dma semaphore(%dma_wait3A_332 : memref<!tpu.dma_semaphore, #tpu.memory_space<semaphore_mem>>) src(%dma_wait3A_330 : memref<100000x128xf32, #tpu.memory_space<hbm>>) dst(%dma_wait3A_324 : memref<50x128xf32, #tpu.memory_space<vmem>>)
    %add3A_333 = arith.constant 4 : i32
    %add3A_334 = arith.addi %mul3A_2, %add3A_333 : i32
    %dma_start3A_335 = arith.constant 2 : i32
    %dma_start3A_336 = arith.constant 2 : i32
    %dma_start3A_337 = arith.constant 0 : i32
    %dma_start3A_338 = arith.constant 0 : i32
    %dma_start3A_339 = arith.constant 0 : i32
    %dma_start3A_340 = tpu.memref_slice %arg6[%dma_start3A_335, %dma_start3A_337, %dma_start3A_338, %dma_start3A_339] : memref<8x2x50x128xf32, #tpu.memory_space<vmem>> -> memref<1x2x50x128xf32, #tpu.memory_space<vmem>>
    %dma_start3A_341 = tpu.memref_squeeze %dma_start3A_340 : memref<1x2x50x128xf32, #tpu.memory_space<vmem>> -> memref<2x50x128xf32, #tpu.memory_space<vmem>>
    %dma_start3A_342 = arith.constant 0 : i32
    %dma_start3A_343 = arith.constant 0 : i32
    %dma_start3A_344 = tpu.memref_slice %arg4[%add3A_334, %dma_start3A_342, %dma_start3A_343] : memref<4096x50x128xf32, #tpu.memory_space<hbm>> -> memref<2x50x128xf32, #tpu.memory_space<hbm>>
    %dma_start3A_345 = tpu.memref_slice %arg8[%dma_start3A_336] : memref<8x!tpu.dma_semaphore, #tpu.memory_space<semaphore_mem>> -> memref<1x!tpu.dma_semaphore, #tpu.memory_space<semaphore_mem>>
    %dma_start3A_346 = tpu.memref_squeeze %dma_start3A_345 : memref<1x!tpu.dma_semaphore, #tpu.memory_space<semaphore_mem>> -> memref<!tpu.dma_semaphore, #tpu.memory_space<semaphore_mem>>
    %dma_start3A_347 = arith.constant 0 : i32
    %dma_start3A_348 = arith.constant 0 : i32
    %dma_start3A_349 = tpu.memref_slice %arg4[%add3A_334, %dma_start3A_347, %dma_start3A_348] : memref<4096x50x128xf32, #tpu.memory_space<hbm>> -> memref<2x50x128xf32, #tpu.memory_space<hbm>>
    %dma_start3A_350 = arith.constant 0 : i32
    %dma_start3A_351 = arith.constant 0 : i32
    %dma_start3A_352 = arith.constant 0 : i32
    %dma_start3A_353 = tpu.memref_slice %arg6[%dma_start3A_335, %dma_start3A_350, %dma_start3A_351, %dma_start3A_352] : memref<8x2x50x128xf32, #tpu.memory_space<vmem>> -> memref<1x2x50x128xf32, #tpu.memory_space<vmem>>
    %dma_start3A_354 = tpu.memref_squeeze %dma_start3A_353 : memref<1x2x50x128xf32, #tpu.memory_space<vmem>> -> memref<2x50x128xf32, #tpu.memory_space<vmem>>
    tpu.enqueue_dma source(%dma_start3A_354 : memref<2x50x128xf32, #tpu.memory_space<vmem>>) target(%dma_start3A_349 : memref<2x50x128xf32, #tpu.memory_space<hbm>>) target_semaphore(%dma_start3A_346 : memref<!tpu.dma_semaphore, #tpu.memory_space<semaphore_mem>>)
    %dma_start3A_355 = arith.constant 12 : i32
    %dma_start3A_356 = arith.constant 6 : i32
    %dma_start3A_357 = arith.constant 0 : i32
    %dma_start3A_358 = arith.constant 6 : i32
    %dma_start3A_359 = arith.constant 0 : i32
    %dma_start3A_360 = arith.constant 0 : i32
    %dma_start3A_361 = tpu.memref_slice %arg6[%dma_start3A_356, %dma_start3A_357, %dma_start3A_359, %dma_start3A_360] : memref<8x2x50x128xf32, #tpu.memory_space<vmem>> -> memref<1x1x50x128xf32, #tpu.memory_space<vmem>>
    %dma_start3A_362 = tpu.memref_squeeze %dma_start3A_361 : memref<1x1x50x128xf32, #tpu.memory_space<vmem>> -> memref<50x128xf32, #tpu.memory_space<vmem>>
    %dma_start3A_363 = arith.constant 0 : i32
    %dma_start3A_364 = tpu.memref_slice %arg5[%dma_start3A_355, %dma_start3A_363] : memref<128x50xi32, #tpu.memory_space<vmem>> -> memref<1x50xi32, #tpu.memory_space<vmem>>
    %dma_start3A_365 = tpu.memref_squeeze %dma_start3A_364 : memref<1x50xi32, #tpu.memory_space<vmem>> -> memref<50xi32, #tpu.memory_space<vmem>>
    %dma_start3A_366 = arith.constant 0 : i32
    %dma_start3A_367 = arith.constant 0 : i32
    %dma_start3A_368 = tpu.memref_slice %arg2[%dma_start3A_366, %dma_start3A_367] : memref<100000x128xf32, #tpu.memory_space<hbm>> -> memref<100000x128xf32, #tpu.memory_space<hbm>>
    %dma_start3A_369 = tpu.memref_slice %arg7[%dma_start3A_358] : memref<8x!tpu.dma_semaphore, #tpu.memory_space<semaphore_mem>> -> memref<1x!tpu.dma_semaphore, #tpu.memory_space<semaphore_mem>>
    %dma_start3A_370 = tpu.memref_squeeze %dma_start3A_369 : memref<1x!tpu.dma_semaphore, #tpu.memory_space<semaphore_mem>> -> memref<!tpu.dma_semaphore, #tpu.memory_space<semaphore_mem>>
    tpu.enqueue_indirect_dma source(%dma_start3A_368 : memref<100000x128xf32, #tpu.memory_space<hbm>>) target(%dma_start3A_362 : memref<50x128xf32, #tpu.memory_space<vmem>>) offsets(%dma_start3A_365 : memref<50xi32, #tpu.memory_space<vmem>>) semaphore(%dma_start3A_370 : memref<!tpu.dma_semaphore, #tpu.memory_space<semaphore_mem>>)
    %dma_start3A_371 = arith.constant 13 : i32
    %dma_start3A_372 = arith.constant 6 : i32
    %dma_start3A_373 = arith.constant 1 : i32
    %dma_start3A_374 = arith.constant 6 : i32
    %dma_start3A_375 = arith.constant 0 : i32
    %dma_start3A_376 = arith.constant 0 : i32
    %dma_start3A_377 = tpu.memref_slice %arg6[%dma_start3A_372, %dma_start3A_373, %dma_start3A_375, %dma_start3A_376] : memref<8x2x50x128xf32, #tpu.memory_space<vmem>> -> memref<1x1x50x128xf32, #tpu.memory_space<vmem>>
    %dma_start3A_378 = tpu.memref_squeeze %dma_start3A_377 : memref<1x1x50x128xf32, #tpu.memory_space<vmem>> -> memref<50x128xf32, #tpu.memory_space<vmem>>
    %dma_start3A_379 = arith.constant 0 : i32
    %dma_start3A_380 = tpu.memref_slice %arg5[%dma_start3A_371, %dma_start3A_379] : memref<128x50xi32, #tpu.memory_space<vmem>> -> memref<1x50xi32, #tpu.memory_space<vmem>>
    %dma_start3A_381 = tpu.memref_squeeze %dma_start3A_380 : memref<1x50xi32, #tpu.memory_space<vmem>> -> memref<50xi32, #tpu.memory_space<vmem>>
    %dma_start3A_382 = arith.constant 0 : i32
    %dma_start3A_383 = arith.constant 0 : i32
    %dma_start3A_384 = tpu.memref_slice %arg2[%dma_start3A_382, %dma_start3A_383] : memref<100000x128xf32, #tpu.memory_space<hbm>> -> memref<100000x128xf32, #tpu.memory_space<hbm>>
    %dma_start3A_385 = tpu.memref_slice %arg7[%dma_start3A_374] : memref<8x!tpu.dma_semaphore, #tpu.memory_space<semaphore_mem>> -> memref<1x!tpu.dma_semaphore, #tpu.memory_space<semaphore_mem>>
    %dma_start3A_386 = tpu.memref_squeeze %dma_start3A_385 : memref<1x!tpu.dma_semaphore, #tpu.memory_space<semaphore_mem>> -> memref<!tpu.dma_semaphore, #tpu.memory_space<semaphore_mem>>
    tpu.enqueue_indirect_dma source(%dma_start3A_384 : memref<100000x128xf32, #tpu.memory_space<hbm>>) target(%dma_start3A_378 : memref<50x128xf32, #tpu.memory_space<vmem>>) offsets(%dma_start3A_381 : memref<50xi32, #tpu.memory_space<vmem>>) semaphore(%dma_start3A_386 : memref<!tpu.dma_semaphore, #tpu.memory_space<semaphore_mem>>)
    %dma_wait3A_387 = arith.constant 0 : i32
    %dma_wait3A_388 = arith.constant 3 : i32
    %dma_wait3A_389 = arith.constant 0 : i32
    %dma_wait3A_390 = arith.constant 3 : i32
    %dma_wait3A_391 = arith.constant 0 : i32
    %dma_wait3A_392 = arith.constant 0 : i32
    %dma_wait3A_393 = tpu.memref_slice %arg6[%dma_wait3A_388, %dma_wait3A_389, %dma_wait3A_391, %dma_wait3A_392] : memref<8x2x50x128xf32, #tpu.memory_space<vmem>> -> memref<1x1x50x128xf32, #tpu.memory_space<vmem>>
    %dma_wait3A_394 = tpu.memref_squeeze %dma_wait3A_393 : memref<1x1x50x128xf32, #tpu.memory_space<vmem>> -> memref<50x128xf32, #tpu.memory_space<vmem>>
    %dma_wait3A_395 = arith.constant 0 : i32
    %dma_wait3A_396 = tpu.memref_slice %arg5[%dma_wait3A_387, %dma_wait3A_395] : memref<128x50xi32, #tpu.memory_space<vmem>> -> memref<1x50xi32, #tpu.memory_space<vmem>>
    %dma_wait3A_397 = tpu.memref_squeeze %dma_wait3A_396 : memref<1x50xi32, #tpu.memory_space<vmem>> -> memref<50xi32, #tpu.memory_space<vmem>>
    %dma_wait3A_398 = arith.constant 0 : i32
    %dma_wait3A_399 = arith.constant 0 : i32
    %dma_wait3A_400 = tpu.memref_slice %arg2[%dma_wait3A_398, %dma_wait3A_399] : memref<100000x128xf32, #tpu.memory_space<hbm>> -> memref<100000x128xf32, #tpu.memory_space<hbm>>
    %dma_wait3A_401 = tpu.memref_slice %arg7[%dma_wait3A_390] : memref<8x!tpu.dma_semaphore, #tpu.memory_space<semaphore_mem>> -> memref<1x!tpu.dma_semaphore, #tpu.memory_space<semaphore_mem>>
    %dma_wait3A_402 = tpu.memref_squeeze %dma_wait3A_401 : memref<1x!tpu.dma_semaphore, #tpu.memory_space<semaphore_mem>> -> memref<!tpu.dma_semaphore, #tpu.memory_space<semaphore_mem>>
    tpu.wait_indirect_dma semaphore(%dma_wait3A_402 : memref<!tpu.dma_semaphore, #tpu.memory_space<semaphore_mem>>) src(%dma_wait3A_400 : memref<100000x128xf32, #tpu.memory_space<hbm>>) dst(%dma_wait3A_394 : memref<50x128xf32, #tpu.memory_space<vmem>>)
    %dma_wait3A_403 = arith.constant 0 : i32
    %dma_wait3A_404 = arith.constant 3 : i32
    %dma_wait3A_405 = arith.constant 1 : i32
    %dma_wait3A_406 = arith.constant 3 : i32
    %dma_wait3A_407 = arith.constant 0 : i32
    %dma_wait3A_408 = arith.constant 0 : i32
    %dma_wait3A_409 = tpu.memref_slice %arg6[%dma_wait3A_404, %dma_wait3A_405, %dma_wait3A_407, %dma_wait3A_408] : memref<8x2x50x128xf32, #tpu.memory_space<vmem>> -> memref<1x1x50x128xf32, #tpu.memory_space<vmem>>
    %dma_wait3A_410 = tpu.memref_squeeze %dma_wait3A_409 : memref<1x1x50x128xf32, #tpu.memory_space<vmem>> -> memref<50x128xf32, #tpu.memory_space<vmem>>
    %dma_wait3A_411 = arith.constant 0 : i32
    %dma_wait3A_412 = tpu.memref_slice %arg5[%dma_wait3A_403, %dma_wait3A_411] : memref<128x50xi32, #tpu.memory_space<vmem>> -> memref<1x50xi32, #tpu.memory_space<vmem>>
    %dma_wait3A_413 = tpu.memref_squeeze %dma_wait3A_412 : memref<1x50xi32, #tpu.memory_space<vmem>> -> memref<50xi32, #tpu.memory_space<vmem>>
    %dma_wait3A_414 = arith.constant 0 : i32
    %dma_wait3A_415 = arith.constant 0 : i32
    %dma_wait3A_416 = tpu.memref_slice %arg2[%dma_wait3A_414, %dma_wait3A_415] : memref<100000x128xf32, #tpu.memory_space<hbm>> -> memref<100000x128xf32, #tpu.memory_space<hbm>>
    %dma_wait3A_417 = tpu.memref_slice %arg7[%dma_wait3A_406] : memref<8x!tpu.dma_semaphore, #tpu.memory_space<semaphore_mem>> -> memref<1x!tpu.dma_semaphore, #tpu.memory_space<semaphore_mem>>
    %dma_wait3A_418 = tpu.memref_squeeze %dma_wait3A_417 : memref<1x!tpu.dma_semaphore, #tpu.memory_space<semaphore_mem>> -> memref<!tpu.dma_semaphore, #tpu.memory_space<semaphore_mem>>
    tpu.wait_indirect_dma semaphore(%dma_wait3A_418 : memref<!tpu.dma_semaphore, #tpu.memory_space<semaphore_mem>>) src(%dma_wait3A_416 : memref<100000x128xf32, #tpu.memory_space<hbm>>) dst(%dma_wait3A_410 : memref<50x128xf32, #tpu.memory_space<vmem>>)
    %add3A_419 = arith.constant 6 : i32
    %add3A_420 = arith.addi %mul3A_2, %add3A_419 : i32
    %dma_start3A_421 = arith.constant 3 : i32
    %dma_start3A_422 = arith.constant 3 : i32
    %dma_start3A_423 = arith.constant 0 : i32
    %dma_start3A_424 = arith.constant 0 : i32
    %dma_start3A_425 = arith.constant 0 : i32
    %dma_start3A_426 = tpu.memref_slice %arg6[%dma_start3A_421, %dma_start3A_423, %dma_start3A_424, %dma_start3A_425] : memref<8x2x50x128xf32, #tpu.memory_space<vmem>> -> memref<1x2x50x128xf32, #tpu.memory_space<vmem>>
    %dma_start3A_427 = tpu.memref_squeeze %dma_start3A_426 : memref<1x2x50x128xf32, #tpu.memory_space<vmem>> -> memref<2x50x128xf32, #tpu.memory_space<vmem>>
    %dma_start3A_428 = arith.constant 0 : i32
    %dma_start3A_429 = arith.constant 0 : i32
    %dma_start3A_430 = tpu.memref_slice %arg4[%add3A_420, %dma_start3A_428, %dma_start3A_429] : memref<4096x50x128xf32, #tpu.memory_space<hbm>> -> memref<2x50x128xf32, #tpu.memory_space<hbm>>
    %dma_start3A_431 = tpu.memref_slice %arg8[%dma_start3A_422] : memref<8x!tpu.dma_semaphore, #tpu.memory_space<semaphore_mem>> -> memref<1x!tpu.dma_semaphore, #tpu.memory_space<semaphore_mem>>
    %dma_start3A_432 = tpu.memref_squeeze %dma_start3A_431 : memref<1x!tpu.dma_semaphore, #tpu.memory_space<semaphore_mem>> -> memref<!tpu.dma_semaphore, #tpu.memory_space<semaphore_mem>>
    %dma_start3A_433 = arith.constant 0 : i32
    %dma_start3A_434 = arith.constant 0 : i32
    %dma_start3A_435 = tpu.memref_slice %arg4[%add3A_420, %dma_start3A_433, %dma_start3A_434] : memref<4096x50x128xf32, #tpu.memory_space<hbm>> -> memref<2x50x128xf32, #tpu.memory_space<hbm>>
    %dma_start3A_436 = arith.constant 0 : i32
    %dma_start3A_437 = arith.constant 0 : i32
    %dma_start3A_438 = arith.constant 0 : i32
    %dma_start3A_439 = tpu.memref_slice %arg6[%dma_start3A_421, %dma_start3A_436, %dma_start3A_437, %dma_start3A_438] : memref<8x2x50x128xf32, #tpu.memory_space<vmem>> -> memref<1x2x50x128xf32, #tpu.memory_space<vmem>>
    %dma_start3A_440 = tpu.memref_squeeze %dma_start3A_439 : memref<1x2x50x128xf32, #tpu.memory_space<vmem>> -> memref<2x50x128xf32, #tpu.memory_space<vmem>>
    tpu.enqueue_dma source(%dma_start3A_440 : memref<2x50x128xf32, #tpu.memory_space<vmem>>) target(%dma_start3A_435 : memref<2x50x128xf32, #tpu.memory_space<hbm>>) target_semaphore(%dma_start3A_432 : memref<!tpu.dma_semaphore, #tpu.memory_space<semaphore_mem>>)
    %dma_start3A_441 = arith.constant 14 : i32
    %dma_start3A_442 = arith.constant 7 : i32
    %dma_start3A_443 = arith.constant 0 : i32
    %dma_start3A_444 = arith.constant 7 : i32
    %dma_start3A_445 = arith.constant 0 : i32
    %dma_start3A_446 = arith.constant 0 : i32
    %dma_start3A_447 = tpu.memref_slice %arg6[%dma_start3A_442, %dma_start3A_443, %dma_start3A_445, %dma_start3A_446] : memref<8x2x50x128xf32, #tpu.memory_space<vmem>> -> memref<1x1x50x128xf32, #tpu.memory_space<vmem>>
    %dma_start3A_448 = tpu.memref_squeeze %dma_start3A_447 : memref<1x1x50x128xf32, #tpu.memory_space<vmem>> -> memref<50x128xf32, #tpu.memory_space<vmem>>
    %dma_start3A_449 = arith.constant 0 : i32
    %dma_start3A_450 = tpu.memref_slice %arg5[%dma_start3A_441, %dma_start3A_449] : memref<128x50xi32, #tpu.memory_space<vmem>> -> memref<1x50xi32, #tpu.memory_space<vmem>>
    %dma_start3A_451 = tpu.memref_squeeze %dma_start3A_450 : memref<1x50xi32, #tpu.memory_space<vmem>> -> memref<50xi32, #tpu.memory_space<vmem>>
    %dma_start3A_452 = arith.constant 0 : i32
    %dma_start3A_453 = arith.constant 0 : i32
    %dma_start3A_454 = tpu.memref_slice %arg2[%dma_start3A_452, %dma_start3A_453] : memref<100000x128xf32, #tpu.memory_space<hbm>> -> memref<100000x128xf32, #tpu.memory_space<hbm>>
    %dma_start3A_455 = tpu.memref_slice %arg7[%dma_start3A_444] : memref<8x!tpu.dma_semaphore, #tpu.memory_space<semaphore_mem>> -> memref<1x!tpu.dma_semaphore, #tpu.memory_space<semaphore_mem>>
    %dma_start3A_456 = tpu.memref_squeeze %dma_start3A_455 : memref<1x!tpu.dma_semaphore, #tpu.memory_space<semaphore_mem>> -> memref<!tpu.dma_semaphore, #tpu.memory_space<semaphore_mem>>
    tpu.enqueue_indirect_dma source(%dma_start3A_454 : memref<100000x128xf32, #tpu.memory_space<hbm>>) target(%dma_start3A_448 : memref<50x128xf32, #tpu.memory_space<vmem>>) offsets(%dma_start3A_451 : memref<50xi32, #tpu.memory_space<vmem>>) semaphore(%dma_start3A_456 : memref<!tpu.dma_semaphore, #tpu.memory_space<semaphore_mem>>)
    %dma_start3A_457 = arith.constant 15 : i32
    %dma_start3A_458 = arith.constant 7 : i32
    %dma_start3A_459 = arith.constant 1 : i32
    %dma_start3A_460 = arith.constant 7 : i32
    %dma_start3A_461 = arith.constant 0 : i32
    %dma_start3A_462 = arith.constant 0 : i32
    %dma_start3A_463 = tpu.memref_slice %arg6[%dma_start3A_458, %dma_start3A_459, %dma_start3A_461, %dma_start3A_462] : memref<8x2x50x128xf32, #tpu.memory_space<vmem>> -> memref<1x1x50x128xf32, #tpu.memory_space<vmem>>
    %dma_start3A_464 = tpu.memref_squeeze %dma_start3A_463 : memref<1x1x50x128xf32, #tpu.memory_space<vmem>> -> memref<50x128xf32, #tpu.memory_space<vmem>>
    %dma_start3A_465 = arith.constant 0 : i32
    %dma_start3A_466 = tpu.memref_slice %arg5[%dma_start3A_457, %dma_start3A_465] : memref<128x50xi32, #tpu.memory_space<vmem>> -> memref<1x50xi32, #tpu.memory_space<vmem>>
    %dma_start3A_467 = tpu.memref_squeeze %dma_start3A_466 : memref<1x50xi32, #tpu.memory_space<vmem>> -> memref<50xi32, #tpu.memory_space<vmem>>
    %dma_start3A_468 = arith.constant 0 : i32
    %dma_start3A_469 = arith.constant 0 : i32
    %dma_start3A_470 = tpu.memref_slice %arg2[%dma_start3A_468, %dma_start3A_469] : memref<100000x128xf32, #tpu.memory_space<hbm>> -> memref<100000x128xf32, #tpu.memory_space<hbm>>
    %dma_start3A_471 = tpu.memref_slice %arg7[%dma_start3A_460] : memref<8x!tpu.dma_semaphore, #tpu.memory_space<semaphore_mem>> -> memref<1x!tpu.dma_semaphore, #tpu.memory_space<semaphore_mem>>
    %dma_start3A_472 = tpu.memref_squeeze %dma_start3A_471 : memref<1x!tpu.dma_semaphore, #tpu.memory_space<semaphore_mem>> -> memref<!tpu.dma_semaphore, #tpu.memory_space<semaphore_mem>>
    tpu.enqueue_indirect_dma source(%dma_start3A_470 : memref<100000x128xf32, #tpu.memory_space<hbm>>) target(%dma_start3A_464 : memref<50x128xf32, #tpu.memory_space<vmem>>) offsets(%dma_start3A_467 : memref<50xi32, #tpu.memory_space<vmem>>) semaphore(%dma_start3A_472 : memref<!tpu.dma_semaphore, #tpu.memory_space<semaphore_mem>>)
    %dma_wait3A_473 = arith.constant 0 : i32
    %dma_wait3A_474 = arith.constant 4 : i32
    %dma_wait3A_475 = arith.constant 0 : i32
    %dma_wait3A_476 = arith.constant 4 : i32
    %dma_wait3A_477 = arith.constant 0 : i32
    %dma_wait3A_478 = arith.constant 0 : i32
    %dma_wait3A_479 = tpu.memref_slice %arg6[%dma_wait3A_474, %dma_wait3A_475, %dma_wait3A_477, %dma_wait3A_478] : memref<8x2x50x128xf32, #tpu.memory_space<vmem>> -> memref<1x1x50x128xf32, #tpu.memory_space<vmem>>
    %dma_wait3A_480 = tpu.memref_squeeze %dma_wait3A_479 : memref<1x1x50x128xf32, #tpu.memory_space<vmem>> -> memref<50x128xf32, #tpu.memory_space<vmem>>
    %dma_wait3A_481 = arith.constant 0 : i32
    %dma_wait3A_482 = tpu.memref_slice %arg5[%dma_wait3A_473, %dma_wait3A_481] : memref<128x50xi32, #tpu.memory_space<vmem>> -> memref<1x50xi32, #tpu.memory_space<vmem>>
    %dma_wait3A_483 = tpu.memref_squeeze %dma_wait3A_482 : memref<1x50xi32, #tpu.memory_space<vmem>> -> memref<50xi32, #tpu.memory_space<vmem>>
    %dma_wait3A_484 = arith.constant 0 : i32
    %dma_wait3A_485 = arith.constant 0 : i32
    %dma_wait3A_486 = tpu.memref_slice %arg2[%dma_wait3A_484, %dma_wait3A_485] : memref<100000x128xf32, #tpu.memory_space<hbm>> -> memref<100000x128xf32, #tpu.memory_space<hbm>>
    %dma_wait3A_487 = tpu.memref_slice %arg7[%dma_wait3A_476] : memref<8x!tpu.dma_semaphore, #tpu.memory_space<semaphore_mem>> -> memref<1x!tpu.dma_semaphore, #tpu.memory_space<semaphore_mem>>
    %dma_wait3A_488 = tpu.memref_squeeze %dma_wait3A_487 : memref<1x!tpu.dma_semaphore, #tpu.memory_space<semaphore_mem>> -> memref<!tpu.dma_semaphore, #tpu.memory_space<semaphore_mem>>
    tpu.wait_indirect_dma semaphore(%dma_wait3A_488 : memref<!tpu.dma_semaphore, #tpu.memory_space<semaphore_mem>>) src(%dma_wait3A_486 : memref<100000x128xf32, #tpu.memory_space<hbm>>) dst(%dma_wait3A_480 : memref<50x128xf32, #tpu.memory_space<vmem>>)
    %dma_wait3A_489 = arith.constant 0 : i32
    %dma_wait3A_490 = arith.constant 4 : i32
    %dma_wait3A_491 = arith.constant 1 : i32
    %dma_wait3A_492 = arith.constant 4 : i32
    %dma_wait3A_493 = arith.constant 0 : i32
    %dma_wait3A_494 = arith.constant 0 : i32
    %dma_wait3A_495 = tpu.memref_slice %arg6[%dma_wait3A_490, %dma_wait3A_491, %dma_wait3A_493, %dma_wait3A_494] : memref<8x2x50x128xf32, #tpu.memory_space<vmem>> -> memref<1x1x50x128xf32, #tpu.memory_space<vmem>>
    %dma_wait3A_496 = tpu.memref_squeeze %dma_wait3A_495 : memref<1x1x50x128xf32, #tpu.memory_space<vmem>> -> memref<50x128xf32, #tpu.memory_space<vmem>>
    %dma_wait3A_497 = arith.constant 0 : i32
    %dma_wait3A_498 = tpu.memref_slice %arg5[%dma_wait3A_489, %dma_wait3A_497] : memref<128x50xi32, #tpu.memory_space<vmem>> -> memref<1x50xi32, #tpu.memory_space<vmem>>
    %dma_wait3A_499 = tpu.memref_squeeze %dma_wait3A_498 : memref<1x50xi32, #tpu.memory_space<vmem>> -> memref<50xi32, #tpu.memory_space<vmem>>
    %dma_wait3A_500 = arith.constant 0 : i32
    %dma_wait3A_501 = arith.constant 0 : i32
    %dma_wait3A_502 = tpu.memref_slice %arg2[%dma_wait3A_500, %dma_wait3A_501] : memref<100000x128xf32, #tpu.memory_space<hbm>> -> memref<100000x128xf32, #tpu.memory_space<hbm>>
    %dma_wait3A_503 = tpu.memref_slice %arg7[%dma_wait3A_492] : memref<8x!tpu.dma_semaphore, #tpu.memory_space<semaphore_mem>> -> memref<1x!tpu.dma_semaphore, #tpu.memory_space<semaphore_mem>>
    %dma_wait3A_504 = tpu.memref_squeeze %dma_wait3A_503 : memref<1x!tpu.dma_semaphore, #tpu.memory_space<semaphore_mem>> -> memref<!tpu.dma_semaphore, #tpu.memory_space<semaphore_mem>>
    tpu.wait_indirect_dma semaphore(%dma_wait3A_504 : memref<!tpu.dma_semaphore, #tpu.memory_space<semaphore_mem>>) src(%dma_wait3A_502 : memref<100000x128xf32, #tpu.memory_space<hbm>>) dst(%dma_wait3A_496 : memref<50x128xf32, #tpu.memory_space<vmem>>)
    %add3A_505 = arith.constant 8 : i32
    %add3A_506 = arith.addi %mul3A_2, %add3A_505 : i32
    %dma_start3A_507 = arith.constant 4 : i32
    %dma_start3A_508 = arith.constant 4 : i32
    %dma_start3A_509 = arith.constant 0 : i32
    %dma_start3A_510 = arith.constant 0 : i32
    %dma_start3A_511 = arith.constant 0 : i32
    %dma_start3A_512 = tpu.memref_slice %arg6[%dma_start3A_507, %dma_start3A_509, %dma_start3A_510, %dma_start3A_511] : memref<8x2x50x128xf32, #tpu.memory_space<vmem>> -> memref<1x2x50x128xf32, #tpu.memory_space<vmem>>
    %dma_start3A_513 = tpu.memref_squeeze %dma_start3A_512 : memref<1x2x50x128xf32, #tpu.memory_space<vmem>> -> memref<2x50x128xf32, #tpu.memory_space<vmem>>
    %dma_start3A_514 = arith.constant 0 : i32
    %dma_start3A_515 = arith.constant 0 : i32
    %dma_start3A_516 = tpu.memref_slice %arg4[%add3A_506, %dma_start3A_514, %dma_start3A_515] : memref<4096x50x128xf32, #tpu.memory_space<hbm>> -> memref<2x50x128xf32, #tpu.memory_space<hbm>>
    %dma_start3A_517 = tpu.memref_slice %arg8[%dma_start3A_508] : memref<8x!tpu.dma_semaphore, #tpu.memory_space<semaphore_mem>> -> memref<1x!tpu.dma_semaphore, #tpu.memory_space<semaphore_mem>>
    %dma_start3A_518 = tpu.memref_squeeze %dma_start3A_517 : memref<1x!tpu.dma_semaphore, #tpu.memory_space<semaphore_mem>> -> memref<!tpu.dma_semaphore, #tpu.memory_space<semaphore_mem>>
    %dma_start3A_519 = arith.constant 0 : i32
    %dma_start3A_520 = arith.constant 0 : i32
    %dma_start3A_521 = tpu.memref_slice %arg4[%add3A_506, %dma_start3A_519, %dma_start3A_520] : memref<4096x50x128xf32, #tpu.memory_space<hbm>> -> memref<2x50x128xf32, #tpu.memory_space<hbm>>
    %dma_start3A_522 = arith.constant 0 : i32
    %dma_start3A_523 = arith.constant 0 : i32
    %dma_start3A_524 = arith.constant 0 : i32
    %dma_start3A_525 = tpu.memref_slice %arg6[%dma_start3A_507, %dma_start3A_522, %dma_start3A_523, %dma_start3A_524] : memref<8x2x50x128xf32, #tpu.memory_space<vmem>> -> memref<1x2x50x128xf32, #tpu.memory_space<vmem>>
    %dma_start3A_526 = tpu.memref_squeeze %dma_start3A_525 : memref<1x2x50x128xf32, #tpu.memory_space<vmem>> -> memref<2x50x128xf32, #tpu.memory_space<vmem>>
    tpu.enqueue_dma source(%dma_start3A_526 : memref<2x50x128xf32, #tpu.memory_space<vmem>>) target(%dma_start3A_521 : memref<2x50x128xf32, #tpu.memory_space<hbm>>) target_semaphore(%dma_start3A_518 : memref<!tpu.dma_semaphore, #tpu.memory_space<semaphore_mem>>)
    %dma_wait3A_527 = arith.constant 0 : i32
    %dma_wait3A_528 = arith.constant 0 : i32
    %dma_wait3A_529 = arith.constant 0 : i32
    %dma_wait3A_530 = arith.constant 0 : i32
    %dma_wait3A_531 = arith.constant 0 : i32
    %dma_wait3A_532 = tpu.memref_slice %arg6[%dma_wait3A_527, %dma_wait3A_529, %dma_wait3A_530, %dma_wait3A_531] : memref<8x2x50x128xf32, #tpu.memory_space<vmem>> -> memref<1x2x50x128xf32, #tpu.memory_space<vmem>>
    %dma_wait3A_533 = tpu.memref_squeeze %dma_wait3A_532 : memref<1x2x50x128xf32, #tpu.memory_space<vmem>> -> memref<2x50x128xf32, #tpu.memory_space<vmem>>
    %dma_wait3A_534 = arith.constant 0 : i32
    %dma_wait3A_535 = arith.constant 0 : i32
    %dma_wait3A_536 = tpu.memref_slice %arg4[%mul3A_2, %dma_wait3A_534, %dma_wait3A_535] : memref<4096x50x128xf32, #tpu.memory_space<hbm>> -> memref<2x50x128xf32, #tpu.memory_space<hbm>>
    %dma_wait3A_537 = tpu.memref_slice %arg8[%dma_wait3A_528] : memref<8x!tpu.dma_semaphore, #tpu.memory_space<semaphore_mem>> -> memref<1x!tpu.dma_semaphore, #tpu.memory_space<semaphore_mem>>
    %dma_wait3A_538 = tpu.memref_squeeze %dma_wait3A_537 : memref<1x!tpu.dma_semaphore, #tpu.memory_space<semaphore_mem>> -> memref<!tpu.dma_semaphore, #tpu.memory_space<semaphore_mem>>
    %dma_wait3A_539 = arith.constant 0 : i32
    %dma_wait3A_540 = arith.constant 0 : i32
    %dma_wait3A_541 = tpu.memref_slice %arg4[%mul3A_2, %dma_wait3A_539, %dma_wait3A_540] : memref<4096x50x128xf32, #tpu.memory_space<hbm>> -> memref<2x50x128xf32, #tpu.memory_space<hbm>>
    %dma_wait3A_542 = arith.constant 0 : i32
    %dma_wait3A_543 = arith.constant 0 : i32
    %dma_wait3A_544 = arith.constant 0 : i32
    %dma_wait3A_545 = tpu.memref_slice %arg6[%dma_wait3A_527, %dma_wait3A_542, %dma_wait3A_543, %dma_wait3A_544] : memref<8x2x50x128xf32, #tpu.memory_space<vmem>> -> memref<1x2x50x128xf32, #tpu.memory_space<vmem>>
    %dma_wait3A_546 = tpu.memref_squeeze %dma_wait3A_545 : memref<1x2x50x128xf32, #tpu.memory_space<vmem>> -> memref<2x50x128xf32, #tpu.memory_space<vmem>>
    tpu.wait_dma2 semaphore(%dma_wait3A_538 : memref<!tpu.dma_semaphore, #tpu.memory_space<semaphore_mem>>) src(%dma_wait3A_546 : memref<2x50x128xf32, #tpu.memory_space<vmem>>) dst(%dma_wait3A_541 : memref<2x50x128xf32, #tpu.memory_space<hbm>>)
    %dma_start3A_547 = arith.constant 16 : i32
    %dma_start3A_548 = arith.constant 0 : i32
    %dma_start3A_549 = arith.constant 0 : i32
    %dma_start3A_550 = arith.constant 0 : i32
    %dma_start3A_551 = arith.constant 0 : i32
    %dma_start3A_552 = arith.constant 0 : i32
    %dma_start3A_553 = tpu.memref_slice %arg6[%dma_start3A_548, %dma_start3A_549, %dma_start3A_551, %dma_start3A_552] : memref<8x2x50x128xf32, #tpu.memory_space<vmem>> -> memref<1x1x50x128xf32, #tpu.memory_space<vmem>>
    %dma_start3A_554 = tpu.memref_squeeze %dma_start3A_553 : memref<1x1x50x128xf32, #tpu.memory_space<vmem>> -> memref<50x128xf32, #tpu.memory_space<vmem>>
    %dma_start3A_555 = arith.constant 0 : i32
    %dma_start3A_556 = tpu.memref_slice %arg5[%dma_start3A_547, %dma_start3A_555] : memref<128x50xi32, #tpu.memory_space<vmem>> -> memref<1x50xi32, #tpu.memory_space<vmem>>
    %dma_start3A_557 = tpu.memref_squeeze %dma_start3A_556 : memref<1x50xi32, #tpu.memory_space<vmem>> -> memref<50xi32, #tpu.memory_space<vmem>>
    %dma_start3A_558 = arith.constant 0 : i32
    %dma_start3A_559 = arith.constant 0 : i32
    %dma_start3A_560 = tpu.memref_slice %arg2[%dma_start3A_558, %dma_start3A_559] : memref<100000x128xf32, #tpu.memory_space<hbm>> -> memref<100000x128xf32, #tpu.memory_space<hbm>>
    %dma_start3A_561 = tpu.memref_slice %arg7[%dma_start3A_550] : memref<8x!tpu.dma_semaphore, #tpu.memory_space<semaphore_mem>> -> memref<1x!tpu.dma_semaphore, #tpu.memory_space<semaphore_mem>>
    %dma_start3A_562 = tpu.memref_squeeze %dma_start3A_561 : memref<1x!tpu.dma_semaphore, #tpu.memory_space<semaphore_mem>> -> memref<!tpu.dma_semaphore, #tpu.memory_space<semaphore_mem>>
    tpu.enqueue_indirect_dma source(%dma_start3A_560 : memref<100000x128xf32, #tpu.memory_space<hbm>>) target(%dma_start3A_554 : memref<50x128xf32, #tpu.memory_space<vmem>>) offsets(%dma_start3A_557 : memref<50xi32, #tpu.memory_space<vmem>>) semaphore(%dma_start3A_562 : memref<!tpu.dma_semaphore, #tpu.memory_space<semaphore_mem>>)
    %dma_start3A_563 = arith.constant 17 : i32
    %dma_start3A_564 = arith.constant 0 : i32
    %dma_start3A_565 = arith.constant 1 : i32
    %dma_start3A_566 = arith.constant 0 : i32
    %dma_start3A_567 = arith.constant 0 : i32
    %dma_start3A_568 = arith.constant 0 : i32
    %dma_start3A_569 = tpu.memref_slice %arg6[%dma_start3A_564, %dma_start3A_565, %dma_start3A_567, %dma_start3A_568] : memref<8x2x50x128xf32, #tpu.memory_space<vmem>> -> memref<1x1x50x128xf32, #tpu.memory_space<vmem>>
    %dma_start3A_570 = tpu.memref_squeeze %dma_start3A_569 : memref<1x1x50x128xf32, #tpu.memory_space<vmem>> -> memref<50x128xf32, #tpu.memory_space<vmem>>
    %dma_start3A_571 = arith.constant 0 : i32
    %dma_start3A_572 = tpu.memref_slice %arg5[%dma_start3A_563, %dma_start3A_571] : memref<128x50xi32, #tpu.memory_space<vmem>> -> memref<1x50xi32, #tpu.memory_space<vmem>>
    %dma_start3A_573 = tpu.memref_squeeze %dma_start3A_572 : memref<1x50xi32, #tpu.memory_space<vmem>> -> memref<50xi32, #tpu.memory_space<vmem>>
    %dma_start3A_574 = arith.constant 0 : i32
    %dma_start3A_575 = arith.constant 0 : i32
    %dma_start3A_576 = tpu.memref_slice %arg2[%dma_start3A_574, %dma_start3A_575] : memref<100000x128xf32, #tpu.memory_space<hbm>> -> memref<100000x128xf32, #tpu.memory_space<hbm>>
    %dma_start3A_577 = tpu.memref_slice %arg7[%dma_start3A_566] : memref<8x!tpu.dma_semaphore, #tpu.memory_space<semaphore_mem>> -> memref<1x!tpu.dma_semaphore, #tpu.memory_space<semaphore_mem>>
    %dma_start3A_578 = tpu.memref_squeeze %dma_start3A_577 : memref<1x!tpu.dma_semaphore, #tpu.memory_space<semaphore_mem>> -> memref<!tpu.dma_semaphore, #tpu.memory_space<semaphore_mem>>
    tpu.enqueue_indirect_dma source(%dma_start3A_576 : memref<100000x128xf32, #tpu.memory_space<hbm>>) target(%dma_start3A_570 : memref<50x128xf32, #tpu.memory_space<vmem>>) offsets(%dma_start3A_573 : memref<50xi32, #tpu.memory_space<vmem>>) semaphore(%dma_start3A_578 : memref<!tpu.dma_semaphore, #tpu.memory_space<semaphore_mem>>)
    %dma_wait3A_579 = arith.constant 0 : i32
    %dma_wait3A_580 = arith.constant 5 : i32
    %dma_wait3A_581 = arith.constant 0 : i32
    %dma_wait3A_582 = arith.constant 5 : i32
    %dma_wait3A_583 = arith.constant 0 : i32
    %dma_wait3A_584 = arith.constant 0 : i32
    %dma_wait3A_585 = tpu.memref_slice %arg6[%dma_wait3A_580, %dma_wait3A_581, %dma_wait3A_583, %dma_wait3A_584] : memref<8x2x50x128xf32, #tpu.memory_space<vmem>> -> memref<1x1x50x128xf32, #tpu.memory_space<vmem>>
    %dma_wait3A_586 = tpu.memref_squeeze %dma_wait3A_585 : memref<1x1x50x128xf32, #tpu.memory_space<vmem>> -> memref<50x128xf32, #tpu.memory_space<vmem>>
    %dma_wait3A_587 = arith.constant 0 : i32
    %dma_wait3A_588 = tpu.memref_slice %arg5[%dma_wait3A_579, %dma_wait3A_587] : memref<128x50xi32, #tpu.memory_space<vmem>> -> memref<1x50xi32, #tpu.memory_space<vmem>>
    %dma_wait3A_589 = tpu.memref_squeeze %dma_wait3A_588 : memref<1x50xi32, #tpu.memory_space<vmem>> -> memref<50xi32, #tpu.memory_space<vmem>>
    %dma_wait3A_590 = arith.constant 0 : i32
    %dma_wait3A_591 = arith.constant 0 : i32
    %dma_wait3A_592 = tpu.memref_slice %arg2[%dma_wait3A_590, %dma_wait3A_591] : memref<100000x128xf32, #tpu.memory_space<hbm>> -> memref<100000x128xf32, #tpu.memory_space<hbm>>
    %dma_wait3A_593 = tpu.memref_slice %arg7[%dma_wait3A_582] : memref<8x!tpu.dma_semaphore, #tpu.memory_space<semaphore_mem>> -> memref<1x!tpu.dma_semaphore, #tpu.memory_space<semaphore_mem>>
    %dma_wait3A_594 = tpu.memref_squeeze %dma_wait3A_593 : memref<1x!tpu.dma_semaphore, #tpu.memory_space<semaphore_mem>> -> memref<!tpu.dma_semaphore, #tpu.memory_space<semaphore_mem>>
    tpu.wait_indirect_dma semaphore(%dma_wait3A_594 : memref<!tpu.dma_semaphore, #tpu.memory_space<semaphore_mem>>) src(%dma_wait3A_592 : memref<100000x128xf32, #tpu.memory_space<hbm>>) dst(%dma_wait3A_586 : memref<50x128xf32, #tpu.memory_space<vmem>>)
    %dma_wait3A_595 = arith.constant 0 : i32
    %dma_wait3A_596 = arith.constant 5 : i32
    %dma_wait3A_597 = arith.constant 1 : i32
    %dma_wait3A_598 = arith.constant 5 : i32
    %dma_wait3A_599 = arith.constant 0 : i32
    %dma_wait3A_600 = arith.constant 0 : i32
    %dma_wait3A_601 = tpu.memref_slice %arg6[%dma_wait3A_596, %dma_wait3A_597, %dma_wait3A_599, %dma_wait3A_600] : memref<8x2x50x128xf32, #tpu.memory_space<vmem>> -> memref<1x1x50x128xf32, #tpu.memory_space<vmem>>
    %dma_wait3A_602 = tpu.memref_squeeze %dma_wait3A_601 : memref<1x1x50x128xf32, #tpu.memory_space<vmem>> -> memref<50x128xf32, #tpu.memory_space<vmem>>
    %dma_wait3A_603 = arith.constant 0 : i32
    %dma_wait3A_604 = tpu.memref_slice %arg5[%dma_wait3A_595, %dma_wait3A_603] : memref<128x50xi32, #tpu.memory_space<vmem>> -> memref<1x50xi32, #tpu.memory_space<vmem>>
    %dma_wait3A_605 = tpu.memref_squeeze %dma_wait3A_604 : memref<1x50xi32, #tpu.memory_space<vmem>> -> memref<50xi32, #tpu.memory_space<vmem>>
    %dma_wait3A_606 = arith.constant 0 : i32
    %dma_wait3A_607 = arith.constant 0 : i32
    %dma_wait3A_608 = tpu.memref_slice %arg2[%dma_wait3A_606, %dma_wait3A_607] : memref<100000x128xf32, #tpu.memory_space<hbm>> -> memref<100000x128xf32, #tpu.memory_space<hbm>>
    %dma_wait3A_609 = tpu.memref_slice %arg7[%dma_wait3A_598] : memref<8x!tpu.dma_semaphore, #tpu.memory_space<semaphore_mem>> -> memref<1x!tpu.dma_semaphore, #tpu.memory_space<semaphore_mem>>
    %dma_wait3A_610 = tpu.memref_squeeze %dma_wait3A_609 : memref<1x!tpu.dma_semaphore, #tpu.memory_space<semaphore_mem>> -> memref<!tpu.dma_semaphore, #tpu.memory_space<semaphore_mem>>
    tpu.wait_indirect_dma semaphore(%dma_wait3A_610 : memref<!tpu.dma_semaphore, #tpu.memory_space<semaphore_mem>>) src(%dma_wait3A_608 : memref<100000x128xf32, #tpu.memory_space<hbm>>) dst(%dma_wait3A_602 : memref<50x128xf32, #tpu.memory_space<vmem>>)
    %add3A_611 = arith.constant 10 : i32
    %add3A_612 = arith.addi %mul3A_2, %add3A_611 : i32
    %dma_start3A_613 = arith.constant 5 : i32
    %dma_start3A_614 = arith.constant 5 : i32
    %dma_start3A_615 = arith.constant 0 : i32
    %dma_start3A_616 = arith.constant 0 : i32
    %dma_start3A_617 = arith.constant 0 : i32
    %dma_start3A_618 = tpu.memref_slice %arg6[%dma_start3A_613, %dma_start3A_615, %dma_start3A_616, %dma_start3A_617] : memref<8x2x50x128xf32, #tpu.memory_space<vmem>> -> memref<1x2x50x128xf32, #tpu.memory_space<vmem>>
    %dma_start3A_619 = tpu.memref_squeeze %dma_start3A_618 : memref<1x2x50x128xf32, #tpu.memory_space<vmem>> -> memref<2x50x128xf32, #tpu.memory_space<vmem>>
    %dma_start3A_620 = arith.constant 0 : i32
    %dma_start3A_621 = arith.constant 0 : i32
    %dma_start3A_622 = tpu.memref_slice %arg4[%add3A_612, %dma_start3A_620, %dma_start3A_621] : memref<4096x50x128xf32, #tpu.memory_space<hbm>> -> memref<2x50x128xf32, #tpu.memory_space<hbm>>
    %dma_start3A_623 = tpu.memref_slice %arg8[%dma_start3A_614] : memref<8x!tpu.dma_semaphore, #tpu.memory_space<semaphore_mem>> -> memref<1x!tpu.dma_semaphore, #tpu.memory_space<semaphore_mem>>
    %dma_start3A_624 = tpu.memref_squeeze %dma_start3A_623 : memref<1x!tpu.dma_semaphore, #tpu.memory_space<semaphore_mem>> -> memref<!tpu.dma_semaphore, #tpu.memory_space<semaphore_mem>>
    %dma_start3A_625 = arith.constant 0 : i32
    %dma_start3A_626 = arith.constant 0 : i32
    %dma_start3A_627 = tpu.memref_slice %arg4[%add3A_612, %dma_start3A_625, %dma_start3A_626] : memref<4096x50x128xf32, #tpu.memory_space<hbm>> -> memref<2x50x128xf32, #tpu.memory_space<hbm>>
    %dma_start3A_628 = arith.constant 0 : i32
    %dma_start3A_629 = arith.constant 0 : i32
    %dma_start3A_630 = arith.constant 0 : i32
    %dma_start3A_631 = tpu.memref_slice %arg6[%dma_start3A_613, %dma_start3A_628, %dma_start3A_629, %dma_start3A_630] : memref<8x2x50x128xf32, #tpu.memory_space<vmem>> -> memref<1x2x50x128xf32, #tpu.memory_space<vmem>>
    %dma_start3A_632 = tpu.memref_squeeze %dma_start3A_631 : memref<1x2x50x128xf32, #tpu.memory_space<vmem>> -> memref<2x50x128xf32, #tpu.memory_space<vmem>>
    tpu.enqueue_dma source(%dma_start3A_632 : memref<2x50x128xf32, #tpu.memory_space<vmem>>) target(%dma_start3A_627 : memref<2x50x128xf32, #tpu.memory_space<hbm>>) target_semaphore(%dma_start3A_624 : memref<!tpu.dma_semaphore, #tpu.memory_space<semaphore_mem>>)
    %dma_wait3A_633 = arith.constant 1 : i32
    %dma_wait3A_634 = arith.constant 1 : i32
    %dma_wait3A_635 = arith.constant 0 : i32
    %dma_wait3A_636 = arith.constant 0 : i32
    %dma_wait3A_637 = arith.constant 0 : i32
    %dma_wait3A_638 = tpu.memref_slice %arg6[%dma_wait3A_633, %dma_wait3A_635, %dma_wait3A_636, %dma_wait3A_637] : memref<8x2x50x128xf32, #tpu.memory_space<vmem>> -> memref<1x2x50x128xf32, #tpu.memory_space<vmem>>
    %dma_wait3A_639 = tpu.memref_squeeze %dma_wait3A_638 : memref<1x2x50x128xf32, #tpu.memory_space<vmem>> -> memref<2x50x128xf32, #tpu.memory_space<vmem>>
    %dma_wait3A_640 = arith.constant 0 : i32
    %dma_wait3A_641 = arith.constant 0 : i32
    %dma_wait3A_642 = tpu.memref_slice %arg4[%mul3A_2, %dma_wait3A_640, %dma_wait3A_641] : memref<4096x50x128xf32, #tpu.memory_space<hbm>> -> memref<2x50x128xf32, #tpu.memory_space<hbm>>
    %dma_wait3A_643 = tpu.memref_slice %arg8[%dma_wait3A_634] : memref<8x!tpu.dma_semaphore, #tpu.memory_space<semaphore_mem>> -> memref<1x!tpu.dma_semaphore, #tpu.memory_space<semaphore_mem>>
    %dma_wait3A_644 = tpu.memref_squeeze %dma_wait3A_643 : memref<1x!tpu.dma_semaphore, #tpu.memory_space<semaphore_mem>> -> memref<!tpu.dma_semaphore, #tpu.memory_space<semaphore_mem>>
    %dma_wait3A_645 = arith.constant 0 : i32
    %dma_wait3A_646 = arith.constant 0 : i32
    %dma_wait3A_647 = tpu.memref_slice %arg4[%mul3A_2, %dma_wait3A_645, %dma_wait3A_646] : memref<4096x50x128xf32, #tpu.memory_space<hbm>> -> memref<2x50x128xf32, #tpu.memory_space<hbm>>
    %dma_wait3A_648 = arith.constant 0 : i32
    %dma_wait3A_649 = arith.constant 0 : i32
    %dma_wait3A_650 = arith.constant 0 : i32
    %dma_wait3A_651 = tpu.memref_slice %arg6[%dma_wait3A_633, %dma_wait3A_648, %dma_wait3A_649, %dma_wait3A_650] : memref<8x2x50x128xf32, #tpu.memory_space<vmem>> -> memref<1x2x50x128xf32, #tpu.memory_space<vmem>>
    %dma_wait3A_652 = tpu.memref_squeeze %dma_wait3A_651 : memref<1x2x50x128xf32, #tpu.memory_space<vmem>> -> memref<2x50x128xf32, #tpu.memory_space<vmem>>
    tpu.wait_dma2 semaphore(%dma_wait3A_644 : memref<!tpu.dma_semaphore, #tpu.memory_space<semaphore_mem>>) src(%dma_wait3A_652 : memref<2x50x128xf32, #tpu.memory_space<vmem>>) dst(%dma_wait3A_647 : memref<2x50x128xf32, #tpu.memory_space<hbm>>)
    %dma_start3A_653 = arith.constant 18 : i32
    %dma_start3A_654 = arith.constant 1 : i32
    %dma_start3A_655 = arith.constant 0 : i32
    %dma_start3A_656 = arith.constant 1 : i32
    %dma_start3A_657 = arith.constant 0 : i32
    %dma_start3A_658 = arith.constant 0 : i32
    %dma_start3A_659 = tpu.memref_slice %arg6[%dma_start3A_654, %dma_start3A_655, %dma_start3A_657, %dma_start3A_658] : memref<8x2x50x128xf32, #tpu.memory_space<vmem>> -> memref<1x1x50x128xf32, #tpu.memory_space<vmem>>
    %dma_start3A_660 = tpu.memref_squeeze %dma_start3A_659 : memref<1x1x50x128xf32, #tpu.memory_space<vmem>> -> memref<50x128xf32, #tpu.memory_space<vmem>>
    %dma_start3A_661 = arith.constant 0 : i32
    %dma_start3A_662 = tpu.memref_slice %arg5[%dma_start3A_653, %dma_start3A_661] : memref<128x50xi32, #tpu.memory_space<vmem>> -> memref<1x50xi32, #tpu.memory_space<vmem>>
    %dma_start3A_663 = tpu.memref_squeeze %dma_start3A_662 : memref<1x50xi32, #tpu.memory_space<vmem>> -> memref<50xi32, #tpu.memory_space<vmem>>
    %dma_start3A_664 = arith.constant 0 : i32
    %dma_start3A_665 = arith.constant 0 : i32
    %dma_start3A_666 = tpu.memref_slice %arg2[%dma_start3A_664, %dma_start3A_665] : memref<100000x128xf32, #tpu.memory_space<hbm>> -> memref<100000x128xf32, #tpu.memory_space<hbm>>
    %dma_start3A_667 = tpu.memref_slice %arg7[%dma_start3A_656] : memref<8x!tpu.dma_semaphore, #tpu.memory_space<semaphore_mem>> -> memref<1x!tpu.dma_semaphore, #tpu.memory_space<semaphore_mem>>
    %dma_start3A_668 = tpu.memref_squeeze %dma_start3A_667 : memref<1x!tpu.dma_semaphore, #tpu.memory_space<semaphore_mem>> -> memref<!tpu.dma_semaphore, #tpu.memory_space<semaphore_mem>>
    tpu.enqueue_indirect_dma source(%dma_start3A_666 : memref<100000x128xf32, #tpu.memory_space<hbm>>) target(%dma_start3A_660 : memref<50x128xf32, #tpu.memory_space<vmem>>) offsets(%dma_start3A_663 : memref<50xi32, #tpu.memory_space<vmem>>) semaphore(%dma_start3A_668 : memref<!tpu.dma_semaphore, #tpu.memory_space<semaphore_mem>>)
    %dma_start3A_669 = arith.constant 19 : i32
    %dma_start3A_670 = arith.constant 1 : i32
    %dma_start3A_671 = arith.constant 1 : i32
    %dma_start3A_672 = arith.constant 1 : i32
    %dma_start3A_673 = arith.constant 0 : i32
    %dma_start3A_674 = arith.constant 0 : i32
    %dma_start3A_675 = tpu.memref_slice %arg6[%dma_start3A_670, %dma_start3A_671, %dma_start3A_673, %dma_start3A_674] : memref<8x2x50x128xf32, #tpu.memory_space<vmem>> -> memref<1x1x50x128xf32, #tpu.memory_space<vmem>>
    %dma_start3A_676 = tpu.memref_squeeze %dma_start3A_675 : memref<1x1x50x128xf32, #tpu.memory_space<vmem>> -> memref<50x128xf32, #tpu.memory_space<vmem>>
    %dma_start3A_677 = arith.constant 0 : i32
    %dma_start3A_678 = tpu.memref_slice %arg5[%dma_start3A_669, %dma_start3A_677] : memref<128x50xi32, #tpu.memory_space<vmem>> -> memref<1x50xi32, #tpu.memory_space<vmem>>
    %dma_start3A_679 = tpu.memref_squeeze %dma_start3A_678 : memref<1x50xi32, #tpu.memory_space<vmem>> -> memref<50xi32, #tpu.memory_space<vmem>>
    %dma_start3A_680 = arith.constant 0 : i32
    %dma_start3A_681 = arith.constant 0 : i32
    %dma_start3A_682 = tpu.memref_slice %arg2[%dma_start3A_680, %dma_start3A_681] : memref<100000x128xf32, #tpu.memory_space<hbm>> -> memref<100000x128xf32, #tpu.memory_space<hbm>>
    %dma_start3A_683 = tpu.memref_slice %arg7[%dma_start3A_672] : memref<8x!tpu.dma_semaphore, #tpu.memory_space<semaphore_mem>> -> memref<1x!tpu.dma_semaphore, #tpu.memory_space<semaphore_mem>>
    %dma_start3A_684 = tpu.memref_squeeze %dma_start3A_683 : memref<1x!tpu.dma_semaphore, #tpu.memory_space<semaphore_mem>> -> memref<!tpu.dma_semaphore, #tpu.memory_space<semaphore_mem>>
    tpu.enqueue_indirect_dma source(%dma_start3A_682 : memref<100000x128xf32, #tpu.memory_space<hbm>>) target(%dma_start3A_676 : memref<50x128xf32, #tpu.memory_space<vmem>>) offsets(%dma_start3A_679 : memref<50xi32, #tpu.memory_space<vmem>>) semaphore(%dma_start3A_684 : memref<!tpu.dma_semaphore, #tpu.memory_space<semaphore_mem>>)
    %dma_wait3A_685 = arith.constant 0 : i32
    %dma_wait3A_686 = arith.constant 6 : i32
    %dma_wait3A_687 = arith.constant 0 : i32
    %dma_wait3A_688 = arith.constant 6 : i32
    %dma_wait3A_689 = arith.constant 0 : i32
    %dma_wait3A_690 = arith.constant 0 : i32
    %dma_wait3A_691 = tpu.memref_slice %arg6[%dma_wait3A_686, %dma_wait3A_687, %dma_wait3A_689, %dma_wait3A_690] : memref<8x2x50x128xf32, #tpu.memory_space<vmem>> -> memref<1x1x50x128xf32, #tpu.memory_space<vmem>>
    %dma_wait3A_692 = tpu.memref_squeeze %dma_wait3A_691 : memref<1x1x50x128xf32, #tpu.memory_space<vmem>> -> memref<50x128xf32, #tpu.memory_space<vmem>>
    %dma_wait3A_693 = arith.constant 0 : i32
    %dma_wait3A_694 = tpu.memref_slice %arg5[%dma_wait3A_685, %dma_wait3A_693] : memref<128x50xi32, #tpu.memory_space<vmem>> -> memref<1x50xi32, #tpu.memory_space<vmem>>
    %dma_wait3A_695 = tpu.memref_squeeze %dma_wait3A_694 : memref<1x50xi32, #tpu.memory_space<vmem>> -> memref<50xi32, #tpu.memory_space<vmem>>
    %dma_wait3A_696 = arith.constant 0 : i32
    %dma_wait3A_697 = arith.constant 0 : i32
    %dma_wait3A_698 = tpu.memref_slice %arg2[%dma_wait3A_696, %dma_wait3A_697] : memref<100000x128xf32, #tpu.memory_space<hbm>> -> memref<100000x128xf32, #tpu.memory_space<hbm>>
    %dma_wait3A_699 = tpu.memref_slice %arg7[%dma_wait3A_688] : memref<8x!tpu.dma_semaphore, #tpu.memory_space<semaphore_mem>> -> memref<1x!tpu.dma_semaphore, #tpu.memory_space<semaphore_mem>>
    %dma_wait3A_700 = tpu.memref_squeeze %dma_wait3A_699 : memref<1x!tpu.dma_semaphore, #tpu.memory_space<semaphore_mem>> -> memref<!tpu.dma_semaphore, #tpu.memory_space<semaphore_mem>>
    tpu.wait_indirect_dma semaphore(%dma_wait3A_700 : memref<!tpu.dma_semaphore, #tpu.memory_space<semaphore_mem>>) src(%dma_wait3A_698 : memref<100000x128xf32, #tpu.memory_space<hbm>>) dst(%dma_wait3A_692 : memref<50x128xf32, #tpu.memory_space<vmem>>)
    %dma_wait3A_701 = arith.constant 0 : i32
    %dma_wait3A_702 = arith.constant 6 : i32
    %dma_wait3A_703 = arith.constant 1 : i32
    %dma_wait3A_704 = arith.constant 6 : i32
    %dma_wait3A_705 = arith.constant 0 : i32
    %dma_wait3A_706 = arith.constant 0 : i32
    %dma_wait3A_707 = tpu.memref_slice %arg6[%dma_wait3A_702, %dma_wait3A_703, %dma_wait3A_705, %dma_wait3A_706] : memref<8x2x50x128xf32, #tpu.memory_space<vmem>> -> memref<1x1x50x128xf32, #tpu.memory_space<vmem>>
    %dma_wait3A_708 = tpu.memref_squeeze %dma_wait3A_707 : memref<1x1x50x128xf32, #tpu.memory_space<vmem>> -> memref<50x128xf32, #tpu.memory_space<vmem>>
    %dma_wait3A_709 = arith.constant 0 : i32
    %dma_wait3A_710 = tpu.memref_slice %arg5[%dma_wait3A_701, %dma_wait3A_709] : memref<128x50xi32, #tpu.memory_space<vmem>> -> memref<1x50xi32, #tpu.memory_space<vmem>>
    %dma_wait3A_711 = tpu.memref_squeeze %dma_wait3A_710 : memref<1x50xi32, #tpu.memory_space<vmem>> -> memref<50xi32, #tpu.memory_space<vmem>>
    %dma_wait3A_712 = arith.constant 0 : i32
    %dma_wait3A_713 = arith.constant 0 : i32
    %dma_wait3A_714 = tpu.memref_slice %arg2[%dma_wait3A_712, %dma_wait3A_713] : memref<100000x128xf32, #tpu.memory_space<hbm>> -> memref<100000x128xf32, #tpu.memory_space<hbm>>
    %dma_wait3A_715 = tpu.memref_slice %arg7[%dma_wait3A_704] : memref<8x!tpu.dma_semaphore, #tpu.memory_space<semaphore_mem>> -> memref<1x!tpu.dma_semaphore, #tpu.memory_space<semaphore_mem>>
    %dma_wait3A_716 = tpu.memref_squeeze %dma_wait3A_715 : memref<1x!tpu.dma_semaphore, #tpu.memory_space<semaphore_mem>> -> memref<!tpu.dma_semaphore, #tpu.memory_space<semaphore_mem>>
    tpu.wait_indirect_dma semaphore(%dma_wait3A_716 : memref<!tpu.dma_semaphore, #tpu.memory_space<semaphore_mem>>) src(%dma_wait3A_714 : memref<100000x128xf32, #tpu.memory_space<hbm>>) dst(%dma_wait3A_708 : memref<50x128xf32, #tpu.memory_space<vmem>>)
    %add3A_717 = arith.constant 12 : i32
    %add3A_718 = arith.addi %mul3A_2, %add3A_717 : i32
    %dma_start3A_719 = arith.constant 6 : i32
    %dma_start3A_720 = arith.constant 6 : i32
    %dma_start3A_721 = arith.constant 0 : i32
    %dma_start3A_722 = arith.constant 0 : i32
    %dma_start3A_723 = arith.constant 0 : i32
    %dma_start3A_724 = tpu.memref_slice %arg6[%dma_start3A_719, %dma_start3A_721, %dma_start3A_722, %dma_start3A_723] : memref<8x2x50x128xf32, #tpu.memory_space<vmem>> -> memref<1x2x50x128xf32, #tpu.memory_space<vmem>>
    %dma_start3A_725 = tpu.memref_squeeze %dma_start3A_724 : memref<1x2x50x128xf32, #tpu.memory_space<vmem>> -> memref<2x50x128xf32, #tpu.memory_space<vmem>>
    %dma_start3A_726 = arith.constant 0 : i32
    %dma_start3A_727 = arith.constant 0 : i32
    %dma_start3A_728 = tpu.memref_slice %arg4[%add3A_718, %dma_start3A_726, %dma_start3A_727] : memref<4096x50x128xf32, #tpu.memory_space<hbm>> -> memref<2x50x128xf32, #tpu.memory_space<hbm>>
    %dma_start3A_729 = tpu.memref_slice %arg8[%dma_start3A_720] : memref<8x!tpu.dma_semaphore, #tpu.memory_space<semaphore_mem>> -> memref<1x!tpu.dma_semaphore, #tpu.memory_space<semaphore_mem>>
    %dma_start3A_730 = tpu.memref_squeeze %dma_start3A_729 : memref<1x!tpu.dma_semaphore, #tpu.memory_space<semaphore_mem>> -> memref<!tpu.dma_semaphore, #tpu.memory_space<semaphore_mem>>
    %dma_start3A_731 = arith.constant 0 : i32
    %dma_start3A_732 = arith.constant 0 : i32
    %dma_start3A_733 = tpu.memref_slice %arg4[%add3A_718, %dma_start3A_731, %dma_start3A_732] : memref<4096x50x128xf32, #tpu.memory_space<hbm>> -> memref<2x50x128xf32, #tpu.memory_space<hbm>>
    %dma_start3A_734 = arith.constant 0 : i32
    %dma_start3A_735 = arith.constant 0 : i32
    %dma_start3A_736 = arith.constant 0 : i32
    %dma_start3A_737 = tpu.memref_slice %arg6[%dma_start3A_719, %dma_start3A_734, %dma_start3A_735, %dma_start3A_736] : memref<8x2x50x128xf32, #tpu.memory_space<vmem>> -> memref<1x2x50x128xf32, #tpu.memory_space<vmem>>
    %dma_start3A_738 = tpu.memref_squeeze %dma_start3A_737 : memref<1x2x50x128xf32, #tpu.memory_space<vmem>> -> memref<2x50x128xf32, #tpu.memory_space<vmem>>
    tpu.enqueue_dma source(%dma_start3A_738 : memref<2x50x128xf32, #tpu.memory_space<vmem>>) target(%dma_start3A_733 : memref<2x50x128xf32, #tpu.memory_space<hbm>>) target_semaphore(%dma_start3A_730 : memref<!tpu.dma_semaphore, #tpu.memory_space<semaphore_mem>>)
    %dma_wait3A_739 = arith.constant 2 : i32
    %dma_wait3A_740 = arith.constant 2 : i32
    %dma_wait3A_741 = arith.constant 0 : i32
    %dma_wait3A_742 = arith.constant 0 : i32
    %dma_wait3A_743 = arith.constant 0 : i32
    %dma_wait3A_744 = tpu.memref_slice %arg6[%dma_wait3A_739, %dma_wait3A_741, %dma_wait3A_742, %dma_wait3A_743] : memref<8x2x50x128xf32, #tpu.memory_space<vmem>> -> memref<1x2x50x128xf32, #tpu.memory_space<vmem>>
    %dma_wait3A_745 = tpu.memref_squeeze %dma_wait3A_744 : memref<1x2x50x128xf32, #tpu.memory_space<vmem>> -> memref<2x50x128xf32, #tpu.memory_space<vmem>>
    %dma_wait3A_746 = arith.constant 0 : i32
    %dma_wait3A_747 = arith.constant 0 : i32
    %dma_wait3A_748 = tpu.memref_slice %arg4[%mul3A_2, %dma_wait3A_746, %dma_wait3A_747] : memref<4096x50x128xf32, #tpu.memory_space<hbm>> -> memref<2x50x128xf32, #tpu.memory_space<hbm>>
    %dma_wait3A_749 = tpu.memref_slice %arg8[%dma_wait3A_740] : memref<8x!tpu.dma_semaphore, #tpu.memory_space<semaphore_mem>> -> memref<1x!tpu.dma_semaphore, #tpu.memory_space<semaphore_mem>>
    %dma_wait3A_750 = tpu.memref_squeeze %dma_wait3A_749 : memref<1x!tpu.dma_semaphore, #tpu.memory_space<semaphore_mem>> -> memref<!tpu.dma_semaphore, #tpu.memory_space<semaphore_mem>>
    %dma_wait3A_751 = arith.constant 0 : i32
    %dma_wait3A_752 = arith.constant 0 : i32
    %dma_wait3A_753 = tpu.memref_slice %arg4[%mul3A_2, %dma_wait3A_751, %dma_wait3A_752] : memref<4096x50x128xf32, #tpu.memory_space<hbm>> -> memref<2x50x128xf32, #tpu.memory_space<hbm>>
    %dma_wait3A_754 = arith.constant 0 : i32
    %dma_wait3A_755 = arith.constant 0 : i32
    %dma_wait3A_756 = arith.constant 0 : i32
    %dma_wait3A_757 = tpu.memref_slice %arg6[%dma_wait3A_739, %dma_wait3A_754, %dma_wait3A_755, %dma_wait3A_756] : memref<8x2x50x128xf32, #tpu.memory_space<vmem>> -> memref<1x2x50x128xf32, #tpu.memory_space<vmem>>
    %dma_wait3A_758 = tpu.memref_squeeze %dma_wait3A_757 : memref<1x2x50x128xf32, #tpu.memory_space<vmem>> -> memref<2x50x128xf32, #tpu.memory_space<vmem>>
    tpu.wait_dma2 semaphore(%dma_wait3A_750 : memref<!tpu.dma_semaphore, #tpu.memory_space<semaphore_mem>>) src(%dma_wait3A_758 : memref<2x50x128xf32, #tpu.memory_space<vmem>>) dst(%dma_wait3A_753 : memref<2x50x128xf32, #tpu.memory_space<hbm>>)
    %dma_start3A_759 = arith.constant 20 : i32
    %dma_start3A_760 = arith.constant 2 : i32
    %dma_start3A_761 = arith.constant 0 : i32
    %dma_start3A_762 = arith.constant 2 : i32
    %dma_start3A_763 = arith.constant 0 : i32
    %dma_start3A_764 = arith.constant 0 : i32
    %dma_start3A_765 = tpu.memref_slice %arg6[%dma_start3A_760, %dma_start3A_761, %dma_start3A_763, %dma_start3A_764] : memref<8x2x50x128xf32, #tpu.memory_space<vmem>> -> memref<1x1x50x128xf32, #tpu.memory_space<vmem>>
    %dma_start3A_766 = tpu.memref_squeeze %dma_start3A_765 : memref<1x1x50x128xf32, #tpu.memory_space<vmem>> -> memref<50x128xf32, #tpu.memory_space<vmem>>
    %dma_start3A_767 = arith.constant 0 : i32
    %dma_start3A_768 = tpu.memref_slice %arg5[%dma_start3A_759, %dma_start3A_767] : memref<128x50xi32, #tpu.memory_space<vmem>> -> memref<1x50xi32, #tpu.memory_space<vmem>>
    %dma_start3A_769 = tpu.memref_squeeze %dma_start3A_768 : memref<1x50xi32, #tpu.memory_space<vmem>> -> memref<50xi32, #tpu.memory_space<vmem>>
    %dma_start3A_770 = arith.constant 0 : i32
    %dma_start3A_771 = arith.constant 0 : i32
    %dma_start3A_772 = tpu.memref_slice %arg2[%dma_start3A_770, %dma_start3A_771] : memref<100000x128xf32, #tpu.memory_space<hbm>> -> memref<100000x128xf32, #tpu.memory_space<hbm>>
    %dma_start3A_773 = tpu.memref_slice %arg7[%dma_start3A_762] : memref<8x!tpu.dma_semaphore, #tpu.memory_space<semaphore_mem>> -> memref<1x!tpu.dma_semaphore, #tpu.memory_space<semaphore_mem>>
    %dma_start3A_774 = tpu.memref_squeeze %dma_start3A_773 : memref<1x!tpu.dma_semaphore, #tpu.memory_space<semaphore_mem>> -> memref<!tpu.dma_semaphore, #tpu.memory_space<semaphore_mem>>
    tpu.enqueue_indirect_dma source(%dma_start3A_772 : memref<100000x128xf32, #tpu.memory_space<hbm>>) target(%dma_start3A_766 : memref<50x128xf32, #tpu.memory_space<vmem>>) offsets(%dma_start3A_769 : memref<50xi32, #tpu.memory_space<vmem>>) semaphore(%dma_start3A_774 : memref<!tpu.dma_semaphore, #tpu.memory_space<semaphore_mem>>)
    %dma_start3A_775 = arith.constant 21 : i32
    %dma_start3A_776 = arith.constant 2 : i32
    %dma_start3A_777 = arith.constant 1 : i32
    %dma_start3A_778 = arith.constant 2 : i32
    %dma_start3A_779 = arith.constant 0 : i32
    %dma_start3A_780 = arith.constant 0 : i32
    %dma_start3A_781 = tpu.memref_slice %arg6[%dma_start3A_776, %dma_start3A_777, %dma_start3A_779, %dma_start3A_780] : memref<8x2x50x128xf32, #tpu.memory_space<vmem>> -> memref<1x1x50x128xf32, #tpu.memory_space<vmem>>
    %dma_start3A_782 = tpu.memref_squeeze %dma_start3A_781 : memref<1x1x50x128xf32, #tpu.memory_space<vmem>> -> memref<50x128xf32, #tpu.memory_space<vmem>>
    %dma_start3A_783 = arith.constant 0 : i32
    %dma_start3A_784 = tpu.memref_slice %arg5[%dma_start3A_775, %dma_start3A_783] : memref<128x50xi32, #tpu.memory_space<vmem>> -> memref<1x50xi32, #tpu.memory_space<vmem>>
    %dma_start3A_785 = tpu.memref_squeeze %dma_start3A_784 : memref<1x50xi32, #tpu.memory_space<vmem>> -> memref<50xi32, #tpu.memory_space<vmem>>
    %dma_start3A_786 = arith.constant 0 : i32
    %dma_start3A_787 = arith.constant 0 : i32
    %dma_start3A_788 = tpu.memref_slice %arg2[%dma_start3A_786, %dma_start3A_787] : memref<100000x128xf32, #tpu.memory_space<hbm>> -> memref<100000x128xf32, #tpu.memory_space<hbm>>
    %dma_start3A_789 = tpu.memref_slice %arg7[%dma_start3A_778] : memref<8x!tpu.dma_semaphore, #tpu.memory_space<semaphore_mem>> -> memref<1x!tpu.dma_semaphore, #tpu.memory_space<semaphore_mem>>
    %dma_start3A_790 = tpu.memref_squeeze %dma_start3A_789 : memref<1x!tpu.dma_semaphore, #tpu.memory_space<semaphore_mem>> -> memref<!tpu.dma_semaphore, #tpu.memory_space<semaphore_mem>>
    tpu.enqueue_indirect_dma source(%dma_start3A_788 : memref<100000x128xf32, #tpu.memory_space<hbm>>) target(%dma_start3A_782 : memref<50x128xf32, #tpu.memory_space<vmem>>) offsets(%dma_start3A_785 : memref<50xi32, #tpu.memory_space<vmem>>) semaphore(%dma_start3A_790 : memref<!tpu.dma_semaphore, #tpu.memory_space<semaphore_mem>>)
    %dma_wait3A_791 = arith.constant 0 : i32
    %dma_wait3A_792 = arith.constant 7 : i32
    %dma_wait3A_793 = arith.constant 0 : i32
    %dma_wait3A_794 = arith.constant 7 : i32
    %dma_wait3A_795 = arith.constant 0 : i32
    %dma_wait3A_796 = arith.constant 0 : i32
    %dma_wait3A_797 = tpu.memref_slice %arg6[%dma_wait3A_792, %dma_wait3A_793, %dma_wait3A_795, %dma_wait3A_796] : memref<8x2x50x128xf32, #tpu.memory_space<vmem>> -> memref<1x1x50x128xf32, #tpu.memory_space<vmem>>
    %dma_wait3A_798 = tpu.memref_squeeze %dma_wait3A_797 : memref<1x1x50x128xf32, #tpu.memory_space<vmem>> -> memref<50x128xf32, #tpu.memory_space<vmem>>
    %dma_wait3A_799 = arith.constant 0 : i32
    %dma_wait3A_800 = tpu.memref_slice %arg5[%dma_wait3A_791, %dma_wait3A_799] : memref<128x50xi32, #tpu.memory_space<vmem>> -> memref<1x50xi32, #tpu.memory_space<vmem>>
    %dma_wait3A_801 = tpu.memref_squeeze %dma_wait3A_800 : memref<1x50xi32, #tpu.memory_space<vmem>> -> memref<50xi32, #tpu.memory_space<vmem>>
    %dma_wait3A_802 = arith.constant 0 : i32
    %dma_wait3A_803 = arith.constant 0 : i32
    %dma_wait3A_804 = tpu.memref_slice %arg2[%dma_wait3A_802, %dma_wait3A_803] : memref<100000x128xf32, #tpu.memory_space<hbm>> -> memref<100000x128xf32, #tpu.memory_space<hbm>>
    %dma_wait3A_805 = tpu.memref_slice %arg7[%dma_wait3A_794] : memref<8x!tpu.dma_semaphore, #tpu.memory_space<semaphore_mem>> -> memref<1x!tpu.dma_semaphore, #tpu.memory_space<semaphore_mem>>
    %dma_wait3A_806 = tpu.memref_squeeze %dma_wait3A_805 : memref<1x!tpu.dma_semaphore, #tpu.memory_space<semaphore_mem>> -> memref<!tpu.dma_semaphore, #tpu.memory_space<semaphore_mem>>
    tpu.wait_indirect_dma semaphore(%dma_wait3A_806 : memref<!tpu.dma_semaphore, #tpu.memory_space<semaphore_mem>>) src(%dma_wait3A_804 : memref<100000x128xf32, #tpu.memory_space<hbm>>) dst(%dma_wait3A_798 : memref<50x128xf32, #tpu.memory_space<vmem>>)
    %dma_wait3A_807 = arith.constant 0 : i32
    %dma_wait3A_808 = arith.constant 7 : i32
    %dma_wait3A_809 = arith.constant 1 : i32
    %dma_wait3A_810 = arith.constant 7 : i32
    %dma_wait3A_811 = arith.constant 0 : i32
    %dma_wait3A_812 = arith.constant 0 : i32
    %dma_wait3A_813 = tpu.memref_slice %arg6[%dma_wait3A_808, %dma_wait3A_809, %dma_wait3A_811, %dma_wait3A_812] : memref<8x2x50x128xf32, #tpu.memory_space<vmem>> -> memref<1x1x50x128xf32, #tpu.memory_space<vmem>>
    %dma_wait3A_814 = tpu.memref_squeeze %dma_wait3A_813 : memref<1x1x50x128xf32, #tpu.memory_space<vmem>> -> memref<50x128xf32, #tpu.memory_space<vmem>>
    %dma_wait3A_815 = arith.constant 0 : i32
    %dma_wait3A_816 = tpu.memref_slice %arg5[%dma_wait3A_807, %dma_wait3A_815] : memref<128x50xi32, #tpu.memory_space<vmem>> -> memref<1x50xi32, #tpu.memory_space<vmem>>
    %dma_wait3A_817 = tpu.memref_squeeze %dma_wait3A_816 : memref<1x50xi32, #tpu.memory_space<vmem>> -> memref<50xi32, #tpu.memory_space<vmem>>
    %dma_wait3A_818 = arith.constant 0 : i32
    %dma_wait3A_819 = arith.constant 0 : i32
    %dma_wait3A_820 = tpu.memref_slice %arg2[%dma_wait3A_818, %dma_wait3A_819] : memref<100000x128xf32, #tpu.memory_space<hbm>> -> memref<100000x128xf32, #tpu.memory_space<hbm>>
    %dma_wait3A_821 = tpu.memref_slice %arg7[%dma_wait3A_810] : memref<8x!tpu.dma_semaphore, #tpu.memory_space<semaphore_mem>> -> memref<1x!tpu.dma_semaphore, #tpu.memory_space<semaphore_mem>>
    %dma_wait3A_822 = tpu.memref_squeeze %dma_wait3A_821 : memref<1x!tpu.dma_semaphore, #tpu.memory_space<semaphore_mem>> -> memref<!tpu.dma_semaphore, #tpu.memory_space<semaphore_mem>>
    tpu.wait_indirect_dma semaphore(%dma_wait3A_822 : memref<!tpu.dma_semaphore, #tpu.memory_space<semaphore_mem>>) src(%dma_wait3A_820 : memref<100000x128xf32, #tpu.memory_space<hbm>>) dst(%dma_wait3A_814 : memref<50x128xf32, #tpu.memory_space<vmem>>)
    %add3A_823 = arith.constant 14 : i32
    %add3A_824 = arith.addi %mul3A_2, %add3A_823 : i32
    %dma_start3A_825 = arith.constant 7 : i32
    %dma_start3A_826 = arith.constant 7 : i32
    %dma_start3A_827 = arith.constant 0 : i32
    %dma_start3A_828 = arith.constant 0 : i32
    %dma_start3A_829 = arith.constant 0 : i32
    %dma_start3A_830 = tpu.memref_slice %arg6[%dma_start3A_825, %dma_start3A_827, %dma_start3A_828, %dma_start3A_829] : memref<8x2x50x128xf32, #tpu.memory_space<vmem>> -> memref<1x2x50x128xf32, #tpu.memory_space<vmem>>
    %dma_start3A_831 = tpu.memref_squeeze %dma_start3A_830 : memref<1x2x50x128xf32, #tpu.memory_space<vmem>> -> memref<2x50x128xf32, #tpu.memory_space<vmem>>
    %dma_start3A_832 = arith.constant 0 : i32
    %dma_start3A_833 = arith.constant 0 : i32
    %dma_start3A_834 = tpu.memref_slice %arg4[%add3A_824, %dma_start3A_832, %dma_start3A_833] : memref<4096x50x128xf32, #tpu.memory_space<hbm>> -> memref<2x50x128xf32, #tpu.memory_space<hbm>>
    %dma_start3A_835 = tpu.memref_slice %arg8[%dma_start3A_826] : memref<8x!tpu.dma_semaphore, #tpu.memory_space<semaphore_mem>> -> memref<1x!tpu.dma_semaphore, #tpu.memory_space<semaphore_mem>>
    %dma_start3A_836 = tpu.memref_squeeze %dma_start3A_835 : memref<1x!tpu.dma_semaphore, #tpu.memory_space<semaphore_mem>> -> memref<!tpu.dma_semaphore, #tpu.memory_space<semaphore_mem>>
    %dma_start3A_837 = arith.constant 0 : i32
    %dma_start3A_838 = arith.constant 0 : i32
    %dma_start3A_839 = tpu.memref_slice %arg4[%add3A_824, %dma_start3A_837, %dma_start3A_838] : memref<4096x50x128xf32, #tpu.memory_space<hbm>> -> memref<2x50x128xf32, #tpu.memory_space<hbm>>
    %dma_start3A_840 = arith.constant 0 : i32
    %dma_start3A_841 = arith.constant 0 : i32
    %dma_start3A_842 = arith.constant 0 : i32
    %dma_start3A_843 = tpu.memref_slice %arg6[%dma_start3A_825, %dma_start3A_840, %dma_start3A_841, %dma_start3A_842] : memref<8x2x50x128xf32, #tpu.memory_space<vmem>> -> memref<1x2x50x128xf32, #tpu.memory_space<vmem>>
    %dma_start3A_844 = tpu.memref_squeeze %dma_start3A_843 : memref<1x2x50x128xf32, #tpu.memory_space<vmem>> -> memref<2x50x128xf32, #tpu.memory_space<vmem>>
    tpu.enqueue_dma source(%dma_start3A_844 : memref<2x50x128xf32, #tpu.memory_space<vmem>>) target(%dma_start3A_839 : memref<2x50x128xf32, #tpu.memory_space<hbm>>) target_semaphore(%dma_start3A_836 : memref<!tpu.dma_semaphore, #tpu.memory_space<semaphore_mem>>)
    %scan3A = arith.constant 1 : i32
    %scan3A_845 = arith.constant 6 : i32
    %scan3A_846 = arith.addi %scan3A, %scan3A_845 : i32
    %scan3A_847 = arith.constant 1 : i32
    scf.for %scan3A_1701 = %scan3A to %scan3A_846 step %scan3A_847  : i32 {
      %mul3A_1702 = arith.constant 8 : i32
      %mul3A_1703 = arith.muli %scan3A_1701, %mul3A_1702 : i32
      %add3A_1704 = arith.constant 0 : i32
      %add3A_1705 = arith.addi %mul3A_1703, %add3A_1704 : i32
      %dma_wait3A_1706 = arith.constant 3 : i32
      %dma_wait3A_1707 = arith.constant 3 : i32
      %dma_wait3A_1708 = arith.constant 0 : i32
      %dma_wait3A_1709 = arith.constant 0 : i32
      %dma_wait3A_1710 = arith.constant 0 : i32
      %dma_wait3A_1711 = tpu.memref_slice %arg6[%dma_wait3A_1706, %dma_wait3A_1708, %dma_wait3A_1709, %dma_wait3A_1710] : memref<8x2x50x128xf32, #tpu.memory_space<vmem>> -> memref<1x2x50x128xf32, #tpu.memory_space<vmem>>
      %dma_wait3A_1712 = tpu.memref_squeeze %dma_wait3A_1711 : memref<1x2x50x128xf32, #tpu.memory_space<vmem>> -> memref<2x50x128xf32, #tpu.memory_space<vmem>>
      %dma_wait3A_1713 = arith.constant 0 : i32
      %dma_wait3A_1714 = arith.constant 0 : i32
      %dma_wait3A_1715 = tpu.memref_slice %arg4[%mul3A_2, %dma_wait3A_1713, %dma_wait3A_1714] : memref<4096x50x128xf32, #tpu.memory_space<hbm>> -> memref<2x50x128xf32, #tpu.memory_space<hbm>>
      %dma_wait3A_1716 = tpu.memref_slice %arg8[%dma_wait3A_1707] : memref<8x!tpu.dma_semaphore, #tpu.memory_space<semaphore_mem>> -> memref<1x!tpu.dma_semaphore, #tpu.memory_space<semaphore_mem>>
      %dma_wait3A_1717 = tpu.memref_squeeze %dma_wait3A_1716 : memref<1x!tpu.dma_semaphore, #tpu.memory_space<semaphore_mem>> -> memref<!tpu.dma_semaphore, #tpu.memory_space<semaphore_mem>>
      %dma_wait3A_1718 = arith.constant 0 : i32
      %dma_wait3A_1719 = arith.constant 0 : i32
      %dma_wait3A_1720 = tpu.memref_slice %arg4[%mul3A_2, %dma_wait3A_1718, %dma_wait3A_1719] : memref<4096x50x128xf32, #tpu.memory_space<hbm>> -> memref<2x50x128xf32, #tpu.memory_space<hbm>>
      %dma_wait3A_1721 = arith.constant 0 : i32
      %dma_wait3A_1722 = arith.constant 0 : i32
      %dma_wait3A_1723 = arith.constant 0 : i32
      %dma_wait3A_1724 = tpu.memref_slice %arg6[%dma_wait3A_1706, %dma_wait3A_1721, %dma_wait3A_1722, %dma_wait3A_1723] : memref<8x2x50x128xf32, #tpu.memory_space<vmem>> -> memref<1x2x50x128xf32, #tpu.memory_space<vmem>>
      %dma_wait3A_1725 = tpu.memref_squeeze %dma_wait3A_1724 : memref<1x2x50x128xf32, #tpu.memory_space<vmem>> -> memref<2x50x128xf32, #tpu.memory_space<vmem>>
      tpu.wait_dma2 semaphore(%dma_wait3A_1717 : memref<!tpu.dma_semaphore, #tpu.memory_space<semaphore_mem>>) src(%dma_wait3A_1725 : memref<2x50x128xf32, #tpu.memory_space<vmem>>) dst(%dma_wait3A_1720 : memref<2x50x128xf32, #tpu.memory_space<hbm>>)
      %add3A_1726 = arith.constant 3 : i32
      %add3A_1727 = arith.addi %add3A_1705, %add3A_1726 : i32
      %mul3A_1728 = arith.constant 2 : i32
      %mul3A_1729 = arith.muli %add3A_1727, %mul3A_1728 : i32
      %add3A_1730 = arith.constant 0 : i32
      %add3A_1731 = arith.addi %mul3A_1729, %add3A_1730 : i32
      %dma_start3A_1732 = arith.constant 3 : i32
      %dma_start3A_1733 = arith.constant 0 : i32
      %dma_start3A_1734 = arith.constant 3 : i32
      %dma_start3A_1735 = arith.constant 0 : i32
      %dma_start3A_1736 = arith.constant 0 : i32
      %dma_start3A_1737 = tpu.memref_slice %arg6[%dma_start3A_1732, %dma_start3A_1733, %dma_start3A_1735, %dma_start3A_1736] : memref<8x2x50x128xf32, #tpu.memory_space<vmem>> -> memref<1x1x50x128xf32, #tpu.memory_space<vmem>>
      %dma_start3A_1738 = tpu.memref_squeeze %dma_start3A_1737 : memref<1x1x50x128xf32, #tpu.memory_space<vmem>> -> memref<50x128xf32, #tpu.memory_space<vmem>>
      %dma_start3A_1739 = arith.constant 0 : i32
      %dma_start3A_1740 = tpu.memref_slice %arg5[%add3A_1731, %dma_start3A_1739] : memref<128x50xi32, #tpu.memory_space<vmem>> -> memref<1x50xi32, #tpu.memory_space<vmem>>
      %dma_start3A_1741 = tpu.memref_squeeze %dma_start3A_1740 : memref<1x50xi32, #tpu.memory_space<vmem>> -> memref<50xi32, #tpu.memory_space<vmem>>
      %dma_start3A_1742 = arith.constant 0 : i32
      %dma_start3A_1743 = arith.constant 0 : i32
      %dma_start3A_1744 = tpu.memref_slice %arg2[%dma_start3A_1742, %dma_start3A_1743] : memref<100000x128xf32, #tpu.memory_space<hbm>> -> memref<100000x128xf32, #tpu.memory_space<hbm>>
      %dma_start3A_1745 = tpu.memref_slice %arg7[%dma_start3A_1734] : memref<8x!tpu.dma_semaphore, #tpu.memory_space<semaphore_mem>> -> memref<1x!tpu.dma_semaphore, #tpu.memory_space<semaphore_mem>>
      %dma_start3A_1746 = tpu.memref_squeeze %dma_start3A_1745 : memref<1x!tpu.dma_semaphore, #tpu.memory_space<semaphore_mem>> -> memref<!tpu.dma_semaphore, #tpu.memory_space<semaphore_mem>>
      tpu.enqueue_indirect_dma source(%dma_start3A_1744 : memref<100000x128xf32, #tpu.memory_space<hbm>>) target(%dma_start3A_1738 : memref<50x128xf32, #tpu.memory_space<vmem>>) offsets(%dma_start3A_1741 : memref<50xi32, #tpu.memory_space<vmem>>) semaphore(%dma_start3A_1746 : memref<!tpu.dma_semaphore, #tpu.memory_space<semaphore_mem>>)
      %mul3A_1747 = arith.constant 2 : i32
      %mul3A_1748 = arith.muli %add3A_1727, %mul3A_1747 : i32
      %add3A_1749 = arith.constant 1 : i32
      %add3A_1750 = arith.addi %mul3A_1748, %add3A_1749 : i32
      %dma_start3A_1751 = arith.constant 3 : i32
      %dma_start3A_1752 = arith.constant 1 : i32
      %dma_start3A_1753 = arith.constant 3 : i32
      %dma_start3A_1754 = arith.constant 0 : i32
      %dma_start3A_1755 = arith.constant 0 : i32
      %dma_start3A_1756 = tpu.memref_slice %arg6[%dma_start3A_1751, %dma_start3A_1752, %dma_start3A_1754, %dma_start3A_1755] : memref<8x2x50x128xf32, #tpu.memory_space<vmem>> -> memref<1x1x50x128xf32, #tpu.memory_space<vmem>>
      %dma_start3A_1757 = tpu.memref_squeeze %dma_start3A_1756 : memref<1x1x50x128xf32, #tpu.memory_space<vmem>> -> memref<50x128xf32, #tpu.memory_space<vmem>>
      %dma_start3A_1758 = arith.constant 0 : i32
      %dma_start3A_1759 = tpu.memref_slice %arg5[%add3A_1750, %dma_start3A_1758] : memref<128x50xi32, #tpu.memory_space<vmem>> -> memref<1x50xi32, #tpu.memory_space<vmem>>
      %dma_start3A_1760 = tpu.memref_squeeze %dma_start3A_1759 : memref<1x50xi32, #tpu.memory_space<vmem>> -> memref<50xi32, #tpu.memory_space<vmem>>
      %dma_start3A_1761 = arith.constant 0 : i32
      %dma_start3A_1762 = arith.constant 0 : i32
      %dma_start3A_1763 = tpu.memref_slice %arg2[%dma_start3A_1761, %dma_start3A_1762] : memref<100000x128xf32, #tpu.memory_space<hbm>> -> memref<100000x128xf32, #tpu.memory_space<hbm>>
      %dma_start3A_1764 = tpu.memref_slice %arg7[%dma_start3A_1753] : memref<8x!tpu.dma_semaphore, #tpu.memory_space<semaphore_mem>> -> memref<1x!tpu.dma_semaphore, #tpu.memory_space<semaphore_mem>>
      %dma_start3A_1765 = tpu.memref_squeeze %dma_start3A_1764 : memref<1x!tpu.dma_semaphore, #tpu.memory_space<semaphore_mem>> -> memref<!tpu.dma_semaphore, #tpu.memory_space<semaphore_mem>>
      tpu.enqueue_indirect_dma source(%dma_start3A_1763 : memref<100000x128xf32, #tpu.memory_space<hbm>>) target(%dma_start3A_1757 : memref<50x128xf32, #tpu.memory_space<vmem>>) offsets(%dma_start3A_1760 : memref<50xi32, #tpu.memory_space<vmem>>) semaphore(%dma_start3A_1765 : memref<!tpu.dma_semaphore, #tpu.memory_space<semaphore_mem>>)
      %dma_wait3A_1766 = arith.constant 0 : i32
      %dma_wait3A_1767 = arith.constant 0 : i32
      %dma_wait3A_1768 = arith.constant 0 : i32
      %dma_wait3A_1769 = arith.constant 0 : i32
      %dma_wait3A_1770 = arith.constant 0 : i32
      %dma_wait3A_1771 = arith.constant 0 : i32
      %dma_wait3A_1772 = tpu.memref_slice %arg6[%dma_wait3A_1767, %dma_wait3A_1768, %dma_wait3A_1770, %dma_wait3A_1771] : memref<8x2x50x128xf32, #tpu.memory_space<vmem>> -> memref<1x1x50x128xf32, #tpu.memory_space<vmem>>
      %dma_wait3A_1773 = tpu.memref_squeeze %dma_wait3A_1772 : memref<1x1x50x128xf32, #tpu.memory_space<vmem>> -> memref<50x128xf32, #tpu.memory_space<vmem>>
      %dma_wait3A_1774 = arith.constant 0 : i32
      %dma_wait3A_1775 = tpu.memref_slice %arg5[%dma_wait3A_1766, %dma_wait3A_1774] : memref<128x50xi32, #tpu.memory_space<vmem>> -> memref<1x50xi32, #tpu.memory_space<vmem>>
      %dma_wait3A_1776 = tpu.memref_squeeze %dma_wait3A_1775 : memref<1x50xi32, #tpu.memory_space<vmem>> -> memref<50xi32, #tpu.memory_space<vmem>>
      %dma_wait3A_1777 = arith.constant 0 : i32
      %dma_wait3A_1778 = arith.constant 0 : i32
      %dma_wait3A_1779 = tpu.memref_slice %arg2[%dma_wait3A_1777, %dma_wait3A_1778] : memref<100000x128xf32, #tpu.memory_space<hbm>> -> memref<100000x128xf32, #tpu.memory_space<hbm>>
      %dma_wait3A_1780 = tpu.memref_slice %arg7[%dma_wait3A_1769] : memref<8x!tpu.dma_semaphore, #tpu.memory_space<semaphore_mem>> -> memref<1x!tpu.dma_semaphore, #tpu.memory_space<semaphore_mem>>
      %dma_wait3A_1781 = tpu.memref_squeeze %dma_wait3A_1780 : memref<1x!tpu.dma_semaphore, #tpu.memory_space<semaphore_mem>> -> memref<!tpu.dma_semaphore, #tpu.memory_space<semaphore_mem>>
      tpu.wait_indirect_dma semaphore(%dma_wait3A_1781 : memref<!tpu.dma_semaphore, #tpu.memory_space<semaphore_mem>>) src(%dma_wait3A_1779 : memref<100000x128xf32, #tpu.memory_space<hbm>>) dst(%dma_wait3A_1773 : memref<50x128xf32, #tpu.memory_space<vmem>>)
      %dma_wait3A_1782 = arith.constant 0 : i32
      %dma_wait3A_1783 = arith.constant 0 : i32
      %dma_wait3A_1784 = arith.constant 1 : i32
      %dma_wait3A_1785 = arith.constant 0 : i32
      %dma_wait3A_1786 = arith.constant 0 : i32
      %dma_wait3A_1787 = arith.constant 0 : i32
      %dma_wait3A_1788 = tpu.memref_slice %arg6[%dma_wait3A_1783, %dma_wait3A_1784, %dma_wait3A_1786, %dma_wait3A_1787] : memref<8x2x50x128xf32, #tpu.memory_space<vmem>> -> memref<1x1x50x128xf32, #tpu.memory_space<vmem>>
      %dma_wait3A_1789 = tpu.memref_squeeze %dma_wait3A_1788 : memref<1x1x50x128xf32, #tpu.memory_space<vmem>> -> memref<50x128xf32, #tpu.memory_space<vmem>>
      %dma_wait3A_1790 = arith.constant 0 : i32
      %dma_wait3A_1791 = tpu.memref_slice %arg5[%dma_wait3A_1782, %dma_wait3A_1790] : memref<128x50xi32, #tpu.memory_space<vmem>> -> memref<1x50xi32, #tpu.memory_space<vmem>>
      %dma_wait3A_1792 = tpu.memref_squeeze %dma_wait3A_1791 : memref<1x50xi32, #tpu.memory_space<vmem>> -> memref<50xi32, #tpu.memory_space<vmem>>
      %dma_wait3A_1793 = arith.constant 0 : i32
      %dma_wait3A_1794 = arith.constant 0 : i32
      %dma_wait3A_1795 = tpu.memref_slice %arg2[%dma_wait3A_1793, %dma_wait3A_1794] : memref<100000x128xf32, #tpu.memory_space<hbm>> -> memref<100000x128xf32, #tpu.memory_space<hbm>>
      %dma_wait3A_1796 = tpu.memref_slice %arg7[%dma_wait3A_1785] : memref<8x!tpu.dma_semaphore, #tpu.memory_space<semaphore_mem>> -> memref<1x!tpu.dma_semaphore, #tpu.memory_space<semaphore_mem>>
      %dma_wait3A_1797 = tpu.memref_squeeze %dma_wait3A_1796 : memref<1x!tpu.dma_semaphore, #tpu.memory_space<semaphore_mem>> -> memref<!tpu.dma_semaphore, #tpu.memory_space<semaphore_mem>>
      tpu.wait_indirect_dma semaphore(%dma_wait3A_1797 : memref<!tpu.dma_semaphore, #tpu.memory_space<semaphore_mem>>) src(%dma_wait3A_1795 : memref<100000x128xf32, #tpu.memory_space<hbm>>) dst(%dma_wait3A_1789 : memref<50x128xf32, #tpu.memory_space<vmem>>)
      %mul3A_1798 = arith.constant 2 : i32
      %mul3A_1799 = arith.muli %add3A_1705, %mul3A_1798 : i32
      %add3A_1800 = arith.addi %mul3A_2, %mul3A_1799 : i32
      %dma_start3A_1801 = arith.constant 0 : i32
      %dma_start3A_1802 = arith.constant 0 : i32
      %dma_start3A_1803 = arith.constant 0 : i32
      %dma_start3A_1804 = arith.constant 0 : i32
      %dma_start3A_1805 = arith.constant 0 : i32
      %dma_start3A_1806 = tpu.memref_slice %arg6[%dma_start3A_1801, %dma_start3A_1803, %dma_start3A_1804, %dma_start3A_1805] : memref<8x2x50x128xf32, #tpu.memory_space<vmem>> -> memref<1x2x50x128xf32, #tpu.memory_space<vmem>>
      %dma_start3A_1807 = tpu.memref_squeeze %dma_start3A_1806 : memref<1x2x50x128xf32, #tpu.memory_space<vmem>> -> memref<2x50x128xf32, #tpu.memory_space<vmem>>
      %dma_start3A_1808 = arith.constant 0 : i32
      %dma_start3A_1809 = arith.constant 0 : i32
      %dma_start3A_1810 = tpu.memref_slice %arg4[%add3A_1800, %dma_start3A_1808, %dma_start3A_1809] : memref<4096x50x128xf32, #tpu.memory_space<hbm>> -> memref<2x50x128xf32, #tpu.memory_space<hbm>>
      %dma_start3A_1811 = tpu.memref_slice %arg8[%dma_start3A_1802] : memref<8x!tpu.dma_semaphore, #tpu.memory_space<semaphore_mem>> -> memref<1x!tpu.dma_semaphore, #tpu.memory_space<semaphore_mem>>
      %dma_start3A_1812 = tpu.memref_squeeze %dma_start3A_1811 : memref<1x!tpu.dma_semaphore, #tpu.memory_space<semaphore_mem>> -> memref<!tpu.dma_semaphore, #tpu.memory_space<semaphore_mem>>
      %dma_start3A_1813 = arith.constant 0 : i32
      %dma_start3A_1814 = arith.constant 0 : i32
      %dma_start3A_1815 = tpu.memref_slice %arg4[%add3A_1800, %dma_start3A_1813, %dma_start3A_1814] : memref<4096x50x128xf32, #tpu.memory_space<hbm>> -> memref<2x50x128xf32, #tpu.memory_space<hbm>>
      %dma_start3A_1816 = arith.constant 0 : i32
      %dma_start3A_1817 = arith.constant 0 : i32
      %dma_start3A_1818 = arith.constant 0 : i32
      %dma_start3A_1819 = tpu.memref_slice %arg6[%dma_start3A_1801, %dma_start3A_1816, %dma_start3A_1817, %dma_start3A_1818] : memref<8x2x50x128xf32, #tpu.memory_space<vmem>> -> memref<1x2x50x128xf32, #tpu.memory_space<vmem>>
      %dma_start3A_1820 = tpu.memref_squeeze %dma_start3A_1819 : memref<1x2x50x128xf32, #tpu.memory_space<vmem>> -> memref<2x50x128xf32, #tpu.memory_space<vmem>>
      tpu.enqueue_dma source(%dma_start3A_1820 : memref<2x50x128xf32, #tpu.memory_space<vmem>>) target(%dma_start3A_1815 : memref<2x50x128xf32, #tpu.memory_space<hbm>>) target_semaphore(%dma_start3A_1812 : memref<!tpu.dma_semaphore, #tpu.memory_space<semaphore_mem>>)
      %mul3A_1821 = arith.constant 8 : i32
      %mul3A_1822 = arith.muli %scan3A_1701, %mul3A_1821 : i32
      %add3A_1823 = arith.constant 1 : i32
      %add3A_1824 = arith.addi %mul3A_1822, %add3A_1823 : i32
      %dma_wait3A_1825 = arith.constant 4 : i32
      %dma_wait3A_1826 = arith.constant 4 : i32
      %dma_wait3A_1827 = arith.constant 0 : i32
      %dma_wait3A_1828 = arith.constant 0 : i32
      %dma_wait3A_1829 = arith.constant 0 : i32
      %dma_wait3A_1830 = tpu.memref_slice %arg6[%dma_wait3A_1825, %dma_wait3A_1827, %dma_wait3A_1828, %dma_wait3A_1829] : memref<8x2x50x128xf32, #tpu.memory_space<vmem>> -> memref<1x2x50x128xf32, #tpu.memory_space<vmem>>
      %dma_wait3A_1831 = tpu.memref_squeeze %dma_wait3A_1830 : memref<1x2x50x128xf32, #tpu.memory_space<vmem>> -> memref<2x50x128xf32, #tpu.memory_space<vmem>>
      %dma_wait3A_1832 = arith.constant 0 : i32
      %dma_wait3A_1833 = arith.constant 0 : i32
      %dma_wait3A_1834 = tpu.memref_slice %arg4[%mul3A_2, %dma_wait3A_1832, %dma_wait3A_1833] : memref<4096x50x128xf32, #tpu.memory_space<hbm>> -> memref<2x50x128xf32, #tpu.memory_space<hbm>>
      %dma_wait3A_1835 = tpu.memref_slice %arg8[%dma_wait3A_1826] : memref<8x!tpu.dma_semaphore, #tpu.memory_space<semaphore_mem>> -> memref<1x!tpu.dma_semaphore, #tpu.memory_space<semaphore_mem>>
      %dma_wait3A_1836 = tpu.memref_squeeze %dma_wait3A_1835 : memref<1x!tpu.dma_semaphore, #tpu.memory_space<semaphore_mem>> -> memref<!tpu.dma_semaphore, #tpu.memory_space<semaphore_mem>>
      %dma_wait3A_1837 = arith.constant 0 : i32
      %dma_wait3A_1838 = arith.constant 0 : i32
      %dma_wait3A_1839 = tpu.memref_slice %arg4[%mul3A_2, %dma_wait3A_1837, %dma_wait3A_1838] : memref<4096x50x128xf32, #tpu.memory_space<hbm>> -> memref<2x50x128xf32, #tpu.memory_space<hbm>>
      %dma_wait3A_1840 = arith.constant 0 : i32
      %dma_wait3A_1841 = arith.constant 0 : i32
      %dma_wait3A_1842 = arith.constant 0 : i32
      %dma_wait3A_1843 = tpu.memref_slice %arg6[%dma_wait3A_1825, %dma_wait3A_1840, %dma_wait3A_1841, %dma_wait3A_1842] : memref<8x2x50x128xf32, #tpu.memory_space<vmem>> -> memref<1x2x50x128xf32, #tpu.memory_space<vmem>>
      %dma_wait3A_1844 = tpu.memref_squeeze %dma_wait3A_1843 : memref<1x2x50x128xf32, #tpu.memory_space<vmem>> -> memref<2x50x128xf32, #tpu.memory_space<vmem>>
      tpu.wait_dma2 semaphore(%dma_wait3A_1836 : memref<!tpu.dma_semaphore, #tpu.memory_space<semaphore_mem>>) src(%dma_wait3A_1844 : memref<2x50x128xf32, #tpu.memory_space<vmem>>) dst(%dma_wait3A_1839 : memref<2x50x128xf32, #tpu.memory_space<hbm>>)
      %add3A_1845 = arith.constant 3 : i32
      %add3A_1846 = arith.addi %add3A_1824, %add3A_1845 : i32
      %mul3A_1847 = arith.constant 2 : i32
      %mul3A_1848 = arith.muli %add3A_1846, %mul3A_1847 : i32
      %add3A_1849 = arith.constant 0 : i32
      %add3A_1850 = arith.addi %mul3A_1848, %add3A_1849 : i32
      %dma_start3A_1851 = arith.constant 4 : i32
      %dma_start3A_1852 = arith.constant 0 : i32
      %dma_start3A_1853 = arith.constant 4 : i32
      %dma_start3A_1854 = arith.constant 0 : i32
      %dma_start3A_1855 = arith.constant 0 : i32
      %dma_start3A_1856 = tpu.memref_slice %arg6[%dma_start3A_1851, %dma_start3A_1852, %dma_start3A_1854, %dma_start3A_1855] : memref<8x2x50x128xf32, #tpu.memory_space<vmem>> -> memref<1x1x50x128xf32, #tpu.memory_space<vmem>>
      %dma_start3A_1857 = tpu.memref_squeeze %dma_start3A_1856 : memref<1x1x50x128xf32, #tpu.memory_space<vmem>> -> memref<50x128xf32, #tpu.memory_space<vmem>>
      %dma_start3A_1858 = arith.constant 0 : i32
      %dma_start3A_1859 = tpu.memref_slice %arg5[%add3A_1850, %dma_start3A_1858] : memref<128x50xi32, #tpu.memory_space<vmem>> -> memref<1x50xi32, #tpu.memory_space<vmem>>
      %dma_start3A_1860 = tpu.memref_squeeze %dma_start3A_1859 : memref<1x50xi32, #tpu.memory_space<vmem>> -> memref<50xi32, #tpu.memory_space<vmem>>
      %dma_start3A_1861 = arith.constant 0 : i32
      %dma_start3A_1862 = arith.constant 0 : i32
      %dma_start3A_1863 = tpu.memref_slice %arg2[%dma_start3A_1861, %dma_start3A_1862] : memref<100000x128xf32, #tpu.memory_space<hbm>> -> memref<100000x128xf32, #tpu.memory_space<hbm>>
      %dma_start3A_1864 = tpu.memref_slice %arg7[%dma_start3A_1853] : memref<8x!tpu.dma_semaphore, #tpu.memory_space<semaphore_mem>> -> memref<1x!tpu.dma_semaphore, #tpu.memory_space<semaphore_mem>>
      %dma_start3A_1865 = tpu.memref_squeeze %dma_start3A_1864 : memref<1x!tpu.dma_semaphore, #tpu.memory_space<semaphore_mem>> -> memref<!tpu.dma_semaphore, #tpu.memory_space<semaphore_mem>>
      tpu.enqueue_indirect_dma source(%dma_start3A_1863 : memref<100000x128xf32, #tpu.memory_space<hbm>>) target(%dma_start3A_1857 : memref<50x128xf32, #tpu.memory_space<vmem>>) offsets(%dma_start3A_1860 : memref<50xi32, #tpu.memory_space<vmem>>) semaphore(%dma_start3A_1865 : memref<!tpu.dma_semaphore, #tpu.memory_space<semaphore_mem>>)
      %mul3A_1866 = arith.constant 2 : i32
      %mul3A_1867 = arith.muli %add3A_1846, %mul3A_1866 : i32
      %add3A_1868 = arith.constant 1 : i32
      %add3A_1869 = arith.addi %mul3A_1867, %add3A_1868 : i32
      %dma_start3A_1870 = arith.constant 4 : i32
      %dma_start3A_1871 = arith.constant 1 : i32
      %dma_start3A_1872 = arith.constant 4 : i32
      %dma_start3A_1873 = arith.constant 0 : i32
      %dma_start3A_1874 = arith.constant 0 : i32
      %dma_start3A_1875 = tpu.memref_slice %arg6[%dma_start3A_1870, %dma_start3A_1871, %dma_start3A_1873, %dma_start3A_1874] : memref<8x2x50x128xf32, #tpu.memory_space<vmem>> -> memref<1x1x50x128xf32, #tpu.memory_space<vmem>>
      %dma_start3A_1876 = tpu.memref_squeeze %dma_start3A_1875 : memref<1x1x50x128xf32, #tpu.memory_space<vmem>> -> memref<50x128xf32, #tpu.memory_space<vmem>>
      %dma_start3A_1877 = arith.constant 0 : i32
      %dma_start3A_1878 = tpu.memref_slice %arg5[%add3A_1869, %dma_start3A_1877] : memref<128x50xi32, #tpu.memory_space<vmem>> -> memref<1x50xi32, #tpu.memory_space<vmem>>
      %dma_start3A_1879 = tpu.memref_squeeze %dma_start3A_1878 : memref<1x50xi32, #tpu.memory_space<vmem>> -> memref<50xi32, #tpu.memory_space<vmem>>
      %dma_start3A_1880 = arith.constant 0 : i32
      %dma_start3A_1881 = arith.constant 0 : i32
      %dma_start3A_1882 = tpu.memref_slice %arg2[%dma_start3A_1880, %dma_start3A_1881] : memref<100000x128xf32, #tpu.memory_space<hbm>> -> memref<100000x128xf32, #tpu.memory_space<hbm>>
      %dma_start3A_1883 = tpu.memref_slice %arg7[%dma_start3A_1872] : memref<8x!tpu.dma_semaphore, #tpu.memory_space<semaphore_mem>> -> memref<1x!tpu.dma_semaphore, #tpu.memory_space<semaphore_mem>>
      %dma_start3A_1884 = tpu.memref_squeeze %dma_start3A_1883 : memref<1x!tpu.dma_semaphore, #tpu.memory_space<semaphore_mem>> -> memref<!tpu.dma_semaphore, #tpu.memory_space<semaphore_mem>>
      tpu.enqueue_indirect_dma source(%dma_start3A_1882 : memref<100000x128xf32, #tpu.memory_space<hbm>>) target(%dma_start3A_1876 : memref<50x128xf32, #tpu.memory_space<vmem>>) offsets(%dma_start3A_1879 : memref<50xi32, #tpu.memory_space<vmem>>) semaphore(%dma_start3A_1884 : memref<!tpu.dma_semaphore, #tpu.memory_space<semaphore_mem>>)
      %dma_wait3A_1885 = arith.constant 0 : i32
      %dma_wait3A_1886 = arith.constant 1 : i32
      %dma_wait3A_1887 = arith.constant 0 : i32
      %dma_wait3A_1888 = arith.constant 1 : i32
      %dma_wait3A_1889 = arith.constant 0 : i32
      %dma_wait3A_1890 = arith.constant 0 : i32
      %dma_wait3A_1891 = tpu.memref_slice %arg6[%dma_wait3A_1886, %dma_wait3A_1887, %dma_wait3A_1889, %dma_wait3A_1890] : memref<8x2x50x128xf32, #tpu.memory_space<vmem>> -> memref<1x1x50x128xf32, #tpu.memory_space<vmem>>
      %dma_wait3A_1892 = tpu.memref_squeeze %dma_wait3A_1891 : memref<1x1x50x128xf32, #tpu.memory_space<vmem>> -> memref<50x128xf32, #tpu.memory_space<vmem>>
      %dma_wait3A_1893 = arith.constant 0 : i32
      %dma_wait3A_1894 = tpu.memref_slice %arg5[%dma_wait3A_1885, %dma_wait3A_1893] : memref<128x50xi32, #tpu.memory_space<vmem>> -> memref<1x50xi32, #tpu.memory_space<vmem>>
      %dma_wait3A_1895 = tpu.memref_squeeze %dma_wait3A_1894 : memref<1x50xi32, #tpu.memory_space<vmem>> -> memref<50xi32, #tpu.memory_space<vmem>>
      %dma_wait3A_1896 = arith.constant 0 : i32
      %dma_wait3A_1897 = arith.constant 0 : i32
      %dma_wait3A_1898 = tpu.memref_slice %arg2[%dma_wait3A_1896, %dma_wait3A_1897] : memref<100000x128xf32, #tpu.memory_space<hbm>> -> memref<100000x128xf32, #tpu.memory_space<hbm>>
      %dma_wait3A_1899 = tpu.memref_slice %arg7[%dma_wait3A_1888] : memref<8x!tpu.dma_semaphore, #tpu.memory_space<semaphore_mem>> -> memref<1x!tpu.dma_semaphore, #tpu.memory_space<semaphore_mem>>
      %dma_wait3A_1900 = tpu.memref_squeeze %dma_wait3A_1899 : memref<1x!tpu.dma_semaphore, #tpu.memory_space<semaphore_mem>> -> memref<!tpu.dma_semaphore, #tpu.memory_space<semaphore_mem>>
      tpu.wait_indirect_dma semaphore(%dma_wait3A_1900 : memref<!tpu.dma_semaphore, #tpu.memory_space<semaphore_mem>>) src(%dma_wait3A_1898 : memref<100000x128xf32, #tpu.memory_space<hbm>>) dst(%dma_wait3A_1892 : memref<50x128xf32, #tpu.memory_space<vmem>>)
      %dma_wait3A_1901 = arith.constant 0 : i32
      %dma_wait3A_1902 = arith.constant 1 : i32
      %dma_wait3A_1903 = arith.constant 1 : i32
      %dma_wait3A_1904 = arith.constant 1 : i32
      %dma_wait3A_1905 = arith.constant 0 : i32
      %dma_wait3A_1906 = arith.constant 0 : i32
      %dma_wait3A_1907 = tpu.memref_slice %arg6[%dma_wait3A_1902, %dma_wait3A_1903, %dma_wait3A_1905, %dma_wait3A_1906] : memref<8x2x50x128xf32, #tpu.memory_space<vmem>> -> memref<1x1x50x128xf32, #tpu.memory_space<vmem>>
      %dma_wait3A_1908 = tpu.memref_squeeze %dma_wait3A_1907 : memref<1x1x50x128xf32, #tpu.memory_space<vmem>> -> memref<50x128xf32, #tpu.memory_space<vmem>>
      %dma_wait3A_1909 = arith.constant 0 : i32
      %dma_wait3A_1910 = tpu.memref_slice %arg5[%dma_wait3A_1901, %dma_wait3A_1909] : memref<128x50xi32, #tpu.memory_space<vmem>> -> memref<1x50xi32, #tpu.memory_space<vmem>>
      %dma_wait3A_1911 = tpu.memref_squeeze %dma_wait3A_1910 : memref<1x50xi32, #tpu.memory_space<vmem>> -> memref<50xi32, #tpu.memory_space<vmem>>
      %dma_wait3A_1912 = arith.constant 0 : i32
      %dma_wait3A_1913 = arith.constant 0 : i32
      %dma_wait3A_1914 = tpu.memref_slice %arg2[%dma_wait3A_1912, %dma_wait3A_1913] : memref<100000x128xf32, #tpu.memory_space<hbm>> -> memref<100000x128xf32, #tpu.memory_space<hbm>>
      %dma_wait3A_1915 = tpu.memref_slice %arg7[%dma_wait3A_1904] : memref<8x!tpu.dma_semaphore, #tpu.memory_space<semaphore_mem>> -> memref<1x!tpu.dma_semaphore, #tpu.memory_space<semaphore_mem>>
      %dma_wait3A_1916 = tpu.memref_squeeze %dma_wait3A_1915 : memref<1x!tpu.dma_semaphore, #tpu.memory_space<semaphore_mem>> -> memref<!tpu.dma_semaphore, #tpu.memory_space<semaphore_mem>>
      tpu.wait_indirect_dma semaphore(%dma_wait3A_1916 : memref<!tpu.dma_semaphore, #tpu.memory_space<semaphore_mem>>) src(%dma_wait3A_1914 : memref<100000x128xf32, #tpu.memory_space<hbm>>) dst(%dma_wait3A_1908 : memref<50x128xf32, #tpu.memory_space<vmem>>)
      %mul3A_1917 = arith.constant 2 : i32
      %mul3A_1918 = arith.muli %add3A_1824, %mul3A_1917 : i32
      %add3A_1919 = arith.addi %mul3A_2, %mul3A_1918 : i32
      %dma_start3A_1920 = arith.constant 1 : i32
      %dma_start3A_1921 = arith.constant 1 : i32
      %dma_start3A_1922 = arith.constant 0 : i32
      %dma_start3A_1923 = arith.constant 0 : i32
      %dma_start3A_1924 = arith.constant 0 : i32
      %dma_start3A_1925 = tpu.memref_slice %arg6[%dma_start3A_1920, %dma_start3A_1922, %dma_start3A_1923, %dma_start3A_1924] : memref<8x2x50x128xf32, #tpu.memory_space<vmem>> -> memref<1x2x50x128xf32, #tpu.memory_space<vmem>>
      %dma_start3A_1926 = tpu.memref_squeeze %dma_start3A_1925 : memref<1x2x50x128xf32, #tpu.memory_space<vmem>> -> memref<2x50x128xf32, #tpu.memory_space<vmem>>
      %dma_start3A_1927 = arith.constant 0 : i32
      %dma_start3A_1928 = arith.constant 0 : i32
      %dma_start3A_1929 = tpu.memref_slice %arg4[%add3A_1919, %dma_start3A_1927, %dma_start3A_1928] : memref<4096x50x128xf32, #tpu.memory_space<hbm>> -> memref<2x50x128xf32, #tpu.memory_space<hbm>>
      %dma_start3A_1930 = tpu.memref_slice %arg8[%dma_start3A_1921] : memref<8x!tpu.dma_semaphore, #tpu.memory_space<semaphore_mem>> -> memref<1x!tpu.dma_semaphore, #tpu.memory_space<semaphore_mem>>
      %dma_start3A_1931 = tpu.memref_squeeze %dma_start3A_1930 : memref<1x!tpu.dma_semaphore, #tpu.memory_space<semaphore_mem>> -> memref<!tpu.dma_semaphore, #tpu.memory_space<semaphore_mem>>
      %dma_start3A_1932 = arith.constant 0 : i32
      %dma_start3A_1933 = arith.constant 0 : i32
      %dma_start3A_1934 = tpu.memref_slice %arg4[%add3A_1919, %dma_start3A_1932, %dma_start3A_1933] : memref<4096x50x128xf32, #tpu.memory_space<hbm>> -> memref<2x50x128xf32, #tpu.memory_space<hbm>>
      %dma_start3A_1935 = arith.constant 0 : i32
      %dma_start3A_1936 = arith.constant 0 : i32
      %dma_start3A_1937 = arith.constant 0 : i32
      %dma_start3A_1938 = tpu.memref_slice %arg6[%dma_start3A_1920, %dma_start3A_1935, %dma_start3A_1936, %dma_start3A_1937] : memref<8x2x50x128xf32, #tpu.memory_space<vmem>> -> memref<1x2x50x128xf32, #tpu.memory_space<vmem>>
      %dma_start3A_1939 = tpu.memref_squeeze %dma_start3A_1938 : memref<1x2x50x128xf32, #tpu.memory_space<vmem>> -> memref<2x50x128xf32, #tpu.memory_space<vmem>>
      tpu.enqueue_dma source(%dma_start3A_1939 : memref<2x50x128xf32, #tpu.memory_space<vmem>>) target(%dma_start3A_1934 : memref<2x50x128xf32, #tpu.memory_space<hbm>>) target_semaphore(%dma_start3A_1931 : memref<!tpu.dma_semaphore, #tpu.memory_space<semaphore_mem>>)
      %mul3A_1940 = arith.constant 8 : i32
      %mul3A_1941 = arith.muli %scan3A_1701, %mul3A_1940 : i32
      %add3A_1942 = arith.constant 2 : i32
      %add3A_1943 = arith.addi %mul3A_1941, %add3A_1942 : i32
      %dma_wait3A_1944 = arith.constant 5 : i32
      %dma_wait3A_1945 = arith.constant 5 : i32
      %dma_wait3A_1946 = arith.constant 0 : i32
      %dma_wait3A_1947 = arith.constant 0 : i32
      %dma_wait3A_1948 = arith.constant 0 : i32
      %dma_wait3A_1949 = tpu.memref_slice %arg6[%dma_wait3A_1944, %dma_wait3A_1946, %dma_wait3A_1947, %dma_wait3A_1948] : memref<8x2x50x128xf32, #tpu.memory_space<vmem>> -> memref<1x2x50x128xf32, #tpu.memory_space<vmem>>
      %dma_wait3A_1950 = tpu.memref_squeeze %dma_wait3A_1949 : memref<1x2x50x128xf32, #tpu.memory_space<vmem>> -> memref<2x50x128xf32, #tpu.memory_space<vmem>>
      %dma_wait3A_1951 = arith.constant 0 : i32
      %dma_wait3A_1952 = arith.constant 0 : i32
      %dma_wait3A_1953 = tpu.memref_slice %arg4[%mul3A_2, %dma_wait3A_1951, %dma_wait3A_1952] : memref<4096x50x128xf32, #tpu.memory_space<hbm>> -> memref<2x50x128xf32, #tpu.memory_space<hbm>>
      %dma_wait3A_1954 = tpu.memref_slice %arg8[%dma_wait3A_1945] : memref<8x!tpu.dma_semaphore, #tpu.memory_space<semaphore_mem>> -> memref<1x!tpu.dma_semaphore, #tpu.memory_space<semaphore_mem>>
      %dma_wait3A_1955 = tpu.memref_squeeze %dma_wait3A_1954 : memref<1x!tpu.dma_semaphore, #tpu.memory_space<semaphore_mem>> -> memref<!tpu.dma_semaphore, #tpu.memory_space<semaphore_mem>>
      %dma_wait3A_1956 = arith.constant 0 : i32
      %dma_wait3A_1957 = arith.constant 0 : i32
      %dma_wait3A_1958 = tpu.memref_slice %arg4[%mul3A_2, %dma_wait3A_1956, %dma_wait3A_1957] : memref<4096x50x128xf32, #tpu.memory_space<hbm>> -> memref<2x50x128xf32, #tpu.memory_space<hbm>>
      %dma_wait3A_1959 = arith.constant 0 : i32
      %dma_wait3A_1960 = arith.constant 0 : i32
      %dma_wait3A_1961 = arith.constant 0 : i32
      %dma_wait3A_1962 = tpu.memref_slice %arg6[%dma_wait3A_1944, %dma_wait3A_1959, %dma_wait3A_1960, %dma_wait3A_1961] : memref<8x2x50x128xf32, #tpu.memory_space<vmem>> -> memref<1x2x50x128xf32, #tpu.memory_space<vmem>>
      %dma_wait3A_1963 = tpu.memref_squeeze %dma_wait3A_1962 : memref<1x2x50x128xf32, #tpu.memory_space<vmem>> -> memref<2x50x128xf32, #tpu.memory_space<vmem>>
      tpu.wait_dma2 semaphore(%dma_wait3A_1955 : memref<!tpu.dma_semaphore, #tpu.memory_space<semaphore_mem>>) src(%dma_wait3A_1963 : memref<2x50x128xf32, #tpu.memory_space<vmem>>) dst(%dma_wait3A_1958 : memref<2x50x128xf32, #tpu.memory_space<hbm>>)
      %add3A_1964 = arith.constant 3 : i32
      %add3A_1965 = arith.addi %add3A_1943, %add3A_1964 : i32
      %mul3A_1966 = arith.constant 2 : i32
      %mul3A_1967 = arith.muli %add3A_1965, %mul3A_1966 : i32
      %add3A_1968 = arith.constant 0 : i32
      %add3A_1969 = arith.addi %mul3A_1967, %add3A_1968 : i32
      %dma_start3A_1970 = arith.constant 5 : i32
      %dma_start3A_1971 = arith.constant 0 : i32
      %dma_start3A_1972 = arith.constant 5 : i32
      %dma_start3A_1973 = arith.constant 0 : i32
      %dma_start3A_1974 = arith.constant 0 : i32
      %dma_start3A_1975 = tpu.memref_slice %arg6[%dma_start3A_1970, %dma_start3A_1971, %dma_start3A_1973, %dma_start3A_1974] : memref<8x2x50x128xf32, #tpu.memory_space<vmem>> -> memref<1x1x50x128xf32, #tpu.memory_space<vmem>>
      %dma_start3A_1976 = tpu.memref_squeeze %dma_start3A_1975 : memref<1x1x50x128xf32, #tpu.memory_space<vmem>> -> memref<50x128xf32, #tpu.memory_space<vmem>>
      %dma_start3A_1977 = arith.constant 0 : i32
      %dma_start3A_1978 = tpu.memref_slice %arg5[%add3A_1969, %dma_start3A_1977] : memref<128x50xi32, #tpu.memory_space<vmem>> -> memref<1x50xi32, #tpu.memory_space<vmem>>
      %dma_start3A_1979 = tpu.memref_squeeze %dma_start3A_1978 : memref<1x50xi32, #tpu.memory_space<vmem>> -> memref<50xi32, #tpu.memory_space<vmem>>
      %dma_start3A_1980 = arith.constant 0 : i32
      %dma_start3A_1981 = arith.constant 0 : i32
      %dma_start3A_1982 = tpu.memref_slice %arg2[%dma_start3A_1980, %dma_start3A_1981] : memref<100000x128xf32, #tpu.memory_space<hbm>> -> memref<100000x128xf32, #tpu.memory_space<hbm>>
      %dma_start3A_1983 = tpu.memref_slice %arg7[%dma_start3A_1972] : memref<8x!tpu.dma_semaphore, #tpu.memory_space<semaphore_mem>> -> memref<1x!tpu.dma_semaphore, #tpu.memory_space<semaphore_mem>>
      %dma_start3A_1984 = tpu.memref_squeeze %dma_start3A_1983 : memref<1x!tpu.dma_semaphore, #tpu.memory_space<semaphore_mem>> -> memref<!tpu.dma_semaphore, #tpu.memory_space<semaphore_mem>>
      tpu.enqueue_indirect_dma source(%dma_start3A_1982 : memref<100000x128xf32, #tpu.memory_space<hbm>>) target(%dma_start3A_1976 : memref<50x128xf32, #tpu.memory_space<vmem>>) offsets(%dma_start3A_1979 : memref<50xi32, #tpu.memory_space<vmem>>) semaphore(%dma_start3A_1984 : memref<!tpu.dma_semaphore, #tpu.memory_space<semaphore_mem>>)
      %mul3A_1985 = arith.constant 2 : i32
      %mul3A_1986 = arith.muli %add3A_1965, %mul3A_1985 : i32
      %add3A_1987 = arith.constant 1 : i32
      %add3A_1988 = arith.addi %mul3A_1986, %add3A_1987 : i32
      %dma_start3A_1989 = arith.constant 5 : i32
      %dma_start3A_1990 = arith.constant 1 : i32
      %dma_start3A_1991 = arith.constant 5 : i32
      %dma_start3A_1992 = arith.constant 0 : i32
      %dma_start3A_1993 = arith.constant 0 : i32
      %dma_start3A_1994 = tpu.memref_slice %arg6[%dma_start3A_1989, %dma_start3A_1990, %dma_start3A_1992, %dma_start3A_1993] : memref<8x2x50x128xf32, #tpu.memory_space<vmem>> -> memref<1x1x50x128xf32, #tpu.memory_space<vmem>>
      %dma_start3A_1995 = tpu.memref_squeeze %dma_start3A_1994 : memref<1x1x50x128xf32, #tpu.memory_space<vmem>> -> memref<50x128xf32, #tpu.memory_space<vmem>>
      %dma_start3A_1996 = arith.constant 0 : i32
      %dma_start3A_1997 = tpu.memref_slice %arg5[%add3A_1988, %dma_start3A_1996] : memref<128x50xi32, #tpu.memory_space<vmem>> -> memref<1x50xi32, #tpu.memory_space<vmem>>
      %dma_start3A_1998 = tpu.memref_squeeze %dma_start3A_1997 : memref<1x50xi32, #tpu.memory_space<vmem>> -> memref<50xi32, #tpu.memory_space<vmem>>
      %dma_start3A_1999 = arith.constant 0 : i32
      %dma_start3A_2000 = arith.constant 0 : i32
      %dma_start3A_2001 = tpu.memref_slice %arg2[%dma_start3A_1999, %dma_start3A_2000] : memref<100000x128xf32, #tpu.memory_space<hbm>> -> memref<100000x128xf32, #tpu.memory_space<hbm>>
      %dma_start3A_2002 = tpu.memref_slice %arg7[%dma_start3A_1991] : memref<8x!tpu.dma_semaphore, #tpu.memory_space<semaphore_mem>> -> memref<1x!tpu.dma_semaphore, #tpu.memory_space<semaphore_mem>>
      %dma_start3A_2003 = tpu.memref_squeeze %dma_start3A_2002 : memref<1x!tpu.dma_semaphore, #tpu.memory_space<semaphore_mem>> -> memref<!tpu.dma_semaphore, #tpu.memory_space<semaphore_mem>>
      tpu.enqueue_indirect_dma source(%dma_start3A_2001 : memref<100000x128xf32, #tpu.memory_space<hbm>>) target(%dma_start3A_1995 : memref<50x128xf32, #tpu.memory_space<vmem>>) offsets(%dma_start3A_1998 : memref<50xi32, #tpu.memory_space<vmem>>) semaphore(%dma_start3A_2003 : memref<!tpu.dma_semaphore, #tpu.memory_space<semaphore_mem>>)
      %dma_wait3A_2004 = arith.constant 0 : i32
      %dma_wait3A_2005 = arith.constant 2 : i32
      %dma_wait3A_2006 = arith.constant 0 : i32
      %dma_wait3A_2007 = arith.constant 2 : i32
      %dma_wait3A_2008 = arith.constant 0 : i32
      %dma_wait3A_2009 = arith.constant 0 : i32
      %dma_wait3A_2010 = tpu.memref_slice %arg6[%dma_wait3A_2005, %dma_wait3A_2006, %dma_wait3A_2008, %dma_wait3A_2009] : memref<8x2x50x128xf32, #tpu.memory_space<vmem>> -> memref<1x1x50x128xf32, #tpu.memory_space<vmem>>
      %dma_wait3A_2011 = tpu.memref_squeeze %dma_wait3A_2010 : memref<1x1x50x128xf32, #tpu.memory_space<vmem>> -> memref<50x128xf32, #tpu.memory_space<vmem>>
      %dma_wait3A_2012 = arith.constant 0 : i32
      %dma_wait3A_2013 = tpu.memref_slice %arg5[%dma_wait3A_2004, %dma_wait3A_2012] : memref<128x50xi32, #tpu.memory_space<vmem>> -> memref<1x50xi32, #tpu.memory_space<vmem>>
      %dma_wait3A_2014 = tpu.memref_squeeze %dma_wait3A_2013 : memref<1x50xi32, #tpu.memory_space<vmem>> -> memref<50xi32, #tpu.memory_space<vmem>>
      %dma_wait3A_2015 = arith.constant 0 : i32
      %dma_wait3A_2016 = arith.constant 0 : i32
      %dma_wait3A_2017 = tpu.memref_slice %arg2[%dma_wait3A_2015, %dma_wait3A_2016] : memref<100000x128xf32, #tpu.memory_space<hbm>> -> memref<100000x128xf32, #tpu.memory_space<hbm>>
      %dma_wait3A_2018 = tpu.memref_slice %arg7[%dma_wait3A_2007] : memref<8x!tpu.dma_semaphore, #tpu.memory_space<semaphore_mem>> -> memref<1x!tpu.dma_semaphore, #tpu.memory_space<semaphore_mem>>
      %dma_wait3A_2019 = tpu.memref_squeeze %dma_wait3A_2018 : memref<1x!tpu.dma_semaphore, #tpu.memory_space<semaphore_mem>> -> memref<!tpu.dma_semaphore, #tpu.memory_space<semaphore_mem>>
      tpu.wait_indirect_dma semaphore(%dma_wait3A_2019 : memref<!tpu.dma_semaphore, #tpu.memory_space<semaphore_mem>>) src(%dma_wait3A_2017 : memref<100000x128xf32, #tpu.memory_space<hbm>>) dst(%dma_wait3A_2011 : memref<50x128xf32, #tpu.memory_space<vmem>>)
      %dma_wait3A_2020 = arith.constant 0 : i32
      %dma_wait3A_2021 = arith.constant 2 : i32
      %dma_wait3A_2022 = arith.constant 1 : i32
      %dma_wait3A_2023 = arith.constant 2 : i32
      %dma_wait3A_2024 = arith.constant 0 : i32
      %dma_wait3A_2025 = arith.constant 0 : i32
      %dma_wait3A_2026 = tpu.memref_slice %arg6[%dma_wait3A_2021, %dma_wait3A_2022, %dma_wait3A_2024, %dma_wait3A_2025] : memref<8x2x50x128xf32, #tpu.memory_space<vmem>> -> memref<1x1x50x128xf32, #tpu.memory_space<vmem>>
      %dma_wait3A_2027 = tpu.memref_squeeze %dma_wait3A_2026 : memref<1x1x50x128xf32, #tpu.memory_space<vmem>> -> memref<50x128xf32, #tpu.memory_space<vmem>>
      %dma_wait3A_2028 = arith.constant 0 : i32
      %dma_wait3A_2029 = tpu.memref_slice %arg5[%dma_wait3A_2020, %dma_wait3A_2028] : memref<128x50xi32, #tpu.memory_space<vmem>> -> memref<1x50xi32, #tpu.memory_space<vmem>>
      %dma_wait3A_2030 = tpu.memref_squeeze %dma_wait3A_2029 : memref<1x50xi32, #tpu.memory_space<vmem>> -> memref<50xi32, #tpu.memory_space<vmem>>
      %dma_wait3A_2031 = arith.constant 0 : i32
      %dma_wait3A_2032 = arith.constant 0 : i32
      %dma_wait3A_2033 = tpu.memref_slice %arg2[%dma_wait3A_2031, %dma_wait3A_2032] : memref<100000x128xf32, #tpu.memory_space<hbm>> -> memref<100000x128xf32, #tpu.memory_space<hbm>>
      %dma_wait3A_2034 = tpu.memref_slice %arg7[%dma_wait3A_2023] : memref<8x!tpu.dma_semaphore, #tpu.memory_space<semaphore_mem>> -> memref<1x!tpu.dma_semaphore, #tpu.memory_space<semaphore_mem>>
      %dma_wait3A_2035 = tpu.memref_squeeze %dma_wait3A_2034 : memref<1x!tpu.dma_semaphore, #tpu.memory_space<semaphore_mem>> -> memref<!tpu.dma_semaphore, #tpu.memory_space<semaphore_mem>>
      tpu.wait_indirect_dma semaphore(%dma_wait3A_2035 : memref<!tpu.dma_semaphore, #tpu.memory_space<semaphore_mem>>) src(%dma_wait3A_2033 : memref<100000x128xf32, #tpu.memory_space<hbm>>) dst(%dma_wait3A_2027 : memref<50x128xf32, #tpu.memory_space<vmem>>)
      %mul3A_2036 = arith.constant 2 : i32
      %mul3A_2037 = arith.muli %add3A_1943, %mul3A_2036 : i32
      %add3A_2038 = arith.addi %mul3A_2, %mul3A_2037 : i32
      %dma_start3A_2039 = arith.constant 2 : i32
      %dma_start3A_2040 = arith.constant 2 : i32
      %dma_start3A_2041 = arith.constant 0 : i32
      %dma_start3A_2042 = arith.constant 0 : i32
      %dma_start3A_2043 = arith.constant 0 : i32
      %dma_start3A_2044 = tpu.memref_slice %arg6[%dma_start3A_2039, %dma_start3A_2041, %dma_start3A_2042, %dma_start3A_2043] : memref<8x2x50x128xf32, #tpu.memory_space<vmem>> -> memref<1x2x50x128xf32, #tpu.memory_space<vmem>>
      %dma_start3A_2045 = tpu.memref_squeeze %dma_start3A_2044 : memref<1x2x50x128xf32, #tpu.memory_space<vmem>> -> memref<2x50x128xf32, #tpu.memory_space<vmem>>
      %dma_start3A_2046 = arith.constant 0 : i32
      %dma_start3A_2047 = arith.constant 0 : i32
      %dma_start3A_2048 = tpu.memref_slice %arg4[%add3A_2038, %dma_start3A_2046, %dma_start3A_2047] : memref<4096x50x128xf32, #tpu.memory_space<hbm>> -> memref<2x50x128xf32, #tpu.memory_space<hbm>>
      %dma_start3A_2049 = tpu.memref_slice %arg8[%dma_start3A_2040] : memref<8x!tpu.dma_semaphore, #tpu.memory_space<semaphore_mem>> -> memref<1x!tpu.dma_semaphore, #tpu.memory_space<semaphore_mem>>
      %dma_start3A_2050 = tpu.memref_squeeze %dma_start3A_2049 : memref<1x!tpu.dma_semaphore, #tpu.memory_space<semaphore_mem>> -> memref<!tpu.dma_semaphore, #tpu.memory_space<semaphore_mem>>
      %dma_start3A_2051 = arith.constant 0 : i32
      %dma_start3A_2052 = arith.constant 0 : i32
      %dma_start3A_2053 = tpu.memref_slice %arg4[%add3A_2038, %dma_start3A_2051, %dma_start3A_2052] : memref<4096x50x128xf32, #tpu.memory_space<hbm>> -> memref<2x50x128xf32, #tpu.memory_space<hbm>>
      %dma_start3A_2054 = arith.constant 0 : i32
      %dma_start3A_2055 = arith.constant 0 : i32
      %dma_start3A_2056 = arith.constant 0 : i32
      %dma_start3A_2057 = tpu.memref_slice %arg6[%dma_start3A_2039, %dma_start3A_2054, %dma_start3A_2055, %dma_start3A_2056] : memref<8x2x50x128xf32, #tpu.memory_space<vmem>> -> memref<1x2x50x128xf32, #tpu.memory_space<vmem>>
      %dma_start3A_2058 = tpu.memref_squeeze %dma_start3A_2057 : memref<1x2x50x128xf32, #tpu.memory_space<vmem>> -> memref<2x50x128xf32, #tpu.memory_space<vmem>>
      tpu.enqueue_dma source(%dma_start3A_2058 : memref<2x50x128xf32, #tpu.memory_space<vmem>>) target(%dma_start3A_2053 : memref<2x50x128xf32, #tpu.memory_space<hbm>>) target_semaphore(%dma_start3A_2050 : memref<!tpu.dma_semaphore, #tpu.memory_space<semaphore_mem>>)
      %mul3A_2059 = arith.constant 8 : i32
      %mul3A_2060 = arith.muli %scan3A_1701, %mul3A_2059 : i32
      %add3A_2061 = arith.constant 3 : i32
      %add3A_2062 = arith.addi %mul3A_2060, %add3A_2061 : i32
      %dma_wait3A_2063 = arith.constant 6 : i32
      %dma_wait3A_2064 = arith.constant 6 : i32
      %dma_wait3A_2065 = arith.constant 0 : i32
      %dma_wait3A_2066 = arith.constant 0 : i32
      %dma_wait3A_2067 = arith.constant 0 : i32
      %dma_wait3A_2068 = tpu.memref_slice %arg6[%dma_wait3A_2063, %dma_wait3A_2065, %dma_wait3A_2066, %dma_wait3A_2067] : memref<8x2x50x128xf32, #tpu.memory_space<vmem>> -> memref<1x2x50x128xf32, #tpu.memory_space<vmem>>
      %dma_wait3A_2069 = tpu.memref_squeeze %dma_wait3A_2068 : memref<1x2x50x128xf32, #tpu.memory_space<vmem>> -> memref<2x50x128xf32, #tpu.memory_space<vmem>>
      %dma_wait3A_2070 = arith.constant 0 : i32
      %dma_wait3A_2071 = arith.constant 0 : i32
      %dma_wait3A_2072 = tpu.memref_slice %arg4[%mul3A_2, %dma_wait3A_2070, %dma_wait3A_2071] : memref<4096x50x128xf32, #tpu.memory_space<hbm>> -> memref<2x50x128xf32, #tpu.memory_space<hbm>>
      %dma_wait3A_2073 = tpu.memref_slice %arg8[%dma_wait3A_2064] : memref<8x!tpu.dma_semaphore, #tpu.memory_space<semaphore_mem>> -> memref<1x!tpu.dma_semaphore, #tpu.memory_space<semaphore_mem>>
      %dma_wait3A_2074 = tpu.memref_squeeze %dma_wait3A_2073 : memref<1x!tpu.dma_semaphore, #tpu.memory_space<semaphore_mem>> -> memref<!tpu.dma_semaphore, #tpu.memory_space<semaphore_mem>>
      %dma_wait3A_2075 = arith.constant 0 : i32
      %dma_wait3A_2076 = arith.constant 0 : i32
      %dma_wait3A_2077 = tpu.memref_slice %arg4[%mul3A_2, %dma_wait3A_2075, %dma_wait3A_2076] : memref<4096x50x128xf32, #tpu.memory_space<hbm>> -> memref<2x50x128xf32, #tpu.memory_space<hbm>>
      %dma_wait3A_2078 = arith.constant 0 : i32
      %dma_wait3A_2079 = arith.constant 0 : i32
      %dma_wait3A_2080 = arith.constant 0 : i32
      %dma_wait3A_2081 = tpu.memref_slice %arg6[%dma_wait3A_2063, %dma_wait3A_2078, %dma_wait3A_2079, %dma_wait3A_2080] : memref<8x2x50x128xf32, #tpu.memory_space<vmem>> -> memref<1x2x50x128xf32, #tpu.memory_space<vmem>>
      %dma_wait3A_2082 = tpu.memref_squeeze %dma_wait3A_2081 : memref<1x2x50x128xf32, #tpu.memory_space<vmem>> -> memref<2x50x128xf32, #tpu.memory_space<vmem>>
      tpu.wait_dma2 semaphore(%dma_wait3A_2074 : memref<!tpu.dma_semaphore, #tpu.memory_space<semaphore_mem>>) src(%dma_wait3A_2082 : memref<2x50x128xf32, #tpu.memory_space<vmem>>) dst(%dma_wait3A_2077 : memref<2x50x128xf32, #tpu.memory_space<hbm>>)
      %add3A_2083 = arith.constant 3 : i32
      %add3A_2084 = arith.addi %add3A_2062, %add3A_2083 : i32
      %mul3A_2085 = arith.constant 2 : i32
      %mul3A_2086 = arith.muli %add3A_2084, %mul3A_2085 : i32
      %add3A_2087 = arith.constant 0 : i32
      %add3A_2088 = arith.addi %mul3A_2086, %add3A_2087 : i32
      %dma_start3A_2089 = arith.constant 6 : i32
      %dma_start3A_2090 = arith.constant 0 : i32
      %dma_start3A_2091 = arith.constant 6 : i32
      %dma_start3A_2092 = arith.constant 0 : i32
      %dma_start3A_2093 = arith.constant 0 : i32
      %dma_start3A_2094 = tpu.memref_slice %arg6[%dma_start3A_2089, %dma_start3A_2090, %dma_start3A_2092, %dma_start3A_2093] : memref<8x2x50x128xf32, #tpu.memory_space<vmem>> -> memref<1x1x50x128xf32, #tpu.memory_space<vmem>>
      %dma_start3A_2095 = tpu.memref_squeeze %dma_start3A_2094 : memref<1x1x50x128xf32, #tpu.memory_space<vmem>> -> memref<50x128xf32, #tpu.memory_space<vmem>>
      %dma_start3A_2096 = arith.constant 0 : i32
      %dma_start3A_2097 = tpu.memref_slice %arg5[%add3A_2088, %dma_start3A_2096] : memref<128x50xi32, #tpu.memory_space<vmem>> -> memref<1x50xi32, #tpu.memory_space<vmem>>
      %dma_start3A_2098 = tpu.memref_squeeze %dma_start3A_2097 : memref<1x50xi32, #tpu.memory_space<vmem>> -> memref<50xi32, #tpu.memory_space<vmem>>
      %dma_start3A_2099 = arith.constant 0 : i32
      %dma_start3A_2100 = arith.constant 0 : i32
      %dma_start3A_2101 = tpu.memref_slice %arg2[%dma_start3A_2099, %dma_start3A_2100] : memref<100000x128xf32, #tpu.memory_space<hbm>> -> memref<100000x128xf32, #tpu.memory_space<hbm>>
      %dma_start3A_2102 = tpu.memref_slice %arg7[%dma_start3A_2091] : memref<8x!tpu.dma_semaphore, #tpu.memory_space<semaphore_mem>> -> memref<1x!tpu.dma_semaphore, #tpu.memory_space<semaphore_mem>>
      %dma_start3A_2103 = tpu.memref_squeeze %dma_start3A_2102 : memref<1x!tpu.dma_semaphore, #tpu.memory_space<semaphore_mem>> -> memref<!tpu.dma_semaphore, #tpu.memory_space<semaphore_mem>>
      tpu.enqueue_indirect_dma source(%dma_start3A_2101 : memref<100000x128xf32, #tpu.memory_space<hbm>>) target(%dma_start3A_2095 : memref<50x128xf32, #tpu.memory_space<vmem>>) offsets(%dma_start3A_2098 : memref<50xi32, #tpu.memory_space<vmem>>) semaphore(%dma_start3A_2103 : memref<!tpu.dma_semaphore, #tpu.memory_space<semaphore_mem>>)
      %mul3A_2104 = arith.constant 2 : i32
      %mul3A_2105 = arith.muli %add3A_2084, %mul3A_2104 : i32
      %add3A_2106 = arith.constant 1 : i32
      %add3A_2107 = arith.addi %mul3A_2105, %add3A_2106 : i32
      %dma_start3A_2108 = arith.constant 6 : i32
      %dma_start3A_2109 = arith.constant 1 : i32
      %dma_start3A_2110 = arith.constant 6 : i32
      %dma_start3A_2111 = arith.constant 0 : i32
      %dma_start3A_2112 = arith.constant 0 : i32
      %dma_start3A_2113 = tpu.memref_slice %arg6[%dma_start3A_2108, %dma_start3A_2109, %dma_start3A_2111, %dma_start3A_2112] : memref<8x2x50x128xf32, #tpu.memory_space<vmem>> -> memref<1x1x50x128xf32, #tpu.memory_space<vmem>>
      %dma_start3A_2114 = tpu.memref_squeeze %dma_start3A_2113 : memref<1x1x50x128xf32, #tpu.memory_space<vmem>> -> memref<50x128xf32, #tpu.memory_space<vmem>>
      %dma_start3A_2115 = arith.constant 0 : i32
      %dma_start3A_2116 = tpu.memref_slice %arg5[%add3A_2107, %dma_start3A_2115] : memref<128x50xi32, #tpu.memory_space<vmem>> -> memref<1x50xi32, #tpu.memory_space<vmem>>
      %dma_start3A_2117 = tpu.memref_squeeze %dma_start3A_2116 : memref<1x50xi32, #tpu.memory_space<vmem>> -> memref<50xi32, #tpu.memory_space<vmem>>
      %dma_start3A_2118 = arith.constant 0 : i32
      %dma_start3A_2119 = arith.constant 0 : i32
      %dma_start3A_2120 = tpu.memref_slice %arg2[%dma_start3A_2118, %dma_start3A_2119] : memref<100000x128xf32, #tpu.memory_space<hbm>> -> memref<100000x128xf32, #tpu.memory_space<hbm>>
      %dma_start3A_2121 = tpu.memref_slice %arg7[%dma_start3A_2110] : memref<8x!tpu.dma_semaphore, #tpu.memory_space<semaphore_mem>> -> memref<1x!tpu.dma_semaphore, #tpu.memory_space<semaphore_mem>>
      %dma_start3A_2122 = tpu.memref_squeeze %dma_start3A_2121 : memref<1x!tpu.dma_semaphore, #tpu.memory_space<semaphore_mem>> -> memref<!tpu.dma_semaphore, #tpu.memory_space<semaphore_mem>>
      tpu.enqueue_indirect_dma source(%dma_start3A_2120 : memref<100000x128xf32, #tpu.memory_space<hbm>>) target(%dma_start3A_2114 : memref<50x128xf32, #tpu.memory_space<vmem>>) offsets(%dma_start3A_2117 : memref<50xi32, #tpu.memory_space<vmem>>) semaphore(%dma_start3A_2122 : memref<!tpu.dma_semaphore, #tpu.memory_space<semaphore_mem>>)
      %dma_wait3A_2123 = arith.constant 0 : i32
      %dma_wait3A_2124 = arith.constant 3 : i32
      %dma_wait3A_2125 = arith.constant 0 : i32
      %dma_wait3A_2126 = arith.constant 3 : i32
      %dma_wait3A_2127 = arith.constant 0 : i32
      %dma_wait3A_2128 = arith.constant 0 : i32
      %dma_wait3A_2129 = tpu.memref_slice %arg6[%dma_wait3A_2124, %dma_wait3A_2125, %dma_wait3A_2127, %dma_wait3A_2128] : memref<8x2x50x128xf32, #tpu.memory_space<vmem>> -> memref<1x1x50x128xf32, #tpu.memory_space<vmem>>
      %dma_wait3A_2130 = tpu.memref_squeeze %dma_wait3A_2129 : memref<1x1x50x128xf32, #tpu.memory_space<vmem>> -> memref<50x128xf32, #tpu.memory_space<vmem>>
      %dma_wait3A_2131 = arith.constant 0 : i32
      %dma_wait3A_2132 = tpu.memref_slice %arg5[%dma_wait3A_2123, %dma_wait3A_2131] : memref<128x50xi32, #tpu.memory_space<vmem>> -> memref<1x50xi32, #tpu.memory_space<vmem>>
      %dma_wait3A_2133 = tpu.memref_squeeze %dma_wait3A_2132 : memref<1x50xi32, #tpu.memory_space<vmem>> -> memref<50xi32, #tpu.memory_space<vmem>>
      %dma_wait3A_2134 = arith.constant 0 : i32
      %dma_wait3A_2135 = arith.constant 0 : i32
      %dma_wait3A_2136 = tpu.memref_slice %arg2[%dma_wait3A_2134, %dma_wait3A_2135] : memref<100000x128xf32, #tpu.memory_space<hbm>> -> memref<100000x128xf32, #tpu.memory_space<hbm>>
      %dma_wait3A_2137 = tpu.memref_slice %arg7[%dma_wait3A_2126] : memref<8x!tpu.dma_semaphore, #tpu.memory_space<semaphore_mem>> -> memref<1x!tpu.dma_semaphore, #tpu.memory_space<semaphore_mem>>
      %dma_wait3A_2138 = tpu.memref_squeeze %dma_wait3A_2137 : memref<1x!tpu.dma_semaphore, #tpu.memory_space<semaphore_mem>> -> memref<!tpu.dma_semaphore, #tpu.memory_space<semaphore_mem>>
      tpu.wait_indirect_dma semaphore(%dma_wait3A_2138 : memref<!tpu.dma_semaphore, #tpu.memory_space<semaphore_mem>>) src(%dma_wait3A_2136 : memref<100000x128xf32, #tpu.memory_space<hbm>>) dst(%dma_wait3A_2130 : memref<50x128xf32, #tpu.memory_space<vmem>>)
      %dma_wait3A_2139 = arith.constant 0 : i32
      %dma_wait3A_2140 = arith.constant 3 : i32
      %dma_wait3A_2141 = arith.constant 1 : i32
      %dma_wait3A_2142 = arith.constant 3 : i32
      %dma_wait3A_2143 = arith.constant 0 : i32
      %dma_wait3A_2144 = arith.constant 0 : i32
      %dma_wait3A_2145 = tpu.memref_slice %arg6[%dma_wait3A_2140, %dma_wait3A_2141, %dma_wait3A_2143, %dma_wait3A_2144] : memref<8x2x50x128xf32, #tpu.memory_space<vmem>> -> memref<1x1x50x128xf32, #tpu.memory_space<vmem>>
      %dma_wait3A_2146 = tpu.memref_squeeze %dma_wait3A_2145 : memref<1x1x50x128xf32, #tpu.memory_space<vmem>> -> memref<50x128xf32, #tpu.memory_space<vmem>>
      %dma_wait3A_2147 = arith.constant 0 : i32
      %dma_wait3A_2148 = tpu.memref_slice %arg5[%dma_wait3A_2139, %dma_wait3A_2147] : memref<128x50xi32, #tpu.memory_space<vmem>> -> memref<1x50xi32, #tpu.memory_space<vmem>>
      %dma_wait3A_2149 = tpu.memref_squeeze %dma_wait3A_2148 : memref<1x50xi32, #tpu.memory_space<vmem>> -> memref<50xi32, #tpu.memory_space<vmem>>
      %dma_wait3A_2150 = arith.constant 0 : i32
      %dma_wait3A_2151 = arith.constant 0 : i32
      %dma_wait3A_2152 = tpu.memref_slice %arg2[%dma_wait3A_2150, %dma_wait3A_2151] : memref<100000x128xf32, #tpu.memory_space<hbm>> -> memref<100000x128xf32, #tpu.memory_space<hbm>>
      %dma_wait3A_2153 = tpu.memref_slice %arg7[%dma_wait3A_2142] : memref<8x!tpu.dma_semaphore, #tpu.memory_space<semaphore_mem>> -> memref<1x!tpu.dma_semaphore, #tpu.memory_space<semaphore_mem>>
      %dma_wait3A_2154 = tpu.memref_squeeze %dma_wait3A_2153 : memref<1x!tpu.dma_semaphore, #tpu.memory_space<semaphore_mem>> -> memref<!tpu.dma_semaphore, #tpu.memory_space<semaphore_mem>>
      tpu.wait_indirect_dma semaphore(%dma_wait3A_2154 : memref<!tpu.dma_semaphore, #tpu.memory_space<semaphore_mem>>) src(%dma_wait3A_2152 : memref<100000x128xf32, #tpu.memory_space<hbm>>) dst(%dma_wait3A_2146 : memref<50x128xf32, #tpu.memory_space<vmem>>)
      %mul3A_2155 = arith.constant 2 : i32
      %mul3A_2156 = arith.muli %add3A_2062, %mul3A_2155 : i32
      %add3A_2157 = arith.addi %mul3A_2, %mul3A_2156 : i32
      %dma_start3A_2158 = arith.constant 3 : i32
      %dma_start3A_2159 = arith.constant 3 : i32
      %dma_start3A_2160 = arith.constant 0 : i32
      %dma_start3A_2161 = arith.constant 0 : i32
      %dma_start3A_2162 = arith.constant 0 : i32
      %dma_start3A_2163 = tpu.memref_slice %arg6[%dma_start3A_2158, %dma_start3A_2160, %dma_start3A_2161, %dma_start3A_2162] : memref<8x2x50x128xf32, #tpu.memory_space<vmem>> -> memref<1x2x50x128xf32, #tpu.memory_space<vmem>>
      %dma_start3A_2164 = tpu.memref_squeeze %dma_start3A_2163 : memref<1x2x50x128xf32, #tpu.memory_space<vmem>> -> memref<2x50x128xf32, #tpu.memory_space<vmem>>
      %dma_start3A_2165 = arith.constant 0 : i32
      %dma_start3A_2166 = arith.constant 0 : i32
      %dma_start3A_2167 = tpu.memref_slice %arg4[%add3A_2157, %dma_start3A_2165, %dma_start3A_2166] : memref<4096x50x128xf32, #tpu.memory_space<hbm>> -> memref<2x50x128xf32, #tpu.memory_space<hbm>>
      %dma_start3A_2168 = tpu.memref_slice %arg8[%dma_start3A_2159] : memref<8x!tpu.dma_semaphore, #tpu.memory_space<semaphore_mem>> -> memref<1x!tpu.dma_semaphore, #tpu.memory_space<semaphore_mem>>
      %dma_start3A_2169 = tpu.memref_squeeze %dma_start3A_2168 : memref<1x!tpu.dma_semaphore, #tpu.memory_space<semaphore_mem>> -> memref<!tpu.dma_semaphore, #tpu.memory_space<semaphore_mem>>
      %dma_start3A_2170 = arith.constant 0 : i32
      %dma_start3A_2171 = arith.constant 0 : i32
      %dma_start3A_2172 = tpu.memref_slice %arg4[%add3A_2157, %dma_start3A_2170, %dma_start3A_2171] : memref<4096x50x128xf32, #tpu.memory_space<hbm>> -> memref<2x50x128xf32, #tpu.memory_space<hbm>>
      %dma_start3A_2173 = arith.constant 0 : i32
      %dma_start3A_2174 = arith.constant 0 : i32
      %dma_start3A_2175 = arith.constant 0 : i32
      %dma_start3A_2176 = tpu.memref_slice %arg6[%dma_start3A_2158, %dma_start3A_2173, %dma_start3A_2174, %dma_start3A_2175] : memref<8x2x50x128xf32, #tpu.memory_space<vmem>> -> memref<1x2x50x128xf32, #tpu.memory_space<vmem>>
      %dma_start3A_2177 = tpu.memref_squeeze %dma_start3A_2176 : memref<1x2x50x128xf32, #tpu.memory_space<vmem>> -> memref<2x50x128xf32, #tpu.memory_space<vmem>>
      tpu.enqueue_dma source(%dma_start3A_2177 : memref<2x50x128xf32, #tpu.memory_space<vmem>>) target(%dma_start3A_2172 : memref<2x50x128xf32, #tpu.memory_space<hbm>>) target_semaphore(%dma_start3A_2169 : memref<!tpu.dma_semaphore, #tpu.memory_space<semaphore_mem>>)
      %mul3A_2178 = arith.constant 8 : i32
      %mul3A_2179 = arith.muli %scan3A_1701, %mul3A_2178 : i32
      %add3A_2180 = arith.constant 4 : i32
      %add3A_2181 = arith.addi %mul3A_2179, %add3A_2180 : i32
      %dma_wait3A_2182 = arith.constant 7 : i32
      %dma_wait3A_2183 = arith.constant 7 : i32
      %dma_wait3A_2184 = arith.constant 0 : i32
      %dma_wait3A_2185 = arith.constant 0 : i32
      %dma_wait3A_2186 = arith.constant 0 : i32
      %dma_wait3A_2187 = tpu.memref_slice %arg6[%dma_wait3A_2182, %dma_wait3A_2184, %dma_wait3A_2185, %dma_wait3A_2186] : memref<8x2x50x128xf32, #tpu.memory_space<vmem>> -> memref<1x2x50x128xf32, #tpu.memory_space<vmem>>
      %dma_wait3A_2188 = tpu.memref_squeeze %dma_wait3A_2187 : memref<1x2x50x128xf32, #tpu.memory_space<vmem>> -> memref<2x50x128xf32, #tpu.memory_space<vmem>>
      %dma_wait3A_2189 = arith.constant 0 : i32
      %dma_wait3A_2190 = arith.constant 0 : i32
      %dma_wait3A_2191 = tpu.memref_slice %arg4[%mul3A_2, %dma_wait3A_2189, %dma_wait3A_2190] : memref<4096x50x128xf32, #tpu.memory_space<hbm>> -> memref<2x50x128xf32, #tpu.memory_space<hbm>>
      %dma_wait3A_2192 = tpu.memref_slice %arg8[%dma_wait3A_2183] : memref<8x!tpu.dma_semaphore, #tpu.memory_space<semaphore_mem>> -> memref<1x!tpu.dma_semaphore, #tpu.memory_space<semaphore_mem>>
      %dma_wait3A_2193 = tpu.memref_squeeze %dma_wait3A_2192 : memref<1x!tpu.dma_semaphore, #tpu.memory_space<semaphore_mem>> -> memref<!tpu.dma_semaphore, #tpu.memory_space<semaphore_mem>>
      %dma_wait3A_2194 = arith.constant 0 : i32
      %dma_wait3A_2195 = arith.constant 0 : i32
      %dma_wait3A_2196 = tpu.memref_slice %arg4[%mul3A_2, %dma_wait3A_2194, %dma_wait3A_2195] : memref<4096x50x128xf32, #tpu.memory_space<hbm>> -> memref<2x50x128xf32, #tpu.memory_space<hbm>>
      %dma_wait3A_2197 = arith.constant 0 : i32
      %dma_wait3A_2198 = arith.constant 0 : i32
      %dma_wait3A_2199 = arith.constant 0 : i32
      %dma_wait3A_2200 = tpu.memref_slice %arg6[%dma_wait3A_2182, %dma_wait3A_2197, %dma_wait3A_2198, %dma_wait3A_2199] : memref<8x2x50x128xf32, #tpu.memory_space<vmem>> -> memref<1x2x50x128xf32, #tpu.memory_space<vmem>>
      %dma_wait3A_2201 = tpu.memref_squeeze %dma_wait3A_2200 : memref<1x2x50x128xf32, #tpu.memory_space<vmem>> -> memref<2x50x128xf32, #tpu.memory_space<vmem>>
      tpu.wait_dma2 semaphore(%dma_wait3A_2193 : memref<!tpu.dma_semaphore, #tpu.memory_space<semaphore_mem>>) src(%dma_wait3A_2201 : memref<2x50x128xf32, #tpu.memory_space<vmem>>) dst(%dma_wait3A_2196 : memref<2x50x128xf32, #tpu.memory_space<hbm>>)
      %add3A_2202 = arith.constant 3 : i32
      %add3A_2203 = arith.addi %add3A_2181, %add3A_2202 : i32
      %mul3A_2204 = arith.constant 2 : i32
      %mul3A_2205 = arith.muli %add3A_2203, %mul3A_2204 : i32
      %add3A_2206 = arith.constant 0 : i32
      %add3A_2207 = arith.addi %mul3A_2205, %add3A_2206 : i32
      %dma_start3A_2208 = arith.constant 7 : i32
      %dma_start3A_2209 = arith.constant 0 : i32
      %dma_start3A_2210 = arith.constant 7 : i32
      %dma_start3A_2211 = arith.constant 0 : i32
      %dma_start3A_2212 = arith.constant 0 : i32
      %dma_start3A_2213 = tpu.memref_slice %arg6[%dma_start3A_2208, %dma_start3A_2209, %dma_start3A_2211, %dma_start3A_2212] : memref<8x2x50x128xf32, #tpu.memory_space<vmem>> -> memref<1x1x50x128xf32, #tpu.memory_space<vmem>>
      %dma_start3A_2214 = tpu.memref_squeeze %dma_start3A_2213 : memref<1x1x50x128xf32, #tpu.memory_space<vmem>> -> memref<50x128xf32, #tpu.memory_space<vmem>>
      %dma_start3A_2215 = arith.constant 0 : i32
      %dma_start3A_2216 = tpu.memref_slice %arg5[%add3A_2207, %dma_start3A_2215] : memref<128x50xi32, #tpu.memory_space<vmem>> -> memref<1x50xi32, #tpu.memory_space<vmem>>
      %dma_start3A_2217 = tpu.memref_squeeze %dma_start3A_2216 : memref<1x50xi32, #tpu.memory_space<vmem>> -> memref<50xi32, #tpu.memory_space<vmem>>
      %dma_start3A_2218 = arith.constant 0 : i32
      %dma_start3A_2219 = arith.constant 0 : i32
      %dma_start3A_2220 = tpu.memref_slice %arg2[%dma_start3A_2218, %dma_start3A_2219] : memref<100000x128xf32, #tpu.memory_space<hbm>> -> memref<100000x128xf32, #tpu.memory_space<hbm>>
      %dma_start3A_2221 = tpu.memref_slice %arg7[%dma_start3A_2210] : memref<8x!tpu.dma_semaphore, #tpu.memory_space<semaphore_mem>> -> memref<1x!tpu.dma_semaphore, #tpu.memory_space<semaphore_mem>>
      %dma_start3A_2222 = tpu.memref_squeeze %dma_start3A_2221 : memref<1x!tpu.dma_semaphore, #tpu.memory_space<semaphore_mem>> -> memref<!tpu.dma_semaphore, #tpu.memory_space<semaphore_mem>>
      tpu.enqueue_indirect_dma source(%dma_start3A_2220 : memref<100000x128xf32, #tpu.memory_space<hbm>>) target(%dma_start3A_2214 : memref<50x128xf32, #tpu.memory_space<vmem>>) offsets(%dma_start3A_2217 : memref<50xi32, #tpu.memory_space<vmem>>) semaphore(%dma_start3A_2222 : memref<!tpu.dma_semaphore, #tpu.memory_space<semaphore_mem>>)
      %mul3A_2223 = arith.constant 2 : i32
      %mul3A_2224 = arith.muli %add3A_2203, %mul3A_2223 : i32
      %add3A_2225 = arith.constant 1 : i32
      %add3A_2226 = arith.addi %mul3A_2224, %add3A_2225 : i32
      %dma_start3A_2227 = arith.constant 7 : i32
      %dma_start3A_2228 = arith.constant 1 : i32
      %dma_start3A_2229 = arith.constant 7 : i32
      %dma_start3A_2230 = arith.constant 0 : i32
      %dma_start3A_2231 = arith.constant 0 : i32
      %dma_start3A_2232 = tpu.memref_slice %arg6[%dma_start3A_2227, %dma_start3A_2228, %dma_start3A_2230, %dma_start3A_2231] : memref<8x2x50x128xf32, #tpu.memory_space<vmem>> -> memref<1x1x50x128xf32, #tpu.memory_space<vmem>>
      %dma_start3A_2233 = tpu.memref_squeeze %dma_start3A_2232 : memref<1x1x50x128xf32, #tpu.memory_space<vmem>> -> memref<50x128xf32, #tpu.memory_space<vmem>>
      %dma_start3A_2234 = arith.constant 0 : i32
      %dma_start3A_2235 = tpu.memref_slice %arg5[%add3A_2226, %dma_start3A_2234] : memref<128x50xi32, #tpu.memory_space<vmem>> -> memref<1x50xi32, #tpu.memory_space<vmem>>
      %dma_start3A_2236 = tpu.memref_squeeze %dma_start3A_2235 : memref<1x50xi32, #tpu.memory_space<vmem>> -> memref<50xi32, #tpu.memory_space<vmem>>
      %dma_start3A_2237 = arith.constant 0 : i32
      %dma_start3A_2238 = arith.constant 0 : i32
      %dma_start3A_2239 = tpu.memref_slice %arg2[%dma_start3A_2237, %dma_start3A_2238] : memref<100000x128xf32, #tpu.memory_space<hbm>> -> memref<100000x128xf32, #tpu.memory_space<hbm>>
      %dma_start3A_2240 = tpu.memref_slice %arg7[%dma_start3A_2229] : memref<8x!tpu.dma_semaphore, #tpu.memory_space<semaphore_mem>> -> memref<1x!tpu.dma_semaphore, #tpu.memory_space<semaphore_mem>>
      %dma_start3A_2241 = tpu.memref_squeeze %dma_start3A_2240 : memref<1x!tpu.dma_semaphore, #tpu.memory_space<semaphore_mem>> -> memref<!tpu.dma_semaphore, #tpu.memory_space<semaphore_mem>>
      tpu.enqueue_indirect_dma source(%dma_start3A_2239 : memref<100000x128xf32, #tpu.memory_space<hbm>>) target(%dma_start3A_2233 : memref<50x128xf32, #tpu.memory_space<vmem>>) offsets(%dma_start3A_2236 : memref<50xi32, #tpu.memory_space<vmem>>) semaphore(%dma_start3A_2241 : memref<!tpu.dma_semaphore, #tpu.memory_space<semaphore_mem>>)
      %dma_wait3A_2242 = arith.constant 0 : i32
      %dma_wait3A_2243 = arith.constant 4 : i32
      %dma_wait3A_2244 = arith.constant 0 : i32
      %dma_wait3A_2245 = arith.constant 4 : i32
      %dma_wait3A_2246 = arith.constant 0 : i32
      %dma_wait3A_2247 = arith.constant 0 : i32
      %dma_wait3A_2248 = tpu.memref_slice %arg6[%dma_wait3A_2243, %dma_wait3A_2244, %dma_wait3A_2246, %dma_wait3A_2247] : memref<8x2x50x128xf32, #tpu.memory_space<vmem>> -> memref<1x1x50x128xf32, #tpu.memory_space<vmem>>
      %dma_wait3A_2249 = tpu.memref_squeeze %dma_wait3A_2248 : memref<1x1x50x128xf32, #tpu.memory_space<vmem>> -> memref<50x128xf32, #tpu.memory_space<vmem>>
      %dma_wait3A_2250 = arith.constant 0 : i32
      %dma_wait3A_2251 = tpu.memref_slice %arg5[%dma_wait3A_2242, %dma_wait3A_2250] : memref<128x50xi32, #tpu.memory_space<vmem>> -> memref<1x50xi32, #tpu.memory_space<vmem>>
      %dma_wait3A_2252 = tpu.memref_squeeze %dma_wait3A_2251 : memref<1x50xi32, #tpu.memory_space<vmem>> -> memref<50xi32, #tpu.memory_space<vmem>>
      %dma_wait3A_2253 = arith.constant 0 : i32
      %dma_wait3A_2254 = arith.constant 0 : i32
      %dma_wait3A_2255 = tpu.memref_slice %arg2[%dma_wait3A_2253, %dma_wait3A_2254] : memref<100000x128xf32, #tpu.memory_space<hbm>> -> memref<100000x128xf32, #tpu.memory_space<hbm>>
      %dma_wait3A_2256 = tpu.memref_slice %arg7[%dma_wait3A_2245] : memref<8x!tpu.dma_semaphore, #tpu.memory_space<semaphore_mem>> -> memref<1x!tpu.dma_semaphore, #tpu.memory_space<semaphore_mem>>
      %dma_wait3A_2257 = tpu.memref_squeeze %dma_wait3A_2256 : memref<1x!tpu.dma_semaphore, #tpu.memory_space<semaphore_mem>> -> memref<!tpu.dma_semaphore, #tpu.memory_space<semaphore_mem>>
      tpu.wait_indirect_dma semaphore(%dma_wait3A_2257 : memref<!tpu.dma_semaphore, #tpu.memory_space<semaphore_mem>>) src(%dma_wait3A_2255 : memref<100000x128xf32, #tpu.memory_space<hbm>>) dst(%dma_wait3A_2249 : memref<50x128xf32, #tpu.memory_space<vmem>>)
      %dma_wait3A_2258 = arith.constant 0 : i32
      %dma_wait3A_2259 = arith.constant 4 : i32
      %dma_wait3A_2260 = arith.constant 1 : i32
      %dma_wait3A_2261 = arith.constant 4 : i32
      %dma_wait3A_2262 = arith.constant 0 : i32
      %dma_wait3A_2263 = arith.constant 0 : i32
      %dma_wait3A_2264 = tpu.memref_slice %arg6[%dma_wait3A_2259, %dma_wait3A_2260, %dma_wait3A_2262, %dma_wait3A_2263] : memref<8x2x50x128xf32, #tpu.memory_space<vmem>> -> memref<1x1x50x128xf32, #tpu.memory_space<vmem>>
      %dma_wait3A_2265 = tpu.memref_squeeze %dma_wait3A_2264 : memref<1x1x50x128xf32, #tpu.memory_space<vmem>> -> memref<50x128xf32, #tpu.memory_space<vmem>>
      %dma_wait3A_2266 = arith.constant 0 : i32
      %dma_wait3A_2267 = tpu.memref_slice %arg5[%dma_wait3A_2258, %dma_wait3A_2266] : memref<128x50xi32, #tpu.memory_space<vmem>> -> memref<1x50xi32, #tpu.memory_space<vmem>>
      %dma_wait3A_2268 = tpu.memref_squeeze %dma_wait3A_2267 : memref<1x50xi32, #tpu.memory_space<vmem>> -> memref<50xi32, #tpu.memory_space<vmem>>
      %dma_wait3A_2269 = arith.constant 0 : i32
      %dma_wait3A_2270 = arith.constant 0 : i32
      %dma_wait3A_2271 = tpu.memref_slice %arg2[%dma_wait3A_2269, %dma_wait3A_2270] : memref<100000x128xf32, #tpu.memory_space<hbm>> -> memref<100000x128xf32, #tpu.memory_space<hbm>>
      %dma_wait3A_2272 = tpu.memref_slice %arg7[%dma_wait3A_2261] : memref<8x!tpu.dma_semaphore, #tpu.memory_space<semaphore_mem>> -> memref<1x!tpu.dma_semaphore, #tpu.memory_space<semaphore_mem>>
      %dma_wait3A_2273 = tpu.memref_squeeze %dma_wait3A_2272 : memref<1x!tpu.dma_semaphore, #tpu.memory_space<semaphore_mem>> -> memref<!tpu.dma_semaphore, #tpu.memory_space<semaphore_mem>>
      tpu.wait_indirect_dma semaphore(%dma_wait3A_2273 : memref<!tpu.dma_semaphore, #tpu.memory_space<semaphore_mem>>) src(%dma_wait3A_2271 : memref<100000x128xf32, #tpu.memory_space<hbm>>) dst(%dma_wait3A_2265 : memref<50x128xf32, #tpu.memory_space<vmem>>)
      %mul3A_2274 = arith.constant 2 : i32
      %mul3A_2275 = arith.muli %add3A_2181, %mul3A_2274 : i32
      %add3A_2276 = arith.addi %mul3A_2, %mul3A_2275 : i32
      %dma_start3A_2277 = arith.constant 4 : i32
      %dma_start3A_2278 = arith.constant 4 : i32
      %dma_start3A_2279 = arith.constant 0 : i32
      %dma_start3A_2280 = arith.constant 0 : i32
      %dma_start3A_2281 = arith.constant 0 : i32
      %dma_start3A_2282 = tpu.memref_slice %arg6[%dma_start3A_2277, %dma_start3A_2279, %dma_start3A_2280, %dma_start3A_2281] : memref<8x2x50x128xf32, #tpu.memory_space<vmem>> -> memref<1x2x50x128xf32, #tpu.memory_space<vmem>>
      %dma_start3A_2283 = tpu.memref_squeeze %dma_start3A_2282 : memref<1x2x50x128xf32, #tpu.memory_space<vmem>> -> memref<2x50x128xf32, #tpu.memory_space<vmem>>
      %dma_start3A_2284 = arith.constant 0 : i32
      %dma_start3A_2285 = arith.constant 0 : i32
      %dma_start3A_2286 = tpu.memref_slice %arg4[%add3A_2276, %dma_start3A_2284, %dma_start3A_2285] : memref<4096x50x128xf32, #tpu.memory_space<hbm>> -> memref<2x50x128xf32, #tpu.memory_space<hbm>>
      %dma_start3A_2287 = tpu.memref_slice %arg8[%dma_start3A_2278] : memref<8x!tpu.dma_semaphore, #tpu.memory_space<semaphore_mem>> -> memref<1x!tpu.dma_semaphore, #tpu.memory_space<semaphore_mem>>
      %dma_start3A_2288 = tpu.memref_squeeze %dma_start3A_2287 : memref<1x!tpu.dma_semaphore, #tpu.memory_space<semaphore_mem>> -> memref<!tpu.dma_semaphore, #tpu.memory_space<semaphore_mem>>
      %dma_start3A_2289 = arith.constant 0 : i32
      %dma_start3A_2290 = arith.constant 0 : i32
      %dma_start3A_2291 = tpu.memref_slice %arg4[%add3A_2276, %dma_start3A_2289, %dma_start3A_2290] : memref<4096x50x128xf32, #tpu.memory_space<hbm>> -> memref<2x50x128xf32, #tpu.memory_space<hbm>>
      %dma_start3A_2292 = arith.constant 0 : i32
      %dma_start3A_2293 = arith.constant 0 : i32
      %dma_start3A_2294 = arith.constant 0 : i32
      %dma_start3A_2295 = tpu.memref_slice %arg6[%dma_start3A_2277, %dma_start3A_2292, %dma_start3A_2293, %dma_start3A_2294] : memref<8x2x50x128xf32, #tpu.memory_space<vmem>> -> memref<1x2x50x128xf32, #tpu.memory_space<vmem>>
      %dma_start3A_2296 = tpu.memref_squeeze %dma_start3A_2295 : memref<1x2x50x128xf32, #tpu.memory_space<vmem>> -> memref<2x50x128xf32, #tpu.memory_space<vmem>>
      tpu.enqueue_dma source(%dma_start3A_2296 : memref<2x50x128xf32, #tpu.memory_space<vmem>>) target(%dma_start3A_2291 : memref<2x50x128xf32, #tpu.memory_space<hbm>>) target_semaphore(%dma_start3A_2288 : memref<!tpu.dma_semaphore, #tpu.memory_space<semaphore_mem>>)
      %mul3A_2297 = arith.constant 8 : i32
      %mul3A_2298 = arith.muli %scan3A_1701, %mul3A_2297 : i32
      %add3A_2299 = arith.constant 5 : i32
      %add3A_2300 = arith.addi %mul3A_2298, %add3A_2299 : i32
      %dma_wait3A_2301 = arith.constant 0 : i32
      %dma_wait3A_2302 = arith.constant 0 : i32
      %dma_wait3A_2303 = arith.constant 0 : i32
      %dma_wait3A_2304 = arith.constant 0 : i32
      %dma_wait3A_2305 = arith.constant 0 : i32
      %dma_wait3A_2306 = tpu.memref_slice %arg6[%dma_wait3A_2301, %dma_wait3A_2303, %dma_wait3A_2304, %dma_wait3A_2305] : memref<8x2x50x128xf32, #tpu.memory_space<vmem>> -> memref<1x2x50x128xf32, #tpu.memory_space<vmem>>
      %dma_wait3A_2307 = tpu.memref_squeeze %dma_wait3A_2306 : memref<1x2x50x128xf32, #tpu.memory_space<vmem>> -> memref<2x50x128xf32, #tpu.memory_space<vmem>>
      %dma_wait3A_2308 = arith.constant 0 : i32
      %dma_wait3A_2309 = arith.constant 0 : i32
      %dma_wait3A_2310 = tpu.memref_slice %arg4[%mul3A_2, %dma_wait3A_2308, %dma_wait3A_2309] : memref<4096x50x128xf32, #tpu.memory_space<hbm>> -> memref<2x50x128xf32, #tpu.memory_space<hbm>>
      %dma_wait3A_2311 = tpu.memref_slice %arg8[%dma_wait3A_2302] : memref<8x!tpu.dma_semaphore, #tpu.memory_space<semaphore_mem>> -> memref<1x!tpu.dma_semaphore, #tpu.memory_space<semaphore_mem>>
      %dma_wait3A_2312 = tpu.memref_squeeze %dma_wait3A_2311 : memref<1x!tpu.dma_semaphore, #tpu.memory_space<semaphore_mem>> -> memref<!tpu.dma_semaphore, #tpu.memory_space<semaphore_mem>>
      %dma_wait3A_2313 = arith.constant 0 : i32
      %dma_wait3A_2314 = arith.constant 0 : i32
      %dma_wait3A_2315 = tpu.memref_slice %arg4[%mul3A_2, %dma_wait3A_2313, %dma_wait3A_2314] : memref<4096x50x128xf32, #tpu.memory_space<hbm>> -> memref<2x50x128xf32, #tpu.memory_space<hbm>>
      %dma_wait3A_2316 = arith.constant 0 : i32
      %dma_wait3A_2317 = arith.constant 0 : i32
      %dma_wait3A_2318 = arith.constant 0 : i32
      %dma_wait3A_2319 = tpu.memref_slice %arg6[%dma_wait3A_2301, %dma_wait3A_2316, %dma_wait3A_2317, %dma_wait3A_2318] : memref<8x2x50x128xf32, #tpu.memory_space<vmem>> -> memref<1x2x50x128xf32, #tpu.memory_space<vmem>>
      %dma_wait3A_2320 = tpu.memref_squeeze %dma_wait3A_2319 : memref<1x2x50x128xf32, #tpu.memory_space<vmem>> -> memref<2x50x128xf32, #tpu.memory_space<vmem>>
      tpu.wait_dma2 semaphore(%dma_wait3A_2312 : memref<!tpu.dma_semaphore, #tpu.memory_space<semaphore_mem>>) src(%dma_wait3A_2320 : memref<2x50x128xf32, #tpu.memory_space<vmem>>) dst(%dma_wait3A_2315 : memref<2x50x128xf32, #tpu.memory_space<hbm>>)
      %add3A_2321 = arith.constant 3 : i32
      %add3A_2322 = arith.addi %add3A_2300, %add3A_2321 : i32
      %mul3A_2323 = arith.constant 2 : i32
      %mul3A_2324 = arith.muli %add3A_2322, %mul3A_2323 : i32
      %add3A_2325 = arith.constant 0 : i32
      %add3A_2326 = arith.addi %mul3A_2324, %add3A_2325 : i32
      %dma_start3A_2327 = arith.constant 0 : i32
      %dma_start3A_2328 = arith.constant 0 : i32
      %dma_start3A_2329 = arith.constant 0 : i32
      %dma_start3A_2330 = arith.constant 0 : i32
      %dma_start3A_2331 = arith.constant 0 : i32
      %dma_start3A_2332 = tpu.memref_slice %arg6[%dma_start3A_2327, %dma_start3A_2328, %dma_start3A_2330, %dma_start3A_2331] : memref<8x2x50x128xf32, #tpu.memory_space<vmem>> -> memref<1x1x50x128xf32, #tpu.memory_space<vmem>>
      %dma_start3A_2333 = tpu.memref_squeeze %dma_start3A_2332 : memref<1x1x50x128xf32, #tpu.memory_space<vmem>> -> memref<50x128xf32, #tpu.memory_space<vmem>>
      %dma_start3A_2334 = arith.constant 0 : i32
      %dma_start3A_2335 = tpu.memref_slice %arg5[%add3A_2326, %dma_start3A_2334] : memref<128x50xi32, #tpu.memory_space<vmem>> -> memref<1x50xi32, #tpu.memory_space<vmem>>
      %dma_start3A_2336 = tpu.memref_squeeze %dma_start3A_2335 : memref<1x50xi32, #tpu.memory_space<vmem>> -> memref<50xi32, #tpu.memory_space<vmem>>
      %dma_start3A_2337 = arith.constant 0 : i32
      %dma_start3A_2338 = arith.constant 0 : i32
      %dma_start3A_2339 = tpu.memref_slice %arg2[%dma_start3A_2337, %dma_start3A_2338] : memref<100000x128xf32, #tpu.memory_space<hbm>> -> memref<100000x128xf32, #tpu.memory_space<hbm>>
      %dma_start3A_2340 = tpu.memref_slice %arg7[%dma_start3A_2329] : memref<8x!tpu.dma_semaphore, #tpu.memory_space<semaphore_mem>> -> memref<1x!tpu.dma_semaphore, #tpu.memory_space<semaphore_mem>>
      %dma_start3A_2341 = tpu.memref_squeeze %dma_start3A_2340 : memref<1x!tpu.dma_semaphore, #tpu.memory_space<semaphore_mem>> -> memref<!tpu.dma_semaphore, #tpu.memory_space<semaphore_mem>>
      tpu.enqueue_indirect_dma source(%dma_start3A_2339 : memref<100000x128xf32, #tpu.memory_space<hbm>>) target(%dma_start3A_2333 : memref<50x128xf32, #tpu.memory_space<vmem>>) offsets(%dma_start3A_2336 : memref<50xi32, #tpu.memory_space<vmem>>) semaphore(%dma_start3A_2341 : memref<!tpu.dma_semaphore, #tpu.memory_space<semaphore_mem>>)
      %mul3A_2342 = arith.constant 2 : i32
      %mul3A_2343 = arith.muli %add3A_2322, %mul3A_2342 : i32
      %add3A_2344 = arith.constant 1 : i32
      %add3A_2345 = arith.addi %mul3A_2343, %add3A_2344 : i32
      %dma_start3A_2346 = arith.constant 0 : i32
      %dma_start3A_2347 = arith.constant 1 : i32
      %dma_start3A_2348 = arith.constant 0 : i32
      %dma_start3A_2349 = arith.constant 0 : i32
      %dma_start3A_2350 = arith.constant 0 : i32
      %dma_start3A_2351 = tpu.memref_slice %arg6[%dma_start3A_2346, %dma_start3A_2347, %dma_start3A_2349, %dma_start3A_2350] : memref<8x2x50x128xf32, #tpu.memory_space<vmem>> -> memref<1x1x50x128xf32, #tpu.memory_space<vmem>>
      %dma_start3A_2352 = tpu.memref_squeeze %dma_start3A_2351 : memref<1x1x50x128xf32, #tpu.memory_space<vmem>> -> memref<50x128xf32, #tpu.memory_space<vmem>>
      %dma_start3A_2353 = arith.constant 0 : i32
      %dma_start3A_2354 = tpu.memref_slice %arg5[%add3A_2345, %dma_start3A_2353] : memref<128x50xi32, #tpu.memory_space<vmem>> -> memref<1x50xi32, #tpu.memory_space<vmem>>
      %dma_start3A_2355 = tpu.memref_squeeze %dma_start3A_2354 : memref<1x50xi32, #tpu.memory_space<vmem>> -> memref<50xi32, #tpu.memory_space<vmem>>
      %dma_start3A_2356 = arith.constant 0 : i32
      %dma_start3A_2357 = arith.constant 0 : i32
      %dma_start3A_2358 = tpu.memref_slice %arg2[%dma_start3A_2356, %dma_start3A_2357] : memref<100000x128xf32, #tpu.memory_space<hbm>> -> memref<100000x128xf32, #tpu.memory_space<hbm>>
      %dma_start3A_2359 = tpu.memref_slice %arg7[%dma_start3A_2348] : memref<8x!tpu.dma_semaphore, #tpu.memory_space<semaphore_mem>> -> memref<1x!tpu.dma_semaphore, #tpu.memory_space<semaphore_mem>>
      %dma_start3A_2360 = tpu.memref_squeeze %dma_start3A_2359 : memref<1x!tpu.dma_semaphore, #tpu.memory_space<semaphore_mem>> -> memref<!tpu.dma_semaphore, #tpu.memory_space<semaphore_mem>>
      tpu.enqueue_indirect_dma source(%dma_start3A_2358 : memref<100000x128xf32, #tpu.memory_space<hbm>>) target(%dma_start3A_2352 : memref<50x128xf32, #tpu.memory_space<vmem>>) offsets(%dma_start3A_2355 : memref<50xi32, #tpu.memory_space<vmem>>) semaphore(%dma_start3A_2360 : memref<!tpu.dma_semaphore, #tpu.memory_space<semaphore_mem>>)
      %dma_wait3A_2361 = arith.constant 0 : i32
      %dma_wait3A_2362 = arith.constant 5 : i32
      %dma_wait3A_2363 = arith.constant 0 : i32
      %dma_wait3A_2364 = arith.constant 5 : i32
      %dma_wait3A_2365 = arith.constant 0 : i32
      %dma_wait3A_2366 = arith.constant 0 : i32
      %dma_wait3A_2367 = tpu.memref_slice %arg6[%dma_wait3A_2362, %dma_wait3A_2363, %dma_wait3A_2365, %dma_wait3A_2366] : memref<8x2x50x128xf32, #tpu.memory_space<vmem>> -> memref<1x1x50x128xf32, #tpu.memory_space<vmem>>
      %dma_wait3A_2368 = tpu.memref_squeeze %dma_wait3A_2367 : memref<1x1x50x128xf32, #tpu.memory_space<vmem>> -> memref<50x128xf32, #tpu.memory_space<vmem>>
      %dma_wait3A_2369 = arith.constant 0 : i32
      %dma_wait3A_2370 = tpu.memref_slice %arg5[%dma_wait3A_2361, %dma_wait3A_2369] : memref<128x50xi32, #tpu.memory_space<vmem>> -> memref<1x50xi32, #tpu.memory_space<vmem>>
      %dma_wait3A_2371 = tpu.memref_squeeze %dma_wait3A_2370 : memref<1x50xi32, #tpu.memory_space<vmem>> -> memref<50xi32, #tpu.memory_space<vmem>>
      %dma_wait3A_2372 = arith.constant 0 : i32
      %dma_wait3A_2373 = arith.constant 0 : i32
      %dma_wait3A_2374 = tpu.memref_slice %arg2[%dma_wait3A_2372, %dma_wait3A_2373] : memref<100000x128xf32, #tpu.memory_space<hbm>> -> memref<100000x128xf32, #tpu.memory_space<hbm>>
      %dma_wait3A_2375 = tpu.memref_slice %arg7[%dma_wait3A_2364] : memref<8x!tpu.dma_semaphore, #tpu.memory_space<semaphore_mem>> -> memref<1x!tpu.dma_semaphore, #tpu.memory_space<semaphore_mem>>
      %dma_wait3A_2376 = tpu.memref_squeeze %dma_wait3A_2375 : memref<1x!tpu.dma_semaphore, #tpu.memory_space<semaphore_mem>> -> memref<!tpu.dma_semaphore, #tpu.memory_space<semaphore_mem>>
      tpu.wait_indirect_dma semaphore(%dma_wait3A_2376 : memref<!tpu.dma_semaphore, #tpu.memory_space<semaphore_mem>>) src(%dma_wait3A_2374 : memref<100000x128xf32, #tpu.memory_space<hbm>>) dst(%dma_wait3A_2368 : memref<50x128xf32, #tpu.memory_space<vmem>>)
      %dma_wait3A_2377 = arith.constant 0 : i32
      %dma_wait3A_2378 = arith.constant 5 : i32
      %dma_wait3A_2379 = arith.constant 1 : i32
      %dma_wait3A_2380 = arith.constant 5 : i32
      %dma_wait3A_2381 = arith.constant 0 : i32
      %dma_wait3A_2382 = arith.constant 0 : i32
      %dma_wait3A_2383 = tpu.memref_slice %arg6[%dma_wait3A_2378, %dma_wait3A_2379, %dma_wait3A_2381, %dma_wait3A_2382] : memref<8x2x50x128xf32, #tpu.memory_space<vmem>> -> memref<1x1x50x128xf32, #tpu.memory_space<vmem>>
      %dma_wait3A_2384 = tpu.memref_squeeze %dma_wait3A_2383 : memref<1x1x50x128xf32, #tpu.memory_space<vmem>> -> memref<50x128xf32, #tpu.memory_space<vmem>>
      %dma_wait3A_2385 = arith.constant 0 : i32
      %dma_wait3A_2386 = tpu.memref_slice %arg5[%dma_wait3A_2377, %dma_wait3A_2385] : memref<128x50xi32, #tpu.memory_space<vmem>> -> memref<1x50xi32, #tpu.memory_space<vmem>>
      %dma_wait3A_2387 = tpu.memref_squeeze %dma_wait3A_2386 : memref<1x50xi32, #tpu.memory_space<vmem>> -> memref<50xi32, #tpu.memory_space<vmem>>
      %dma_wait3A_2388 = arith.constant 0 : i32
      %dma_wait3A_2389 = arith.constant 0 : i32
      %dma_wait3A_2390 = tpu.memref_slice %arg2[%dma_wait3A_2388, %dma_wait3A_2389] : memref<100000x128xf32, #tpu.memory_space<hbm>> -> memref<100000x128xf32, #tpu.memory_space<hbm>>
      %dma_wait3A_2391 = tpu.memref_slice %arg7[%dma_wait3A_2380] : memref<8x!tpu.dma_semaphore, #tpu.memory_space<semaphore_mem>> -> memref<1x!tpu.dma_semaphore, #tpu.memory_space<semaphore_mem>>
      %dma_wait3A_2392 = tpu.memref_squeeze %dma_wait3A_2391 : memref<1x!tpu.dma_semaphore, #tpu.memory_space<semaphore_mem>> -> memref<!tpu.dma_semaphore, #tpu.memory_space<semaphore_mem>>
      tpu.wait_indirect_dma semaphore(%dma_wait3A_2392 : memref<!tpu.dma_semaphore, #tpu.memory_space<semaphore_mem>>) src(%dma_wait3A_2390 : memref<100000x128xf32, #tpu.memory_space<hbm>>) dst(%dma_wait3A_2384 : memref<50x128xf32, #tpu.memory_space<vmem>>)
      %mul3A_2393 = arith.constant 2 : i32
      %mul3A_2394 = arith.muli %add3A_2300, %mul3A_2393 : i32
      %add3A_2395 = arith.addi %mul3A_2, %mul3A_2394 : i32
      %dma_start3A_2396 = arith.constant 5 : i32
      %dma_start3A_2397 = arith.constant 5 : i32
      %dma_start3A_2398 = arith.constant 0 : i32
      %dma_start3A_2399 = arith.constant 0 : i32
      %dma_start3A_2400 = arith.constant 0 : i32
      %dma_start3A_2401 = tpu.memref_slice %arg6[%dma_start3A_2396, %dma_start3A_2398, %dma_start3A_2399, %dma_start3A_2400] : memref<8x2x50x128xf32, #tpu.memory_space<vmem>> -> memref<1x2x50x128xf32, #tpu.memory_space<vmem>>
      %dma_start3A_2402 = tpu.memref_squeeze %dma_start3A_2401 : memref<1x2x50x128xf32, #tpu.memory_space<vmem>> -> memref<2x50x128xf32, #tpu.memory_space<vmem>>
      %dma_start3A_2403 = arith.constant 0 : i32
      %dma_start3A_2404 = arith.constant 0 : i32
      %dma_start3A_2405 = tpu.memref_slice %arg4[%add3A_2395, %dma_start3A_2403, %dma_start3A_2404] : memref<4096x50x128xf32, #tpu.memory_space<hbm>> -> memref<2x50x128xf32, #tpu.memory_space<hbm>>
      %dma_start3A_2406 = tpu.memref_slice %arg8[%dma_start3A_2397] : memref<8x!tpu.dma_semaphore, #tpu.memory_space<semaphore_mem>> -> memref<1x!tpu.dma_semaphore, #tpu.memory_space<semaphore_mem>>
      %dma_start3A_2407 = tpu.memref_squeeze %dma_start3A_2406 : memref<1x!tpu.dma_semaphore, #tpu.memory_space<semaphore_mem>> -> memref<!tpu.dma_semaphore, #tpu.memory_space<semaphore_mem>>
      %dma_start3A_2408 = arith.constant 0 : i32
      %dma_start3A_2409 = arith.constant 0 : i32
      %dma_start3A_2410 = tpu.memref_slice %arg4[%add3A_2395, %dma_start3A_2408, %dma_start3A_2409] : memref<4096x50x128xf32, #tpu.memory_space<hbm>> -> memref<2x50x128xf32, #tpu.memory_space<hbm>>
      %dma_start3A_2411 = arith.constant 0 : i32
      %dma_start3A_2412 = arith.constant 0 : i32
      %dma_start3A_2413 = arith.constant 0 : i32
      %dma_start3A_2414 = tpu.memref_slice %arg6[%dma_start3A_2396, %dma_start3A_2411, %dma_start3A_2412, %dma_start3A_2413] : memref<8x2x50x128xf32, #tpu.memory_space<vmem>> -> memref<1x2x50x128xf32, #tpu.memory_space<vmem>>
      %dma_start3A_2415 = tpu.memref_squeeze %dma_start3A_2414 : memref<1x2x50x128xf32, #tpu.memory_space<vmem>> -> memref<2x50x128xf32, #tpu.memory_space<vmem>>
      tpu.enqueue_dma source(%dma_start3A_2415 : memref<2x50x128xf32, #tpu.memory_space<vmem>>) target(%dma_start3A_2410 : memref<2x50x128xf32, #tpu.memory_space<hbm>>) target_semaphore(%dma_start3A_2407 : memref<!tpu.dma_semaphore, #tpu.memory_space<semaphore_mem>>)
      %mul3A_2416 = arith.constant 8 : i32
      %mul3A_2417 = arith.muli %scan3A_1701, %mul3A_2416 : i32
      %add3A_2418 = arith.constant 6 : i32
      %add3A_2419 = arith.addi %mul3A_2417, %add3A_2418 : i32
      %dma_wait3A_2420 = arith.constant 1 : i32
      %dma_wait3A_2421 = arith.constant 1 : i32
      %dma_wait3A_2422 = arith.constant 0 : i32
      %dma_wait3A_2423 = arith.constant 0 : i32
      %dma_wait3A_2424 = arith.constant 0 : i32
      %dma_wait3A_2425 = tpu.memref_slice %arg6[%dma_wait3A_2420, %dma_wait3A_2422, %dma_wait3A_2423, %dma_wait3A_2424] : memref<8x2x50x128xf32, #tpu.memory_space<vmem>> -> memref<1x2x50x128xf32, #tpu.memory_space<vmem>>
      %dma_wait3A_2426 = tpu.memref_squeeze %dma_wait3A_2425 : memref<1x2x50x128xf32, #tpu.memory_space<vmem>> -> memref<2x50x128xf32, #tpu.memory_space<vmem>>
      %dma_wait3A_2427 = arith.constant 0 : i32
      %dma_wait3A_2428 = arith.constant 0 : i32
      %dma_wait3A_2429 = tpu.memref_slice %arg4[%mul3A_2, %dma_wait3A_2427, %dma_wait3A_2428] : memref<4096x50x128xf32, #tpu.memory_space<hbm>> -> memref<2x50x128xf32, #tpu.memory_space<hbm>>
      %dma_wait3A_2430 = tpu.memref_slice %arg8[%dma_wait3A_2421] : memref<8x!tpu.dma_semaphore, #tpu.memory_space<semaphore_mem>> -> memref<1x!tpu.dma_semaphore, #tpu.memory_space<semaphore_mem>>
      %dma_wait3A_2431 = tpu.memref_squeeze %dma_wait3A_2430 : memref<1x!tpu.dma_semaphore, #tpu.memory_space<semaphore_mem>> -> memref<!tpu.dma_semaphore, #tpu.memory_space<semaphore_mem>>
      %dma_wait3A_2432 = arith.constant 0 : i32
      %dma_wait3A_2433 = arith.constant 0 : i32
      %dma_wait3A_2434 = tpu.memref_slice %arg4[%mul3A_2, %dma_wait3A_2432, %dma_wait3A_2433] : memref<4096x50x128xf32, #tpu.memory_space<hbm>> -> memref<2x50x128xf32, #tpu.memory_space<hbm>>
      %dma_wait3A_2435 = arith.constant 0 : i32
      %dma_wait3A_2436 = arith.constant 0 : i32
      %dma_wait3A_2437 = arith.constant 0 : i32
      %dma_wait3A_2438 = tpu.memref_slice %arg6[%dma_wait3A_2420, %dma_wait3A_2435, %dma_wait3A_2436, %dma_wait3A_2437] : memref<8x2x50x128xf32, #tpu.memory_space<vmem>> -> memref<1x2x50x128xf32, #tpu.memory_space<vmem>>
      %dma_wait3A_2439 = tpu.memref_squeeze %dma_wait3A_2438 : memref<1x2x50x128xf32, #tpu.memory_space<vmem>> -> memref<2x50x128xf32, #tpu.memory_space<vmem>>
      tpu.wait_dma2 semaphore(%dma_wait3A_2431 : memref<!tpu.dma_semaphore, #tpu.memory_space<semaphore_mem>>) src(%dma_wait3A_2439 : memref<2x50x128xf32, #tpu.memory_space<vmem>>) dst(%dma_wait3A_2434 : memref<2x50x128xf32, #tpu.memory_space<hbm>>)
      %add3A_2440 = arith.constant 3 : i32
      %add3A_2441 = arith.addi %add3A_2419, %add3A_2440 : i32
      %mul3A_2442 = arith.constant 2 : i32
      %mul3A_2443 = arith.muli %add3A_2441, %mul3A_2442 : i32
      %add3A_2444 = arith.constant 0 : i32
      %add3A_2445 = arith.addi %mul3A_2443, %add3A_2444 : i32
      %dma_start3A_2446 = arith.constant 1 : i32
      %dma_start3A_2447 = arith.constant 0 : i32
      %dma_start3A_2448 = arith.constant 1 : i32
      %dma_start3A_2449 = arith.constant 0 : i32
      %dma_start3A_2450 = arith.constant 0 : i32
      %dma_start3A_2451 = tpu.memref_slice %arg6[%dma_start3A_2446, %dma_start3A_2447, %dma_start3A_2449, %dma_start3A_2450] : memref<8x2x50x128xf32, #tpu.memory_space<vmem>> -> memref<1x1x50x128xf32, #tpu.memory_space<vmem>>
      %dma_start3A_2452 = tpu.memref_squeeze %dma_start3A_2451 : memref<1x1x50x128xf32, #tpu.memory_space<vmem>> -> memref<50x128xf32, #tpu.memory_space<vmem>>
      %dma_start3A_2453 = arith.constant 0 : i32
      %dma_start3A_2454 = tpu.memref_slice %arg5[%add3A_2445, %dma_start3A_2453] : memref<128x50xi32, #tpu.memory_space<vmem>> -> memref<1x50xi32, #tpu.memory_space<vmem>>
      %dma_start3A_2455 = tpu.memref_squeeze %dma_start3A_2454 : memref<1x50xi32, #tpu.memory_space<vmem>> -> memref<50xi32, #tpu.memory_space<vmem>>
      %dma_start3A_2456 = arith.constant 0 : i32
      %dma_start3A_2457 = arith.constant 0 : i32
      %dma_start3A_2458 = tpu.memref_slice %arg2[%dma_start3A_2456, %dma_start3A_2457] : memref<100000x128xf32, #tpu.memory_space<hbm>> -> memref<100000x128xf32, #tpu.memory_space<hbm>>
      %dma_start3A_2459 = tpu.memref_slice %arg7[%dma_start3A_2448] : memref<8x!tpu.dma_semaphore, #tpu.memory_space<semaphore_mem>> -> memref<1x!tpu.dma_semaphore, #tpu.memory_space<semaphore_mem>>
      %dma_start3A_2460 = tpu.memref_squeeze %dma_start3A_2459 : memref<1x!tpu.dma_semaphore, #tpu.memory_space<semaphore_mem>> -> memref<!tpu.dma_semaphore, #tpu.memory_space<semaphore_mem>>
      tpu.enqueue_indirect_dma source(%dma_start3A_2458 : memref<100000x128xf32, #tpu.memory_space<hbm>>) target(%dma_start3A_2452 : memref<50x128xf32, #tpu.memory_space<vmem>>) offsets(%dma_start3A_2455 : memref<50xi32, #tpu.memory_space<vmem>>) semaphore(%dma_start3A_2460 : memref<!tpu.dma_semaphore, #tpu.memory_space<semaphore_mem>>)
      %mul3A_2461 = arith.constant 2 : i32
      %mul3A_2462 = arith.muli %add3A_2441, %mul3A_2461 : i32
      %add3A_2463 = arith.constant 1 : i32
      %add3A_2464 = arith.addi %mul3A_2462, %add3A_2463 : i32
      %dma_start3A_2465 = arith.constant 1 : i32
      %dma_start3A_2466 = arith.constant 1 : i32
      %dma_start3A_2467 = arith.constant 1 : i32
      %dma_start3A_2468 = arith.constant 0 : i32
      %dma_start3A_2469 = arith.constant 0 : i32
      %dma_start3A_2470 = tpu.memref_slice %arg6[%dma_start3A_2465, %dma_start3A_2466, %dma_start3A_2468, %dma_start3A_2469] : memref<8x2x50x128xf32, #tpu.memory_space<vmem>> -> memref<1x1x50x128xf32, #tpu.memory_space<vmem>>
      %dma_start3A_2471 = tpu.memref_squeeze %dma_start3A_2470 : memref<1x1x50x128xf32, #tpu.memory_space<vmem>> -> memref<50x128xf32, #tpu.memory_space<vmem>>
      %dma_start3A_2472 = arith.constant 0 : i32
      %dma_start3A_2473 = tpu.memref_slice %arg5[%add3A_2464, %dma_start3A_2472] : memref<128x50xi32, #tpu.memory_space<vmem>> -> memref<1x50xi32, #tpu.memory_space<vmem>>
      %dma_start3A_2474 = tpu.memref_squeeze %dma_start3A_2473 : memref<1x50xi32, #tpu.memory_space<vmem>> -> memref<50xi32, #tpu.memory_space<vmem>>
      %dma_start3A_2475 = arith.constant 0 : i32
      %dma_start3A_2476 = arith.constant 0 : i32
      %dma_start3A_2477 = tpu.memref_slice %arg2[%dma_start3A_2475, %dma_start3A_2476] : memref<100000x128xf32, #tpu.memory_space<hbm>> -> memref<100000x128xf32, #tpu.memory_space<hbm>>
      %dma_start3A_2478 = tpu.memref_slice %arg7[%dma_start3A_2467] : memref<8x!tpu.dma_semaphore, #tpu.memory_space<semaphore_mem>> -> memref<1x!tpu.dma_semaphore, #tpu.memory_space<semaphore_mem>>
      %dma_start3A_2479 = tpu.memref_squeeze %dma_start3A_2478 : memref<1x!tpu.dma_semaphore, #tpu.memory_space<semaphore_mem>> -> memref<!tpu.dma_semaphore, #tpu.memory_space<semaphore_mem>>
      tpu.enqueue_indirect_dma source(%dma_start3A_2477 : memref<100000x128xf32, #tpu.memory_space<hbm>>) target(%dma_start3A_2471 : memref<50x128xf32, #tpu.memory_space<vmem>>) offsets(%dma_start3A_2474 : memref<50xi32, #tpu.memory_space<vmem>>) semaphore(%dma_start3A_2479 : memref<!tpu.dma_semaphore, #tpu.memory_space<semaphore_mem>>)
      %dma_wait3A_2480 = arith.constant 0 : i32
      %dma_wait3A_2481 = arith.constant 6 : i32
      %dma_wait3A_2482 = arith.constant 0 : i32
      %dma_wait3A_2483 = arith.constant 6 : i32
      %dma_wait3A_2484 = arith.constant 0 : i32
      %dma_wait3A_2485 = arith.constant 0 : i32
      %dma_wait3A_2486 = tpu.memref_slice %arg6[%dma_wait3A_2481, %dma_wait3A_2482, %dma_wait3A_2484, %dma_wait3A_2485] : memref<8x2x50x128xf32, #tpu.memory_space<vmem>> -> memref<1x1x50x128xf32, #tpu.memory_space<vmem>>
      %dma_wait3A_2487 = tpu.memref_squeeze %dma_wait3A_2486 : memref<1x1x50x128xf32, #tpu.memory_space<vmem>> -> memref<50x128xf32, #tpu.memory_space<vmem>>
      %dma_wait3A_2488 = arith.constant 0 : i32
      %dma_wait3A_2489 = tpu.memref_slice %arg5[%dma_wait3A_2480, %dma_wait3A_2488] : memref<128x50xi32, #tpu.memory_space<vmem>> -> memref<1x50xi32, #tpu.memory_space<vmem>>
      %dma_wait3A_2490 = tpu.memref_squeeze %dma_wait3A_2489 : memref<1x50xi32, #tpu.memory_space<vmem>> -> memref<50xi32, #tpu.memory_space<vmem>>
      %dma_wait3A_2491 = arith.constant 0 : i32
      %dma_wait3A_2492 = arith.constant 0 : i32
      %dma_wait3A_2493 = tpu.memref_slice %arg2[%dma_wait3A_2491, %dma_wait3A_2492] : memref<100000x128xf32, #tpu.memory_space<hbm>> -> memref<100000x128xf32, #tpu.memory_space<hbm>>
      %dma_wait3A_2494 = tpu.memref_slice %arg7[%dma_wait3A_2483] : memref<8x!tpu.dma_semaphore, #tpu.memory_space<semaphore_mem>> -> memref<1x!tpu.dma_semaphore, #tpu.memory_space<semaphore_mem>>
      %dma_wait3A_2495 = tpu.memref_squeeze %dma_wait3A_2494 : memref<1x!tpu.dma_semaphore, #tpu.memory_space<semaphore_mem>> -> memref<!tpu.dma_semaphore, #tpu.memory_space<semaphore_mem>>
      tpu.wait_indirect_dma semaphore(%dma_wait3A_2495 : memref<!tpu.dma_semaphore, #tpu.memory_space<semaphore_mem>>) src(%dma_wait3A_2493 : memref<100000x128xf32, #tpu.memory_space<hbm>>) dst(%dma_wait3A_2487 : memref<50x128xf32, #tpu.memory_space<vmem>>)
      %dma_wait3A_2496 = arith.constant 0 : i32
      %dma_wait3A_2497 = arith.constant 6 : i32
      %dma_wait3A_2498 = arith.constant 1 : i32
      %dma_wait3A_2499 = arith.constant 6 : i32
      %dma_wait3A_2500 = arith.constant 0 : i32
      %dma_wait3A_2501 = arith.constant 0 : i32
      %dma_wait3A_2502 = tpu.memref_slice %arg6[%dma_wait3A_2497, %dma_wait3A_2498, %dma_wait3A_2500, %dma_wait3A_2501] : memref<8x2x50x128xf32, #tpu.memory_space<vmem>> -> memref<1x1x50x128xf32, #tpu.memory_space<vmem>>
      %dma_wait3A_2503 = tpu.memref_squeeze %dma_wait3A_2502 : memref<1x1x50x128xf32, #tpu.memory_space<vmem>> -> memref<50x128xf32, #tpu.memory_space<vmem>>
      %dma_wait3A_2504 = arith.constant 0 : i32
      %dma_wait3A_2505 = tpu.memref_slice %arg5[%dma_wait3A_2496, %dma_wait3A_2504] : memref<128x50xi32, #tpu.memory_space<vmem>> -> memref<1x50xi32, #tpu.memory_space<vmem>>
      %dma_wait3A_2506 = tpu.memref_squeeze %dma_wait3A_2505 : memref<1x50xi32, #tpu.memory_space<vmem>> -> memref<50xi32, #tpu.memory_space<vmem>>
      %dma_wait3A_2507 = arith.constant 0 : i32
      %dma_wait3A_2508 = arith.constant 0 : i32
      %dma_wait3A_2509 = tpu.memref_slice %arg2[%dma_wait3A_2507, %dma_wait3A_2508] : memref<100000x128xf32, #tpu.memory_space<hbm>> -> memref<100000x128xf32, #tpu.memory_space<hbm>>
      %dma_wait3A_2510 = tpu.memref_slice %arg7[%dma_wait3A_2499] : memref<8x!tpu.dma_semaphore, #tpu.memory_space<semaphore_mem>> -> memref<1x!tpu.dma_semaphore, #tpu.memory_space<semaphore_mem>>
      %dma_wait3A_2511 = tpu.memref_squeeze %dma_wait3A_2510 : memref<1x!tpu.dma_semaphore, #tpu.memory_space<semaphore_mem>> -> memref<!tpu.dma_semaphore, #tpu.memory_space<semaphore_mem>>
      tpu.wait_indirect_dma semaphore(%dma_wait3A_2511 : memref<!tpu.dma_semaphore, #tpu.memory_space<semaphore_mem>>) src(%dma_wait3A_2509 : memref<100000x128xf32, #tpu.memory_space<hbm>>) dst(%dma_wait3A_2503 : memref<50x128xf32, #tpu.memory_space<vmem>>)
      %mul3A_2512 = arith.constant 2 : i32
      %mul3A_2513 = arith.muli %add3A_2419, %mul3A_2512 : i32
      %add3A_2514 = arith.addi %mul3A_2, %mul3A_2513 : i32
      %dma_start3A_2515 = arith.constant 6 : i32
      %dma_start3A_2516 = arith.constant 6 : i32
      %dma_start3A_2517 = arith.constant 0 : i32
      %dma_start3A_2518 = arith.constant 0 : i32
      %dma_start3A_2519 = arith.constant 0 : i32
      %dma_start3A_2520 = tpu.memref_slice %arg6[%dma_start3A_2515, %dma_start3A_2517, %dma_start3A_2518, %dma_start3A_2519] : memref<8x2x50x128xf32, #tpu.memory_space<vmem>> -> memref<1x2x50x128xf32, #tpu.memory_space<vmem>>
      %dma_start3A_2521 = tpu.memref_squeeze %dma_start3A_2520 : memref<1x2x50x128xf32, #tpu.memory_space<vmem>> -> memref<2x50x128xf32, #tpu.memory_space<vmem>>
      %dma_start3A_2522 = arith.constant 0 : i32
      %dma_start3A_2523 = arith.constant 0 : i32
      %dma_start3A_2524 = tpu.memref_slice %arg4[%add3A_2514, %dma_start3A_2522, %dma_start3A_2523] : memref<4096x50x128xf32, #tpu.memory_space<hbm>> -> memref<2x50x128xf32, #tpu.memory_space<hbm>>
      %dma_start3A_2525 = tpu.memref_slice %arg8[%dma_start3A_2516] : memref<8x!tpu.dma_semaphore, #tpu.memory_space<semaphore_mem>> -> memref<1x!tpu.dma_semaphore, #tpu.memory_space<semaphore_mem>>
      %dma_start3A_2526 = tpu.memref_squeeze %dma_start3A_2525 : memref<1x!tpu.dma_semaphore, #tpu.memory_space<semaphore_mem>> -> memref<!tpu.dma_semaphore, #tpu.memory_space<semaphore_mem>>
      %dma_start3A_2527 = arith.constant 0 : i32
      %dma_start3A_2528 = arith.constant 0 : i32
      %dma_start3A_2529 = tpu.memref_slice %arg4[%add3A_2514, %dma_start3A_2527, %dma_start3A_2528] : memref<4096x50x128xf32, #tpu.memory_space<hbm>> -> memref<2x50x128xf32, #tpu.memory_space<hbm>>
      %dma_start3A_2530 = arith.constant 0 : i32
      %dma_start3A_2531 = arith.constant 0 : i32
      %dma_start3A_2532 = arith.constant 0 : i32
      %dma_start3A_2533 = tpu.memref_slice %arg6[%dma_start3A_2515, %dma_start3A_2530, %dma_start3A_2531, %dma_start3A_2532] : memref<8x2x50x128xf32, #tpu.memory_space<vmem>> -> memref<1x2x50x128xf32, #tpu.memory_space<vmem>>
      %dma_start3A_2534 = tpu.memref_squeeze %dma_start3A_2533 : memref<1x2x50x128xf32, #tpu.memory_space<vmem>> -> memref<2x50x128xf32, #tpu.memory_space<vmem>>
      tpu.enqueue_dma source(%dma_start3A_2534 : memref<2x50x128xf32, #tpu.memory_space<vmem>>) target(%dma_start3A_2529 : memref<2x50x128xf32, #tpu.memory_space<hbm>>) target_semaphore(%dma_start3A_2526 : memref<!tpu.dma_semaphore, #tpu.memory_space<semaphore_mem>>)
      %mul3A_2535 = arith.constant 8 : i32
      %mul3A_2536 = arith.muli %scan3A_1701, %mul3A_2535 : i32
      %add3A_2537 = arith.constant 7 : i32
      %add3A_2538 = arith.addi %mul3A_2536, %add3A_2537 : i32
      %dma_wait3A_2539 = arith.constant 2 : i32
      %dma_wait3A_2540 = arith.constant 2 : i32
      %dma_wait3A_2541 = arith.constant 0 : i32
      %dma_wait3A_2542 = arith.constant 0 : i32
      %dma_wait3A_2543 = arith.constant 0 : i32
      %dma_wait3A_2544 = tpu.memref_slice %arg6[%dma_wait3A_2539, %dma_wait3A_2541, %dma_wait3A_2542, %dma_wait3A_2543] : memref<8x2x50x128xf32, #tpu.memory_space<vmem>> -> memref<1x2x50x128xf32, #tpu.memory_space<vmem>>
      %dma_wait3A_2545 = tpu.memref_squeeze %dma_wait3A_2544 : memref<1x2x50x128xf32, #tpu.memory_space<vmem>> -> memref<2x50x128xf32, #tpu.memory_space<vmem>>
      %dma_wait3A_2546 = arith.constant 0 : i32
      %dma_wait3A_2547 = arith.constant 0 : i32
      %dma_wait3A_2548 = tpu.memref_slice %arg4[%mul3A_2, %dma_wait3A_2546, %dma_wait3A_2547] : memref<4096x50x128xf32, #tpu.memory_space<hbm>> -> memref<2x50x128xf32, #tpu.memory_space<hbm>>
      %dma_wait3A_2549 = tpu.memref_slice %arg8[%dma_wait3A_2540] : memref<8x!tpu.dma_semaphore, #tpu.memory_space<semaphore_mem>> -> memref<1x!tpu.dma_semaphore, #tpu.memory_space<semaphore_mem>>
      %dma_wait3A_2550 = tpu.memref_squeeze %dma_wait3A_2549 : memref<1x!tpu.dma_semaphore, #tpu.memory_space<semaphore_mem>> -> memref<!tpu.dma_semaphore, #tpu.memory_space<semaphore_mem>>
      %dma_wait3A_2551 = arith.constant 0 : i32
      %dma_wait3A_2552 = arith.constant 0 : i32
      %dma_wait3A_2553 = tpu.memref_slice %arg4[%mul3A_2, %dma_wait3A_2551, %dma_wait3A_2552] : memref<4096x50x128xf32, #tpu.memory_space<hbm>> -> memref<2x50x128xf32, #tpu.memory_space<hbm>>
      %dma_wait3A_2554 = arith.constant 0 : i32
      %dma_wait3A_2555 = arith.constant 0 : i32
      %dma_wait3A_2556 = arith.constant 0 : i32
      %dma_wait3A_2557 = tpu.memref_slice %arg6[%dma_wait3A_2539, %dma_wait3A_2554, %dma_wait3A_2555, %dma_wait3A_2556] : memref<8x2x50x128xf32, #tpu.memory_space<vmem>> -> memref<1x2x50x128xf32, #tpu.memory_space<vmem>>
      %dma_wait3A_2558 = tpu.memref_squeeze %dma_wait3A_2557 : memref<1x2x50x128xf32, #tpu.memory_space<vmem>> -> memref<2x50x128xf32, #tpu.memory_space<vmem>>
      tpu.wait_dma2 semaphore(%dma_wait3A_2550 : memref<!tpu.dma_semaphore, #tpu.memory_space<semaphore_mem>>) src(%dma_wait3A_2558 : memref<2x50x128xf32, #tpu.memory_space<vmem>>) dst(%dma_wait3A_2553 : memref<2x50x128xf32, #tpu.memory_space<hbm>>)
      %add3A_2559 = arith.constant 3 : i32
      %add3A_2560 = arith.addi %add3A_2538, %add3A_2559 : i32
      %mul3A_2561 = arith.constant 2 : i32
      %mul3A_2562 = arith.muli %add3A_2560, %mul3A_2561 : i32
      %add3A_2563 = arith.constant 0 : i32
      %add3A_2564 = arith.addi %mul3A_2562, %add3A_2563 : i32
      %dma_start3A_2565 = arith.constant 2 : i32
      %dma_start3A_2566 = arith.constant 0 : i32
      %dma_start3A_2567 = arith.constant 2 : i32
      %dma_start3A_2568 = arith.constant 0 : i32
      %dma_start3A_2569 = arith.constant 0 : i32
      %dma_start3A_2570 = tpu.memref_slice %arg6[%dma_start3A_2565, %dma_start3A_2566, %dma_start3A_2568, %dma_start3A_2569] : memref<8x2x50x128xf32, #tpu.memory_space<vmem>> -> memref<1x1x50x128xf32, #tpu.memory_space<vmem>>
      %dma_start3A_2571 = tpu.memref_squeeze %dma_start3A_2570 : memref<1x1x50x128xf32, #tpu.memory_space<vmem>> -> memref<50x128xf32, #tpu.memory_space<vmem>>
      %dma_start3A_2572 = arith.constant 0 : i32
      %dma_start3A_2573 = tpu.memref_slice %arg5[%add3A_2564, %dma_start3A_2572] : memref<128x50xi32, #tpu.memory_space<vmem>> -> memref<1x50xi32, #tpu.memory_space<vmem>>
      %dma_start3A_2574 = tpu.memref_squeeze %dma_start3A_2573 : memref<1x50xi32, #tpu.memory_space<vmem>> -> memref<50xi32, #tpu.memory_space<vmem>>
      %dma_start3A_2575 = arith.constant 0 : i32
      %dma_start3A_2576 = arith.constant 0 : i32
      %dma_start3A_2577 = tpu.memref_slice %arg2[%dma_start3A_2575, %dma_start3A_2576] : memref<100000x128xf32, #tpu.memory_space<hbm>> -> memref<100000x128xf32, #tpu.memory_space<hbm>>
      %dma_start3A_2578 = tpu.memref_slice %arg7[%dma_start3A_2567] : memref<8x!tpu.dma_semaphore, #tpu.memory_space<semaphore_mem>> -> memref<1x!tpu.dma_semaphore, #tpu.memory_space<semaphore_mem>>
      %dma_start3A_2579 = tpu.memref_squeeze %dma_start3A_2578 : memref<1x!tpu.dma_semaphore, #tpu.memory_space<semaphore_mem>> -> memref<!tpu.dma_semaphore, #tpu.memory_space<semaphore_mem>>
      tpu.enqueue_indirect_dma source(%dma_start3A_2577 : memref<100000x128xf32, #tpu.memory_space<hbm>>) target(%dma_start3A_2571 : memref<50x128xf32, #tpu.memory_space<vmem>>) offsets(%dma_start3A_2574 : memref<50xi32, #tpu.memory_space<vmem>>) semaphore(%dma_start3A_2579 : memref<!tpu.dma_semaphore, #tpu.memory_space<semaphore_mem>>)
      %mul3A_2580 = arith.constant 2 : i32
      %mul3A_2581 = arith.muli %add3A_2560, %mul3A_2580 : i32
      %add3A_2582 = arith.constant 1 : i32
      %add3A_2583 = arith.addi %mul3A_2581, %add3A_2582 : i32
      %dma_start3A_2584 = arith.constant 2 : i32
      %dma_start3A_2585 = arith.constant 1 : i32
      %dma_start3A_2586 = arith.constant 2 : i32
      %dma_start3A_2587 = arith.constant 0 : i32
      %dma_start3A_2588 = arith.constant 0 : i32
      %dma_start3A_2589 = tpu.memref_slice %arg6[%dma_start3A_2584, %dma_start3A_2585, %dma_start3A_2587, %dma_start3A_2588] : memref<8x2x50x128xf32, #tpu.memory_space<vmem>> -> memref<1x1x50x128xf32, #tpu.memory_space<vmem>>
      %dma_start3A_2590 = tpu.memref_squeeze %dma_start3A_2589 : memref<1x1x50x128xf32, #tpu.memory_space<vmem>> -> memref<50x128xf32, #tpu.memory_space<vmem>>
      %dma_start3A_2591 = arith.constant 0 : i32
      %dma_start3A_2592 = tpu.memref_slice %arg5[%add3A_2583, %dma_start3A_2591] : memref<128x50xi32, #tpu.memory_space<vmem>> -> memref<1x50xi32, #tpu.memory_space<vmem>>
      %dma_start3A_2593 = tpu.memref_squeeze %dma_start3A_2592 : memref<1x50xi32, #tpu.memory_space<vmem>> -> memref<50xi32, #tpu.memory_space<vmem>>
      %dma_start3A_2594 = arith.constant 0 : i32
      %dma_start3A_2595 = arith.constant 0 : i32
      %dma_start3A_2596 = tpu.memref_slice %arg2[%dma_start3A_2594, %dma_start3A_2595] : memref<100000x128xf32, #tpu.memory_space<hbm>> -> memref<100000x128xf32, #tpu.memory_space<hbm>>
      %dma_start3A_2597 = tpu.memref_slice %arg7[%dma_start3A_2586] : memref<8x!tpu.dma_semaphore, #tpu.memory_space<semaphore_mem>> -> memref<1x!tpu.dma_semaphore, #tpu.memory_space<semaphore_mem>>
      %dma_start3A_2598 = tpu.memref_squeeze %dma_start3A_2597 : memref<1x!tpu.dma_semaphore, #tpu.memory_space<semaphore_mem>> -> memref<!tpu.dma_semaphore, #tpu.memory_space<semaphore_mem>>
      tpu.enqueue_indirect_dma source(%dma_start3A_2596 : memref<100000x128xf32, #tpu.memory_space<hbm>>) target(%dma_start3A_2590 : memref<50x128xf32, #tpu.memory_space<vmem>>) offsets(%dma_start3A_2593 : memref<50xi32, #tpu.memory_space<vmem>>) semaphore(%dma_start3A_2598 : memref<!tpu.dma_semaphore, #tpu.memory_space<semaphore_mem>>)
      %dma_wait3A_2599 = arith.constant 0 : i32
      %dma_wait3A_2600 = arith.constant 7 : i32
      %dma_wait3A_2601 = arith.constant 0 : i32
      %dma_wait3A_2602 = arith.constant 7 : i32
      %dma_wait3A_2603 = arith.constant 0 : i32
      %dma_wait3A_2604 = arith.constant 0 : i32
      %dma_wait3A_2605 = tpu.memref_slice %arg6[%dma_wait3A_2600, %dma_wait3A_2601, %dma_wait3A_2603, %dma_wait3A_2604] : memref<8x2x50x128xf32, #tpu.memory_space<vmem>> -> memref<1x1x50x128xf32, #tpu.memory_space<vmem>>
      %dma_wait3A_2606 = tpu.memref_squeeze %dma_wait3A_2605 : memref<1x1x50x128xf32, #tpu.memory_space<vmem>> -> memref<50x128xf32, #tpu.memory_space<vmem>>
      %dma_wait3A_2607 = arith.constant 0 : i32
      %dma_wait3A_2608 = tpu.memref_slice %arg5[%dma_wait3A_2599, %dma_wait3A_2607] : memref<128x50xi32, #tpu.memory_space<vmem>> -> memref<1x50xi32, #tpu.memory_space<vmem>>
      %dma_wait3A_2609 = tpu.memref_squeeze %dma_wait3A_2608 : memref<1x50xi32, #tpu.memory_space<vmem>> -> memref<50xi32, #tpu.memory_space<vmem>>
      %dma_wait3A_2610 = arith.constant 0 : i32
      %dma_wait3A_2611 = arith.constant 0 : i32
      %dma_wait3A_2612 = tpu.memref_slice %arg2[%dma_wait3A_2610, %dma_wait3A_2611] : memref<100000x128xf32, #tpu.memory_space<hbm>> -> memref<100000x128xf32, #tpu.memory_space<hbm>>
      %dma_wait3A_2613 = tpu.memref_slice %arg7[%dma_wait3A_2602] : memref<8x!tpu.dma_semaphore, #tpu.memory_space<semaphore_mem>> -> memref<1x!tpu.dma_semaphore, #tpu.memory_space<semaphore_mem>>
      %dma_wait3A_2614 = tpu.memref_squeeze %dma_wait3A_2613 : memref<1x!tpu.dma_semaphore, #tpu.memory_space<semaphore_mem>> -> memref<!tpu.dma_semaphore, #tpu.memory_space<semaphore_mem>>
      tpu.wait_indirect_dma semaphore(%dma_wait3A_2614 : memref<!tpu.dma_semaphore, #tpu.memory_space<semaphore_mem>>) src(%dma_wait3A_2612 : memref<100000x128xf32, #tpu.memory_space<hbm>>) dst(%dma_wait3A_2606 : memref<50x128xf32, #tpu.memory_space<vmem>>)
      %dma_wait3A_2615 = arith.constant 0 : i32
      %dma_wait3A_2616 = arith.constant 7 : i32
      %dma_wait3A_2617 = arith.constant 1 : i32
      %dma_wait3A_2618 = arith.constant 7 : i32
      %dma_wait3A_2619 = arith.constant 0 : i32
      %dma_wait3A_2620 = arith.constant 0 : i32
      %dma_wait3A_2621 = tpu.memref_slice %arg6[%dma_wait3A_2616, %dma_wait3A_2617, %dma_wait3A_2619, %dma_wait3A_2620] : memref<8x2x50x128xf32, #tpu.memory_space<vmem>> -> memref<1x1x50x128xf32, #tpu.memory_space<vmem>>
      %dma_wait3A_2622 = tpu.memref_squeeze %dma_wait3A_2621 : memref<1x1x50x128xf32, #tpu.memory_space<vmem>> -> memref<50x128xf32, #tpu.memory_space<vmem>>
      %dma_wait3A_2623 = arith.constant 0 : i32
      %dma_wait3A_2624 = tpu.memref_slice %arg5[%dma_wait3A_2615, %dma_wait3A_2623] : memref<128x50xi32, #tpu.memory_space<vmem>> -> memref<1x50xi32, #tpu.memory_space<vmem>>
      %dma_wait3A_2625 = tpu.memref_squeeze %dma_wait3A_2624 : memref<1x50xi32, #tpu.memory_space<vmem>> -> memref<50xi32, #tpu.memory_space<vmem>>
      %dma_wait3A_2626 = arith.constant 0 : i32
      %dma_wait3A_2627 = arith.constant 0 : i32
      %dma_wait3A_2628 = tpu.memref_slice %arg2[%dma_wait3A_2626, %dma_wait3A_2627] : memref<100000x128xf32, #tpu.memory_space<hbm>> -> memref<100000x128xf32, #tpu.memory_space<hbm>>
      %dma_wait3A_2629 = tpu.memref_slice %arg7[%dma_wait3A_2618] : memref<8x!tpu.dma_semaphore, #tpu.memory_space<semaphore_mem>> -> memref<1x!tpu.dma_semaphore, #tpu.memory_space<semaphore_mem>>
      %dma_wait3A_2630 = tpu.memref_squeeze %dma_wait3A_2629 : memref<1x!tpu.dma_semaphore, #tpu.memory_space<semaphore_mem>> -> memref<!tpu.dma_semaphore, #tpu.memory_space<semaphore_mem>>
      tpu.wait_indirect_dma semaphore(%dma_wait3A_2630 : memref<!tpu.dma_semaphore, #tpu.memory_space<semaphore_mem>>) src(%dma_wait3A_2628 : memref<100000x128xf32, #tpu.memory_space<hbm>>) dst(%dma_wait3A_2622 : memref<50x128xf32, #tpu.memory_space<vmem>>)
      %mul3A_2631 = arith.constant 2 : i32
      %mul3A_2632 = arith.muli %add3A_2538, %mul3A_2631 : i32
      %add3A_2633 = arith.addi %mul3A_2, %mul3A_2632 : i32
      %dma_start3A_2634 = arith.constant 7 : i32
      %dma_start3A_2635 = arith.constant 7 : i32
      %dma_start3A_2636 = arith.constant 0 : i32
      %dma_start3A_2637 = arith.constant 0 : i32
      %dma_start3A_2638 = arith.constant 0 : i32
      %dma_start3A_2639 = tpu.memref_slice %arg6[%dma_start3A_2634, %dma_start3A_2636, %dma_start3A_2637, %dma_start3A_2638] : memref<8x2x50x128xf32, #tpu.memory_space<vmem>> -> memref<1x2x50x128xf32, #tpu.memory_space<vmem>>
      %dma_start3A_2640 = tpu.memref_squeeze %dma_start3A_2639 : memref<1x2x50x128xf32, #tpu.memory_space<vmem>> -> memref<2x50x128xf32, #tpu.memory_space<vmem>>
      %dma_start3A_2641 = arith.constant 0 : i32
      %dma_start3A_2642 = arith.constant 0 : i32
      %dma_start3A_2643 = tpu.memref_slice %arg4[%add3A_2633, %dma_start3A_2641, %dma_start3A_2642] : memref<4096x50x128xf32, #tpu.memory_space<hbm>> -> memref<2x50x128xf32, #tpu.memory_space<hbm>>
      %dma_start3A_2644 = tpu.memref_slice %arg8[%dma_start3A_2635] : memref<8x!tpu.dma_semaphore, #tpu.memory_space<semaphore_mem>> -> memref<1x!tpu.dma_semaphore, #tpu.memory_space<semaphore_mem>>
      %dma_start3A_2645 = tpu.memref_squeeze %dma_start3A_2644 : memref<1x!tpu.dma_semaphore, #tpu.memory_space<semaphore_mem>> -> memref<!tpu.dma_semaphore, #tpu.memory_space<semaphore_mem>>
      %dma_start3A_2646 = arith.constant 0 : i32
      %dma_start3A_2647 = arith.constant 0 : i32
      %dma_start3A_2648 = tpu.memref_slice %arg4[%add3A_2633, %dma_start3A_2646, %dma_start3A_2647] : memref<4096x50x128xf32, #tpu.memory_space<hbm>> -> memref<2x50x128xf32, #tpu.memory_space<hbm>>
      %dma_start3A_2649 = arith.constant 0 : i32
      %dma_start3A_2650 = arith.constant 0 : i32
      %dma_start3A_2651 = arith.constant 0 : i32
      %dma_start3A_2652 = tpu.memref_slice %arg6[%dma_start3A_2634, %dma_start3A_2649, %dma_start3A_2650, %dma_start3A_2651] : memref<8x2x50x128xf32, #tpu.memory_space<vmem>> -> memref<1x2x50x128xf32, #tpu.memory_space<vmem>>
      %dma_start3A_2653 = tpu.memref_squeeze %dma_start3A_2652 : memref<1x2x50x128xf32, #tpu.memory_space<vmem>> -> memref<2x50x128xf32, #tpu.memory_space<vmem>>
      tpu.enqueue_dma source(%dma_start3A_2653 : memref<2x50x128xf32, #tpu.memory_space<vmem>>) target(%dma_start3A_2648 : memref<2x50x128xf32, #tpu.memory_space<hbm>>) target_semaphore(%dma_start3A_2645 : memref<!tpu.dma_semaphore, #tpu.memory_space<semaphore_mem>>)
    }
    %scan3A_848 = arith.constant 6 : i32
    %dma_wait3A_849 = arith.constant 3 : i32
    %dma_wait3A_850 = arith.constant 3 : i32
    %dma_wait3A_851 = arith.constant 0 : i32
    %dma_wait3A_852 = arith.constant 0 : i32
    %dma_wait3A_853 = arith.constant 0 : i32
    %dma_wait3A_854 = tpu.memref_slice %arg6[%dma_wait3A_849, %dma_wait3A_851, %dma_wait3A_852, %dma_wait3A_853] : memref<8x2x50x128xf32, #tpu.memory_space<vmem>> -> memref<1x2x50x128xf32, #tpu.memory_space<vmem>>
    %dma_wait3A_855 = tpu.memref_squeeze %dma_wait3A_854 : memref<1x2x50x128xf32, #tpu.memory_space<vmem>> -> memref<2x50x128xf32, #tpu.memory_space<vmem>>
    %dma_wait3A_856 = arith.constant 0 : i32
    %dma_wait3A_857 = arith.constant 0 : i32
    %dma_wait3A_858 = tpu.memref_slice %arg4[%mul3A_2, %dma_wait3A_856, %dma_wait3A_857] : memref<4096x50x128xf32, #tpu.memory_space<hbm>> -> memref<2x50x128xf32, #tpu.memory_space<hbm>>
    %dma_wait3A_859 = tpu.memref_slice %arg8[%dma_wait3A_850] : memref<8x!tpu.dma_semaphore, #tpu.memory_space<semaphore_mem>> -> memref<1x!tpu.dma_semaphore, #tpu.memory_space<semaphore_mem>>
    %dma_wait3A_860 = tpu.memref_squeeze %dma_wait3A_859 : memref<1x!tpu.dma_semaphore, #tpu.memory_space<semaphore_mem>> -> memref<!tpu.dma_semaphore, #tpu.memory_space<semaphore_mem>>
    %dma_wait3A_861 = arith.constant 0 : i32
    %dma_wait3A_862 = arith.constant 0 : i32
    %dma_wait3A_863 = tpu.memref_slice %arg4[%mul3A_2, %dma_wait3A_861, %dma_wait3A_862] : memref<4096x50x128xf32, #tpu.memory_space<hbm>> -> memref<2x50x128xf32, #tpu.memory_space<hbm>>
    %dma_wait3A_864 = arith.constant 0 : i32
    %dma_wait3A_865 = arith.constant 0 : i32
    %dma_wait3A_866 = arith.constant 0 : i32
    %dma_wait3A_867 = tpu.memref_slice %arg6[%dma_wait3A_849, %dma_wait3A_864, %dma_wait3A_865, %dma_wait3A_866] : memref<8x2x50x128xf32, #tpu.memory_space<vmem>> -> memref<1x2x50x128xf32, #tpu.memory_space<vmem>>
    %dma_wait3A_868 = tpu.memref_squeeze %dma_wait3A_867 : memref<1x2x50x128xf32, #tpu.memory_space<vmem>> -> memref<2x50x128xf32, #tpu.memory_space<vmem>>
    tpu.wait_dma2 semaphore(%dma_wait3A_860 : memref<!tpu.dma_semaphore, #tpu.memory_space<semaphore_mem>>) src(%dma_wait3A_868 : memref<2x50x128xf32, #tpu.memory_space<vmem>>) dst(%dma_wait3A_863 : memref<2x50x128xf32, #tpu.memory_space<hbm>>)
    %dma_start3A_869 = arith.constant 118 : i32
    %dma_start3A_870 = arith.constant 3 : i32
    %dma_start3A_871 = arith.constant 0 : i32
    %dma_start3A_872 = arith.constant 3 : i32
    %dma_start3A_873 = arith.constant 0 : i32
    %dma_start3A_874 = arith.constant 0 : i32
    %dma_start3A_875 = tpu.memref_slice %arg6[%dma_start3A_870, %dma_start3A_871, %dma_start3A_873, %dma_start3A_874] : memref<8x2x50x128xf32, #tpu.memory_space<vmem>> -> memref<1x1x50x128xf32, #tpu.memory_space<vmem>>
    %dma_start3A_876 = tpu.memref_squeeze %dma_start3A_875 : memref<1x1x50x128xf32, #tpu.memory_space<vmem>> -> memref<50x128xf32, #tpu.memory_space<vmem>>
    %dma_start3A_877 = arith.constant 0 : i32
    %dma_start3A_878 = tpu.memref_slice %arg5[%dma_start3A_869, %dma_start3A_877] : memref<128x50xi32, #tpu.memory_space<vmem>> -> memref<1x50xi32, #tpu.memory_space<vmem>>
    %dma_start3A_879 = tpu.memref_squeeze %dma_start3A_878 : memref<1x50xi32, #tpu.memory_space<vmem>> -> memref<50xi32, #tpu.memory_space<vmem>>
    %dma_start3A_880 = arith.constant 0 : i32
    %dma_start3A_881 = arith.constant 0 : i32
    %dma_start3A_882 = tpu.memref_slice %arg2[%dma_start3A_880, %dma_start3A_881] : memref<100000x128xf32, #tpu.memory_space<hbm>> -> memref<100000x128xf32, #tpu.memory_space<hbm>>
    %dma_start3A_883 = tpu.memref_slice %arg7[%dma_start3A_872] : memref<8x!tpu.dma_semaphore, #tpu.memory_space<semaphore_mem>> -> memref<1x!tpu.dma_semaphore, #tpu.memory_space<semaphore_mem>>
    %dma_start3A_884 = tpu.memref_squeeze %dma_start3A_883 : memref<1x!tpu.dma_semaphore, #tpu.memory_space<semaphore_mem>> -> memref<!tpu.dma_semaphore, #tpu.memory_space<semaphore_mem>>
    tpu.enqueue_indirect_dma source(%dma_start3A_882 : memref<100000x128xf32, #tpu.memory_space<hbm>>) target(%dma_start3A_876 : memref<50x128xf32, #tpu.memory_space<vmem>>) offsets(%dma_start3A_879 : memref<50xi32, #tpu.memory_space<vmem>>) semaphore(%dma_start3A_884 : memref<!tpu.dma_semaphore, #tpu.memory_space<semaphore_mem>>)
    %dma_start3A_885 = arith.constant 119 : i32
    %dma_start3A_886 = arith.constant 3 : i32
    %dma_start3A_887 = arith.constant 1 : i32
    %dma_start3A_888 = arith.constant 3 : i32
    %dma_start3A_889 = arith.constant 0 : i32
    %dma_start3A_890 = arith.constant 0 : i32
    %dma_start3A_891 = tpu.memref_slice %arg6[%dma_start3A_886, %dma_start3A_887, %dma_start3A_889, %dma_start3A_890] : memref<8x2x50x128xf32, #tpu.memory_space<vmem>> -> memref<1x1x50x128xf32, #tpu.memory_space<vmem>>
    %dma_start3A_892 = tpu.memref_squeeze %dma_start3A_891 : memref<1x1x50x128xf32, #tpu.memory_space<vmem>> -> memref<50x128xf32, #tpu.memory_space<vmem>>
    %dma_start3A_893 = arith.constant 0 : i32
    %dma_start3A_894 = tpu.memref_slice %arg5[%dma_start3A_885, %dma_start3A_893] : memref<128x50xi32, #tpu.memory_space<vmem>> -> memref<1x50xi32, #tpu.memory_space<vmem>>
    %dma_start3A_895 = tpu.memref_squeeze %dma_start3A_894 : memref<1x50xi32, #tpu.memory_space<vmem>> -> memref<50xi32, #tpu.memory_space<vmem>>
    %dma_start3A_896 = arith.constant 0 : i32
    %dma_start3A_897 = arith.constant 0 : i32
    %dma_start3A_898 = tpu.memref_slice %arg2[%dma_start3A_896, %dma_start3A_897] : memref<100000x128xf32, #tpu.memory_space<hbm>> -> memref<100000x128xf32, #tpu.memory_space<hbm>>
    %dma_start3A_899 = tpu.memref_slice %arg7[%dma_start3A_888] : memref<8x!tpu.dma_semaphore, #tpu.memory_space<semaphore_mem>> -> memref<1x!tpu.dma_semaphore, #tpu.memory_space<semaphore_mem>>
    %dma_start3A_900 = tpu.memref_squeeze %dma_start3A_899 : memref<1x!tpu.dma_semaphore, #tpu.memory_space<semaphore_mem>> -> memref<!tpu.dma_semaphore, #tpu.memory_space<semaphore_mem>>
    tpu.enqueue_indirect_dma source(%dma_start3A_898 : memref<100000x128xf32, #tpu.memory_space<hbm>>) target(%dma_start3A_892 : memref<50x128xf32, #tpu.memory_space<vmem>>) offsets(%dma_start3A_895 : memref<50xi32, #tpu.memory_space<vmem>>) semaphore(%dma_start3A_900 : memref<!tpu.dma_semaphore, #tpu.memory_space<semaphore_mem>>)
    %dma_wait3A_901 = arith.constant 0 : i32
    %dma_wait3A_902 = arith.constant 0 : i32
    %dma_wait3A_903 = arith.constant 0 : i32
    %dma_wait3A_904 = arith.constant 0 : i32
    %dma_wait3A_905 = arith.constant 0 : i32
    %dma_wait3A_906 = arith.constant 0 : i32
    %dma_wait3A_907 = tpu.memref_slice %arg6[%dma_wait3A_902, %dma_wait3A_903, %dma_wait3A_905, %dma_wait3A_906] : memref<8x2x50x128xf32, #tpu.memory_space<vmem>> -> memref<1x1x50x128xf32, #tpu.memory_space<vmem>>
    %dma_wait3A_908 = tpu.memref_squeeze %dma_wait3A_907 : memref<1x1x50x128xf32, #tpu.memory_space<vmem>> -> memref<50x128xf32, #tpu.memory_space<vmem>>
    %dma_wait3A_909 = arith.constant 0 : i32
    %dma_wait3A_910 = tpu.memref_slice %arg5[%dma_wait3A_901, %dma_wait3A_909] : memref<128x50xi32, #tpu.memory_space<vmem>> -> memref<1x50xi32, #tpu.memory_space<vmem>>
    %dma_wait3A_911 = tpu.memref_squeeze %dma_wait3A_910 : memref<1x50xi32, #tpu.memory_space<vmem>> -> memref<50xi32, #tpu.memory_space<vmem>>
    %dma_wait3A_912 = arith.constant 0 : i32
    %dma_wait3A_913 = arith.constant 0 : i32
    %dma_wait3A_914 = tpu.memref_slice %arg2[%dma_wait3A_912, %dma_wait3A_913] : memref<100000x128xf32, #tpu.memory_space<hbm>> -> memref<100000x128xf32, #tpu.memory_space<hbm>>
    %dma_wait3A_915 = tpu.memref_slice %arg7[%dma_wait3A_904] : memref<8x!tpu.dma_semaphore, #tpu.memory_space<semaphore_mem>> -> memref<1x!tpu.dma_semaphore, #tpu.memory_space<semaphore_mem>>
    %dma_wait3A_916 = tpu.memref_squeeze %dma_wait3A_915 : memref<1x!tpu.dma_semaphore, #tpu.memory_space<semaphore_mem>> -> memref<!tpu.dma_semaphore, #tpu.memory_space<semaphore_mem>>
    tpu.wait_indirect_dma semaphore(%dma_wait3A_916 : memref<!tpu.dma_semaphore, #tpu.memory_space<semaphore_mem>>) src(%dma_wait3A_914 : memref<100000x128xf32, #tpu.memory_space<hbm>>) dst(%dma_wait3A_908 : memref<50x128xf32, #tpu.memory_space<vmem>>)
    %dma_wait3A_917 = arith.constant 0 : i32
    %dma_wait3A_918 = arith.constant 0 : i32
    %dma_wait3A_919 = arith.constant 1 : i32
    %dma_wait3A_920 = arith.constant 0 : i32
    %dma_wait3A_921 = arith.constant 0 : i32
    %dma_wait3A_922 = arith.constant 0 : i32
    %dma_wait3A_923 = tpu.memref_slice %arg6[%dma_wait3A_918, %dma_wait3A_919, %dma_wait3A_921, %dma_wait3A_922] : memref<8x2x50x128xf32, #tpu.memory_space<vmem>> -> memref<1x1x50x128xf32, #tpu.memory_space<vmem>>
    %dma_wait3A_924 = tpu.memref_squeeze %dma_wait3A_923 : memref<1x1x50x128xf32, #tpu.memory_space<vmem>> -> memref<50x128xf32, #tpu.memory_space<vmem>>
    %dma_wait3A_925 = arith.constant 0 : i32
    %dma_wait3A_926 = tpu.memref_slice %arg5[%dma_wait3A_917, %dma_wait3A_925] : memref<128x50xi32, #tpu.memory_space<vmem>> -> memref<1x50xi32, #tpu.memory_space<vmem>>
    %dma_wait3A_927 = tpu.memref_squeeze %dma_wait3A_926 : memref<1x50xi32, #tpu.memory_space<vmem>> -> memref<50xi32, #tpu.memory_space<vmem>>
    %dma_wait3A_928 = arith.constant 0 : i32
    %dma_wait3A_929 = arith.constant 0 : i32
    %dma_wait3A_930 = tpu.memref_slice %arg2[%dma_wait3A_928, %dma_wait3A_929] : memref<100000x128xf32, #tpu.memory_space<hbm>> -> memref<100000x128xf32, #tpu.memory_space<hbm>>
    %dma_wait3A_931 = tpu.memref_slice %arg7[%dma_wait3A_920] : memref<8x!tpu.dma_semaphore, #tpu.memory_space<semaphore_mem>> -> memref<1x!tpu.dma_semaphore, #tpu.memory_space<semaphore_mem>>
    %dma_wait3A_932 = tpu.memref_squeeze %dma_wait3A_931 : memref<1x!tpu.dma_semaphore, #tpu.memory_space<semaphore_mem>> -> memref<!tpu.dma_semaphore, #tpu.memory_space<semaphore_mem>>
    tpu.wait_indirect_dma semaphore(%dma_wait3A_932 : memref<!tpu.dma_semaphore, #tpu.memory_space<semaphore_mem>>) src(%dma_wait3A_930 : memref<100000x128xf32, #tpu.memory_space<hbm>>) dst(%dma_wait3A_924 : memref<50x128xf32, #tpu.memory_space<vmem>>)
    %add3A_933 = arith.constant 112 : i32
    %add3A_934 = arith.addi %mul3A_2, %add3A_933 : i32
    %dma_start3A_935 = arith.constant 0 : i32
    %dma_start3A_936 = arith.constant 0 : i32
    %dma_start3A_937 = arith.constant 0 : i32
    %dma_start3A_938 = arith.constant 0 : i32
    %dma_start3A_939 = arith.constant 0 : i32
    %dma_start3A_940 = tpu.memref_slice %arg6[%dma_start3A_935, %dma_start3A_937, %dma_start3A_938, %dma_start3A_939] : memref<8x2x50x128xf32, #tpu.memory_space<vmem>> -> memref<1x2x50x128xf32, #tpu.memory_space<vmem>>
    %dma_start3A_941 = tpu.memref_squeeze %dma_start3A_940 : memref<1x2x50x128xf32, #tpu.memory_space<vmem>> -> memref<2x50x128xf32, #tpu.memory_space<vmem>>
    %dma_start3A_942 = arith.constant 0 : i32
    %dma_start3A_943 = arith.constant 0 : i32
    %dma_start3A_944 = tpu.memref_slice %arg4[%add3A_934, %dma_start3A_942, %dma_start3A_943] : memref<4096x50x128xf32, #tpu.memory_space<hbm>> -> memref<2x50x128xf32, #tpu.memory_space<hbm>>
    %dma_start3A_945 = tpu.memref_slice %arg8[%dma_start3A_936] : memref<8x!tpu.dma_semaphore, #tpu.memory_space<semaphore_mem>> -> memref<1x!tpu.dma_semaphore, #tpu.memory_space<semaphore_mem>>
    %dma_start3A_946 = tpu.memref_squeeze %dma_start3A_945 : memref<1x!tpu.dma_semaphore, #tpu.memory_space<semaphore_mem>> -> memref<!tpu.dma_semaphore, #tpu.memory_space<semaphore_mem>>
    %dma_start3A_947 = arith.constant 0 : i32
    %dma_start3A_948 = arith.constant 0 : i32
    %dma_start3A_949 = tpu.memref_slice %arg4[%add3A_934, %dma_start3A_947, %dma_start3A_948] : memref<4096x50x128xf32, #tpu.memory_space<hbm>> -> memref<2x50x128xf32, #tpu.memory_space<hbm>>
    %dma_start3A_950 = arith.constant 0 : i32
    %dma_start3A_951 = arith.constant 0 : i32
    %dma_start3A_952 = arith.constant 0 : i32
    %dma_start3A_953 = tpu.memref_slice %arg6[%dma_start3A_935, %dma_start3A_950, %dma_start3A_951, %dma_start3A_952] : memref<8x2x50x128xf32, #tpu.memory_space<vmem>> -> memref<1x2x50x128xf32, #tpu.memory_space<vmem>>
    %dma_start3A_954 = tpu.memref_squeeze %dma_start3A_953 : memref<1x2x50x128xf32, #tpu.memory_space<vmem>> -> memref<2x50x128xf32, #tpu.memory_space<vmem>>
    tpu.enqueue_dma source(%dma_start3A_954 : memref<2x50x128xf32, #tpu.memory_space<vmem>>) target(%dma_start3A_949 : memref<2x50x128xf32, #tpu.memory_space<hbm>>) target_semaphore(%dma_start3A_946 : memref<!tpu.dma_semaphore, #tpu.memory_space<semaphore_mem>>)
    %dma_wait3A_955 = arith.constant 4 : i32
    %dma_wait3A_956 = arith.constant 4 : i32
    %dma_wait3A_957 = arith.constant 0 : i32
    %dma_wait3A_958 = arith.constant 0 : i32
    %dma_wait3A_959 = arith.constant 0 : i32
    %dma_wait3A_960 = tpu.memref_slice %arg6[%dma_wait3A_955, %dma_wait3A_957, %dma_wait3A_958, %dma_wait3A_959] : memref<8x2x50x128xf32, #tpu.memory_space<vmem>> -> memref<1x2x50x128xf32, #tpu.memory_space<vmem>>
    %dma_wait3A_961 = tpu.memref_squeeze %dma_wait3A_960 : memref<1x2x50x128xf32, #tpu.memory_space<vmem>> -> memref<2x50x128xf32, #tpu.memory_space<vmem>>
    %dma_wait3A_962 = arith.constant 0 : i32
    %dma_wait3A_963 = arith.constant 0 : i32
    %dma_wait3A_964 = tpu.memref_slice %arg4[%mul3A_2, %dma_wait3A_962, %dma_wait3A_963] : memref<4096x50x128xf32, #tpu.memory_space<hbm>> -> memref<2x50x128xf32, #tpu.memory_space<hbm>>
    %dma_wait3A_965 = tpu.memref_slice %arg8[%dma_wait3A_956] : memref<8x!tpu.dma_semaphore, #tpu.memory_space<semaphore_mem>> -> memref<1x!tpu.dma_semaphore, #tpu.memory_space<semaphore_mem>>
    %dma_wait3A_966 = tpu.memref_squeeze %dma_wait3A_965 : memref<1x!tpu.dma_semaphore, #tpu.memory_space<semaphore_mem>> -> memref<!tpu.dma_semaphore, #tpu.memory_space<semaphore_mem>>
    %dma_wait3A_967 = arith.constant 0 : i32
    %dma_wait3A_968 = arith.constant 0 : i32
    %dma_wait3A_969 = tpu.memref_slice %arg4[%mul3A_2, %dma_wait3A_967, %dma_wait3A_968] : memref<4096x50x128xf32, #tpu.memory_space<hbm>> -> memref<2x50x128xf32, #tpu.memory_space<hbm>>
    %dma_wait3A_970 = arith.constant 0 : i32
    %dma_wait3A_971 = arith.constant 0 : i32
    %dma_wait3A_972 = arith.constant 0 : i32
    %dma_wait3A_973 = tpu.memref_slice %arg6[%dma_wait3A_955, %dma_wait3A_970, %dma_wait3A_971, %dma_wait3A_972] : memref<8x2x50x128xf32, #tpu.memory_space<vmem>> -> memref<1x2x50x128xf32, #tpu.memory_space<vmem>>
    %dma_wait3A_974 = tpu.memref_squeeze %dma_wait3A_973 : memref<1x2x50x128xf32, #tpu.memory_space<vmem>> -> memref<2x50x128xf32, #tpu.memory_space<vmem>>
    tpu.wait_dma2 semaphore(%dma_wait3A_966 : memref<!tpu.dma_semaphore, #tpu.memory_space<semaphore_mem>>) src(%dma_wait3A_974 : memref<2x50x128xf32, #tpu.memory_space<vmem>>) dst(%dma_wait3A_969 : memref<2x50x128xf32, #tpu.memory_space<hbm>>)
    %dma_start3A_975 = arith.constant 120 : i32
    %dma_start3A_976 = arith.constant 4 : i32
    %dma_start3A_977 = arith.constant 0 : i32
    %dma_start3A_978 = arith.constant 4 : i32
    %dma_start3A_979 = arith.constant 0 : i32
    %dma_start3A_980 = arith.constant 0 : i32
    %dma_start3A_981 = tpu.memref_slice %arg6[%dma_start3A_976, %dma_start3A_977, %dma_start3A_979, %dma_start3A_980] : memref<8x2x50x128xf32, #tpu.memory_space<vmem>> -> memref<1x1x50x128xf32, #tpu.memory_space<vmem>>
    %dma_start3A_982 = tpu.memref_squeeze %dma_start3A_981 : memref<1x1x50x128xf32, #tpu.memory_space<vmem>> -> memref<50x128xf32, #tpu.memory_space<vmem>>
    %dma_start3A_983 = arith.constant 0 : i32
    %dma_start3A_984 = tpu.memref_slice %arg5[%dma_start3A_975, %dma_start3A_983] : memref<128x50xi32, #tpu.memory_space<vmem>> -> memref<1x50xi32, #tpu.memory_space<vmem>>
    %dma_start3A_985 = tpu.memref_squeeze %dma_start3A_984 : memref<1x50xi32, #tpu.memory_space<vmem>> -> memref<50xi32, #tpu.memory_space<vmem>>
    %dma_start3A_986 = arith.constant 0 : i32
    %dma_start3A_987 = arith.constant 0 : i32
    %dma_start3A_988 = tpu.memref_slice %arg2[%dma_start3A_986, %dma_start3A_987] : memref<100000x128xf32, #tpu.memory_space<hbm>> -> memref<100000x128xf32, #tpu.memory_space<hbm>>
    %dma_start3A_989 = tpu.memref_slice %arg7[%dma_start3A_978] : memref<8x!tpu.dma_semaphore, #tpu.memory_space<semaphore_mem>> -> memref<1x!tpu.dma_semaphore, #tpu.memory_space<semaphore_mem>>
    %dma_start3A_990 = tpu.memref_squeeze %dma_start3A_989 : memref<1x!tpu.dma_semaphore, #tpu.memory_space<semaphore_mem>> -> memref<!tpu.dma_semaphore, #tpu.memory_space<semaphore_mem>>
    tpu.enqueue_indirect_dma source(%dma_start3A_988 : memref<100000x128xf32, #tpu.memory_space<hbm>>) target(%dma_start3A_982 : memref<50x128xf32, #tpu.memory_space<vmem>>) offsets(%dma_start3A_985 : memref<50xi32, #tpu.memory_space<vmem>>) semaphore(%dma_start3A_990 : memref<!tpu.dma_semaphore, #tpu.memory_space<semaphore_mem>>)
    %dma_start3A_991 = arith.constant 121 : i32
    %dma_start3A_992 = arith.constant 4 : i32
    %dma_start3A_993 = arith.constant 1 : i32
    %dma_start3A_994 = arith.constant 4 : i32
    %dma_start3A_995 = arith.constant 0 : i32
    %dma_start3A_996 = arith.constant 0 : i32
    %dma_start3A_997 = tpu.memref_slice %arg6[%dma_start3A_992, %dma_start3A_993, %dma_start3A_995, %dma_start3A_996] : memref<8x2x50x128xf32, #tpu.memory_space<vmem>> -> memref<1x1x50x128xf32, #tpu.memory_space<vmem>>
    %dma_start3A_998 = tpu.memref_squeeze %dma_start3A_997 : memref<1x1x50x128xf32, #tpu.memory_space<vmem>> -> memref<50x128xf32, #tpu.memory_space<vmem>>
    %dma_start3A_999 = arith.constant 0 : i32
    %dma_start3A_1000 = tpu.memref_slice %arg5[%dma_start3A_991, %dma_start3A_999] : memref<128x50xi32, #tpu.memory_space<vmem>> -> memref<1x50xi32, #tpu.memory_space<vmem>>
    %dma_start3A_1001 = tpu.memref_squeeze %dma_start3A_1000 : memref<1x50xi32, #tpu.memory_space<vmem>> -> memref<50xi32, #tpu.memory_space<vmem>>
    %dma_start3A_1002 = arith.constant 0 : i32
    %dma_start3A_1003 = arith.constant 0 : i32
    %dma_start3A_1004 = tpu.memref_slice %arg2[%dma_start3A_1002, %dma_start3A_1003] : memref<100000x128xf32, #tpu.memory_space<hbm>> -> memref<100000x128xf32, #tpu.memory_space<hbm>>
    %dma_start3A_1005 = tpu.memref_slice %arg7[%dma_start3A_994] : memref<8x!tpu.dma_semaphore, #tpu.memory_space<semaphore_mem>> -> memref<1x!tpu.dma_semaphore, #tpu.memory_space<semaphore_mem>>
    %dma_start3A_1006 = tpu.memref_squeeze %dma_start3A_1005 : memref<1x!tpu.dma_semaphore, #tpu.memory_space<semaphore_mem>> -> memref<!tpu.dma_semaphore, #tpu.memory_space<semaphore_mem>>
    tpu.enqueue_indirect_dma source(%dma_start3A_1004 : memref<100000x128xf32, #tpu.memory_space<hbm>>) target(%dma_start3A_998 : memref<50x128xf32, #tpu.memory_space<vmem>>) offsets(%dma_start3A_1001 : memref<50xi32, #tpu.memory_space<vmem>>) semaphore(%dma_start3A_1006 : memref<!tpu.dma_semaphore, #tpu.memory_space<semaphore_mem>>)
    %dma_wait3A_1007 = arith.constant 0 : i32
    %dma_wait3A_1008 = arith.constant 1 : i32
    %dma_wait3A_1009 = arith.constant 0 : i32
    %dma_wait3A_1010 = arith.constant 1 : i32
    %dma_wait3A_1011 = arith.constant 0 : i32
    %dma_wait3A_1012 = arith.constant 0 : i32
    %dma_wait3A_1013 = tpu.memref_slice %arg6[%dma_wait3A_1008, %dma_wait3A_1009, %dma_wait3A_1011, %dma_wait3A_1012] : memref<8x2x50x128xf32, #tpu.memory_space<vmem>> -> memref<1x1x50x128xf32, #tpu.memory_space<vmem>>
    %dma_wait3A_1014 = tpu.memref_squeeze %dma_wait3A_1013 : memref<1x1x50x128xf32, #tpu.memory_space<vmem>> -> memref<50x128xf32, #tpu.memory_space<vmem>>
    %dma_wait3A_1015 = arith.constant 0 : i32
    %dma_wait3A_1016 = tpu.memref_slice %arg5[%dma_wait3A_1007, %dma_wait3A_1015] : memref<128x50xi32, #tpu.memory_space<vmem>> -> memref<1x50xi32, #tpu.memory_space<vmem>>
    %dma_wait3A_1017 = tpu.memref_squeeze %dma_wait3A_1016 : memref<1x50xi32, #tpu.memory_space<vmem>> -> memref<50xi32, #tpu.memory_space<vmem>>
    %dma_wait3A_1018 = arith.constant 0 : i32
    %dma_wait3A_1019 = arith.constant 0 : i32
    %dma_wait3A_1020 = tpu.memref_slice %arg2[%dma_wait3A_1018, %dma_wait3A_1019] : memref<100000x128xf32, #tpu.memory_space<hbm>> -> memref<100000x128xf32, #tpu.memory_space<hbm>>
    %dma_wait3A_1021 = tpu.memref_slice %arg7[%dma_wait3A_1010] : memref<8x!tpu.dma_semaphore, #tpu.memory_space<semaphore_mem>> -> memref<1x!tpu.dma_semaphore, #tpu.memory_space<semaphore_mem>>
    %dma_wait3A_1022 = tpu.memref_squeeze %dma_wait3A_1021 : memref<1x!tpu.dma_semaphore, #tpu.memory_space<semaphore_mem>> -> memref<!tpu.dma_semaphore, #tpu.memory_space<semaphore_mem>>
    tpu.wait_indirect_dma semaphore(%dma_wait3A_1022 : memref<!tpu.dma_semaphore, #tpu.memory_space<semaphore_mem>>) src(%dma_wait3A_1020 : memref<100000x128xf32, #tpu.memory_space<hbm>>) dst(%dma_wait3A_1014 : memref<50x128xf32, #tpu.memory_space<vmem>>)
    %dma_wait3A_1023 = arith.constant 0 : i32
    %dma_wait3A_1024 = arith.constant 1 : i32
    %dma_wait3A_1025 = arith.constant 1 : i32
    %dma_wait3A_1026 = arith.constant 1 : i32
    %dma_wait3A_1027 = arith.constant 0 : i32
    %dma_wait3A_1028 = arith.constant 0 : i32
    %dma_wait3A_1029 = tpu.memref_slice %arg6[%dma_wait3A_1024, %dma_wait3A_1025, %dma_wait3A_1027, %dma_wait3A_1028] : memref<8x2x50x128xf32, #tpu.memory_space<vmem>> -> memref<1x1x50x128xf32, #tpu.memory_space<vmem>>
    %dma_wait3A_1030 = tpu.memref_squeeze %dma_wait3A_1029 : memref<1x1x50x128xf32, #tpu.memory_space<vmem>> -> memref<50x128xf32, #tpu.memory_space<vmem>>
    %dma_wait3A_1031 = arith.constant 0 : i32
    %dma_wait3A_1032 = tpu.memref_slice %arg5[%dma_wait3A_1023, %dma_wait3A_1031] : memref<128x50xi32, #tpu.memory_space<vmem>> -> memref<1x50xi32, #tpu.memory_space<vmem>>
    %dma_wait3A_1033 = tpu.memref_squeeze %dma_wait3A_1032 : memref<1x50xi32, #tpu.memory_space<vmem>> -> memref<50xi32, #tpu.memory_space<vmem>>
    %dma_wait3A_1034 = arith.constant 0 : i32
    %dma_wait3A_1035 = arith.constant 0 : i32
    %dma_wait3A_1036 = tpu.memref_slice %arg2[%dma_wait3A_1034, %dma_wait3A_1035] : memref<100000x128xf32, #tpu.memory_space<hbm>> -> memref<100000x128xf32, #tpu.memory_space<hbm>>
    %dma_wait3A_1037 = tpu.memref_slice %arg7[%dma_wait3A_1026] : memref<8x!tpu.dma_semaphore, #tpu.memory_space<semaphore_mem>> -> memref<1x!tpu.dma_semaphore, #tpu.memory_space<semaphore_mem>>
    %dma_wait3A_1038 = tpu.memref_squeeze %dma_wait3A_1037 : memref<1x!tpu.dma_semaphore, #tpu.memory_space<semaphore_mem>> -> memref<!tpu.dma_semaphore, #tpu.memory_space<semaphore_mem>>
    tpu.wait_indirect_dma semaphore(%dma_wait3A_1038 : memref<!tpu.dma_semaphore, #tpu.memory_space<semaphore_mem>>) src(%dma_wait3A_1036 : memref<100000x128xf32, #tpu.memory_space<hbm>>) dst(%dma_wait3A_1030 : memref<50x128xf32, #tpu.memory_space<vmem>>)
    %add3A_1039 = arith.constant 114 : i32
    %add3A_1040 = arith.addi %mul3A_2, %add3A_1039 : i32
    %dma_start3A_1041 = arith.constant 1 : i32
    %dma_start3A_1042 = arith.constant 1 : i32
    %dma_start3A_1043 = arith.constant 0 : i32
    %dma_start3A_1044 = arith.constant 0 : i32
    %dma_start3A_1045 = arith.constant 0 : i32
    %dma_start3A_1046 = tpu.memref_slice %arg6[%dma_start3A_1041, %dma_start3A_1043, %dma_start3A_1044, %dma_start3A_1045] : memref<8x2x50x128xf32, #tpu.memory_space<vmem>> -> memref<1x2x50x128xf32, #tpu.memory_space<vmem>>
    %dma_start3A_1047 = tpu.memref_squeeze %dma_start3A_1046 : memref<1x2x50x128xf32, #tpu.memory_space<vmem>> -> memref<2x50x128xf32, #tpu.memory_space<vmem>>
    %dma_start3A_1048 = arith.constant 0 : i32
    %dma_start3A_1049 = arith.constant 0 : i32
    %dma_start3A_1050 = tpu.memref_slice %arg4[%add3A_1040, %dma_start3A_1048, %dma_start3A_1049] : memref<4096x50x128xf32, #tpu.memory_space<hbm>> -> memref<2x50x128xf32, #tpu.memory_space<hbm>>
    %dma_start3A_1051 = tpu.memref_slice %arg8[%dma_start3A_1042] : memref<8x!tpu.dma_semaphore, #tpu.memory_space<semaphore_mem>> -> memref<1x!tpu.dma_semaphore, #tpu.memory_space<semaphore_mem>>
    %dma_start3A_1052 = tpu.memref_squeeze %dma_start3A_1051 : memref<1x!tpu.dma_semaphore, #tpu.memory_space<semaphore_mem>> -> memref<!tpu.dma_semaphore, #tpu.memory_space<semaphore_mem>>
    %dma_start3A_1053 = arith.constant 0 : i32
    %dma_start3A_1054 = arith.constant 0 : i32
    %dma_start3A_1055 = tpu.memref_slice %arg4[%add3A_1040, %dma_start3A_1053, %dma_start3A_1054] : memref<4096x50x128xf32, #tpu.memory_space<hbm>> -> memref<2x50x128xf32, #tpu.memory_space<hbm>>
    %dma_start3A_1056 = arith.constant 0 : i32
    %dma_start3A_1057 = arith.constant 0 : i32
    %dma_start3A_1058 = arith.constant 0 : i32
    %dma_start3A_1059 = tpu.memref_slice %arg6[%dma_start3A_1041, %dma_start3A_1056, %dma_start3A_1057, %dma_start3A_1058] : memref<8x2x50x128xf32, #tpu.memory_space<vmem>> -> memref<1x2x50x128xf32, #tpu.memory_space<vmem>>
    %dma_start3A_1060 = tpu.memref_squeeze %dma_start3A_1059 : memref<1x2x50x128xf32, #tpu.memory_space<vmem>> -> memref<2x50x128xf32, #tpu.memory_space<vmem>>
    tpu.enqueue_dma source(%dma_start3A_1060 : memref<2x50x128xf32, #tpu.memory_space<vmem>>) target(%dma_start3A_1055 : memref<2x50x128xf32, #tpu.memory_space<hbm>>) target_semaphore(%dma_start3A_1052 : memref<!tpu.dma_semaphore, #tpu.memory_space<semaphore_mem>>)
    %dma_wait3A_1061 = arith.constant 5 : i32
    %dma_wait3A_1062 = arith.constant 5 : i32
    %dma_wait3A_1063 = arith.constant 0 : i32
    %dma_wait3A_1064 = arith.constant 0 : i32
    %dma_wait3A_1065 = arith.constant 0 : i32
    %dma_wait3A_1066 = tpu.memref_slice %arg6[%dma_wait3A_1061, %dma_wait3A_1063, %dma_wait3A_1064, %dma_wait3A_1065] : memref<8x2x50x128xf32, #tpu.memory_space<vmem>> -> memref<1x2x50x128xf32, #tpu.memory_space<vmem>>
    %dma_wait3A_1067 = tpu.memref_squeeze %dma_wait3A_1066 : memref<1x2x50x128xf32, #tpu.memory_space<vmem>> -> memref<2x50x128xf32, #tpu.memory_space<vmem>>
    %dma_wait3A_1068 = arith.constant 0 : i32
    %dma_wait3A_1069 = arith.constant 0 : i32
    %dma_wait3A_1070 = tpu.memref_slice %arg4[%mul3A_2, %dma_wait3A_1068, %dma_wait3A_1069] : memref<4096x50x128xf32, #tpu.memory_space<hbm>> -> memref<2x50x128xf32, #tpu.memory_space<hbm>>
    %dma_wait3A_1071 = tpu.memref_slice %arg8[%dma_wait3A_1062] : memref<8x!tpu.dma_semaphore, #tpu.memory_space<semaphore_mem>> -> memref<1x!tpu.dma_semaphore, #tpu.memory_space<semaphore_mem>>
    %dma_wait3A_1072 = tpu.memref_squeeze %dma_wait3A_1071 : memref<1x!tpu.dma_semaphore, #tpu.memory_space<semaphore_mem>> -> memref<!tpu.dma_semaphore, #tpu.memory_space<semaphore_mem>>
    %dma_wait3A_1073 = arith.constant 0 : i32
    %dma_wait3A_1074 = arith.constant 0 : i32
    %dma_wait3A_1075 = tpu.memref_slice %arg4[%mul3A_2, %dma_wait3A_1073, %dma_wait3A_1074] : memref<4096x50x128xf32, #tpu.memory_space<hbm>> -> memref<2x50x128xf32, #tpu.memory_space<hbm>>
    %dma_wait3A_1076 = arith.constant 0 : i32
    %dma_wait3A_1077 = arith.constant 0 : i32
    %dma_wait3A_1078 = arith.constant 0 : i32
    %dma_wait3A_1079 = tpu.memref_slice %arg6[%dma_wait3A_1061, %dma_wait3A_1076, %dma_wait3A_1077, %dma_wait3A_1078] : memref<8x2x50x128xf32, #tpu.memory_space<vmem>> -> memref<1x2x50x128xf32, #tpu.memory_space<vmem>>
    %dma_wait3A_1080 = tpu.memref_squeeze %dma_wait3A_1079 : memref<1x2x50x128xf32, #tpu.memory_space<vmem>> -> memref<2x50x128xf32, #tpu.memory_space<vmem>>
    tpu.wait_dma2 semaphore(%dma_wait3A_1072 : memref<!tpu.dma_semaphore, #tpu.memory_space<semaphore_mem>>) src(%dma_wait3A_1080 : memref<2x50x128xf32, #tpu.memory_space<vmem>>) dst(%dma_wait3A_1075 : memref<2x50x128xf32, #tpu.memory_space<hbm>>)
    %dma_start3A_1081 = arith.constant 122 : i32
    %dma_start3A_1082 = arith.constant 5 : i32
    %dma_start3A_1083 = arith.constant 0 : i32
    %dma_start3A_1084 = arith.constant 5 : i32
    %dma_start3A_1085 = arith.constant 0 : i32
    %dma_start3A_1086 = arith.constant 0 : i32
    %dma_start3A_1087 = tpu.memref_slice %arg6[%dma_start3A_1082, %dma_start3A_1083, %dma_start3A_1085, %dma_start3A_1086] : memref<8x2x50x128xf32, #tpu.memory_space<vmem>> -> memref<1x1x50x128xf32, #tpu.memory_space<vmem>>
    %dma_start3A_1088 = tpu.memref_squeeze %dma_start3A_1087 : memref<1x1x50x128xf32, #tpu.memory_space<vmem>> -> memref<50x128xf32, #tpu.memory_space<vmem>>
    %dma_start3A_1089 = arith.constant 0 : i32
    %dma_start3A_1090 = tpu.memref_slice %arg5[%dma_start3A_1081, %dma_start3A_1089] : memref<128x50xi32, #tpu.memory_space<vmem>> -> memref<1x50xi32, #tpu.memory_space<vmem>>
    %dma_start3A_1091 = tpu.memref_squeeze %dma_start3A_1090 : memref<1x50xi32, #tpu.memory_space<vmem>> -> memref<50xi32, #tpu.memory_space<vmem>>
    %dma_start3A_1092 = arith.constant 0 : i32
    %dma_start3A_1093 = arith.constant 0 : i32
    %dma_start3A_1094 = tpu.memref_slice %arg2[%dma_start3A_1092, %dma_start3A_1093] : memref<100000x128xf32, #tpu.memory_space<hbm>> -> memref<100000x128xf32, #tpu.memory_space<hbm>>
    %dma_start3A_1095 = tpu.memref_slice %arg7[%dma_start3A_1084] : memref<8x!tpu.dma_semaphore, #tpu.memory_space<semaphore_mem>> -> memref<1x!tpu.dma_semaphore, #tpu.memory_space<semaphore_mem>>
    %dma_start3A_1096 = tpu.memref_squeeze %dma_start3A_1095 : memref<1x!tpu.dma_semaphore, #tpu.memory_space<semaphore_mem>> -> memref<!tpu.dma_semaphore, #tpu.memory_space<semaphore_mem>>
    tpu.enqueue_indirect_dma source(%dma_start3A_1094 : memref<100000x128xf32, #tpu.memory_space<hbm>>) target(%dma_start3A_1088 : memref<50x128xf32, #tpu.memory_space<vmem>>) offsets(%dma_start3A_1091 : memref<50xi32, #tpu.memory_space<vmem>>) semaphore(%dma_start3A_1096 : memref<!tpu.dma_semaphore, #tpu.memory_space<semaphore_mem>>)
    %dma_start3A_1097 = arith.constant 123 : i32
    %dma_start3A_1098 = arith.constant 5 : i32
    %dma_start3A_1099 = arith.constant 1 : i32
    %dma_start3A_1100 = arith.constant 5 : i32
    %dma_start3A_1101 = arith.constant 0 : i32
    %dma_start3A_1102 = arith.constant 0 : i32
    %dma_start3A_1103 = tpu.memref_slice %arg6[%dma_start3A_1098, %dma_start3A_1099, %dma_start3A_1101, %dma_start3A_1102] : memref<8x2x50x128xf32, #tpu.memory_space<vmem>> -> memref<1x1x50x128xf32, #tpu.memory_space<vmem>>
    %dma_start3A_1104 = tpu.memref_squeeze %dma_start3A_1103 : memref<1x1x50x128xf32, #tpu.memory_space<vmem>> -> memref<50x128xf32, #tpu.memory_space<vmem>>
    %dma_start3A_1105 = arith.constant 0 : i32
    %dma_start3A_1106 = tpu.memref_slice %arg5[%dma_start3A_1097, %dma_start3A_1105] : memref<128x50xi32, #tpu.memory_space<vmem>> -> memref<1x50xi32, #tpu.memory_space<vmem>>
    %dma_start3A_1107 = tpu.memref_squeeze %dma_start3A_1106 : memref<1x50xi32, #tpu.memory_space<vmem>> -> memref<50xi32, #tpu.memory_space<vmem>>
    %dma_start3A_1108 = arith.constant 0 : i32
    %dma_start3A_1109 = arith.constant 0 : i32
    %dma_start3A_1110 = tpu.memref_slice %arg2[%dma_start3A_1108, %dma_start3A_1109] : memref<100000x128xf32, #tpu.memory_space<hbm>> -> memref<100000x128xf32, #tpu.memory_space<hbm>>
    %dma_start3A_1111 = tpu.memref_slice %arg7[%dma_start3A_1100] : memref<8x!tpu.dma_semaphore, #tpu.memory_space<semaphore_mem>> -> memref<1x!tpu.dma_semaphore, #tpu.memory_space<semaphore_mem>>
    %dma_start3A_1112 = tpu.memref_squeeze %dma_start3A_1111 : memref<1x!tpu.dma_semaphore, #tpu.memory_space<semaphore_mem>> -> memref<!tpu.dma_semaphore, #tpu.memory_space<semaphore_mem>>
    tpu.enqueue_indirect_dma source(%dma_start3A_1110 : memref<100000x128xf32, #tpu.memory_space<hbm>>) target(%dma_start3A_1104 : memref<50x128xf32, #tpu.memory_space<vmem>>) offsets(%dma_start3A_1107 : memref<50xi32, #tpu.memory_space<vmem>>) semaphore(%dma_start3A_1112 : memref<!tpu.dma_semaphore, #tpu.memory_space<semaphore_mem>>)
    %dma_wait3A_1113 = arith.constant 0 : i32
    %dma_wait3A_1114 = arith.constant 2 : i32
    %dma_wait3A_1115 = arith.constant 0 : i32
    %dma_wait3A_1116 = arith.constant 2 : i32
    %dma_wait3A_1117 = arith.constant 0 : i32
    %dma_wait3A_1118 = arith.constant 0 : i32
    %dma_wait3A_1119 = tpu.memref_slice %arg6[%dma_wait3A_1114, %dma_wait3A_1115, %dma_wait3A_1117, %dma_wait3A_1118] : memref<8x2x50x128xf32, #tpu.memory_space<vmem>> -> memref<1x1x50x128xf32, #tpu.memory_space<vmem>>
    %dma_wait3A_1120 = tpu.memref_squeeze %dma_wait3A_1119 : memref<1x1x50x128xf32, #tpu.memory_space<vmem>> -> memref<50x128xf32, #tpu.memory_space<vmem>>
    %dma_wait3A_1121 = arith.constant 0 : i32
    %dma_wait3A_1122 = tpu.memref_slice %arg5[%dma_wait3A_1113, %dma_wait3A_1121] : memref<128x50xi32, #tpu.memory_space<vmem>> -> memref<1x50xi32, #tpu.memory_space<vmem>>
    %dma_wait3A_1123 = tpu.memref_squeeze %dma_wait3A_1122 : memref<1x50xi32, #tpu.memory_space<vmem>> -> memref<50xi32, #tpu.memory_space<vmem>>
    %dma_wait3A_1124 = arith.constant 0 : i32
    %dma_wait3A_1125 = arith.constant 0 : i32
    %dma_wait3A_1126 = tpu.memref_slice %arg2[%dma_wait3A_1124, %dma_wait3A_1125] : memref<100000x128xf32, #tpu.memory_space<hbm>> -> memref<100000x128xf32, #tpu.memory_space<hbm>>
    %dma_wait3A_1127 = tpu.memref_slice %arg7[%dma_wait3A_1116] : memref<8x!tpu.dma_semaphore, #tpu.memory_space<semaphore_mem>> -> memref<1x!tpu.dma_semaphore, #tpu.memory_space<semaphore_mem>>
    %dma_wait3A_1128 = tpu.memref_squeeze %dma_wait3A_1127 : memref<1x!tpu.dma_semaphore, #tpu.memory_space<semaphore_mem>> -> memref<!tpu.dma_semaphore, #tpu.memory_space<semaphore_mem>>
    tpu.wait_indirect_dma semaphore(%dma_wait3A_1128 : memref<!tpu.dma_semaphore, #tpu.memory_space<semaphore_mem>>) src(%dma_wait3A_1126 : memref<100000x128xf32, #tpu.memory_space<hbm>>) dst(%dma_wait3A_1120 : memref<50x128xf32, #tpu.memory_space<vmem>>)
    %dma_wait3A_1129 = arith.constant 0 : i32
    %dma_wait3A_1130 = arith.constant 2 : i32
    %dma_wait3A_1131 = arith.constant 1 : i32
    %dma_wait3A_1132 = arith.constant 2 : i32
    %dma_wait3A_1133 = arith.constant 0 : i32
    %dma_wait3A_1134 = arith.constant 0 : i32
    %dma_wait3A_1135 = tpu.memref_slice %arg6[%dma_wait3A_1130, %dma_wait3A_1131, %dma_wait3A_1133, %dma_wait3A_1134] : memref<8x2x50x128xf32, #tpu.memory_space<vmem>> -> memref<1x1x50x128xf32, #tpu.memory_space<vmem>>
    %dma_wait3A_1136 = tpu.memref_squeeze %dma_wait3A_1135 : memref<1x1x50x128xf32, #tpu.memory_space<vmem>> -> memref<50x128xf32, #tpu.memory_space<vmem>>
    %dma_wait3A_1137 = arith.constant 0 : i32
    %dma_wait3A_1138 = tpu.memref_slice %arg5[%dma_wait3A_1129, %dma_wait3A_1137] : memref<128x50xi32, #tpu.memory_space<vmem>> -> memref<1x50xi32, #tpu.memory_space<vmem>>
    %dma_wait3A_1139 = tpu.memref_squeeze %dma_wait3A_1138 : memref<1x50xi32, #tpu.memory_space<vmem>> -> memref<50xi32, #tpu.memory_space<vmem>>
    %dma_wait3A_1140 = arith.constant 0 : i32
    %dma_wait3A_1141 = arith.constant 0 : i32
    %dma_wait3A_1142 = tpu.memref_slice %arg2[%dma_wait3A_1140, %dma_wait3A_1141] : memref<100000x128xf32, #tpu.memory_space<hbm>> -> memref<100000x128xf32, #tpu.memory_space<hbm>>
    %dma_wait3A_1143 = tpu.memref_slice %arg7[%dma_wait3A_1132] : memref<8x!tpu.dma_semaphore, #tpu.memory_space<semaphore_mem>> -> memref<1x!tpu.dma_semaphore, #tpu.memory_space<semaphore_mem>>
    %dma_wait3A_1144 = tpu.memref_squeeze %dma_wait3A_1143 : memref<1x!tpu.dma_semaphore, #tpu.memory_space<semaphore_mem>> -> memref<!tpu.dma_semaphore, #tpu.memory_space<semaphore_mem>>
    tpu.wait_indirect_dma semaphore(%dma_wait3A_1144 : memref<!tpu.dma_semaphore, #tpu.memory_space<semaphore_mem>>) src(%dma_wait3A_1142 : memref<100000x128xf32, #tpu.memory_space<hbm>>) dst(%dma_wait3A_1136 : memref<50x128xf32, #tpu.memory_space<vmem>>)
    %add3A_1145 = arith.constant 116 : i32
    %add3A_1146 = arith.addi %mul3A_2, %add3A_1145 : i32
    %dma_start3A_1147 = arith.constant 2 : i32
    %dma_start3A_1148 = arith.constant 2 : i32
    %dma_start3A_1149 = arith.constant 0 : i32
    %dma_start3A_1150 = arith.constant 0 : i32
    %dma_start3A_1151 = arith.constant 0 : i32
    %dma_start3A_1152 = tpu.memref_slice %arg6[%dma_start3A_1147, %dma_start3A_1149, %dma_start3A_1150, %dma_start3A_1151] : memref<8x2x50x128xf32, #tpu.memory_space<vmem>> -> memref<1x2x50x128xf32, #tpu.memory_space<vmem>>
    %dma_start3A_1153 = tpu.memref_squeeze %dma_start3A_1152 : memref<1x2x50x128xf32, #tpu.memory_space<vmem>> -> memref<2x50x128xf32, #tpu.memory_space<vmem>>
    %dma_start3A_1154 = arith.constant 0 : i32
    %dma_start3A_1155 = arith.constant 0 : i32
    %dma_start3A_1156 = tpu.memref_slice %arg4[%add3A_1146, %dma_start3A_1154, %dma_start3A_1155] : memref<4096x50x128xf32, #tpu.memory_space<hbm>> -> memref<2x50x128xf32, #tpu.memory_space<hbm>>
    %dma_start3A_1157 = tpu.memref_slice %arg8[%dma_start3A_1148] : memref<8x!tpu.dma_semaphore, #tpu.memory_space<semaphore_mem>> -> memref<1x!tpu.dma_semaphore, #tpu.memory_space<semaphore_mem>>
    %dma_start3A_1158 = tpu.memref_squeeze %dma_start3A_1157 : memref<1x!tpu.dma_semaphore, #tpu.memory_space<semaphore_mem>> -> memref<!tpu.dma_semaphore, #tpu.memory_space<semaphore_mem>>
    %dma_start3A_1159 = arith.constant 0 : i32
    %dma_start3A_1160 = arith.constant 0 : i32
    %dma_start3A_1161 = tpu.memref_slice %arg4[%add3A_1146, %dma_start3A_1159, %dma_start3A_1160] : memref<4096x50x128xf32, #tpu.memory_space<hbm>> -> memref<2x50x128xf32, #tpu.memory_space<hbm>>
    %dma_start3A_1162 = arith.constant 0 : i32
    %dma_start3A_1163 = arith.constant 0 : i32
    %dma_start3A_1164 = arith.constant 0 : i32
    %dma_start3A_1165 = tpu.memref_slice %arg6[%dma_start3A_1147, %dma_start3A_1162, %dma_start3A_1163, %dma_start3A_1164] : memref<8x2x50x128xf32, #tpu.memory_space<vmem>> -> memref<1x2x50x128xf32, #tpu.memory_space<vmem>>
    %dma_start3A_1166 = tpu.memref_squeeze %dma_start3A_1165 : memref<1x2x50x128xf32, #tpu.memory_space<vmem>> -> memref<2x50x128xf32, #tpu.memory_space<vmem>>
    tpu.enqueue_dma source(%dma_start3A_1166 : memref<2x50x128xf32, #tpu.memory_space<vmem>>) target(%dma_start3A_1161 : memref<2x50x128xf32, #tpu.memory_space<hbm>>) target_semaphore(%dma_start3A_1158 : memref<!tpu.dma_semaphore, #tpu.memory_space<semaphore_mem>>)
    %dma_wait3A_1167 = arith.constant 6 : i32
    %dma_wait3A_1168 = arith.constant 6 : i32
    %dma_wait3A_1169 = arith.constant 0 : i32
    %dma_wait3A_1170 = arith.constant 0 : i32
    %dma_wait3A_1171 = arith.constant 0 : i32
    %dma_wait3A_1172 = tpu.memref_slice %arg6[%dma_wait3A_1167, %dma_wait3A_1169, %dma_wait3A_1170, %dma_wait3A_1171] : memref<8x2x50x128xf32, #tpu.memory_space<vmem>> -> memref<1x2x50x128xf32, #tpu.memory_space<vmem>>
    %dma_wait3A_1173 = tpu.memref_squeeze %dma_wait3A_1172 : memref<1x2x50x128xf32, #tpu.memory_space<vmem>> -> memref<2x50x128xf32, #tpu.memory_space<vmem>>
    %dma_wait3A_1174 = arith.constant 0 : i32
    %dma_wait3A_1175 = arith.constant 0 : i32
    %dma_wait3A_1176 = tpu.memref_slice %arg4[%mul3A_2, %dma_wait3A_1174, %dma_wait3A_1175] : memref<4096x50x128xf32, #tpu.memory_space<hbm>> -> memref<2x50x128xf32, #tpu.memory_space<hbm>>
    %dma_wait3A_1177 = tpu.memref_slice %arg8[%dma_wait3A_1168] : memref<8x!tpu.dma_semaphore, #tpu.memory_space<semaphore_mem>> -> memref<1x!tpu.dma_semaphore, #tpu.memory_space<semaphore_mem>>
    %dma_wait3A_1178 = tpu.memref_squeeze %dma_wait3A_1177 : memref<1x!tpu.dma_semaphore, #tpu.memory_space<semaphore_mem>> -> memref<!tpu.dma_semaphore, #tpu.memory_space<semaphore_mem>>
    %dma_wait3A_1179 = arith.constant 0 : i32
    %dma_wait3A_1180 = arith.constant 0 : i32
    %dma_wait3A_1181 = tpu.memref_slice %arg4[%mul3A_2, %dma_wait3A_1179, %dma_wait3A_1180] : memref<4096x50x128xf32, #tpu.memory_space<hbm>> -> memref<2x50x128xf32, #tpu.memory_space<hbm>>
    %dma_wait3A_1182 = arith.constant 0 : i32
    %dma_wait3A_1183 = arith.constant 0 : i32
    %dma_wait3A_1184 = arith.constant 0 : i32
    %dma_wait3A_1185 = tpu.memref_slice %arg6[%dma_wait3A_1167, %dma_wait3A_1182, %dma_wait3A_1183, %dma_wait3A_1184] : memref<8x2x50x128xf32, #tpu.memory_space<vmem>> -> memref<1x2x50x128xf32, #tpu.memory_space<vmem>>
    %dma_wait3A_1186 = tpu.memref_squeeze %dma_wait3A_1185 : memref<1x2x50x128xf32, #tpu.memory_space<vmem>> -> memref<2x50x128xf32, #tpu.memory_space<vmem>>
    tpu.wait_dma2 semaphore(%dma_wait3A_1178 : memref<!tpu.dma_semaphore, #tpu.memory_space<semaphore_mem>>) src(%dma_wait3A_1186 : memref<2x50x128xf32, #tpu.memory_space<vmem>>) dst(%dma_wait3A_1181 : memref<2x50x128xf32, #tpu.memory_space<hbm>>)
    %dma_start3A_1187 = arith.constant 124 : i32
    %dma_start3A_1188 = arith.constant 6 : i32
    %dma_start3A_1189 = arith.constant 0 : i32
    %dma_start3A_1190 = arith.constant 6 : i32
    %dma_start3A_1191 = arith.constant 0 : i32
    %dma_start3A_1192 = arith.constant 0 : i32
    %dma_start3A_1193 = tpu.memref_slice %arg6[%dma_start3A_1188, %dma_start3A_1189, %dma_start3A_1191, %dma_start3A_1192] : memref<8x2x50x128xf32, #tpu.memory_space<vmem>> -> memref<1x1x50x128xf32, #tpu.memory_space<vmem>>
    %dma_start3A_1194 = tpu.memref_squeeze %dma_start3A_1193 : memref<1x1x50x128xf32, #tpu.memory_space<vmem>> -> memref<50x128xf32, #tpu.memory_space<vmem>>
    %dma_start3A_1195 = arith.constant 0 : i32
    %dma_start3A_1196 = tpu.memref_slice %arg5[%dma_start3A_1187, %dma_start3A_1195] : memref<128x50xi32, #tpu.memory_space<vmem>> -> memref<1x50xi32, #tpu.memory_space<vmem>>
    %dma_start3A_1197 = tpu.memref_squeeze %dma_start3A_1196 : memref<1x50xi32, #tpu.memory_space<vmem>> -> memref<50xi32, #tpu.memory_space<vmem>>
    %dma_start3A_1198 = arith.constant 0 : i32
    %dma_start3A_1199 = arith.constant 0 : i32
    %dma_start3A_1200 = tpu.memref_slice %arg2[%dma_start3A_1198, %dma_start3A_1199] : memref<100000x128xf32, #tpu.memory_space<hbm>> -> memref<100000x128xf32, #tpu.memory_space<hbm>>
    %dma_start3A_1201 = tpu.memref_slice %arg7[%dma_start3A_1190] : memref<8x!tpu.dma_semaphore, #tpu.memory_space<semaphore_mem>> -> memref<1x!tpu.dma_semaphore, #tpu.memory_space<semaphore_mem>>
    %dma_start3A_1202 = tpu.memref_squeeze %dma_start3A_1201 : memref<1x!tpu.dma_semaphore, #tpu.memory_space<semaphore_mem>> -> memref<!tpu.dma_semaphore, #tpu.memory_space<semaphore_mem>>
    tpu.enqueue_indirect_dma source(%dma_start3A_1200 : memref<100000x128xf32, #tpu.memory_space<hbm>>) target(%dma_start3A_1194 : memref<50x128xf32, #tpu.memory_space<vmem>>) offsets(%dma_start3A_1197 : memref<50xi32, #tpu.memory_space<vmem>>) semaphore(%dma_start3A_1202 : memref<!tpu.dma_semaphore, #tpu.memory_space<semaphore_mem>>)
    %dma_start3A_1203 = arith.constant 125 : i32
    %dma_start3A_1204 = arith.constant 6 : i32
    %dma_start3A_1205 = arith.constant 1 : i32
    %dma_start3A_1206 = arith.constant 6 : i32
    %dma_start3A_1207 = arith.constant 0 : i32
    %dma_start3A_1208 = arith.constant 0 : i32
    %dma_start3A_1209 = tpu.memref_slice %arg6[%dma_start3A_1204, %dma_start3A_1205, %dma_start3A_1207, %dma_start3A_1208] : memref<8x2x50x128xf32, #tpu.memory_space<vmem>> -> memref<1x1x50x128xf32, #tpu.memory_space<vmem>>
    %dma_start3A_1210 = tpu.memref_squeeze %dma_start3A_1209 : memref<1x1x50x128xf32, #tpu.memory_space<vmem>> -> memref<50x128xf32, #tpu.memory_space<vmem>>
    %dma_start3A_1211 = arith.constant 0 : i32
    %dma_start3A_1212 = tpu.memref_slice %arg5[%dma_start3A_1203, %dma_start3A_1211] : memref<128x50xi32, #tpu.memory_space<vmem>> -> memref<1x50xi32, #tpu.memory_space<vmem>>
    %dma_start3A_1213 = tpu.memref_squeeze %dma_start3A_1212 : memref<1x50xi32, #tpu.memory_space<vmem>> -> memref<50xi32, #tpu.memory_space<vmem>>
    %dma_start3A_1214 = arith.constant 0 : i32
    %dma_start3A_1215 = arith.constant 0 : i32
    %dma_start3A_1216 = tpu.memref_slice %arg2[%dma_start3A_1214, %dma_start3A_1215] : memref<100000x128xf32, #tpu.memory_space<hbm>> -> memref<100000x128xf32, #tpu.memory_space<hbm>>
    %dma_start3A_1217 = tpu.memref_slice %arg7[%dma_start3A_1206] : memref<8x!tpu.dma_semaphore, #tpu.memory_space<semaphore_mem>> -> memref<1x!tpu.dma_semaphore, #tpu.memory_space<semaphore_mem>>
    %dma_start3A_1218 = tpu.memref_squeeze %dma_start3A_1217 : memref<1x!tpu.dma_semaphore, #tpu.memory_space<semaphore_mem>> -> memref<!tpu.dma_semaphore, #tpu.memory_space<semaphore_mem>>
    tpu.enqueue_indirect_dma source(%dma_start3A_1216 : memref<100000x128xf32, #tpu.memory_space<hbm>>) target(%dma_start3A_1210 : memref<50x128xf32, #tpu.memory_space<vmem>>) offsets(%dma_start3A_1213 : memref<50xi32, #tpu.memory_space<vmem>>) semaphore(%dma_start3A_1218 : memref<!tpu.dma_semaphore, #tpu.memory_space<semaphore_mem>>)
    %dma_wait3A_1219 = arith.constant 0 : i32
    %dma_wait3A_1220 = arith.constant 3 : i32
    %dma_wait3A_1221 = arith.constant 0 : i32
    %dma_wait3A_1222 = arith.constant 3 : i32
    %dma_wait3A_1223 = arith.constant 0 : i32
    %dma_wait3A_1224 = arith.constant 0 : i32
    %dma_wait3A_1225 = tpu.memref_slice %arg6[%dma_wait3A_1220, %dma_wait3A_1221, %dma_wait3A_1223, %dma_wait3A_1224] : memref<8x2x50x128xf32, #tpu.memory_space<vmem>> -> memref<1x1x50x128xf32, #tpu.memory_space<vmem>>
    %dma_wait3A_1226 = tpu.memref_squeeze %dma_wait3A_1225 : memref<1x1x50x128xf32, #tpu.memory_space<vmem>> -> memref<50x128xf32, #tpu.memory_space<vmem>>
    %dma_wait3A_1227 = arith.constant 0 : i32
    %dma_wait3A_1228 = tpu.memref_slice %arg5[%dma_wait3A_1219, %dma_wait3A_1227] : memref<128x50xi32, #tpu.memory_space<vmem>> -> memref<1x50xi32, #tpu.memory_space<vmem>>
    %dma_wait3A_1229 = tpu.memref_squeeze %dma_wait3A_1228 : memref<1x50xi32, #tpu.memory_space<vmem>> -> memref<50xi32, #tpu.memory_space<vmem>>
    %dma_wait3A_1230 = arith.constant 0 : i32
    %dma_wait3A_1231 = arith.constant 0 : i32
    %dma_wait3A_1232 = tpu.memref_slice %arg2[%dma_wait3A_1230, %dma_wait3A_1231] : memref<100000x128xf32, #tpu.memory_space<hbm>> -> memref<100000x128xf32, #tpu.memory_space<hbm>>
    %dma_wait3A_1233 = tpu.memref_slice %arg7[%dma_wait3A_1222] : memref<8x!tpu.dma_semaphore, #tpu.memory_space<semaphore_mem>> -> memref<1x!tpu.dma_semaphore, #tpu.memory_space<semaphore_mem>>
    %dma_wait3A_1234 = tpu.memref_squeeze %dma_wait3A_1233 : memref<1x!tpu.dma_semaphore, #tpu.memory_space<semaphore_mem>> -> memref<!tpu.dma_semaphore, #tpu.memory_space<semaphore_mem>>
    tpu.wait_indirect_dma semaphore(%dma_wait3A_1234 : memref<!tpu.dma_semaphore, #tpu.memory_space<semaphore_mem>>) src(%dma_wait3A_1232 : memref<100000x128xf32, #tpu.memory_space<hbm>>) dst(%dma_wait3A_1226 : memref<50x128xf32, #tpu.memory_space<vmem>>)
    %dma_wait3A_1235 = arith.constant 0 : i32
    %dma_wait3A_1236 = arith.constant 3 : i32
    %dma_wait3A_1237 = arith.constant 1 : i32
    %dma_wait3A_1238 = arith.constant 3 : i32
    %dma_wait3A_1239 = arith.constant 0 : i32
    %dma_wait3A_1240 = arith.constant 0 : i32
    %dma_wait3A_1241 = tpu.memref_slice %arg6[%dma_wait3A_1236, %dma_wait3A_1237, %dma_wait3A_1239, %dma_wait3A_1240] : memref<8x2x50x128xf32, #tpu.memory_space<vmem>> -> memref<1x1x50x128xf32, #tpu.memory_space<vmem>>
    %dma_wait3A_1242 = tpu.memref_squeeze %dma_wait3A_1241 : memref<1x1x50x128xf32, #tpu.memory_space<vmem>> -> memref<50x128xf32, #tpu.memory_space<vmem>>
    %dma_wait3A_1243 = arith.constant 0 : i32
    %dma_wait3A_1244 = tpu.memref_slice %arg5[%dma_wait3A_1235, %dma_wait3A_1243] : memref<128x50xi32, #tpu.memory_space<vmem>> -> memref<1x50xi32, #tpu.memory_space<vmem>>
    %dma_wait3A_1245 = tpu.memref_squeeze %dma_wait3A_1244 : memref<1x50xi32, #tpu.memory_space<vmem>> -> memref<50xi32, #tpu.memory_space<vmem>>
    %dma_wait3A_1246 = arith.constant 0 : i32
    %dma_wait3A_1247 = arith.constant 0 : i32
    %dma_wait3A_1248 = tpu.memref_slice %arg2[%dma_wait3A_1246, %dma_wait3A_1247] : memref<100000x128xf32, #tpu.memory_space<hbm>> -> memref<100000x128xf32, #tpu.memory_space<hbm>>
    %dma_wait3A_1249 = tpu.memref_slice %arg7[%dma_wait3A_1238] : memref<8x!tpu.dma_semaphore, #tpu.memory_space<semaphore_mem>> -> memref<1x!tpu.dma_semaphore, #tpu.memory_space<semaphore_mem>>
    %dma_wait3A_1250 = tpu.memref_squeeze %dma_wait3A_1249 : memref<1x!tpu.dma_semaphore, #tpu.memory_space<semaphore_mem>> -> memref<!tpu.dma_semaphore, #tpu.memory_space<semaphore_mem>>
    tpu.wait_indirect_dma semaphore(%dma_wait3A_1250 : memref<!tpu.dma_semaphore, #tpu.memory_space<semaphore_mem>>) src(%dma_wait3A_1248 : memref<100000x128xf32, #tpu.memory_space<hbm>>) dst(%dma_wait3A_1242 : memref<50x128xf32, #tpu.memory_space<vmem>>)
    %add3A_1251 = arith.constant 118 : i32
    %add3A_1252 = arith.addi %mul3A_2, %add3A_1251 : i32
    %dma_start3A_1253 = arith.constant 3 : i32
    %dma_start3A_1254 = arith.constant 3 : i32
    %dma_start3A_1255 = arith.constant 0 : i32
    %dma_start3A_1256 = arith.constant 0 : i32
    %dma_start3A_1257 = arith.constant 0 : i32
    %dma_start3A_1258 = tpu.memref_slice %arg6[%dma_start3A_1253, %dma_start3A_1255, %dma_start3A_1256, %dma_start3A_1257] : memref<8x2x50x128xf32, #tpu.memory_space<vmem>> -> memref<1x2x50x128xf32, #tpu.memory_space<vmem>>
    %dma_start3A_1259 = tpu.memref_squeeze %dma_start3A_1258 : memref<1x2x50x128xf32, #tpu.memory_space<vmem>> -> memref<2x50x128xf32, #tpu.memory_space<vmem>>
    %dma_start3A_1260 = arith.constant 0 : i32
    %dma_start3A_1261 = arith.constant 0 : i32
    %dma_start3A_1262 = tpu.memref_slice %arg4[%add3A_1252, %dma_start3A_1260, %dma_start3A_1261] : memref<4096x50x128xf32, #tpu.memory_space<hbm>> -> memref<2x50x128xf32, #tpu.memory_space<hbm>>
    %dma_start3A_1263 = tpu.memref_slice %arg8[%dma_start3A_1254] : memref<8x!tpu.dma_semaphore, #tpu.memory_space<semaphore_mem>> -> memref<1x!tpu.dma_semaphore, #tpu.memory_space<semaphore_mem>>
    %dma_start3A_1264 = tpu.memref_squeeze %dma_start3A_1263 : memref<1x!tpu.dma_semaphore, #tpu.memory_space<semaphore_mem>> -> memref<!tpu.dma_semaphore, #tpu.memory_space<semaphore_mem>>
    %dma_start3A_1265 = arith.constant 0 : i32
    %dma_start3A_1266 = arith.constant 0 : i32
    %dma_start3A_1267 = tpu.memref_slice %arg4[%add3A_1252, %dma_start3A_1265, %dma_start3A_1266] : memref<4096x50x128xf32, #tpu.memory_space<hbm>> -> memref<2x50x128xf32, #tpu.memory_space<hbm>>
    %dma_start3A_1268 = arith.constant 0 : i32
    %dma_start3A_1269 = arith.constant 0 : i32
    %dma_start3A_1270 = arith.constant 0 : i32
    %dma_start3A_1271 = tpu.memref_slice %arg6[%dma_start3A_1253, %dma_start3A_1268, %dma_start3A_1269, %dma_start3A_1270] : memref<8x2x50x128xf32, #tpu.memory_space<vmem>> -> memref<1x2x50x128xf32, #tpu.memory_space<vmem>>
    %dma_start3A_1272 = tpu.memref_squeeze %dma_start3A_1271 : memref<1x2x50x128xf32, #tpu.memory_space<vmem>> -> memref<2x50x128xf32, #tpu.memory_space<vmem>>
    tpu.enqueue_dma source(%dma_start3A_1272 : memref<2x50x128xf32, #tpu.memory_space<vmem>>) target(%dma_start3A_1267 : memref<2x50x128xf32, #tpu.memory_space<hbm>>) target_semaphore(%dma_start3A_1264 : memref<!tpu.dma_semaphore, #tpu.memory_space<semaphore_mem>>)
    %dma_wait3A_1273 = arith.constant 7 : i32
    %dma_wait3A_1274 = arith.constant 7 : i32
    %dma_wait3A_1275 = arith.constant 0 : i32
    %dma_wait3A_1276 = arith.constant 0 : i32
    %dma_wait3A_1277 = arith.constant 0 : i32
    %dma_wait3A_1278 = tpu.memref_slice %arg6[%dma_wait3A_1273, %dma_wait3A_1275, %dma_wait3A_1276, %dma_wait3A_1277] : memref<8x2x50x128xf32, #tpu.memory_space<vmem>> -> memref<1x2x50x128xf32, #tpu.memory_space<vmem>>
    %dma_wait3A_1279 = tpu.memref_squeeze %dma_wait3A_1278 : memref<1x2x50x128xf32, #tpu.memory_space<vmem>> -> memref<2x50x128xf32, #tpu.memory_space<vmem>>
    %dma_wait3A_1280 = arith.constant 0 : i32
    %dma_wait3A_1281 = arith.constant 0 : i32
    %dma_wait3A_1282 = tpu.memref_slice %arg4[%mul3A_2, %dma_wait3A_1280, %dma_wait3A_1281] : memref<4096x50x128xf32, #tpu.memory_space<hbm>> -> memref<2x50x128xf32, #tpu.memory_space<hbm>>
    %dma_wait3A_1283 = tpu.memref_slice %arg8[%dma_wait3A_1274] : memref<8x!tpu.dma_semaphore, #tpu.memory_space<semaphore_mem>> -> memref<1x!tpu.dma_semaphore, #tpu.memory_space<semaphore_mem>>
    %dma_wait3A_1284 = tpu.memref_squeeze %dma_wait3A_1283 : memref<1x!tpu.dma_semaphore, #tpu.memory_space<semaphore_mem>> -> memref<!tpu.dma_semaphore, #tpu.memory_space<semaphore_mem>>
    %dma_wait3A_1285 = arith.constant 0 : i32
    %dma_wait3A_1286 = arith.constant 0 : i32
    %dma_wait3A_1287 = tpu.memref_slice %arg4[%mul3A_2, %dma_wait3A_1285, %dma_wait3A_1286] : memref<4096x50x128xf32, #tpu.memory_space<hbm>> -> memref<2x50x128xf32, #tpu.memory_space<hbm>>
    %dma_wait3A_1288 = arith.constant 0 : i32
    %dma_wait3A_1289 = arith.constant 0 : i32
    %dma_wait3A_1290 = arith.constant 0 : i32
    %dma_wait3A_1291 = tpu.memref_slice %arg6[%dma_wait3A_1273, %dma_wait3A_1288, %dma_wait3A_1289, %dma_wait3A_1290] : memref<8x2x50x128xf32, #tpu.memory_space<vmem>> -> memref<1x2x50x128xf32, #tpu.memory_space<vmem>>
    %dma_wait3A_1292 = tpu.memref_squeeze %dma_wait3A_1291 : memref<1x2x50x128xf32, #tpu.memory_space<vmem>> -> memref<2x50x128xf32, #tpu.memory_space<vmem>>
    tpu.wait_dma2 semaphore(%dma_wait3A_1284 : memref<!tpu.dma_semaphore, #tpu.memory_space<semaphore_mem>>) src(%dma_wait3A_1292 : memref<2x50x128xf32, #tpu.memory_space<vmem>>) dst(%dma_wait3A_1287 : memref<2x50x128xf32, #tpu.memory_space<hbm>>)
    %dma_start3A_1293 = arith.constant 126 : i32
    %dma_start3A_1294 = arith.constant 7 : i32
    %dma_start3A_1295 = arith.constant 0 : i32
    %dma_start3A_1296 = arith.constant 7 : i32
    %dma_start3A_1297 = arith.constant 0 : i32
    %dma_start3A_1298 = arith.constant 0 : i32
    %dma_start3A_1299 = tpu.memref_slice %arg6[%dma_start3A_1294, %dma_start3A_1295, %dma_start3A_1297, %dma_start3A_1298] : memref<8x2x50x128xf32, #tpu.memory_space<vmem>> -> memref<1x1x50x128xf32, #tpu.memory_space<vmem>>
    %dma_start3A_1300 = tpu.memref_squeeze %dma_start3A_1299 : memref<1x1x50x128xf32, #tpu.memory_space<vmem>> -> memref<50x128xf32, #tpu.memory_space<vmem>>
    %dma_start3A_1301 = arith.constant 0 : i32
    %dma_start3A_1302 = tpu.memref_slice %arg5[%dma_start3A_1293, %dma_start3A_1301] : memref<128x50xi32, #tpu.memory_space<vmem>> -> memref<1x50xi32, #tpu.memory_space<vmem>>
    %dma_start3A_1303 = tpu.memref_squeeze %dma_start3A_1302 : memref<1x50xi32, #tpu.memory_space<vmem>> -> memref<50xi32, #tpu.memory_space<vmem>>
    %dma_start3A_1304 = arith.constant 0 : i32
    %dma_start3A_1305 = arith.constant 0 : i32
    %dma_start3A_1306 = tpu.memref_slice %arg2[%dma_start3A_1304, %dma_start3A_1305] : memref<100000x128xf32, #tpu.memory_space<hbm>> -> memref<100000x128xf32, #tpu.memory_space<hbm>>
    %dma_start3A_1307 = tpu.memref_slice %arg7[%dma_start3A_1296] : memref<8x!tpu.dma_semaphore, #tpu.memory_space<semaphore_mem>> -> memref<1x!tpu.dma_semaphore, #tpu.memory_space<semaphore_mem>>
    %dma_start3A_1308 = tpu.memref_squeeze %dma_start3A_1307 : memref<1x!tpu.dma_semaphore, #tpu.memory_space<semaphore_mem>> -> memref<!tpu.dma_semaphore, #tpu.memory_space<semaphore_mem>>
    tpu.enqueue_indirect_dma source(%dma_start3A_1306 : memref<100000x128xf32, #tpu.memory_space<hbm>>) target(%dma_start3A_1300 : memref<50x128xf32, #tpu.memory_space<vmem>>) offsets(%dma_start3A_1303 : memref<50xi32, #tpu.memory_space<vmem>>) semaphore(%dma_start3A_1308 : memref<!tpu.dma_semaphore, #tpu.memory_space<semaphore_mem>>)
    %dma_start3A_1309 = arith.constant 127 : i32
    %dma_start3A_1310 = arith.constant 7 : i32
    %dma_start3A_1311 = arith.constant 1 : i32
    %dma_start3A_1312 = arith.constant 7 : i32
    %dma_start3A_1313 = arith.constant 0 : i32
    %dma_start3A_1314 = arith.constant 0 : i32
    %dma_start3A_1315 = tpu.memref_slice %arg6[%dma_start3A_1310, %dma_start3A_1311, %dma_start3A_1313, %dma_start3A_1314] : memref<8x2x50x128xf32, #tpu.memory_space<vmem>> -> memref<1x1x50x128xf32, #tpu.memory_space<vmem>>
    %dma_start3A_1316 = tpu.memref_squeeze %dma_start3A_1315 : memref<1x1x50x128xf32, #tpu.memory_space<vmem>> -> memref<50x128xf32, #tpu.memory_space<vmem>>
    %dma_start3A_1317 = arith.constant 0 : i32
    %dma_start3A_1318 = tpu.memref_slice %arg5[%dma_start3A_1309, %dma_start3A_1317] : memref<128x50xi32, #tpu.memory_space<vmem>> -> memref<1x50xi32, #tpu.memory_space<vmem>>
    %dma_start3A_1319 = tpu.memref_squeeze %dma_start3A_1318 : memref<1x50xi32, #tpu.memory_space<vmem>> -> memref<50xi32, #tpu.memory_space<vmem>>
    %dma_start3A_1320 = arith.constant 0 : i32
    %dma_start3A_1321 = arith.constant 0 : i32
    %dma_start3A_1322 = tpu.memref_slice %arg2[%dma_start3A_1320, %dma_start3A_1321] : memref<100000x128xf32, #tpu.memory_space<hbm>> -> memref<100000x128xf32, #tpu.memory_space<hbm>>
    %dma_start3A_1323 = tpu.memref_slice %arg7[%dma_start3A_1312] : memref<8x!tpu.dma_semaphore, #tpu.memory_space<semaphore_mem>> -> memref<1x!tpu.dma_semaphore, #tpu.memory_space<semaphore_mem>>
    %dma_start3A_1324 = tpu.memref_squeeze %dma_start3A_1323 : memref<1x!tpu.dma_semaphore, #tpu.memory_space<semaphore_mem>> -> memref<!tpu.dma_semaphore, #tpu.memory_space<semaphore_mem>>
    tpu.enqueue_indirect_dma source(%dma_start3A_1322 : memref<100000x128xf32, #tpu.memory_space<hbm>>) target(%dma_start3A_1316 : memref<50x128xf32, #tpu.memory_space<vmem>>) offsets(%dma_start3A_1319 : memref<50xi32, #tpu.memory_space<vmem>>) semaphore(%dma_start3A_1324 : memref<!tpu.dma_semaphore, #tpu.memory_space<semaphore_mem>>)
    %dma_wait3A_1325 = arith.constant 0 : i32
    %dma_wait3A_1326 = arith.constant 4 : i32
    %dma_wait3A_1327 = arith.constant 0 : i32
    %dma_wait3A_1328 = arith.constant 4 : i32
    %dma_wait3A_1329 = arith.constant 0 : i32
    %dma_wait3A_1330 = arith.constant 0 : i32
    %dma_wait3A_1331 = tpu.memref_slice %arg6[%dma_wait3A_1326, %dma_wait3A_1327, %dma_wait3A_1329, %dma_wait3A_1330] : memref<8x2x50x128xf32, #tpu.memory_space<vmem>> -> memref<1x1x50x128xf32, #tpu.memory_space<vmem>>
    %dma_wait3A_1332 = tpu.memref_squeeze %dma_wait3A_1331 : memref<1x1x50x128xf32, #tpu.memory_space<vmem>> -> memref<50x128xf32, #tpu.memory_space<vmem>>
    %dma_wait3A_1333 = arith.constant 0 : i32
    %dma_wait3A_1334 = tpu.memref_slice %arg5[%dma_wait3A_1325, %dma_wait3A_1333] : memref<128x50xi32, #tpu.memory_space<vmem>> -> memref<1x50xi32, #tpu.memory_space<vmem>>
    %dma_wait3A_1335 = tpu.memref_squeeze %dma_wait3A_1334 : memref<1x50xi32, #tpu.memory_space<vmem>> -> memref<50xi32, #tpu.memory_space<vmem>>
    %dma_wait3A_1336 = arith.constant 0 : i32
    %dma_wait3A_1337 = arith.constant 0 : i32
    %dma_wait3A_1338 = tpu.memref_slice %arg2[%dma_wait3A_1336, %dma_wait3A_1337] : memref<100000x128xf32, #tpu.memory_space<hbm>> -> memref<100000x128xf32, #tpu.memory_space<hbm>>
    %dma_wait3A_1339 = tpu.memref_slice %arg7[%dma_wait3A_1328] : memref<8x!tpu.dma_semaphore, #tpu.memory_space<semaphore_mem>> -> memref<1x!tpu.dma_semaphore, #tpu.memory_space<semaphore_mem>>
    %dma_wait3A_1340 = tpu.memref_squeeze %dma_wait3A_1339 : memref<1x!tpu.dma_semaphore, #tpu.memory_space<semaphore_mem>> -> memref<!tpu.dma_semaphore, #tpu.memory_space<semaphore_mem>>
    tpu.wait_indirect_dma semaphore(%dma_wait3A_1340 : memref<!tpu.dma_semaphore, #tpu.memory_space<semaphore_mem>>) src(%dma_wait3A_1338 : memref<100000x128xf32, #tpu.memory_space<hbm>>) dst(%dma_wait3A_1332 : memref<50x128xf32, #tpu.memory_space<vmem>>)
    %dma_wait3A_1341 = arith.constant 0 : i32
    %dma_wait3A_1342 = arith.constant 4 : i32
    %dma_wait3A_1343 = arith.constant 1 : i32
    %dma_wait3A_1344 = arith.constant 4 : i32
    %dma_wait3A_1345 = arith.constant 0 : i32
    %dma_wait3A_1346 = arith.constant 0 : i32
    %dma_wait3A_1347 = tpu.memref_slice %arg6[%dma_wait3A_1342, %dma_wait3A_1343, %dma_wait3A_1345, %dma_wait3A_1346] : memref<8x2x50x128xf32, #tpu.memory_space<vmem>> -> memref<1x1x50x128xf32, #tpu.memory_space<vmem>>
    %dma_wait3A_1348 = tpu.memref_squeeze %dma_wait3A_1347 : memref<1x1x50x128xf32, #tpu.memory_space<vmem>> -> memref<50x128xf32, #tpu.memory_space<vmem>>
    %dma_wait3A_1349 = arith.constant 0 : i32
    %dma_wait3A_1350 = tpu.memref_slice %arg5[%dma_wait3A_1341, %dma_wait3A_1349] : memref<128x50xi32, #tpu.memory_space<vmem>> -> memref<1x50xi32, #tpu.memory_space<vmem>>
    %dma_wait3A_1351 = tpu.memref_squeeze %dma_wait3A_1350 : memref<1x50xi32, #tpu.memory_space<vmem>> -> memref<50xi32, #tpu.memory_space<vmem>>
    %dma_wait3A_1352 = arith.constant 0 : i32
    %dma_wait3A_1353 = arith.constant 0 : i32
    %dma_wait3A_1354 = tpu.memref_slice %arg2[%dma_wait3A_1352, %dma_wait3A_1353] : memref<100000x128xf32, #tpu.memory_space<hbm>> -> memref<100000x128xf32, #tpu.memory_space<hbm>>
    %dma_wait3A_1355 = tpu.memref_slice %arg7[%dma_wait3A_1344] : memref<8x!tpu.dma_semaphore, #tpu.memory_space<semaphore_mem>> -> memref<1x!tpu.dma_semaphore, #tpu.memory_space<semaphore_mem>>
    %dma_wait3A_1356 = tpu.memref_squeeze %dma_wait3A_1355 : memref<1x!tpu.dma_semaphore, #tpu.memory_space<semaphore_mem>> -> memref<!tpu.dma_semaphore, #tpu.memory_space<semaphore_mem>>
    tpu.wait_indirect_dma semaphore(%dma_wait3A_1356 : memref<!tpu.dma_semaphore, #tpu.memory_space<semaphore_mem>>) src(%dma_wait3A_1354 : memref<100000x128xf32, #tpu.memory_space<hbm>>) dst(%dma_wait3A_1348 : memref<50x128xf32, #tpu.memory_space<vmem>>)
    %add3A_1357 = arith.constant 120 : i32
    %add3A_1358 = arith.addi %mul3A_2, %add3A_1357 : i32
    %dma_start3A_1359 = arith.constant 4 : i32
    %dma_start3A_1360 = arith.constant 4 : i32
    %dma_start3A_1361 = arith.constant 0 : i32
    %dma_start3A_1362 = arith.constant 0 : i32
    %dma_start3A_1363 = arith.constant 0 : i32
    %dma_start3A_1364 = tpu.memref_slice %arg6[%dma_start3A_1359, %dma_start3A_1361, %dma_start3A_1362, %dma_start3A_1363] : memref<8x2x50x128xf32, #tpu.memory_space<vmem>> -> memref<1x2x50x128xf32, #tpu.memory_space<vmem>>
    %dma_start3A_1365 = tpu.memref_squeeze %dma_start3A_1364 : memref<1x2x50x128xf32, #tpu.memory_space<vmem>> -> memref<2x50x128xf32, #tpu.memory_space<vmem>>
    %dma_start3A_1366 = arith.constant 0 : i32
    %dma_start3A_1367 = arith.constant 0 : i32
    %dma_start3A_1368 = tpu.memref_slice %arg4[%add3A_1358, %dma_start3A_1366, %dma_start3A_1367] : memref<4096x50x128xf32, #tpu.memory_space<hbm>> -> memref<2x50x128xf32, #tpu.memory_space<hbm>>
    %dma_start3A_1369 = tpu.memref_slice %arg8[%dma_start3A_1360] : memref<8x!tpu.dma_semaphore, #tpu.memory_space<semaphore_mem>> -> memref<1x!tpu.dma_semaphore, #tpu.memory_space<semaphore_mem>>
    %dma_start3A_1370 = tpu.memref_squeeze %dma_start3A_1369 : memref<1x!tpu.dma_semaphore, #tpu.memory_space<semaphore_mem>> -> memref<!tpu.dma_semaphore, #tpu.memory_space<semaphore_mem>>
    %dma_start3A_1371 = arith.constant 0 : i32
    %dma_start3A_1372 = arith.constant 0 : i32
    %dma_start3A_1373 = tpu.memref_slice %arg4[%add3A_1358, %dma_start3A_1371, %dma_start3A_1372] : memref<4096x50x128xf32, #tpu.memory_space<hbm>> -> memref<2x50x128xf32, #tpu.memory_space<hbm>>
    %dma_start3A_1374 = arith.constant 0 : i32
    %dma_start3A_1375 = arith.constant 0 : i32
    %dma_start3A_1376 = arith.constant 0 : i32
    %dma_start3A_1377 = tpu.memref_slice %arg6[%dma_start3A_1359, %dma_start3A_1374, %dma_start3A_1375, %dma_start3A_1376] : memref<8x2x50x128xf32, #tpu.memory_space<vmem>> -> memref<1x2x50x128xf32, #tpu.memory_space<vmem>>
    %dma_start3A_1378 = tpu.memref_squeeze %dma_start3A_1377 : memref<1x2x50x128xf32, #tpu.memory_space<vmem>> -> memref<2x50x128xf32, #tpu.memory_space<vmem>>
    tpu.enqueue_dma source(%dma_start3A_1378 : memref<2x50x128xf32, #tpu.memory_space<vmem>>) target(%dma_start3A_1373 : memref<2x50x128xf32, #tpu.memory_space<hbm>>) target_semaphore(%dma_start3A_1370 : memref<!tpu.dma_semaphore, #tpu.memory_space<semaphore_mem>>)
    %dma_wait3A_1379 = arith.constant 0 : i32
    %dma_wait3A_1380 = arith.constant 5 : i32
    %dma_wait3A_1381 = arith.constant 0 : i32
    %dma_wait3A_1382 = arith.constant 5 : i32
    %dma_wait3A_1383 = arith.constant 0 : i32
    %dma_wait3A_1384 = arith.constant 0 : i32
    %dma_wait3A_1385 = tpu.memref_slice %arg6[%dma_wait3A_1380, %dma_wait3A_1381, %dma_wait3A_1383, %dma_wait3A_1384] : memref<8x2x50x128xf32, #tpu.memory_space<vmem>> -> memref<1x1x50x128xf32, #tpu.memory_space<vmem>>
    %dma_wait3A_1386 = tpu.memref_squeeze %dma_wait3A_1385 : memref<1x1x50x128xf32, #tpu.memory_space<vmem>> -> memref<50x128xf32, #tpu.memory_space<vmem>>
    %dma_wait3A_1387 = arith.constant 0 : i32
    %dma_wait3A_1388 = tpu.memref_slice %arg5[%dma_wait3A_1379, %dma_wait3A_1387] : memref<128x50xi32, #tpu.memory_space<vmem>> -> memref<1x50xi32, #tpu.memory_space<vmem>>
    %dma_wait3A_1389 = tpu.memref_squeeze %dma_wait3A_1388 : memref<1x50xi32, #tpu.memory_space<vmem>> -> memref<50xi32, #tpu.memory_space<vmem>>
    %dma_wait3A_1390 = arith.constant 0 : i32
    %dma_wait3A_1391 = arith.constant 0 : i32
    %dma_wait3A_1392 = tpu.memref_slice %arg2[%dma_wait3A_1390, %dma_wait3A_1391] : memref<100000x128xf32, #tpu.memory_space<hbm>> -> memref<100000x128xf32, #tpu.memory_space<hbm>>
    %dma_wait3A_1393 = tpu.memref_slice %arg7[%dma_wait3A_1382] : memref<8x!tpu.dma_semaphore, #tpu.memory_space<semaphore_mem>> -> memref<1x!tpu.dma_semaphore, #tpu.memory_space<semaphore_mem>>
    %dma_wait3A_1394 = tpu.memref_squeeze %dma_wait3A_1393 : memref<1x!tpu.dma_semaphore, #tpu.memory_space<semaphore_mem>> -> memref<!tpu.dma_semaphore, #tpu.memory_space<semaphore_mem>>
    tpu.wait_indirect_dma semaphore(%dma_wait3A_1394 : memref<!tpu.dma_semaphore, #tpu.memory_space<semaphore_mem>>) src(%dma_wait3A_1392 : memref<100000x128xf32, #tpu.memory_space<hbm>>) dst(%dma_wait3A_1386 : memref<50x128xf32, #tpu.memory_space<vmem>>)
    %dma_wait3A_1395 = arith.constant 0 : i32
    %dma_wait3A_1396 = arith.constant 5 : i32
    %dma_wait3A_1397 = arith.constant 1 : i32
    %dma_wait3A_1398 = arith.constant 5 : i32
    %dma_wait3A_1399 = arith.constant 0 : i32
    %dma_wait3A_1400 = arith.constant 0 : i32
    %dma_wait3A_1401 = tpu.memref_slice %arg6[%dma_wait3A_1396, %dma_wait3A_1397, %dma_wait3A_1399, %dma_wait3A_1400] : memref<8x2x50x128xf32, #tpu.memory_space<vmem>> -> memref<1x1x50x128xf32, #tpu.memory_space<vmem>>
    %dma_wait3A_1402 = tpu.memref_squeeze %dma_wait3A_1401 : memref<1x1x50x128xf32, #tpu.memory_space<vmem>> -> memref<50x128xf32, #tpu.memory_space<vmem>>
    %dma_wait3A_1403 = arith.constant 0 : i32
    %dma_wait3A_1404 = tpu.memref_slice %arg5[%dma_wait3A_1395, %dma_wait3A_1403] : memref<128x50xi32, #tpu.memory_space<vmem>> -> memref<1x50xi32, #tpu.memory_space<vmem>>
    %dma_wait3A_1405 = tpu.memref_squeeze %dma_wait3A_1404 : memref<1x50xi32, #tpu.memory_space<vmem>> -> memref<50xi32, #tpu.memory_space<vmem>>
    %dma_wait3A_1406 = arith.constant 0 : i32
    %dma_wait3A_1407 = arith.constant 0 : i32
    %dma_wait3A_1408 = tpu.memref_slice %arg2[%dma_wait3A_1406, %dma_wait3A_1407] : memref<100000x128xf32, #tpu.memory_space<hbm>> -> memref<100000x128xf32, #tpu.memory_space<hbm>>
    %dma_wait3A_1409 = tpu.memref_slice %arg7[%dma_wait3A_1398] : memref<8x!tpu.dma_semaphore, #tpu.memory_space<semaphore_mem>> -> memref<1x!tpu.dma_semaphore, #tpu.memory_space<semaphore_mem>>
    %dma_wait3A_1410 = tpu.memref_squeeze %dma_wait3A_1409 : memref<1x!tpu.dma_semaphore, #tpu.memory_space<semaphore_mem>> -> memref<!tpu.dma_semaphore, #tpu.memory_space<semaphore_mem>>
    tpu.wait_indirect_dma semaphore(%dma_wait3A_1410 : memref<!tpu.dma_semaphore, #tpu.memory_space<semaphore_mem>>) src(%dma_wait3A_1408 : memref<100000x128xf32, #tpu.memory_space<hbm>>) dst(%dma_wait3A_1402 : memref<50x128xf32, #tpu.memory_space<vmem>>)
    %add3A_1411 = arith.constant 122 : i32
    %add3A_1412 = arith.addi %mul3A_2, %add3A_1411 : i32
    %dma_start3A_1413 = arith.constant 5 : i32
    %dma_start3A_1414 = arith.constant 5 : i32
    %dma_start3A_1415 = arith.constant 0 : i32
    %dma_start3A_1416 = arith.constant 0 : i32
    %dma_start3A_1417 = arith.constant 0 : i32
    %dma_start3A_1418 = tpu.memref_slice %arg6[%dma_start3A_1413, %dma_start3A_1415, %dma_start3A_1416, %dma_start3A_1417] : memref<8x2x50x128xf32, #tpu.memory_space<vmem>> -> memref<1x2x50x128xf32, #tpu.memory_space<vmem>>
    %dma_start3A_1419 = tpu.memref_squeeze %dma_start3A_1418 : memref<1x2x50x128xf32, #tpu.memory_space<vmem>> -> memref<2x50x128xf32, #tpu.memory_space<vmem>>
    %dma_start3A_1420 = arith.constant 0 : i32
    %dma_start3A_1421 = arith.constant 0 : i32
    %dma_start3A_1422 = tpu.memref_slice %arg4[%add3A_1412, %dma_start3A_1420, %dma_start3A_1421] : memref<4096x50x128xf32, #tpu.memory_space<hbm>> -> memref<2x50x128xf32, #tpu.memory_space<hbm>>
    %dma_start3A_1423 = tpu.memref_slice %arg8[%dma_start3A_1414] : memref<8x!tpu.dma_semaphore, #tpu.memory_space<semaphore_mem>> -> memref<1x!tpu.dma_semaphore, #tpu.memory_space<semaphore_mem>>
    %dma_start3A_1424 = tpu.memref_squeeze %dma_start3A_1423 : memref<1x!tpu.dma_semaphore, #tpu.memory_space<semaphore_mem>> -> memref<!tpu.dma_semaphore, #tpu.memory_space<semaphore_mem>>
    %dma_start3A_1425 = arith.constant 0 : i32
    %dma_start3A_1426 = arith.constant 0 : i32
    %dma_start3A_1427 = tpu.memref_slice %arg4[%add3A_1412, %dma_start3A_1425, %dma_start3A_1426] : memref<4096x50x128xf32, #tpu.memory_space<hbm>> -> memref<2x50x128xf32, #tpu.memory_space<hbm>>
    %dma_start3A_1428 = arith.constant 0 : i32
    %dma_start3A_1429 = arith.constant 0 : i32
    %dma_start3A_1430 = arith.constant 0 : i32
    %dma_start3A_1431 = tpu.memref_slice %arg6[%dma_start3A_1413, %dma_start3A_1428, %dma_start3A_1429, %dma_start3A_1430] : memref<8x2x50x128xf32, #tpu.memory_space<vmem>> -> memref<1x2x50x128xf32, #tpu.memory_space<vmem>>
    %dma_start3A_1432 = tpu.memref_squeeze %dma_start3A_1431 : memref<1x2x50x128xf32, #tpu.memory_space<vmem>> -> memref<2x50x128xf32, #tpu.memory_space<vmem>>
    tpu.enqueue_dma source(%dma_start3A_1432 : memref<2x50x128xf32, #tpu.memory_space<vmem>>) target(%dma_start3A_1427 : memref<2x50x128xf32, #tpu.memory_space<hbm>>) target_semaphore(%dma_start3A_1424 : memref<!tpu.dma_semaphore, #tpu.memory_space<semaphore_mem>>)
    %dma_wait3A_1433 = arith.constant 0 : i32
    %dma_wait3A_1434 = arith.constant 6 : i32
    %dma_wait3A_1435 = arith.constant 0 : i32
    %dma_wait3A_1436 = arith.constant 6 : i32
    %dma_wait3A_1437 = arith.constant 0 : i32
    %dma_wait3A_1438 = arith.constant 0 : i32
    %dma_wait3A_1439 = tpu.memref_slice %arg6[%dma_wait3A_1434, %dma_wait3A_1435, %dma_wait3A_1437, %dma_wait3A_1438] : memref<8x2x50x128xf32, #tpu.memory_space<vmem>> -> memref<1x1x50x128xf32, #tpu.memory_space<vmem>>
    %dma_wait3A_1440 = tpu.memref_squeeze %dma_wait3A_1439 : memref<1x1x50x128xf32, #tpu.memory_space<vmem>> -> memref<50x128xf32, #tpu.memory_space<vmem>>
    %dma_wait3A_1441 = arith.constant 0 : i32
    %dma_wait3A_1442 = tpu.memref_slice %arg5[%dma_wait3A_1433, %dma_wait3A_1441] : memref<128x50xi32, #tpu.memory_space<vmem>> -> memref<1x50xi32, #tpu.memory_space<vmem>>
    %dma_wait3A_1443 = tpu.memref_squeeze %dma_wait3A_1442 : memref<1x50xi32, #tpu.memory_space<vmem>> -> memref<50xi32, #tpu.memory_space<vmem>>
    %dma_wait3A_1444 = arith.constant 0 : i32
    %dma_wait3A_1445 = arith.constant 0 : i32
    %dma_wait3A_1446 = tpu.memref_slice %arg2[%dma_wait3A_1444, %dma_wait3A_1445] : memref<100000x128xf32, #tpu.memory_space<hbm>> -> memref<100000x128xf32, #tpu.memory_space<hbm>>
    %dma_wait3A_1447 = tpu.memref_slice %arg7[%dma_wait3A_1436] : memref<8x!tpu.dma_semaphore, #tpu.memory_space<semaphore_mem>> -> memref<1x!tpu.dma_semaphore, #tpu.memory_space<semaphore_mem>>
    %dma_wait3A_1448 = tpu.memref_squeeze %dma_wait3A_1447 : memref<1x!tpu.dma_semaphore, #tpu.memory_space<semaphore_mem>> -> memref<!tpu.dma_semaphore, #tpu.memory_space<semaphore_mem>>
    tpu.wait_indirect_dma semaphore(%dma_wait3A_1448 : memref<!tpu.dma_semaphore, #tpu.memory_space<semaphore_mem>>) src(%dma_wait3A_1446 : memref<100000x128xf32, #tpu.memory_space<hbm>>) dst(%dma_wait3A_1440 : memref<50x128xf32, #tpu.memory_space<vmem>>)
    %dma_wait3A_1449 = arith.constant 0 : i32
    %dma_wait3A_1450 = arith.constant 6 : i32
    %dma_wait3A_1451 = arith.constant 1 : i32
    %dma_wait3A_1452 = arith.constant 6 : i32
    %dma_wait3A_1453 = arith.constant 0 : i32
    %dma_wait3A_1454 = arith.constant 0 : i32
    %dma_wait3A_1455 = tpu.memref_slice %arg6[%dma_wait3A_1450, %dma_wait3A_1451, %dma_wait3A_1453, %dma_wait3A_1454] : memref<8x2x50x128xf32, #tpu.memory_space<vmem>> -> memref<1x1x50x128xf32, #tpu.memory_space<vmem>>
    %dma_wait3A_1456 = tpu.memref_squeeze %dma_wait3A_1455 : memref<1x1x50x128xf32, #tpu.memory_space<vmem>> -> memref<50x128xf32, #tpu.memory_space<vmem>>
    %dma_wait3A_1457 = arith.constant 0 : i32
    %dma_wait3A_1458 = tpu.memref_slice %arg5[%dma_wait3A_1449, %dma_wait3A_1457] : memref<128x50xi32, #tpu.memory_space<vmem>> -> memref<1x50xi32, #tpu.memory_space<vmem>>
    %dma_wait3A_1459 = tpu.memref_squeeze %dma_wait3A_1458 : memref<1x50xi32, #tpu.memory_space<vmem>> -> memref<50xi32, #tpu.memory_space<vmem>>
    %dma_wait3A_1460 = arith.constant 0 : i32
    %dma_wait3A_1461 = arith.constant 0 : i32
    %dma_wait3A_1462 = tpu.memref_slice %arg2[%dma_wait3A_1460, %dma_wait3A_1461] : memref<100000x128xf32, #tpu.memory_space<hbm>> -> memref<100000x128xf32, #tpu.memory_space<hbm>>
    %dma_wait3A_1463 = tpu.memref_slice %arg7[%dma_wait3A_1452] : memref<8x!tpu.dma_semaphore, #tpu.memory_space<semaphore_mem>> -> memref<1x!tpu.dma_semaphore, #tpu.memory_space<semaphore_mem>>
    %dma_wait3A_1464 = tpu.memref_squeeze %dma_wait3A_1463 : memref<1x!tpu.dma_semaphore, #tpu.memory_space<semaphore_mem>> -> memref<!tpu.dma_semaphore, #tpu.memory_space<semaphore_mem>>
    tpu.wait_indirect_dma semaphore(%dma_wait3A_1464 : memref<!tpu.dma_semaphore, #tpu.memory_space<semaphore_mem>>) src(%dma_wait3A_1462 : memref<100000x128xf32, #tpu.memory_space<hbm>>) dst(%dma_wait3A_1456 : memref<50x128xf32, #tpu.memory_space<vmem>>)
    %add3A_1465 = arith.constant 124 : i32
    %add3A_1466 = arith.addi %mul3A_2, %add3A_1465 : i32
    %dma_start3A_1467 = arith.constant 6 : i32
    %dma_start3A_1468 = arith.constant 6 : i32
    %dma_start3A_1469 = arith.constant 0 : i32
    %dma_start3A_1470 = arith.constant 0 : i32
    %dma_start3A_1471 = arith.constant 0 : i32
    %dma_start3A_1472 = tpu.memref_slice %arg6[%dma_start3A_1467, %dma_start3A_1469, %dma_start3A_1470, %dma_start3A_1471] : memref<8x2x50x128xf32, #tpu.memory_space<vmem>> -> memref<1x2x50x128xf32, #tpu.memory_space<vmem>>
    %dma_start3A_1473 = tpu.memref_squeeze %dma_start3A_1472 : memref<1x2x50x128xf32, #tpu.memory_space<vmem>> -> memref<2x50x128xf32, #tpu.memory_space<vmem>>
    %dma_start3A_1474 = arith.constant 0 : i32
    %dma_start3A_1475 = arith.constant 0 : i32
    %dma_start3A_1476 = tpu.memref_slice %arg4[%add3A_1466, %dma_start3A_1474, %dma_start3A_1475] : memref<4096x50x128xf32, #tpu.memory_space<hbm>> -> memref<2x50x128xf32, #tpu.memory_space<hbm>>
    %dma_start3A_1477 = tpu.memref_slice %arg8[%dma_start3A_1468] : memref<8x!tpu.dma_semaphore, #tpu.memory_space<semaphore_mem>> -> memref<1x!tpu.dma_semaphore, #tpu.memory_space<semaphore_mem>>
    %dma_start3A_1478 = tpu.memref_squeeze %dma_start3A_1477 : memref<1x!tpu.dma_semaphore, #tpu.memory_space<semaphore_mem>> -> memref<!tpu.dma_semaphore, #tpu.memory_space<semaphore_mem>>
    %dma_start3A_1479 = arith.constant 0 : i32
    %dma_start3A_1480 = arith.constant 0 : i32
    %dma_start3A_1481 = tpu.memref_slice %arg4[%add3A_1466, %dma_start3A_1479, %dma_start3A_1480] : memref<4096x50x128xf32, #tpu.memory_space<hbm>> -> memref<2x50x128xf32, #tpu.memory_space<hbm>>
    %dma_start3A_1482 = arith.constant 0 : i32
    %dma_start3A_1483 = arith.constant 0 : i32
    %dma_start3A_1484 = arith.constant 0 : i32
    %dma_start3A_1485 = tpu.memref_slice %arg6[%dma_start3A_1467, %dma_start3A_1482, %dma_start3A_1483, %dma_start3A_1484] : memref<8x2x50x128xf32, #tpu.memory_space<vmem>> -> memref<1x2x50x128xf32, #tpu.memory_space<vmem>>
    %dma_start3A_1486 = tpu.memref_squeeze %dma_start3A_1485 : memref<1x2x50x128xf32, #tpu.memory_space<vmem>> -> memref<2x50x128xf32, #tpu.memory_space<vmem>>
    tpu.enqueue_dma source(%dma_start3A_1486 : memref<2x50x128xf32, #tpu.memory_space<vmem>>) target(%dma_start3A_1481 : memref<2x50x128xf32, #tpu.memory_space<hbm>>) target_semaphore(%dma_start3A_1478 : memref<!tpu.dma_semaphore, #tpu.memory_space<semaphore_mem>>)
    %dma_wait3A_1487 = arith.constant 0 : i32
    %dma_wait3A_1488 = arith.constant 7 : i32
    %dma_wait3A_1489 = arith.constant 0 : i32
    %dma_wait3A_1490 = arith.constant 7 : i32
    %dma_wait3A_1491 = arith.constant 0 : i32
    %dma_wait3A_1492 = arith.constant 0 : i32
    %dma_wait3A_1493 = tpu.memref_slice %arg6[%dma_wait3A_1488, %dma_wait3A_1489, %dma_wait3A_1491, %dma_wait3A_1492] : memref<8x2x50x128xf32, #tpu.memory_space<vmem>> -> memref<1x1x50x128xf32, #tpu.memory_space<vmem>>
    %dma_wait3A_1494 = tpu.memref_squeeze %dma_wait3A_1493 : memref<1x1x50x128xf32, #tpu.memory_space<vmem>> -> memref<50x128xf32, #tpu.memory_space<vmem>>
    %dma_wait3A_1495 = arith.constant 0 : i32
    %dma_wait3A_1496 = tpu.memref_slice %arg5[%dma_wait3A_1487, %dma_wait3A_1495] : memref<128x50xi32, #tpu.memory_space<vmem>> -> memref<1x50xi32, #tpu.memory_space<vmem>>
    %dma_wait3A_1497 = tpu.memref_squeeze %dma_wait3A_1496 : memref<1x50xi32, #tpu.memory_space<vmem>> -> memref<50xi32, #tpu.memory_space<vmem>>
    %dma_wait3A_1498 = arith.constant 0 : i32
    %dma_wait3A_1499 = arith.constant 0 : i32
    %dma_wait3A_1500 = tpu.memref_slice %arg2[%dma_wait3A_1498, %dma_wait3A_1499] : memref<100000x128xf32, #tpu.memory_space<hbm>> -> memref<100000x128xf32, #tpu.memory_space<hbm>>
    %dma_wait3A_1501 = tpu.memref_slice %arg7[%dma_wait3A_1490] : memref<8x!tpu.dma_semaphore, #tpu.memory_space<semaphore_mem>> -> memref<1x!tpu.dma_semaphore, #tpu.memory_space<semaphore_mem>>
    %dma_wait3A_1502 = tpu.memref_squeeze %dma_wait3A_1501 : memref<1x!tpu.dma_semaphore, #tpu.memory_space<semaphore_mem>> -> memref<!tpu.dma_semaphore, #tpu.memory_space<semaphore_mem>>
    tpu.wait_indirect_dma semaphore(%dma_wait3A_1502 : memref<!tpu.dma_semaphore, #tpu.memory_space<semaphore_mem>>) src(%dma_wait3A_1500 : memref<100000x128xf32, #tpu.memory_space<hbm>>) dst(%dma_wait3A_1494 : memref<50x128xf32, #tpu.memory_space<vmem>>)
    %dma_wait3A_1503 = arith.constant 0 : i32
    %dma_wait3A_1504 = arith.constant 7 : i32
    %dma_wait3A_1505 = arith.constant 1 : i32
    %dma_wait3A_1506 = arith.constant 7 : i32
    %dma_wait3A_1507 = arith.constant 0 : i32
    %dma_wait3A_1508 = arith.constant 0 : i32
    %dma_wait3A_1509 = tpu.memref_slice %arg6[%dma_wait3A_1504, %dma_wait3A_1505, %dma_wait3A_1507, %dma_wait3A_1508] : memref<8x2x50x128xf32, #tpu.memory_space<vmem>> -> memref<1x1x50x128xf32, #tpu.memory_space<vmem>>
    %dma_wait3A_1510 = tpu.memref_squeeze %dma_wait3A_1509 : memref<1x1x50x128xf32, #tpu.memory_space<vmem>> -> memref<50x128xf32, #tpu.memory_space<vmem>>
    %dma_wait3A_1511 = arith.constant 0 : i32
    %dma_wait3A_1512 = tpu.memref_slice %arg5[%dma_wait3A_1503, %dma_wait3A_1511] : memref<128x50xi32, #tpu.memory_space<vmem>> -> memref<1x50xi32, #tpu.memory_space<vmem>>
    %dma_wait3A_1513 = tpu.memref_squeeze %dma_wait3A_1512 : memref<1x50xi32, #tpu.memory_space<vmem>> -> memref<50xi32, #tpu.memory_space<vmem>>
    %dma_wait3A_1514 = arith.constant 0 : i32
    %dma_wait3A_1515 = arith.constant 0 : i32
    %dma_wait3A_1516 = tpu.memref_slice %arg2[%dma_wait3A_1514, %dma_wait3A_1515] : memref<100000x128xf32, #tpu.memory_space<hbm>> -> memref<100000x128xf32, #tpu.memory_space<hbm>>
    %dma_wait3A_1517 = tpu.memref_slice %arg7[%dma_wait3A_1506] : memref<8x!tpu.dma_semaphore, #tpu.memory_space<semaphore_mem>> -> memref<1x!tpu.dma_semaphore, #tpu.memory_space<semaphore_mem>>
    %dma_wait3A_1518 = tpu.memref_squeeze %dma_wait3A_1517 : memref<1x!tpu.dma_semaphore, #tpu.memory_space<semaphore_mem>> -> memref<!tpu.dma_semaphore, #tpu.memory_space<semaphore_mem>>
    tpu.wait_indirect_dma semaphore(%dma_wait3A_1518 : memref<!tpu.dma_semaphore, #tpu.memory_space<semaphore_mem>>) src(%dma_wait3A_1516 : memref<100000x128xf32, #tpu.memory_space<hbm>>) dst(%dma_wait3A_1510 : memref<50x128xf32, #tpu.memory_space<vmem>>)
    %add3A_1519 = arith.constant 126 : i32
    %add3A_1520 = arith.addi %mul3A_2, %add3A_1519 : i32
    %dma_start3A_1521 = arith.constant 7 : i32
    %dma_start3A_1522 = arith.constant 7 : i32
    %dma_start3A_1523 = arith.constant 0 : i32
    %dma_start3A_1524 = arith.constant 0 : i32
    %dma_start3A_1525 = arith.constant 0 : i32
    %dma_start3A_1526 = tpu.memref_slice %arg6[%dma_start3A_1521, %dma_start3A_1523, %dma_start3A_1524, %dma_start3A_1525] : memref<8x2x50x128xf32, #tpu.memory_space<vmem>> -> memref<1x2x50x128xf32, #tpu.memory_space<vmem>>
    %dma_start3A_1527 = tpu.memref_squeeze %dma_start3A_1526 : memref<1x2x50x128xf32, #tpu.memory_space<vmem>> -> memref<2x50x128xf32, #tpu.memory_space<vmem>>
    %dma_start3A_1528 = arith.constant 0 : i32
    %dma_start3A_1529 = arith.constant 0 : i32
    %dma_start3A_1530 = tpu.memref_slice %arg4[%add3A_1520, %dma_start3A_1528, %dma_start3A_1529] : memref<4096x50x128xf32, #tpu.memory_space<hbm>> -> memref<2x50x128xf32, #tpu.memory_space<hbm>>
    %dma_start3A_1531 = tpu.memref_slice %arg8[%dma_start3A_1522] : memref<8x!tpu.dma_semaphore, #tpu.memory_space<semaphore_mem>> -> memref<1x!tpu.dma_semaphore, #tpu.memory_space<semaphore_mem>>
    %dma_start3A_1532 = tpu.memref_squeeze %dma_start3A_1531 : memref<1x!tpu.dma_semaphore, #tpu.memory_space<semaphore_mem>> -> memref<!tpu.dma_semaphore, #tpu.memory_space<semaphore_mem>>
    %dma_start3A_1533 = arith.constant 0 : i32
    %dma_start3A_1534 = arith.constant 0 : i32
    %dma_start3A_1535 = tpu.memref_slice %arg4[%add3A_1520, %dma_start3A_1533, %dma_start3A_1534] : memref<4096x50x128xf32, #tpu.memory_space<hbm>> -> memref<2x50x128xf32, #tpu.memory_space<hbm>>
    %dma_start3A_1536 = arith.constant 0 : i32
    %dma_start3A_1537 = arith.constant 0 : i32
    %dma_start3A_1538 = arith.constant 0 : i32
    %dma_start3A_1539 = tpu.memref_slice %arg6[%dma_start3A_1521, %dma_start3A_1536, %dma_start3A_1537, %dma_start3A_1538] : memref<8x2x50x128xf32, #tpu.memory_space<vmem>> -> memref<1x2x50x128xf32, #tpu.memory_space<vmem>>
    %dma_start3A_1540 = tpu.memref_squeeze %dma_start3A_1539 : memref<1x2x50x128xf32, #tpu.memory_space<vmem>> -> memref<2x50x128xf32, #tpu.memory_space<vmem>>
    tpu.enqueue_dma source(%dma_start3A_1540 : memref<2x50x128xf32, #tpu.memory_space<vmem>>) target(%dma_start3A_1535 : memref<2x50x128xf32, #tpu.memory_space<hbm>>) target_semaphore(%dma_start3A_1532 : memref<!tpu.dma_semaphore, #tpu.memory_space<semaphore_mem>>)
    %dma_wait3A_1541 = arith.constant 0 : i32
    %dma_wait3A_1542 = arith.constant 0 : i32
    %dma_wait3A_1543 = arith.constant 0 : i32
    %dma_wait3A_1544 = arith.constant 0 : i32
    %dma_wait3A_1545 = arith.constant 0 : i32
    %dma_wait3A_1546 = tpu.memref_slice %arg6[%dma_wait3A_1541, %dma_wait3A_1543, %dma_wait3A_1544, %dma_wait3A_1545] : memref<8x2x50x128xf32, #tpu.memory_space<vmem>> -> memref<1x2x50x128xf32, #tpu.memory_space<vmem>>
    %dma_wait3A_1547 = tpu.memref_squeeze %dma_wait3A_1546 : memref<1x2x50x128xf32, #tpu.memory_space<vmem>> -> memref<2x50x128xf32, #tpu.memory_space<vmem>>
    %dma_wait3A_1548 = arith.constant 0 : i32
    %dma_wait3A_1549 = arith.constant 0 : i32
    %dma_wait3A_1550 = tpu.memref_slice %arg4[%mul3A_2, %dma_wait3A_1548, %dma_wait3A_1549] : memref<4096x50x128xf32, #tpu.memory_space<hbm>> -> memref<2x50x128xf32, #tpu.memory_space<hbm>>
    %dma_wait3A_1551 = tpu.memref_slice %arg8[%dma_wait3A_1542] : memref<8x!tpu.dma_semaphore, #tpu.memory_space<semaphore_mem>> -> memref<1x!tpu.dma_semaphore, #tpu.memory_space<semaphore_mem>>
    %dma_wait3A_1552 = tpu.memref_squeeze %dma_wait3A_1551 : memref<1x!tpu.dma_semaphore, #tpu.memory_space<semaphore_mem>> -> memref<!tpu.dma_semaphore, #tpu.memory_space<semaphore_mem>>
    %dma_wait3A_1553 = arith.constant 0 : i32
    %dma_wait3A_1554 = arith.constant 0 : i32
    %dma_wait3A_1555 = tpu.memref_slice %arg4[%mul3A_2, %dma_wait3A_1553, %dma_wait3A_1554] : memref<4096x50x128xf32, #tpu.memory_space<hbm>> -> memref<2x50x128xf32, #tpu.memory_space<hbm>>
    %dma_wait3A_1556 = arith.constant 0 : i32
    %dma_wait3A_1557 = arith.constant 0 : i32
    %dma_wait3A_1558 = arith.constant 0 : i32
    %dma_wait3A_1559 = tpu.memref_slice %arg6[%dma_wait3A_1541, %dma_wait3A_1556, %dma_wait3A_1557, %dma_wait3A_1558] : memref<8x2x50x128xf32, #tpu.memory_space<vmem>> -> memref<1x2x50x128xf32, #tpu.memory_space<vmem>>
    %dma_wait3A_1560 = tpu.memref_squeeze %dma_wait3A_1559 : memref<1x2x50x128xf32, #tpu.memory_space<vmem>> -> memref<2x50x128xf32, #tpu.memory_space<vmem>>
    tpu.wait_dma2 semaphore(%dma_wait3A_1552 : memref<!tpu.dma_semaphore, #tpu.memory_space<semaphore_mem>>) src(%dma_wait3A_1560 : memref<2x50x128xf32, #tpu.memory_space<vmem>>) dst(%dma_wait3A_1555 : memref<2x50x128xf32, #tpu.memory_space<hbm>>)
    %dma_wait3A_1561 = arith.constant 1 : i32
    %dma_wait3A_1562 = arith.constant 1 : i32
    %dma_wait3A_1563 = arith.constant 0 : i32
    %dma_wait3A_1564 = arith.constant 0 : i32
    %dma_wait3A_1565 = arith.constant 0 : i32
    %dma_wait3A_1566 = tpu.memref_slice %arg6[%dma_wait3A_1561, %dma_wait3A_1563, %dma_wait3A_1564, %dma_wait3A_1565] : memref<8x2x50x128xf32, #tpu.memory_space<vmem>> -> memref<1x2x50x128xf32, #tpu.memory_space<vmem>>
    %dma_wait3A_1567 = tpu.memref_squeeze %dma_wait3A_1566 : memref<1x2x50x128xf32, #tpu.memory_space<vmem>> -> memref<2x50x128xf32, #tpu.memory_space<vmem>>
    %dma_wait3A_1568 = arith.constant 0 : i32
    %dma_wait3A_1569 = arith.constant 0 : i32
    %dma_wait3A_1570 = tpu.memref_slice %arg4[%mul3A_2, %dma_wait3A_1568, %dma_wait3A_1569] : memref<4096x50x128xf32, #tpu.memory_space<hbm>> -> memref<2x50x128xf32, #tpu.memory_space<hbm>>
    %dma_wait3A_1571 = tpu.memref_slice %arg8[%dma_wait3A_1562] : memref<8x!tpu.dma_semaphore, #tpu.memory_space<semaphore_mem>> -> memref<1x!tpu.dma_semaphore, #tpu.memory_space<semaphore_mem>>
    %dma_wait3A_1572 = tpu.memref_squeeze %dma_wait3A_1571 : memref<1x!tpu.dma_semaphore, #tpu.memory_space<semaphore_mem>> -> memref<!tpu.dma_semaphore, #tpu.memory_space<semaphore_mem>>
    %dma_wait3A_1573 = arith.constant 0 : i32
    %dma_wait3A_1574 = arith.constant 0 : i32
    %dma_wait3A_1575 = tpu.memref_slice %arg4[%mul3A_2, %dma_wait3A_1573, %dma_wait3A_1574] : memref<4096x50x128xf32, #tpu.memory_space<hbm>> -> memref<2x50x128xf32, #tpu.memory_space<hbm>>
    %dma_wait3A_1576 = arith.constant 0 : i32
    %dma_wait3A_1577 = arith.constant 0 : i32
    %dma_wait3A_1578 = arith.constant 0 : i32
    %dma_wait3A_1579 = tpu.memref_slice %arg6[%dma_wait3A_1561, %dma_wait3A_1576, %dma_wait3A_1577, %dma_wait3A_1578] : memref<8x2x50x128xf32, #tpu.memory_space<vmem>> -> memref<1x2x50x128xf32, #tpu.memory_space<vmem>>
    %dma_wait3A_1580 = tpu.memref_squeeze %dma_wait3A_1579 : memref<1x2x50x128xf32, #tpu.memory_space<vmem>> -> memref<2x50x128xf32, #tpu.memory_space<vmem>>
    tpu.wait_dma2 semaphore(%dma_wait3A_1572 : memref<!tpu.dma_semaphore, #tpu.memory_space<semaphore_mem>>) src(%dma_wait3A_1580 : memref<2x50x128xf32, #tpu.memory_space<vmem>>) dst(%dma_wait3A_1575 : memref<2x50x128xf32, #tpu.memory_space<hbm>>)
    %dma_wait3A_1581 = arith.constant 2 : i32
    %dma_wait3A_1582 = arith.constant 2 : i32
    %dma_wait3A_1583 = arith.constant 0 : i32
    %dma_wait3A_1584 = arith.constant 0 : i32
    %dma_wait3A_1585 = arith.constant 0 : i32
    %dma_wait3A_1586 = tpu.memref_slice %arg6[%dma_wait3A_1581, %dma_wait3A_1583, %dma_wait3A_1584, %dma_wait3A_1585] : memref<8x2x50x128xf32, #tpu.memory_space<vmem>> -> memref<1x2x50x128xf32, #tpu.memory_space<vmem>>
    %dma_wait3A_1587 = tpu.memref_squeeze %dma_wait3A_1586 : memref<1x2x50x128xf32, #tpu.memory_space<vmem>> -> memref<2x50x128xf32, #tpu.memory_space<vmem>>
    %dma_wait3A_1588 = arith.constant 0 : i32
    %dma_wait3A_1589 = arith.constant 0 : i32
    %dma_wait3A_1590 = tpu.memref_slice %arg4[%mul3A_2, %dma_wait3A_1588, %dma_wait3A_1589] : memref<4096x50x128xf32, #tpu.memory_space<hbm>> -> memref<2x50x128xf32, #tpu.memory_space<hbm>>
    %dma_wait3A_1591 = tpu.memref_slice %arg8[%dma_wait3A_1582] : memref<8x!tpu.dma_semaphore, #tpu.memory_space<semaphore_mem>> -> memref<1x!tpu.dma_semaphore, #tpu.memory_space<semaphore_mem>>
    %dma_wait3A_1592 = tpu.memref_squeeze %dma_wait3A_1591 : memref<1x!tpu.dma_semaphore, #tpu.memory_space<semaphore_mem>> -> memref<!tpu.dma_semaphore, #tpu.memory_space<semaphore_mem>>
    %dma_wait3A_1593 = arith.constant 0 : i32
    %dma_wait3A_1594 = arith.constant 0 : i32
    %dma_wait3A_1595 = tpu.memref_slice %arg4[%mul3A_2, %dma_wait3A_1593, %dma_wait3A_1594] : memref<4096x50x128xf32, #tpu.memory_space<hbm>> -> memref<2x50x128xf32, #tpu.memory_space<hbm>>
    %dma_wait3A_1596 = arith.constant 0 : i32
    %dma_wait3A_1597 = arith.constant 0 : i32
    %dma_wait3A_1598 = arith.constant 0 : i32
    %dma_wait3A_1599 = tpu.memref_slice %arg6[%dma_wait3A_1581, %dma_wait3A_1596, %dma_wait3A_1597, %dma_wait3A_1598] : memref<8x2x50x128xf32, #tpu.memory_space<vmem>> -> memref<1x2x50x128xf32, #tpu.memory_space<vmem>>
    %dma_wait3A_1600 = tpu.memref_squeeze %dma_wait3A_1599 : memref<1x2x50x128xf32, #tpu.memory_space<vmem>> -> memref<2x50x128xf32, #tpu.memory_space<vmem>>
    tpu.wait_dma2 semaphore(%dma_wait3A_1592 : memref<!tpu.dma_semaphore, #tpu.memory_space<semaphore_mem>>) src(%dma_wait3A_1600 : memref<2x50x128xf32, #tpu.memory_space<vmem>>) dst(%dma_wait3A_1595 : memref<2x50x128xf32, #tpu.memory_space<hbm>>)
    %dma_wait3A_1601 = arith.constant 3 : i32
    %dma_wait3A_1602 = arith.constant 3 : i32
    %dma_wait3A_1603 = arith.constant 0 : i32
    %dma_wait3A_1604 = arith.constant 0 : i32
    %dma_wait3A_1605 = arith.constant 0 : i32
    %dma_wait3A_1606 = tpu.memref_slice %arg6[%dma_wait3A_1601, %dma_wait3A_1603, %dma_wait3A_1604, %dma_wait3A_1605] : memref<8x2x50x128xf32, #tpu.memory_space<vmem>> -> memref<1x2x50x128xf32, #tpu.memory_space<vmem>>
    %dma_wait3A_1607 = tpu.memref_squeeze %dma_wait3A_1606 : memref<1x2x50x128xf32, #tpu.memory_space<vmem>> -> memref<2x50x128xf32, #tpu.memory_space<vmem>>
    %dma_wait3A_1608 = arith.constant 0 : i32
    %dma_wait3A_1609 = arith.constant 0 : i32
    %dma_wait3A_1610 = tpu.memref_slice %arg4[%mul3A_2, %dma_wait3A_1608, %dma_wait3A_1609] : memref<4096x50x128xf32, #tpu.memory_space<hbm>> -> memref<2x50x128xf32, #tpu.memory_space<hbm>>
    %dma_wait3A_1611 = tpu.memref_slice %arg8[%dma_wait3A_1602] : memref<8x!tpu.dma_semaphore, #tpu.memory_space<semaphore_mem>> -> memref<1x!tpu.dma_semaphore, #tpu.memory_space<semaphore_mem>>
    %dma_wait3A_1612 = tpu.memref_squeeze %dma_wait3A_1611 : memref<1x!tpu.dma_semaphore, #tpu.memory_space<semaphore_mem>> -> memref<!tpu.dma_semaphore, #tpu.memory_space<semaphore_mem>>
    %dma_wait3A_1613 = arith.constant 0 : i32
    %dma_wait3A_1614 = arith.constant 0 : i32
    %dma_wait3A_1615 = tpu.memref_slice %arg4[%mul3A_2, %dma_wait3A_1613, %dma_wait3A_1614] : memref<4096x50x128xf32, #tpu.memory_space<hbm>> -> memref<2x50x128xf32, #tpu.memory_space<hbm>>
    %dma_wait3A_1616 = arith.constant 0 : i32
    %dma_wait3A_1617 = arith.constant 0 : i32
    %dma_wait3A_1618 = arith.constant 0 : i32
    %dma_wait3A_1619 = tpu.memref_slice %arg6[%dma_wait3A_1601, %dma_wait3A_1616, %dma_wait3A_1617, %dma_wait3A_1618] : memref<8x2x50x128xf32, #tpu.memory_space<vmem>> -> memref<1x2x50x128xf32, #tpu.memory_space<vmem>>
    %dma_wait3A_1620 = tpu.memref_squeeze %dma_wait3A_1619 : memref<1x2x50x128xf32, #tpu.memory_space<vmem>> -> memref<2x50x128xf32, #tpu.memory_space<vmem>>
    tpu.wait_dma2 semaphore(%dma_wait3A_1612 : memref<!tpu.dma_semaphore, #tpu.memory_space<semaphore_mem>>) src(%dma_wait3A_1620 : memref<2x50x128xf32, #tpu.memory_space<vmem>>) dst(%dma_wait3A_1615 : memref<2x50x128xf32, #tpu.memory_space<hbm>>)
    %dma_wait3A_1621 = arith.constant 4 : i32
    %dma_wait3A_1622 = arith.constant 4 : i32
    %dma_wait3A_1623 = arith.constant 0 : i32
    %dma_wait3A_1624 = arith.constant 0 : i32
    %dma_wait3A_1625 = arith.constant 0 : i32
    %dma_wait3A_1626 = tpu.memref_slice %arg6[%dma_wait3A_1621, %dma_wait3A_1623, %dma_wait3A_1624, %dma_wait3A_1625] : memref<8x2x50x128xf32, #tpu.memory_space<vmem>> -> memref<1x2x50x128xf32, #tpu.memory_space<vmem>>
    %dma_wait3A_1627 = tpu.memref_squeeze %dma_wait3A_1626 : memref<1x2x50x128xf32, #tpu.memory_space<vmem>> -> memref<2x50x128xf32, #tpu.memory_space<vmem>>
    %dma_wait3A_1628 = arith.constant 0 : i32
    %dma_wait3A_1629 = arith.constant 0 : i32
    %dma_wait3A_1630 = tpu.memref_slice %arg4[%mul3A_2, %dma_wait3A_1628, %dma_wait3A_1629] : memref<4096x50x128xf32, #tpu.memory_space<hbm>> -> memref<2x50x128xf32, #tpu.memory_space<hbm>>
    %dma_wait3A_1631 = tpu.memref_slice %arg8[%dma_wait3A_1622] : memref<8x!tpu.dma_semaphore, #tpu.memory_space<semaphore_mem>> -> memref<1x!tpu.dma_semaphore, #tpu.memory_space<semaphore_mem>>
    %dma_wait3A_1632 = tpu.memref_squeeze %dma_wait3A_1631 : memref<1x!tpu.dma_semaphore, #tpu.memory_space<semaphore_mem>> -> memref<!tpu.dma_semaphore, #tpu.memory_space<semaphore_mem>>
    %dma_wait3A_1633 = arith.constant 0 : i32
    %dma_wait3A_1634 = arith.constant 0 : i32
    %dma_wait3A_1635 = tpu.memref_slice %arg4[%mul3A_2, %dma_wait3A_1633, %dma_wait3A_1634] : memref<4096x50x128xf32, #tpu.memory_space<hbm>> -> memref<2x50x128xf32, #tpu.memory_space<hbm>>
    %dma_wait3A_1636 = arith.constant 0 : i32
    %dma_wait3A_1637 = arith.constant 0 : i32
    %dma_wait3A_1638 = arith.constant 0 : i32
    %dma_wait3A_1639 = tpu.memref_slice %arg6[%dma_wait3A_1621, %dma_wait3A_1636, %dma_wait3A_1637, %dma_wait3A_1638] : memref<8x2x50x128xf32, #tpu.memory_space<vmem>> -> memref<1x2x50x128xf32, #tpu.memory_space<vmem>>
    %dma_wait3A_1640 = tpu.memref_squeeze %dma_wait3A_1639 : memref<1x2x50x128xf32, #tpu.memory_space<vmem>> -> memref<2x50x128xf32, #tpu.memory_space<vmem>>
    tpu.wait_dma2 semaphore(%dma_wait3A_1632 : memref<!tpu.dma_semaphore, #tpu.memory_space<semaphore_mem>>) src(%dma_wait3A_1640 : memref<2x50x128xf32, #tpu.memory_space<vmem>>) dst(%dma_wait3A_1635 : memref<2x50x128xf32, #tpu.memory_space<hbm>>)
    %dma_wait3A_1641 = arith.constant 5 : i32
    %dma_wait3A_1642 = arith.constant 5 : i32
    %dma_wait3A_1643 = arith.constant 0 : i32
    %dma_wait3A_1644 = arith.constant 0 : i32
    %dma_wait3A_1645 = arith.constant 0 : i32
    %dma_wait3A_1646 = tpu.memref_slice %arg6[%dma_wait3A_1641, %dma_wait3A_1643, %dma_wait3A_1644, %dma_wait3A_1645] : memref<8x2x50x128xf32, #tpu.memory_space<vmem>> -> memref<1x2x50x128xf32, #tpu.memory_space<vmem>>
    %dma_wait3A_1647 = tpu.memref_squeeze %dma_wait3A_1646 : memref<1x2x50x128xf32, #tpu.memory_space<vmem>> -> memref<2x50x128xf32, #tpu.memory_space<vmem>>
    %dma_wait3A_1648 = arith.constant 0 : i32
    %dma_wait3A_1649 = arith.constant 0 : i32
    %dma_wait3A_1650 = tpu.memref_slice %arg4[%mul3A_2, %dma_wait3A_1648, %dma_wait3A_1649] : memref<4096x50x128xf32, #tpu.memory_space<hbm>> -> memref<2x50x128xf32, #tpu.memory_space<hbm>>
    %dma_wait3A_1651 = tpu.memref_slice %arg8[%dma_wait3A_1642] : memref<8x!tpu.dma_semaphore, #tpu.memory_space<semaphore_mem>> -> memref<1x!tpu.dma_semaphore, #tpu.memory_space<semaphore_mem>>
    %dma_wait3A_1652 = tpu.memref_squeeze %dma_wait3A_1651 : memref<1x!tpu.dma_semaphore, #tpu.memory_space<semaphore_mem>> -> memref<!tpu.dma_semaphore, #tpu.memory_space<semaphore_mem>>
    %dma_wait3A_1653 = arith.constant 0 : i32
    %dma_wait3A_1654 = arith.constant 0 : i32
    %dma_wait3A_1655 = tpu.memref_slice %arg4[%mul3A_2, %dma_wait3A_1653, %dma_wait3A_1654] : memref<4096x50x128xf32, #tpu.memory_space<hbm>> -> memref<2x50x128xf32, #tpu.memory_space<hbm>>
    %dma_wait3A_1656 = arith.constant 0 : i32
    %dma_wait3A_1657 = arith.constant 0 : i32
    %dma_wait3A_1658 = arith.constant 0 : i32
    %dma_wait3A_1659 = tpu.memref_slice %arg6[%dma_wait3A_1641, %dma_wait3A_1656, %dma_wait3A_1657, %dma_wait3A_1658] : memref<8x2x50x128xf32, #tpu.memory_space<vmem>> -> memref<1x2x50x128xf32, #tpu.memory_space<vmem>>
    %dma_wait3A_1660 = tpu.memref_squeeze %dma_wait3A_1659 : memref<1x2x50x128xf32, #tpu.memory_space<vmem>> -> memref<2x50x128xf32, #tpu.memory_space<vmem>>
    tpu.wait_dma2 semaphore(%dma_wait3A_1652 : memref<!tpu.dma_semaphore, #tpu.memory_space<semaphore_mem>>) src(%dma_wait3A_1660 : memref<2x50x128xf32, #tpu.memory_space<vmem>>) dst(%dma_wait3A_1655 : memref<2x50x128xf32, #tpu.memory_space<hbm>>)
    %dma_wait3A_1661 = arith.constant 6 : i32
    %dma_wait3A_1662 = arith.constant 6 : i32
    %dma_wait3A_1663 = arith.constant 0 : i32
    %dma_wait3A_1664 = arith.constant 0 : i32
    %dma_wait3A_1665 = arith.constant 0 : i32
    %dma_wait3A_1666 = tpu.memref_slice %arg6[%dma_wait3A_1661, %dma_wait3A_1663, %dma_wait3A_1664, %dma_wait3A_1665] : memref<8x2x50x128xf32, #tpu.memory_space<vmem>> -> memref<1x2x50x128xf32, #tpu.memory_space<vmem>>
    %dma_wait3A_1667 = tpu.memref_squeeze %dma_wait3A_1666 : memref<1x2x50x128xf32, #tpu.memory_space<vmem>> -> memref<2x50x128xf32, #tpu.memory_space<vmem>>
    %dma_wait3A_1668 = arith.constant 0 : i32
    %dma_wait3A_1669 = arith.constant 0 : i32
    %dma_wait3A_1670 = tpu.memref_slice %arg4[%mul3A_2, %dma_wait3A_1668, %dma_wait3A_1669] : memref<4096x50x128xf32, #tpu.memory_space<hbm>> -> memref<2x50x128xf32, #tpu.memory_space<hbm>>
    %dma_wait3A_1671 = tpu.memref_slice %arg8[%dma_wait3A_1662] : memref<8x!tpu.dma_semaphore, #tpu.memory_space<semaphore_mem>> -> memref<1x!tpu.dma_semaphore, #tpu.memory_space<semaphore_mem>>
    %dma_wait3A_1672 = tpu.memref_squeeze %dma_wait3A_1671 : memref<1x!tpu.dma_semaphore, #tpu.memory_space<semaphore_mem>> -> memref<!tpu.dma_semaphore, #tpu.memory_space<semaphore_mem>>
    %dma_wait3A_1673 = arith.constant 0 : i32
    %dma_wait3A_1674 = arith.constant 0 : i32
    %dma_wait3A_1675 = tpu.memref_slice %arg4[%mul3A_2, %dma_wait3A_1673, %dma_wait3A_1674] : memref<4096x50x128xf32, #tpu.memory_space<hbm>> -> memref<2x50x128xf32, #tpu.memory_space<hbm>>
    %dma_wait3A_1676 = arith.constant 0 : i32
    %dma_wait3A_1677 = arith.constant 0 : i32
    %dma_wait3A_1678 = arith.constant 0 : i32
    %dma_wait3A_1679 = tpu.memref_slice %arg6[%dma_wait3A_1661, %dma_wait3A_1676, %dma_wait3A_1677, %dma_wait3A_1678] : memref<8x2x50x128xf32, #tpu.memory_space<vmem>> -> memref<1x2x50x128xf32, #tpu.memory_space<vmem>>
    %dma_wait3A_1680 = tpu.memref_squeeze %dma_wait3A_1679 : memref<1x2x50x128xf32, #tpu.memory_space<vmem>> -> memref<2x50x128xf32, #tpu.memory_space<vmem>>
    tpu.wait_dma2 semaphore(%dma_wait3A_1672 : memref<!tpu.dma_semaphore, #tpu.memory_space<semaphore_mem>>) src(%dma_wait3A_1680 : memref<2x50x128xf32, #tpu.memory_space<vmem>>) dst(%dma_wait3A_1675 : memref<2x50x128xf32, #tpu.memory_space<hbm>>)
    %dma_wait3A_1681 = arith.constant 7 : i32
    %dma_wait3A_1682 = arith.constant 7 : i32
    %dma_wait3A_1683 = arith.constant 0 : i32
    %dma_wait3A_1684 = arith.constant 0 : i32
    %dma_wait3A_1685 = arith.constant 0 : i32
    %dma_wait3A_1686 = tpu.memref_slice %arg6[%dma_wait3A_1681, %dma_wait3A_1683, %dma_wait3A_1684, %dma_wait3A_1685] : memref<8x2x50x128xf32, #tpu.memory_space<vmem>> -> memref<1x2x50x128xf32, #tpu.memory_space<vmem>>
    %dma_wait3A_1687 = tpu.memref_squeeze %dma_wait3A_1686 : memref<1x2x50x128xf32, #tpu.memory_space<vmem>> -> memref<2x50x128xf32, #tpu.memory_space<vmem>>
    %dma_wait3A_1688 = arith.constant 0 : i32
    %dma_wait3A_1689 = arith.constant 0 : i32
    %dma_wait3A_1690 = tpu.memref_slice %arg4[%mul3A_2, %dma_wait3A_1688, %dma_wait3A_1689] : memref<4096x50x128xf32, #tpu.memory_space<hbm>> -> memref<2x50x128xf32, #tpu.memory_space<hbm>>
    %dma_wait3A_1691 = tpu.memref_slice %arg8[%dma_wait3A_1682] : memref<8x!tpu.dma_semaphore, #tpu.memory_space<semaphore_mem>> -> memref<1x!tpu.dma_semaphore, #tpu.memory_space<semaphore_mem>>
    %dma_wait3A_1692 = tpu.memref_squeeze %dma_wait3A_1691 : memref<1x!tpu.dma_semaphore, #tpu.memory_space<semaphore_mem>> -> memref<!tpu.dma_semaphore, #tpu.memory_space<semaphore_mem>>
    %dma_wait3A_1693 = arith.constant 0 : i32
    %dma_wait3A_1694 = arith.constant 0 : i32
    %dma_wait3A_1695 = tpu.memref_slice %arg4[%mul3A_2, %dma_wait3A_1693, %dma_wait3A_1694] : memref<4096x50x128xf32, #tpu.memory_space<hbm>> -> memref<2x50x128xf32, #tpu.memory_space<hbm>>
    %dma_wait3A_1696 = arith.constant 0 : i32
    %dma_wait3A_1697 = arith.constant 0 : i32
    %dma_wait3A_1698 = arith.constant 0 : i32
    %dma_wait3A_1699 = tpu.memref_slice %arg6[%dma_wait3A_1681, %dma_wait3A_1696, %dma_wait3A_1697, %dma_wait3A_1698] : memref<8x2x50x128xf32, #tpu.memory_space<vmem>> -> memref<1x2x50x128xf32, #tpu.memory_space<vmem>>
    %dma_wait3A_1700 = tpu.memref_squeeze %dma_wait3A_1699 : memref<1x2x50x128xf32, #tpu.memory_space<vmem>> -> memref<2x50x128xf32, #tpu.memory_space<vmem>>
    tpu.wait_dma2 semaphore(%dma_wait3A_1692 : memref<!tpu.dma_semaphore, #tpu.memory_space<semaphore_mem>>) src(%dma_wait3A_1700 : memref<2x50x128xf32, #tpu.memory_space<vmem>>) dst(%dma_wait3A_1695 : memref<2x50x128xf32, #tpu.memory_space<hbm>>)
    return
  }
}

</mosaic_0001>

<sc_bundles>
// kernel: kernel.3.cloned.1.call-start
scs
__scs_entry_jumppad:
0x0: {  	(pc) =	sbr.rel $0x88, $3  }
0x1: {  	(tag) =	ssettag $0x0;
	lr =	simm.s32 $0x1  }
0x2: {  	[smem:$0x3F9F] =	sst lr;
	_ =	strace $0xD0000000  }
0x3: {  	_ = 	snop  }
0x4: {  	_ = 	snop  }
0x5: {  	_ = 	snop  }
0x6: {  	_ = 	snop  }
0x7: {  	_ = 	snop  }
__scs_overlays_trampoline_lowered:
0x8: {  	[smem:$0x3FAE] =	sst s0  }
0x9: {  	[smem:$0x3FAF] =	sst s1  }
0xa: {  	[smem:$0x3FB0] =	sst s2  }
0xb: {  	[smem:$0x3FB1] =	sst s3  }
0xc: {  	[smem:$0x3FB2] =	sst s4  }
0xd: {  	[smem:$0x3FB3] =	sst s5  }
0xe: {  	[smem:$0x3FB4] =	sst s6  }
0xf: {  	[smem:$0x3FB5] =	sst s7  }
0x10: {  	[smem:$0x3FB6] =	sst s8  }
0x11: {  	[smem:$0x3FB7] =	sst s9;
	s0 =	simm.s32 @!p0 $0x0  }
0x12: {  	s1 =	sld [smem:$0x3F9D];
	s0 =	simm.s32 @p0 $0x1  }
0x13: {  	[smem:$0x3FB8] =	sst s0;
	s0 =	simm.s32 @!p1 $0x0  }
0x14: {  	s2 =	sld [smem:$0x3F9C];
	s0 =	simm.s32 @p1 $0x1  }
0x15: {  	[smem:$0x3FB9] =	sst s0;
	s0 =	simm.s32 @!p2 $0x0  }
0x16: {  	s3 =	sld [smem:$0x3FDB];
	s0 =	simm.s32 @p2 $0x1  }
0x17: {  	s4 =	simm.s32 $0x1BF5;
	[smem:$0x3FBB] =	sst s0  }
0x18: {  	s0 =	sld [smem:$0x3F9E];
	_ =	swait.ge [sflag:s4], $0x0  }
0x19: {  	s7 =	sld [smem:$0x3F9F]  }
0x1a: {  	s8 =	sadd.s32 $0xFFFFE003, lr  }
0x1b: {  	s9 =	sadd.s32 $0xFFFFFEF7, lr;
	s5 =	simm.s32 $0xFFFFFFFF;
	p2 =	slt.u32 s8, $0xFFFFF086  }
0x1c: {  	p1 =	slt.u32 s9, $0xF7A;
	s5 =	simm.s32 @!p2 $0x0  }
0x1d: {  	s5 =	simm.s32 @p1 $0x1;
	p0 =	seq.s32 s7, s2  }
0x1e: {  	s7 =	smul.u32 @!p0 $0xF7A, s2;
	p2 =	seq.s32 @!p0 s5, $0x0  }
0x1f: {  	s9 =	smul.u32 $0xF7A, s1;
	s8 =	simm.s32 @!p0 $0x1BF5;
	p2 =	por !p2, p0  }
0x20: {  	[sflag:s8] =	ssyncset.s32 @!p0 $0xFFFFF086;
	s6 =	sadd.s32 @!p0 s3, s7;
	s7 =	simm.s32 @!p0 $0x108  }
0x21: {  	s3 =	sadd.s32 s3, s9;
	s6 =	sadd.s32 @!p0 $0x88, s6;
	s7 =	simm.s32 @p2 $0x1082  }
0x22: {  	[simem:s7], [sflag:s8] =	dma.local @!p0 [hbm:s6], $0xF7A  }
0x23: {  	s9 =	sor.u32 $0xD0000000, s2;
	s6 =	simm.s32 $0x108;
	_ =	swait.ge @!p0 [sflag:s8], $0x0  }
0x24: {  	s3 =	sadd.s32 $0x88, s3;
	s6 =	simm.s32 @!p1 $0x1082;
	[sflag:s4] =	ssyncset.s32 $0xFFFFF086  }
0x25: {  	[simem:s6], [sflag:s4] =	dma.local [hbm:s3], $0xF7A  }
0x26: {  	[smem:$0x3F9F] =	sst s1;
	(tag) =	ssettag s2;
	_ =	strace s9  }
0x27: {  	s1 =	sld [smem:$0x3FAF]  }
0x28: {  	s2 =	sld [smem:$0x3FB0]  }
0x29: {  	s4 =	sld [smem:$0x3FB2]  }
0x2a: {  	p0 =	seq.s32 s5, $0x0;
	s5 =	sld [smem:$0x3FB3]  }
0x2b: {  	s6 =	sld [smem:$0x3FB4]  }
0x2c: {  	s7 =	sld [smem:$0x3FB5]  }
0x2d: {  	s3 =	simm.s32 $0x108;
	s8 =	sld [smem:$0x3FB6]  }
0x2e: {  	s3 =	simm.s32 @!p0 $0x1082;
	s9 =	sld [smem:$0x3FB7]  }
0x2f: {  	lr =	sadd.s32 s0, s3;
	s0 =	sld [smem:$0x3FAE]  }
0x30: {  	s3 =	sld [smem:$0x3FB1]  }
0x31: {  	[smem:$0x3FBA] =	sst s10  }
0x32: {  	s10 =	sld [smem:$0x3FB8];
	_ =	sdelay $0x3  }
0x33: {  	p0 =	seq.s32 s10, $0x1;
	s10 =	sld [smem:$0x3FBA];
	_ =	sdelay $0x3  }
0x34: {  	[smem:$0x3FBA] =	sst s10  }
0x35: {  	s10 =	sld [smem:$0x3FB9];
	_ =	sdelay $0x3  }
0x36: {  	p1 =	seq.s32 s10, $0x1;
	s10 =	sld [smem:$0x3FBA];
	_ =	sdelay $0x3  }
0x37: {  	[smem:$0x3FBA] =	sst s10  }
0x38: {  	s10 =	sld [smem:$0x3FBB]  }
0x39: {  	_ = 	snop;
	(pc) =	sbr.ind lr, $3  }
0x3a: {  	_ = 	snop  }
0x3b: {  	_ = 	snop  }
0x3c: {  	p2 =	seq.s32 s10, $0x1;
	s10 =	sld [smem:$0x3FBA]  }
0x3d: {  	_ =	shalt  }
0x3e: {  	_ =	shalt  }
0x3f: {  	_ =	shalt  }
0x40: {  	_ =	shalt  }
0x41: {  	_ =	shalt  }
0x42: {  	_ =	shalt  }
0x43: {  	_ =	shalt  }
0x44: {  	_ =	shalt  }
0x45: {  	_ =	shalt  }
0x46: {  	_ =	shalt  }
0x47: {  	_ =	shalt  }
0x48: {  	_ =	shalt  }
0x49: {  	_ =	shalt  }
0x4a: {  	_ =	shalt  }
0x4b: {  	_ =	shalt  }
0x4c: {  	_ =	shalt  }
0x4d: {  	_ =	shalt  }
0x4e: {  	_ =	shalt  }
0x4f: {  	_ =	shalt  }
0x50: {  	_ =	shalt  }
0x51: {  	_ =	shalt  }
0x52: {  	_ =	shalt  }
0x53: {  	_ =	shalt  }
0x54: {  	_ =	shalt  }
0x55: {  	_ =	shalt  }
0x56: {  	_ =	shalt  }
0x57: {  	_ =	shalt  }
0x58: {  	_ =	shalt  }
0x59: {  	_ =	shalt  }
0x5a: {  	_ =	shalt  }
0x5b: {  	_ =	shalt  }
0x5c: {  	_ =	shalt  }
0x5d: {  	_ =	shalt  }
0x5e: {  	_ =	shalt  }
0x5f: {  	_ =	shalt  }
0x60: {  	_ =	shalt  }
0x61: {  	_ =	shalt  }
0x62: {  	_ =	shalt  }
0x63: {  	_ =	shalt  }
0x64: {  	_ =	shalt  }
0x65: {  	_ =	shalt  }
0x66: {  	_ =	shalt  }
0x67: {  	_ =	shalt  }
0x68: {  	_ =	shalt  }
0x69: {  	_ =	shalt  }
0x6a: {  	_ =	shalt  }
0x6b: {  	_ =	shalt  }
0x6c: {  	_ =	shalt  }
0x6d: {  	_ =	shalt  }
0x6e: {  	_ =	shalt  }
0x6f: {  	_ =	shalt  }
0x70: {  	_ =	shalt  }
0x71: {  	_ =	shalt  }
0x72: {  	_ =	shalt  }
0x73: {  	_ =	shalt  }
0x74: {  	_ =	shalt  }
0x75: {  	_ =	shalt  }
0x76: {  	_ =	shalt  }
0x77: {  	_ =	shalt  }
0x78: {  	_ =	shalt  }
0x79: {  	_ =	shalt  }
0x7a: {  	_ =	shalt  }
0x7b: {  	_ =	shalt  }
0x7c: {  	_ =	shalt  }
0x7d: {  	_ =	shalt  }
0x7e: {  	_ =	shalt  }
0x7f: {  	_ =	shalt  }
0x80: {  	_ =	shalt  }
0x81: {  	_ =	shalt  }
0x82: {  	_ =	shalt  }
0x83: {  	_ =	shalt  }
0x84: {  	_ =	shalt  }
0x85: {  	_ =	shalt  }
0x86: {  	_ =	shalt  }
0x87: {  	_ =	shalt  }
.Lfunc_end0:
.L_simem_size_0:
called_computation_lowered:
.L_overlay_start_0:
0x88: {  	s2 =	sld [smem:$0x3FD9]  }
0x89: {  	s3 =	sld [smem:$0x3FFE];
	_ =	sdelay $0x1  }
0x8a: {  	s1 =	srdreg.scid  }
0x8b: {  	s0 =	sand.u32 $0x1, s1  }
0x8c: {  	s17 =	sshll.u32 s0, $0xA;
	s2 =	sadd.s32 s3, s2  }
0x8d: {  	s2 =	sadd.s32 s2, s17  }
0x8e: {  	[smem:$0x3FC6] =	sst s2  }
0x8f: {  	_ = 	snop  }
0x90: {  	s2 =	sld [smem:$0x3FC8]  }
0x91: {  	s18 =	sld [smem:$0x3FD0];
	(tm) =	ssettm $0x1  }
0x92: {  	s4 =	sld [smem:$0x3FFB];
	_ =	sdelay $0x3  }
0x93: {  	_ =	strace s4  }
0x94: {  	s4 =	sld [smem:$0x3FFC];
	_ =	sdelay $0x3  }
0x95: {  	_ =	strace s4  }
0x96: {  	s4 =	sld [smem:$0x3FFD];
	_ =	sdelay $0x3  }
0x97: {  	_ =	strace s4  }
0x98: {  	_ =	strace $0x8FFFFFFF  }
0x99: {  	s19 =	sld [smem:$0x3FDB];
	_ =	sdelay $0x1  }
0x9a: {  	s5 =	simm.s32 $_scs_section_size  }
0x9b: {  	s6 =	simm.s32 $_size__tile_overlayer_lowered;
	s7 =	simm.s32 $_tile_overlayer_lowered  }
0x9c: {  	s22 =	simm.s32 $0x1BFF;
	s21 =	sshll.u32 s7, $0x1;
	s4 =	sadd.s32 s5, s19  }
0x9d: {  	s8 =	simm.s32 $0x0;
	s20 =	sshll.u32 s6, $0x1;
	s6 =	sadd.s32 s21, s4  }
0x9e: {  	[timem:s8], [sflag:s22] =	dma.local [hbm:s6], s20  }
0x9f: {  	_ =	swait.ge [sflag:s22], s20  }
0xa0: {  	s5 =	ssub.s32 $0x0, s20;
	[sflag:s22] =	ssyncset.done $0x0  }
0xa1: {  	[sflag:s22] =	ssyncadd.s32 s5;
	_ =	sdelay $0x1  }
0xa2: {  	s23 =	simm.s32 $0x1B8B  }
0xa3: {  	_ =	swait.ge [sflag:s23], $0x1  }
0xa4: {  	[sflag:s23] =	ssyncset.done $0x0  }
0xa5: {  	s25 =	simm.s32 $0x1B8E;
	s24 =	sld [smem:$0x3FFE];
	[sflag:s23] =	ssyncadd.s32 $0xFFFFFFFF  }
0xa6: {  	s26 =	simm.s32 $execute0_lowered;
	[smem:$0x3FD2] =	sst s25  }
0xa7: {  	s6 =	sshll.u32 s26, $0x1;
	_ =	strace $0x80000046;
	[dreg:$0x1] =	wrdreg $0xFFFFFFFF  }
0xa8: {  	s28 =	simm.s32 $_size_execute0_lowered;
	s4 =	sadd.s32 s4, s6;
	[dreg:$0x0] =	wrdreg $0x0  }
0xa9: {  	s6 =	sshll.u32 s28, $0x1;
	[dreg:$0x2] =	wrdreg s4  }
0xaa: {  	[dreg:$0x3] =	wrdreg s6  }
0xab: {  	[dreg:$0x4] =	wrdreg $0xC0  }
0xac: {  	_ =	task [dreg:s8], $0x5FFFF  }
0xad: {  	[dreg:$0x1] =	wrdreg $0xFFFFFFFF  }
0xae: {  	[dreg:$0x0] =	wrdreg $0x60  }
0xaf: {  	[dreg:$0x2] =	wrdreg s2  }
0xb0: {  	[dreg:$0x3] =	wrdreg s18  }
0xb1: {  	[dreg:$0x4] =	wrdreg s24  }
0xb2: {  	[dreg:$0x5] =	wrdreg $0x9  }
0xb3: {  	_ =	task.clear_ibuf [dreg:s8], $0x6FFFF;
	_ =	strace $0x90000046  }
0xb4: {  	s29 =	simm.s32 $0x9;
	_ =	strace $0x80000048  }
0xb5: {  	_ =	swait.ge [sflag:s29], $0x1  }
0xb6: {  	[sflag:s29] =	ssyncadd.s32 $0xFFFFFFFF  }
0xb7: {  	_ =	strace $0x90000048  }
0xb8: {  	_ =	sfence  }
0xb9: {  	s30 =	sld [smem:$0x0];
	_ =	sdelay $0x2  }
0xba: {  	s31 =	sshll.u32 s1, $0xD;
	s1 =	sshrl.u32 s1, $0x2  }
0xbb: {  	s3 =	sand.u32 $0x4000, s31;
	s1 =	sadd.s32 s1, s30  }
0xbc: {  	s0 =	sor.u32 s3, s0;
	s1 =	sshll.u32 s1, $0x11  }
0xbd: {  	s0 =	sor.u32 s1, s0  }
0xbe: {  	s0 =	sadd.s32 $0x8F2B, s0  }
0xbf: {  	[sflag:s0] =	ssyncadd.remote.s32 $0x1  }
0xc0: {  	_ =	sfence.sel $0xFFFF  }
0xc1: {  	[dreg:$0x0] =	wrdreg $0xFFFFFFFF;
	(pc) =	sbr.abs _section_cstart, $3  }
0xc2: {  	[dreg:$0x1] =	wrdreg $0xFFFFFFFF  }
0xc3: {  	_ =	task.clear_ibuf [dreg:s8], $0x2FFFF;
	_ =	strace $0x9FFFFFFF  }
0xc4: {  	(tm) =	ssettm $0x7FFFFFFF  }
0xc5: {  	_ =	shalt  }
tec
execute0_lowered:
.L_overlay_start_1:
0x0: {  	(tag) =	ssettag $0x1  }
0x1: {  	s2 =	rddreg [dreg:$0x0]  }
0x2: {  	s0 =	rddreg [dreg:$0x1];
	s1 =	srdreg.scid  }
0x3: {  	s4 =	rddreg [dreg:$0x2];
	s9 =	stileid.u32;
	s1 =	sand.u32 $0x1, s1  }
0x4: {  	s3 =	simm.s32 $0x0;
	s5 =	sshll.u32 s9, $0x8;
	s6 =	sshll.u32 s1, $0x7  }
0x5: {  	[smem:$0x7FF] =	sst s3;
	s7 =	ssub.s32 $0x2, s1;
	s5 =	sor.u32 s6, s5  }
0x6: {  	s4 =	sadd.s32 $0x400, s4;
	s11 =	sshrl.u32 s7, $0x1;
	s12 =	sshll.u32 s5, $0x4  }
0x7: {  	s8 =	smul.u32 $0x380, s5;
	s6 =	ssub.s32 s7, s11;
	s0 =	sadd.s32 s0, s12  }
0x8: {  	_ =	strace $0x80000047;
	s30 =	smax.u32 s6, $0x1;
	[dreg:$0x5] =	wrdreg s0  }
0x9: {  	s8 =	sadd.s32 s4, s8;
	[dreg:$0x15] =	wrdreg s30  }
0xa: {  	s22 =	smul.u32 $0x38000, s9;
	s13 =	sadd.s32 $0x700, s8;
	[dreg:$0x4] =	wrdreg s8  }
0xb: {  	s9 =	simm.s32 $0x3;
	s14 =	sadd.s32 $0xE00, s8;
	[dreg:$0x6] =	wrdreg s13  }
0xc: {  	s1 =	smul.u32 $0x1C000, s1;
	s15 =	sadd.s32 $0x1500, s8;
	[dreg:$0x7] =	wrdreg s14  }
0xd: {  	s5 =	smul.u32 $0x1C00, s5;
	s16 =	sadd.s32 $0x1C00, s8;
	[dreg:$0x8] =	wrdreg s15  }
0xe: {  	s7 =	simm.s32 $0x0;
	s18 =	sadd.s32 $0x2300, s8;
	[dreg:$0x9] =	wrdreg s16  }
0xf: {  	s17 =	sshrl.u32 s5, $0x3;
	s19 =	sadd.s32 $0x2A00, s8;
	[dreg:$0xa] =	wrdreg s18  }
0x10: {  	s0 =	sadd.s32 s4, s17;
	s20 =	sadd.s32 $0x3100, s8;
	[dreg:$0xb] =	wrdreg s19  }
0x11: {  	s6 =	simm.s32 $0x2;
	[dreg:$0xc] =	wrdreg s20;
	s21 =	sadd.s32 $0x18800, s0  }
0x12: {  	s12 =	simm.s32 $0x4;
	s23 =	sadd.s32 $0x18F00, s0;
	[dreg:$0xd] =	wrdreg s21  }
0x13: {  	s5 =	simm.s32 $0x1;
	s24 =	sadd.s32 $0x19600, s0;
	[dreg:$0xe] =	wrdreg s23  }
0x14: {  	s4 =	sadd.s32 s22, s4;
	s25 =	sadd.s32 $0x19D00, s0;
	[dreg:$0xf] =	wrdreg s24  }
0x15: {  	s17 =	simm.s32 $0x6;
	s26 =	sadd.s32 $0x1A400, s0;
	[dreg:$0x10] =	wrdreg s25  }
0x16: {  	s28 =	sadd.s32 $0x1AB00, s0;
	s29 =	sadd.s32 $0x1B200, s0;
	[dreg:$0x11] =	wrdreg s26  }
0x17: {  	s1 =	sadd.s32 s1, s4;
	s0 =	sadd.s32 $0x1B900, s0;
	[dreg:$0x12] =	wrdreg s28  }
0x18: {  	s15 =	simm.s32 $0x5;
	s19 =	simm.s32 $0x7;
	[dreg:$0x13] =	wrdreg s29  }
0x19: {  	s4 =	simm.s32 $0x8;
	[dreg:$0x14] =	wrdreg s0;
	s31 =	sadd.s32 $0x3800, s1  }
0x1a: {  	s24 =	simm.s32 $0x32;
	s0 =	simm.s32 $0x10;
	[dreg:$0x16] =	wrdreg s31  }
.LBB2_1:
0x1b: {  	[dreg:$0x17] =	wrdreg s7  }
0x1c: {  	s1 =	rddreg [dreg:$0x5];
	s10 =	simm.s32 $0x11  }
0x1d: {  	[tilespmem:s3], [sflag:$0x11] =	stream.linear.gather [hbm4b:s1+s3], $0x4000, $0x38;
	v63 =	vld [tilespmem:$0x0]  }
0x1e: {  	_ =	swait.ge [sflag:s10], $0x4000  }
0x1f: {  	[sflag:s10] =	ssyncset.done $0x0  }
0x20: {  	s29 =	simm.s32 $0x4000;
	[sflag:s10] =	ssyncadd.s32 $0xFFFFC000  }
0x21: {  	[tilespmem:s29], [sflag:$0x1] =	stream.indirect.gather [hbm4b:s2+s24], $0x80, s3, s24, $0xb8;
	v63 =	vld [tilespmem:$0x0]  }
0x22: {  	s11 =	simm.s32 $0x80;
	s21 =	simm.s32 $0x5C00  }
0x23: {  	[tilespmem:s21], [sflag:$0x1] =	stream.indirect.gather [hbm4b:s2+s24], $0x80, s11, s24, $0xb8;
	v63 =	vld [tilespmem:$0x0]  }
0x24: {  	s13 =	simm.s32 $0x100;
	s16 =	simm.s32 $0x7800  }
0x25: {  	[tilespmem:s16], [sflag:$0x2] =	stream.indirect.gather [hbm4b:s2+s24], $0x80, s13, s24, $0xb8;
	v63 =	vld [tilespmem:$0x0]  }
0x26: {  	s14 =	simm.s32 $0x180;
	s20 =	simm.s32 $0x9400  }
0x27: {  	[tilespmem:s20], [sflag:$0x2] =	stream.indirect.gather [hbm4b:s2+s24], $0x80, s14, s24, $0xb8;
	v63 =	vld [tilespmem:$0x0]  }
0x28: {  	s18 =	simm.s32 $0x200;
	s22 =	simm.s32 $0xB000  }
0x29: {  	[tilespmem:s22], [sflag:$0x3] =	stream.indirect.gather [hbm4b:s2+s24], $0x80, s18, s24, $0xb8;
	v63 =	vld [tilespmem:$0x0]  }
0x2a: {  	s23 =	simm.s32 $0x280;
	s25 =	simm.s32 $0xCC00  }
0x2b: {  	[tilespmem:s25], [sflag:$0x3] =	stream.indirect.gather [hbm4b:s2+s24], $0x80, s23, s24, $0xb8;
	v63 =	vld [tilespmem:$0x0]  }
0x2c: {  	s26 =	simm.s32 $0x300;
	s13 =	simm.s32 $0xE800  }
0x2d: {  	[tilespmem:s13], [sflag:$0x4] =	stream.indirect.gather [hbm4b:s2+s24], $0x80, s26, s24, $0xb8;
	v63 =	vld [tilespmem:$0x0]  }
0x2e: {  	s28 =	simm.s32 $0x380;
	s23 =	simm.s32 $0x10400  }
0x2f: {  	[tilespmem:s23], [sflag:$0x4] =	stream.indirect.gather [hbm4b:s2+s24], $0x80, s28, s24, $0xb8;
	v63 =	vld [tilespmem:$0x0]  }
0x30: {  	_ =	swait.ge [sflag:s5], $0x1900  }
0x31: {  	[sflag:s5] =	ssyncset.done $0x0  }
0x32: {  	[sflag:s5] =	ssyncadd.s32 $0xFFFFE700  }
0x33: {  	_ =	swait.ge [sflag:s5], $0x1900  }
0x34: {  	[sflag:s5] =	ssyncset.done $0x0  }
0x35: {  	s30 =	rddreg [dreg:$0x4];
	[sflag:s5] =	ssyncadd.s32 $0xFFFFE700  }
0x36: {  	[hbm4b:s30+s3] =	stream.linear.scatter [tilespmem:s29], [sflag:$0x9], $0x1900, $0x38;
	v63 =	vld [tilespmem:$0x0]  }
0x37: {  	s26 =	sadd.s32 $0x380, s30  }
0x38: {  	[hbm4b:s26+s3] =	stream.linear.scatter [tilespmem:s21], [sflag:$0x9], $0x1900, $0x38;
	v63 =	vld [tilespmem:$0x0]  }
0x39: {  	s10 =	simm.s32 $0x400;
	s14 =	simm.s32 $0x12000  }
0x3a: {  	[tilespmem:s14], [sflag:$0x5] =	stream.indirect.gather [hbm4b:s2+s24], $0x80, s10, s24, $0xb8;
	v63 =	vld [tilespmem:$0x0]  }
0x3b: {  	s11 =	simm.s32 $0x480;
	s18 =	simm.s32 $0x13C00  }
0x3c: {  	[tilespmem:s18], [sflag:$0x5] =	stream.indirect.gather [hbm4b:s2+s24], $0x80, s11, s24, $0xb8;
	v63 =	vld [tilespmem:$0x0]  }
0x3d: {  	_ =	swait.ge [sflag:s6], $0x1900  }
0x3e: {  	[sflag:s6] =	ssyncset.done $0x0  }
0x3f: {  	[sflag:s6] =	ssyncadd.s32 $0xFFFFE700  }
0x40: {  	_ =	swait.ge [sflag:s6], $0x1900  }
0x41: {  	[sflag:s6] =	ssyncset.done $0x0  }
0x42: {  	s22 =	rddreg [dreg:$0x6];
	[sflag:s6] =	ssyncadd.s32 $0xFFFFE700  }
0x43: {  	[hbm4b:s22+s3] =	stream.linear.scatter [tilespmem:s16], [sflag:$0xA], $0x1900, $0x38;
	v63 =	vld [tilespmem:$0x0]  }
0x44: {  	s25 =	sadd.s32 $0x380, s22  }
0x45: {  	[hbm4b:s25+s3] =	stream.linear.scatter [tilespmem:s20], [sflag:$0xA], $0x1900, $0x38;
	v63 =	vld [tilespmem:$0x0]  }
0x46: {  	s26 =	simm.s32 $0x500;
	s22 =	simm.s32 $0x15800  }
0x47: {  	[tilespmem:s22], [sflag:$0x6] =	stream.indirect.gather [hbm4b:s2+s24], $0x80, s26, s24, $0xb8;
	v63 =	vld [tilespmem:$0x0]  }
0x48: {  	s28 =	simm.s32 $0x580;
	s25 =	simm.s32 $0x17400  }
0x49: {  	[tilespmem:s25], [sflag:$0x6] =	stream.indirect.gather [hbm4b:s2+s24], $0x80, s28, s24, $0xb8;
	v63 =	vld [tilespmem:$0x0]  }
0x4a: {  	_ =	swait.ge [sflag:s9], $0x1900  }
0x4b: {  	[sflag:s9] =	ssyncset.done $0x0  }
0x4c: {  	[sflag:s9] =	ssyncadd.s32 $0xFFFFE700  }
0x4d: {  	_ =	swait.ge [sflag:s9], $0x1900  }
0x4e: {  	[sflag:s9] =	ssyncset.done $0x0  }
0x4f: {  	s8 =	simm.s32 $0xB000;
	s30 =	rddreg [dreg:$0x7];
	[sflag:s9] =	ssyncadd.s32 $0xFFFFE700  }
0x50: {  	[hbm4b:s30+s3] =	stream.linear.scatter [tilespmem:s8], [sflag:$0xB], $0x1900, $0x38;
	v63 =	vld [tilespmem:$0x0]  }
0x51: {  	s7 =	simm.s32 $0xCC00;
	s8 =	sadd.s32 $0x380, s30  }
0x52: {  	[hbm4b:s8+s3] =	stream.linear.scatter [tilespmem:s7], [sflag:$0xB], $0x1900, $0x38;
	v63 =	vld [tilespmem:$0x0]  }
0x53: {  	s10 =	simm.s32 $0x600;
	s11 =	simm.s32 $0x19000  }
0x54: {  	[tilespmem:s11], [sflag:$0x7] =	stream.indirect.gather [hbm4b:s2+s24], $0x80, s10, s24, $0xb8;
	v63 =	vld [tilespmem:$0x0]  }
0x55: {  	s26 =	simm.s32 $0x680;
	s30 =	simm.s32 $0x1AC00  }
0x56: {  	[tilespmem:s30], [sflag:$0x7] =	stream.indirect.gather [hbm4b:s2+s24], $0x80, s26, s24, $0xb8;
	v63 =	vld [tilespmem:$0x0]  }
0x57: {  	_ =	swait.ge [sflag:s12], $0x1900  }
0x58: {  	[sflag:s12] =	ssyncset.done $0x0  }
0x59: {  	[sflag:s12] =	ssyncadd.s32 $0xFFFFE700  }
0x5a: {  	_ =	swait.ge [sflag:s12], $0x1900  }
0x5b: {  	[sflag:s12] =	ssyncset.done $0x0  }
0x5c: {  	s7 =	rddreg [dreg:$0x8];
	[sflag:s12] =	ssyncadd.s32 $0xFFFFE700  }
0x5d: {  	[hbm4b:s7+s3] =	stream.linear.scatter [tilespmem:s13], [sflag:$0xC], $0x1900, $0x38;
	v63 =	vld [tilespmem:$0x0]  }
0x5e: {  	s11 =	sadd.s32 $0x380, s7  }
0x5f: {  	[hbm4b:s11+s3] =	stream.linear.scatter [tilespmem:s23], [sflag:$0xC], $0x1900, $0x38;
	v63 =	vld [tilespmem:$0x0]  }
0x60: {  	s26 =	simm.s32 $0x700;
	s30 =	simm.s32 $0x1C800  }
0x61: {  	[tilespmem:s30], [sflag:$0x8] =	stream.indirect.gather [hbm4b:s2+s24], $0x80, s26, s24, $0xb8;
	v63 =	vld [tilespmem:$0x0]  }
0x62: {  	s7 =	simm.s32 $0x780;
	s30 =	simm.s32 $0x1E400  }
0x63: {  	[tilespmem:s30], [sflag:$0x8] =	stream.indirect.gather [hbm4b:s2+s24], $0x80, s7, s24, $0xb8;
	v63 =	vld [tilespmem:$0x0]  }
0x64: {  	_ =	swait.ge [sflag:s15], $0x1900  }
0x65: {  	[sflag:s15] =	ssyncset.done $0x0  }
0x66: {  	[sflag:s15] =	ssyncadd.s32 $0xFFFFE700  }
0x67: {  	_ =	swait.ge [sflag:s15], $0x1900  }
0x68: {  	[sflag:s15] =	ssyncset.done $0x0  }
0x69: {  	s26 =	rddreg [dreg:$0x9];
	[sflag:s15] =	ssyncadd.s32 $0xFFFFE700  }
0x6a: {  	[hbm4b:s26+s3] =	stream.linear.scatter [tilespmem:s14], [sflag:$0xD], $0x1900, $0x38;
	v63 =	vld [tilespmem:$0x0]  }
0x6b: {  	s31 =	simm.s32 $0x9;
	s7 =	sadd.s32 $0x380, s26  }
0x6c: {  	[hbm4b:s7+s3] =	stream.linear.scatter [tilespmem:s18], [sflag:$0xD], $0x1900, $0x38;
	v63 =	vld [tilespmem:$0x0]  }
0x6d: {  	_ =	swait.ge [sflag:s31], $0x3200  }
0x6e: {  	[sflag:s31] =	ssyncset.done $0x0  }
0x6f: {  	s26 =	simm.s32 $0x800;
	[sflag:s31] =	ssyncadd.s32 $0xFFFFCE00  }
0x70: {  	[tilespmem:s29], [sflag:$0x1] =	stream.indirect.gather [hbm4b:s2+s24], $0x80, s26, s24, $0xb8;
	v63 =	vld [tilespmem:$0x0]  }
0x71: {  	s7 =	simm.s32 $0x880  }
0x72: {  	[tilespmem:s21], [sflag:$0x1] =	stream.indirect.gather [hbm4b:s2+s24], $0x80, s7, s24, $0xb8;
	v63 =	vld [tilespmem:$0x0]  }
0x73: {  	_ =	swait.ge [sflag:s17], $0x1900  }
0x74: {  	[sflag:s17] =	ssyncset.done $0x0  }
0x75: {  	[sflag:s17] =	ssyncadd.s32 $0xFFFFE700  }
0x76: {  	_ =	swait.ge [sflag:s17], $0x1900  }
0x77: {  	[sflag:s17] =	ssyncset.done $0x0  }
0x78: {  	s26 =	rddreg [dreg:$0xa];
	[sflag:s17] =	ssyncadd.s32 $0xFFFFE700  }
0x79: {  	[hbm4b:s26+s3] =	stream.linear.scatter [tilespmem:s22], [sflag:$0xE], $0x1900, $0x38;
	v63 =	vld [tilespmem:$0x0]  }
0x7a: {  	s7 =	sadd.s32 $0x380, s26  }
0x7b: {  	[hbm4b:s7+s3] =	stream.linear.scatter [tilespmem:s25], [sflag:$0xE], $0x1900, $0x38;
	v63 =	vld [tilespmem:$0x0]  }
0x7c: {  	s7 =	simm.s32 $0xA  }
0x7d: {  	_ =	swait.ge [sflag:s7], $0x3200  }
0x7e: {  	[sflag:s7] =	ssyncset.done $0x0  }
0x7f: {  	s26 =	simm.s32 $0x900;
	[sflag:s7] =	ssyncadd.s32 $0xFFFFCE00  }
0x80: {  	[tilespmem:s16], [sflag:$0x2] =	stream.indirect.gather [hbm4b:s2+s24], $0x80, s26, s24, $0xb8;
	v63 =	vld [tilespmem:$0x0]  }
0x81: {  	s26 =	simm.s32 $0x980  }
0x82: {  	[tilespmem:s20], [sflag:$0x2] =	stream.indirect.gather [hbm4b:s2+s24], $0x80, s26, s24, $0xb8;
	v63 =	vld [tilespmem:$0x0]  }
0x83: {  	_ =	swait.ge [sflag:s19], $0x1900  }
0x84: {  	[sflag:s19] =	ssyncset.done $0x0  }
0x85: {  	[sflag:s19] =	ssyncadd.s32 $0xFFFFE700  }
0x86: {  	_ =	swait.ge [sflag:s19], $0x1900  }
0x87: {  	[sflag:s19] =	ssyncset.done $0x0  }
0x88: {  	s8 =	simm.s32 $0x19000;
	s26 =	rddreg [dreg:$0xb];
	[sflag:s19] =	ssyncadd.s32 $0xFFFFE700  }
0x89: {  	[hbm4b:s26+s3] =	stream.linear.scatter [tilespmem:s8], [sflag:$0xF], $0x1900, $0x38;
	v63 =	vld [tilespmem:$0x0]  }
0x8a: {  	s10 =	simm.s32 $0x1AC00;
	s8 =	sadd.s32 $0x380, s26  }
0x8b: {  	[hbm4b:s8+s3] =	stream.linear.scatter [tilespmem:s10], [sflag:$0xF], $0x1900, $0x38;
	v63 =	vld [tilespmem:$0x0]  }
0x8c: {  	s8 =	simm.s32 $0xB  }
0x8d: {  	_ =	swait.ge [sflag:s8], $0x3200  }
0x8e: {  	[sflag:s8] =	ssyncset.done $0x0  }
0x8f: {  	s26 =	simm.s32 $0xB000;
	s10 =	simm.s32 $0xA00;
	[sflag:s8] =	ssyncadd.s32 $0xFFFFCE00  }
0x90: {  	[tilespmem:s26], [sflag:$0x3] =	stream.indirect.gather [hbm4b:s2+s24], $0x80, s10, s24, $0xb8;
	v63 =	vld [tilespmem:$0x0]  }
0x91: {  	s28 =	simm.s32 $0xCC00;
	s26 =	simm.s32 $0xA80  }
0x92: {  	[tilespmem:s28], [sflag:$0x3] =	stream.indirect.gather [hbm4b:s2+s24], $0x80, s26, s24, $0xb8;
	v63 =	vld [tilespmem:$0x0]  }
0x93: {  	_ =	swait.ge [sflag:s4], $0x1900  }
0x94: {  	[sflag:s4] =	ssyncset.done $0x0  }
0x95: {  	[sflag:s4] =	ssyncadd.s32 $0xFFFFE700  }
0x96: {  	_ =	swait.ge [sflag:s4], $0x1900  }
0x97: {  	[sflag:s4] =	ssyncset.done $0x0  }
0x98: {  	s11 =	simm.s32 $0x1C800;
	s26 =	rddreg [dreg:$0xc];
	[sflag:s4] =	ssyncadd.s32 $0xFFFFE700  }
0x99: {  	[hbm4b:s26+s3] =	stream.linear.scatter [tilespmem:s11], [sflag:$0x10], $0x1900, $0x38;
	v63 =	vld [tilespmem:$0x0]  }
0x9a: {  	s1 =	sadd.s32 $0x380, s26;
	s26 =	simm.s32 $0xC  }
0x9b: {  	[hbm4b:s1+s3] =	stream.linear.scatter [tilespmem:s30], [sflag:$0x10], $0x1900, $0x38;
	v63 =	vld [tilespmem:$0x0]  }
0x9c: {  	_ =	swait.ge [sflag:s26], $0x3200  }
0x9d: {  	[sflag:s26] =	ssyncset.done $0x0  }
0x9e: {  	s1 =	simm.s32 $0xB00;
	[sflag:s26] =	ssyncadd.s32 $0xFFFFCE00  }
0x9f: {  	[tilespmem:s13], [sflag:$0x4] =	stream.indirect.gather [hbm4b:s2+s24], $0x80, s1, s24, $0xb8;
	v63 =	vld [tilespmem:$0x0]  }
0xa0: {  	s1 =	simm.s32 $0xB80  }
0xa1: {  	[tilespmem:s23], [sflag:$0x4] =	stream.indirect.gather [hbm4b:s2+s24], $0x80, s1, s24, $0xb8;
	v63 =	vld [tilespmem:$0x0]  }
0xa2: {  	_ =	swait.ge [sflag:s5], $0x1900  }
0xa3: {  	[sflag:s5] =	ssyncset.done $0x0  }
0xa4: {  	[sflag:s5] =	ssyncadd.s32 $0xFFFFE700  }
0xa5: {  	_ =	swait.ge [sflag:s5], $0x1900  }
0xa6: {  	[sflag:s5] =	ssyncset.done $0x0  }
0xa7: {  	s1 =	rddreg [dreg:$0x16];
	[sflag:s5] =	ssyncadd.s32 $0xFFFFE700  }
0xa8: {  	[hbm4b:s1+s3] =	stream.linear.scatter [tilespmem:s29], [sflag:$0x9], $0x1900, $0x38;
	v63 =	vld [tilespmem:$0x0]  }
0xa9: {  	s26 =	sadd.s32 $0x380, s1  }
0xaa: {  	[hbm4b:s26+s3] =	stream.linear.scatter [tilespmem:s21], [sflag:$0x9], $0x1900, $0x38;
	v63 =	vld [tilespmem:$0x0]  }
0xab: {  	s26 =	simm.s32 $0xD  }
0xac: {  	_ =	swait.ge [sflag:s26], $0x3200  }
0xad: {  	[sflag:s26] =	ssyncset.done $0x0  }
0xae: {  	[sflag:s26] =	ssyncadd.s32 $0xFFFFCE00;
	s26 =	simm.s32 $0xC00  }
0xaf: {  	[tilespmem:s14], [sflag:$0x5] =	stream.indirect.gather [hbm4b:s2+s24], $0x80, s26, s24, $0xb8;
	v63 =	vld [tilespmem:$0x0]  }
0xb0: {  	s26 =	simm.s32 $0xC80  }
0xb1: {  	[tilespmem:s18], [sflag:$0x5] =	stream.indirect.gather [hbm4b:s2+s24], $0x80, s26, s24, $0xb8;
	v63 =	vld [tilespmem:$0x0]  }
0xb2: {  	_ =	swait.ge [sflag:s6], $0x1900  }
0xb3: {  	[sflag:s6] =	ssyncset.done $0x0  }
0xb4: {  	[sflag:s6] =	ssyncadd.s32 $0xFFFFE700  }
0xb5: {  	_ =	swait.ge [sflag:s6], $0x1900  }
0xb6: {  	[sflag:s6] =	ssyncset.done $0x0  }
0xb7: {  	s26 =	sadd.s32 $0x700, s1;
	[sflag:s6] =	ssyncadd.s32 $0xFFFFE700  }
0xb8: {  	[hbm4b:s26+s3] =	stream.linear.scatter [tilespmem:s16], [sflag:$0xA], $0x1900, $0x38;
	v63 =	vld [tilespmem:$0x0]  }
0xb9: {  	s26 =	sadd.s32 $0xA80, s1  }
0xba: {  	[hbm4b:s26+s3] =	stream.linear.scatter [tilespmem:s20], [sflag:$0xA], $0x1900, $0x38;
	v63 =	vld [tilespmem:$0x0]  }
0xbb: {  	s26 =	simm.s32 $0xE  }
0xbc: {  	_ =	swait.ge [sflag:s26], $0x3200  }
0xbd: {  	[sflag:s26] =	ssyncset.done $0x0  }
0xbe: {  	[sflag:s26] =	ssyncadd.s32 $0xFFFFCE00;
	s26 =	simm.s32 $0xD00  }
0xbf: {  	[tilespmem:s22], [sflag:$0x6] =	stream.indirect.gather [hbm4b:s2+s24], $0x80, s26, s24, $0xb8;
	v63 =	vld [tilespmem:$0x0]  }
0xc0: {  	s26 =	simm.s32 $0xD80  }
0xc1: {  	[tilespmem:s25], [sflag:$0x6] =	stream.indirect.gather [hbm4b:s2+s24], $0x80, s26, s24, $0xb8;
	v63 =	vld [tilespmem:$0x0]  }
0xc2: {  	_ =	swait.ge [sflag:s9], $0x1900  }
0xc3: {  	[sflag:s9] =	ssyncset.done $0x0  }
0xc4: {  	[sflag:s9] =	ssyncadd.s32 $0xFFFFE700  }
0xc5: {  	_ =	swait.ge [sflag:s9], $0x1900  }
0xc6: {  	[sflag:s9] =	ssyncset.done $0x0  }
0xc7: {  	s10 =	simm.s32 $0xB000;
	s26 =	sadd.s32 $0xE00, s1;
	[sflag:s9] =	ssyncadd.s32 $0xFFFFE700  }
0xc8: {  	[hbm4b:s26+s3] =	stream.linear.scatter [tilespmem:s10], [sflag:$0xB], $0x1900, $0x38;
	v63 =	vld [tilespmem:$0x0]  }
0xc9: {  	s28 =	simm.s32 $0xCC00;
	s10 =	sadd.s32 $0x1180, s1  }
0xca: {  	[hbm4b:s10+s3] =	stream.linear.scatter [tilespmem:s28], [sflag:$0xB], $0x1900, $0x38;
	v63 =	vld [tilespmem:$0x0]  }
0xcb: {  	s28 =	simm.s32 $0xF  }
0xcc: {  	_ =	swait.ge [sflag:s28], $0x3200  }
0xcd: {  	[sflag:s28] =	ssyncset.done $0x0  }
0xce: {  	s26 =	simm.s32 $0xE00;
	s10 =	simm.s32 $0x19000;
	[sflag:s28] =	ssyncadd.s32 $0xFFFFCE00  }
0xcf: {  	[tilespmem:s10], [sflag:$0x7] =	stream.indirect.gather [hbm4b:s2+s24], $0x80, s26, s24, $0xb8;
	v63 =	vld [tilespmem:$0x0]  }
0xd0: {  	s28 =	simm.s32 $0x1AC00;
	s26 =	simm.s32 $0xE80  }
0xd1: {  	[tilespmem:s28], [sflag:$0x7] =	stream.indirect.gather [hbm4b:s2+s24], $0x80, s26, s24, $0xb8;
	v63 =	vld [tilespmem:$0x0]  }
0xd2: {  	_ =	swait.ge [sflag:s12], $0x1900  }
0xd3: {  	[sflag:s12] =	ssyncset.done $0x0  }
0xd4: {  	[sflag:s12] =	ssyncadd.s32 $0xFFFFE700  }
0xd5: {  	_ =	swait.ge [sflag:s12], $0x1900  }
0xd6: {  	[sflag:s12] =	ssyncset.done $0x0  }
0xd7: {  	s26 =	sadd.s32 $0x1500, s1;
	[sflag:s12] =	ssyncadd.s32 $0xFFFFE700  }
0xd8: {  	[hbm4b:s26+s3] =	stream.linear.scatter [tilespmem:s13], [sflag:$0xC], $0x1900, $0x38;
	v63 =	vld [tilespmem:$0x0]  }
0xd9: {  	s13 =	sadd.s32 $0x1880, s1  }
0xda: {  	[hbm4b:s13+s3] =	stream.linear.scatter [tilespmem:s23], [sflag:$0xC], $0x1900, $0x38;
	v63 =	vld [tilespmem:$0x0]  }
0xdb: {  	_ =	swait.ge [sflag:s0], $0x3200  }
0xdc: {  	[sflag:s0] =	ssyncset.done $0x0  }
0xdd: {  	s11 =	simm.s32 $0x1C800;
	s13 =	simm.s32 $0xF00;
	[sflag:s0] =	ssyncadd.s32 $0xFFFFCE00  }
0xde: {  	[tilespmem:s11], [sflag:$0x8] =	stream.indirect.gather [hbm4b:s2+s24], $0x80, s13, s24, $0xb8;
	v63 =	vld [tilespmem:$0x0]  }
0xdf: {  	s23 =	simm.s32 $0xF80  }
0xe0: {  	[tilespmem:s30], [sflag:$0x8] =	stream.indirect.gather [hbm4b:s2+s24], $0x80, s23, s24, $0xb8;
	v63 =	vld [tilespmem:$0x0]  }
0xe1: {  	_ =	swait.ge [sflag:s15], $0x1900  }
0xe2: {  	[sflag:s15] =	ssyncset.done $0x0  }
0xe3: {  	[sflag:s15] =	ssyncadd.s32 $0xFFFFE700  }
0xe4: {  	_ =	swait.ge [sflag:s15], $0x1900  }
0xe5: {  	[sflag:s15] =	ssyncset.done $0x0  }
0xe6: {  	s13 =	sadd.s32 $0x1C00, s1;
	[sflag:s15] =	ssyncadd.s32 $0xFFFFE700  }
0xe7: {  	[hbm4b:s13+s3] =	stream.linear.scatter [tilespmem:s14], [sflag:$0xD], $0x1900, $0x38;
	v63 =	vld [tilespmem:$0x0]  }
0xe8: {  	s14 =	sadd.s32 $0x1F80, s1  }
0xe9: {  	[hbm4b:s14+s3] =	stream.linear.scatter [tilespmem:s18], [sflag:$0xD], $0x1900, $0x38;
	v63 =	vld [tilespmem:$0x0]  }
0xea: {  	_ =	swait.ge [sflag:s31], $0x3200  }
0xeb: {  	[sflag:s31] =	ssyncset.done $0x0  }
0xec: {  	s18 =	simm.s32 $0x1000;
	[sflag:s31] =	ssyncadd.s32 $0xFFFFCE00  }
0xed: {  	[tilespmem:s29], [sflag:$0x1] =	stream.indirect.gather [hbm4b:s2+s24], $0x80, s18, s24, $0xb8;
	v63 =	vld [tilespmem:$0x0]  }
0xee: {  	s23 =	simm.s32 $0x1080  }
0xef: {  	[tilespmem:s21], [sflag:$0x1] =	stream.indirect.gather [hbm4b:s2+s24], $0x80, s23, s24, $0xb8;
	v63 =	vld [tilespmem:$0x0]  }
0xf0: {  	_ =	swait.ge [sflag:s17], $0x1900  }
0xf1: {  	[sflag:s17] =	ssyncset.done $0x0  }
0xf2: {  	[sflag:s17] =	ssyncadd.s32 $0xFFFFE700  }
0xf3: {  	_ =	swait.ge [sflag:s17], $0x1900  }
0xf4: {  	[sflag:s17] =	ssyncset.done $0x0  }
0xf5: {  	s30 =	sadd.s32 $0x2300, s1;
	[sflag:s17] =	ssyncadd.s32 $0xFFFFE700  }
0xf6: {  	[hbm4b:s30+s3] =	stream.linear.scatter [tilespmem:s22], [sflag:$0xE], $0x1900, $0x38;
	v63 =	vld [tilespmem:$0x0]  }
0xf7: {  	s13 =	sadd.s32 $0x2680, s1  }
0xf8: {  	[hbm4b:s13+s3] =	stream.linear.scatter [tilespmem:s25], [sflag:$0xE], $0x1900, $0x38;
	v63 =	vld [tilespmem:$0x0]  }
0xf9: {  	_ =	swait.ge [sflag:s7], $0x3200  }
0xfa: {  	[sflag:s7] =	ssyncset.done $0x0  }
0xfb: {  	s14 =	simm.s32 $0x1100;
	[sflag:s7] =	ssyncadd.s32 $0xFFFFCE00  }
0xfc: {  	[tilespmem:s16], [sflag:$0x2] =	stream.indirect.gather [hbm4b:s2+s24], $0x80, s14, s24, $0xb8;
	v63 =	vld [tilespmem:$0x0]  }
0xfd: {  	s18 =	simm.s32 $0x1180  }
0xfe: {  	[tilespmem:s20], [sflag:$0x2] =	stream.indirect.gather [hbm4b:s2+s24], $0x80, s18, s24, $0xb8;
	v63 =	vld [tilespmem:$0x0]  }
0xff: {  	_ =	swait.ge [sflag:s19], $0x1900  }
0x100: {  	[sflag:s19] =	ssyncset.done $0x0  }
0x101: {  	[sflag:s19] =	ssyncadd.s32 $0xFFFFE700  }
0x102: {  	_ =	swait.ge [sflag:s19], $0x1900  }
0x103: {  	[sflag:s19] =	ssyncset.done $0x0  }
0x104: {  	s10 =	simm.s32 $0x19000;
	s20 =	sadd.s32 $0x2A00, s1;
	[sflag:s19] =	ssyncadd.s32 $0xFFFFE700  }
0x105: {  	[hbm4b:s20+s3] =	stream.linear.scatter [tilespmem:s10], [sflag:$0xF], $0x1900, $0x38;
	v63 =	vld [tilespmem:$0x0]  }
0x106: {  	s28 =	simm.s32 $0x1AC00;
	s21 =	sadd.s32 $0x2D80, s1  }
0x107: {  	[hbm4b:s21+s3] =	stream.linear.scatter [tilespmem:s28], [sflag:$0xF], $0x1900, $0x38;
	v63 =	vld [tilespmem:$0x0]  }
0x108: {  	_ =	swait.ge [sflag:s8], $0x3200  }
0x109: {  	[sflag:s8] =	ssyncset.done $0x0  }
0x10a: {  	s23 =	simm.s32 $0xB000;
	s22 =	simm.s32 $0x1200;
	[sflag:s8] =	ssyncadd.s32 $0xFFFFCE00  }
0x10b: {  	[tilespmem:s23], [sflag:$0x3] =	stream.indirect.gather [hbm4b:s2+s24], $0x80, s22, s24, $0xb8;
	v63 =	vld [tilespmem:$0x0]  }
0x10c: {  	s25 =	simm.s32 $0x1280;
	s28 =	simm.s32 $0xCC00  }
0x10d: {  	[tilespmem:s28], [sflag:$0x3] =	stream.indirect.gather [hbm4b:s2+s24], $0x80, s25, s24, $0xb8;
	v63 =	vld [tilespmem:$0x0]  }
0x10e: {  	_ =	swait.ge [sflag:s4], $0x1900  }
0x10f: {  	[sflag:s4] =	ssyncset.done $0x0  }
0x110: {  	[sflag:s4] =	ssyncadd.s32 $0xFFFFE700  }
0x111: {  	s26 =	simm.s32 $0x2000;
	_ =	swait.ge [sflag:s4], $0x1900  }
0x112: {  	s11 =	simm.s32 $0x1C800;
	s31 =	sadd.s32 $0x3800, s1;
	[sflag:s4] =	ssyncset.done $0x0  }
0x113: {  	s29 =	sadd.s32 $0x3480, s1;
	s30 =	sadd.s32 $0x3100, s1;
	[sflag:s4] =	ssyncadd.s32 $0xFFFFE700  }
0x114: {  	[hbm4b:s30+s3] =	stream.linear.scatter [tilespmem:s11], [sflag:$0x10], $0x1900, $0x38;
	v63 =	vld [tilespmem:$0x0]  }
.LBB2_2:
0x115: {  	s30 =	simm.s32 $0x1E400  }
0x116: {  	[hbm4b:s29+s3] =	stream.linear.scatter [tilespmem:s30], [sflag:$0x10], $0x1900, $0x38;
	v63 =	vld [tilespmem:$0x0]  }
0x117: {  	s1 =	simm.s32 $0xC;
	s29 =	smov.u32 s26  }
0x118: {  	p0 =	sne.s32 s26, $0xA000;
	s26 =	sadd.s32 $0x2000, s26;
	_ =	swait.ge [sflag:s1], $0x3200  }
0x119: {  	s29 =	sshra.s32 s29, $0x2;
	[sflag:s1] =	ssyncset.done $0x0  }
0x11a: {  	s23 =	simm.s32 $0xE800;
	[sflag:s1] =	ssyncadd.s32 $0xFFFFCE00;
	s1 =	sadd.s32 $0xB00, s29  }
0x11b: {  	[tilespmem:s23], [sflag:$0x4] =	stream.indirect.gather [hbm4b:s2+s24], $0x80, s1, s24, $0xb8;
	v63 =	vld [tilespmem:$0x0]  }
0x11c: {  	s14 =	simm.s32 $0x10400;
	s1 =	sadd.s32 $0xB80, s29  }
0x11d: {  	[tilespmem:s14], [sflag:$0x4] =	stream.indirect.gather [hbm4b:s2+s24], $0x80, s1, s24, $0xb8;
	v63 =	vld [tilespmem:$0x0]  }
0x11e: {  	_ =	swait.ge [sflag:s5], $0x1900  }
0x11f: {  	[sflag:s5] =	ssyncset.done $0x0  }
0x120: {  	[sflag:s5] =	ssyncadd.s32 $0xFFFFE700  }
0x121: {  	_ =	swait.ge [sflag:s5], $0x1900  }
0x122: {  	[sflag:s5] =	ssyncset.done $0x0  }
0x123: {  	s21 =	simm.s32 $0x4000;
	[sflag:s5] =	ssyncadd.s32 $0xFFFFE700  }
0x124: {  	[hbm4b:s31+s3] =	stream.linear.scatter [tilespmem:s21], [sflag:$0x9], $0x1900, $0x38;
	v63 =	vld [tilespmem:$0x0]  }
0x125: {  	s7 =	simm.s32 $0x5C00;
	s1 =	sadd.s32 $0x380, s31  }
0x126: {  	[hbm4b:s1+s3] =	stream.linear.scatter [tilespmem:s7], [sflag:$0x9], $0x1900, $0x38;
	v63 =	vld [tilespmem:$0x0]  }
0x127: {  	s1 =	simm.s32 $0xD  }
0x128: {  	_ =	swait.ge [sflag:s1], $0x3200  }
0x129: {  	[sflag:s1] =	ssyncset.done $0x0  }
0x12a: {  	s16 =	simm.s32 $0x12000;
	[sflag:s1] =	ssyncadd.s32 $0xFFFFCE00;
	s1 =	sadd.s32 $0xC00, s29  }
0x12b: {  	[tilespmem:s16], [sflag:$0x5] =	stream.indirect.gather [hbm4b:s2+s24], $0x80, s1, s24, $0xb8;
	v63 =	vld [tilespmem:$0x0]  }
0x12c: {  	s18 =	simm.s32 $0x13C00;
	s1 =	sadd.s32 $0xC80, s29  }
0x12d: {  	[tilespmem:s18], [sflag:$0x5] =	stream.indirect.gather [hbm4b:s2+s24], $0x80, s1, s24, $0xb8;
	v63 =	vld [tilespmem:$0x0]  }
0x12e: {  	_ =	swait.ge [sflag:s6], $0x1900  }
0x12f: {  	[sflag:s6] =	ssyncset.done $0x0  }
0x130: {  	[sflag:s6] =	ssyncadd.s32 $0xFFFFE700  }
0x131: {  	_ =	swait.ge [sflag:s6], $0x1900  }
0x132: {  	[sflag:s6] =	ssyncset.done $0x0  }
0x133: {  	s8 =	simm.s32 $0x7800;
	s1 =	sadd.s32 $0x700, s31;
	[sflag:s6] =	ssyncadd.s32 $0xFFFFE700  }
0x134: {  	[hbm4b:s1+s3] =	stream.linear.scatter [tilespmem:s8], [sflag:$0xA], $0x1900, $0x38;
	v63 =	vld [tilespmem:$0x0]  }
0x135: {  	s10 =	simm.s32 $0x9400;
	s1 =	sadd.s32 $0xA80, s31  }
0x136: {  	[hbm4b:s1+s3] =	stream.linear.scatter [tilespmem:s10], [sflag:$0xA], $0x1900, $0x38;
	v63 =	vld [tilespmem:$0x0]  }
0x137: {  	s1 =	simm.s32 $0xE  }
0x138: {  	_ =	swait.ge [sflag:s1], $0x3200  }
0x139: {  	[sflag:s1] =	ssyncset.done $0x0  }
0x13a: {  	s20 =	simm.s32 $0x15800;
	[sflag:s1] =	ssyncadd.s32 $0xFFFFCE00;
	s1 =	sadd.s32 $0xD00, s29  }
0x13b: {  	[tilespmem:s20], [sflag:$0x6] =	stream.indirect.gather [hbm4b:s2+s24], $0x80, s1, s24, $0xb8;
	v63 =	vld [tilespmem:$0x0]  }
0x13c: {  	s22 =	simm.s32 $0x17400;
	s1 =	sadd.s32 $0xD80, s29  }
0x13d: {  	[tilespmem:s22], [sflag:$0x6] =	stream.indirect.gather [hbm4b:s2+s24], $0x80, s1, s24, $0xb8;
	v63 =	vld [tilespmem:$0x0]  }
0x13e: {  	_ =	swait.ge [sflag:s9], $0x1900  }
0x13f: {  	[sflag:s9] =	ssyncset.done $0x0  }
0x140: {  	[sflag:s9] =	ssyncadd.s32 $0xFFFFE700  }
0x141: {  	_ =	swait.ge [sflag:s9], $0x1900  }
0x142: {  	[sflag:s9] =	ssyncset.done $0x0  }
0x143: {  	s11 =	simm.s32 $0xB000;
	s1 =	sadd.s32 $0xE00, s31;
	[sflag:s9] =	ssyncadd.s32 $0xFFFFE700  }
0x144: {  	[hbm4b:s1+s3] =	stream.linear.scatter [tilespmem:s11], [sflag:$0xB], $0x1900, $0x38;
	v63 =	vld [tilespmem:$0x0]  }
0x145: {  	s13 =	simm.s32 $0xCC00;
	s1 =	sadd.s32 $0x1180, s31  }
0x146: {  	[hbm4b:s1+s3] =	stream.linear.scatter [tilespmem:s13], [sflag:$0xB], $0x1900, $0x38;
	v63 =	vld [tilespmem:$0x0]  }
0x147: {  	s1 =	simm.s32 $0xF  }
0x148: {  	_ =	swait.ge [sflag:s1], $0x3200  }
0x149: {  	[sflag:s1] =	ssyncset.done $0x0  }
0x14a: {  	s25 =	simm.s32 $0x19000;
	[sflag:s1] =	ssyncadd.s32 $0xFFFFCE00;
	s1 =	sadd.s32 $0xE00, s29  }
0x14b: {  	[tilespmem:s25], [sflag:$0x7] =	stream.indirect.gather [hbm4b:s2+s24], $0x80, s1, s24, $0xb8;
	v63 =	vld [tilespmem:$0x0]  }
0x14c: {  	s28 =	simm.s32 $0x1AC00;
	s1 =	sadd.s32 $0xE80, s29  }
0x14d: {  	[tilespmem:s28], [sflag:$0x7] =	stream.indirect.gather [hbm4b:s2+s24], $0x80, s1, s24, $0xb8;
	v63 =	vld [tilespmem:$0x0]  }
0x14e: {  	_ =	swait.ge [sflag:s12], $0x1900  }
0x14f: {  	[sflag:s12] =	ssyncset.done $0x0  }
0x150: {  	[sflag:s12] =	ssyncadd.s32 $0xFFFFE700  }
0x151: {  	_ =	swait.ge [sflag:s12], $0x1900  }
0x152: {  	[sflag:s12] =	ssyncset.done $0x0  }
0x153: {  	s1 =	sadd.s32 $0x1500, s31;
	[sflag:s12] =	ssyncadd.s32 $0xFFFFE700  }
0x154: {  	[hbm4b:s1+s3] =	stream.linear.scatter [tilespmem:s23], [sflag:$0xC], $0x1900, $0x38;
	v63 =	vld [tilespmem:$0x0]  }
0x155: {  	s1 =	sadd.s32 $0x1880, s31  }
0x156: {  	[hbm4b:s1+s3] =	stream.linear.scatter [tilespmem:s14], [sflag:$0xC], $0x1900, $0x38;
	v63 =	vld [tilespmem:$0x0]  }
0x157: {  	_ =	swait.ge [sflag:s0], $0x3200  }
0x158: {  	[sflag:s0] =	ssyncset.done $0x0  }
0x159: {  	s1 =	sadd.s32 $0xF00, s29;
	s14 =	simm.s32 $0x1C800;
	[sflag:s0] =	ssyncadd.s32 $0xFFFFCE00  }
0x15a: {  	[tilespmem:s14], [sflag:$0x8] =	stream.indirect.gather [hbm4b:s2+s24], $0x80, s1, s24, $0xb8;
	v63 =	vld [tilespmem:$0x0]  }
0x15b: {  	s1 =	sadd.s32 $0xF80, s29  }
0x15c: {  	[tilespmem:s30], [sflag:$0x8] =	stream.indirect.gather [hbm4b:s2+s24], $0x80, s1, s24, $0xb8;
	v63 =	vld [tilespmem:$0x0]  }
0x15d: {  	_ =	swait.ge [sflag:s15], $0x1900  }
0x15e: {  	[sflag:s15] =	ssyncset.done $0x0  }
0x15f: {  	[sflag:s15] =	ssyncadd.s32 $0xFFFFE700  }
0x160: {  	_ =	swait.ge [sflag:s15], $0x1900  }
0x161: {  	[sflag:s15] =	ssyncset.done $0x0  }
0x162: {  	s1 =	sadd.s32 $0x1C00, s31;
	[sflag:s15] =	ssyncadd.s32 $0xFFFFE700  }
0x163: {  	[hbm4b:s1+s3] =	stream.linear.scatter [tilespmem:s16], [sflag:$0xD], $0x1900, $0x38;
	v63 =	vld [tilespmem:$0x0]  }
0x164: {  	s1 =	sadd.s32 $0x1F80, s31  }
0x165: {  	[hbm4b:s1+s3] =	stream.linear.scatter [tilespmem:s18], [sflag:$0xD], $0x1900, $0x38;
	v63 =	vld [tilespmem:$0x0]  }
0x166: {  	s1 =	simm.s32 $0x9  }
0x167: {  	_ =	swait.ge [sflag:s1], $0x3200  }
0x168: {  	[sflag:s1] =	ssyncset.done $0x0  }
0x169: {  	s23 =	simm.s32 $0x4000;
	[sflag:s1] =	ssyncadd.s32 $0xFFFFCE00;
	s1 =	sadd.s32 $0x1000, s29  }
0x16a: {  	[tilespmem:s21], [sflag:$0x1] =	stream.indirect.gather [hbm4b:s2+s24], $0x80, s1, s24, $0xb8;
	v63 =	vld [tilespmem:$0x0]  }
0x16b: {  	s1 =	sadd.s32 $0x1080, s29;
	s21 =	simm.s32 $0x5C00  }
0x16c: {  	[tilespmem:s7], [sflag:$0x1] =	stream.indirect.gather [hbm4b:s2+s24], $0x80, s1, s24, $0xb8;
	v63 =	vld [tilespmem:$0x0]  }
0x16d: {  	_ =	swait.ge [sflag:s17], $0x1900  }
0x16e: {  	[sflag:s17] =	ssyncset.done $0x0  }
0x16f: {  	[sflag:s17] =	ssyncadd.s32 $0xFFFFE700  }
0x170: {  	_ =	swait.ge [sflag:s17], $0x1900  }
0x171: {  	[sflag:s17] =	ssyncset.done $0x0  }
0x172: {  	s1 =	sadd.s32 $0x2300, s31;
	[sflag:s17] =	ssyncadd.s32 $0xFFFFE700  }
0x173: {  	[hbm4b:s1+s3] =	stream.linear.scatter [tilespmem:s20], [sflag:$0xE], $0x1900, $0x38;
	v63 =	vld [tilespmem:$0x0]  }
0x174: {  	s1 =	sadd.s32 $0x2680, s31  }
0x175: {  	[hbm4b:s1+s3] =	stream.linear.scatter [tilespmem:s22], [sflag:$0xE], $0x1900, $0x38;
	v63 =	vld [tilespmem:$0x0]  }
0x176: {  	s1 =	simm.s32 $0xA  }
0x177: {  	_ =	swait.ge [sflag:s1], $0x3200  }
0x178: {  	[sflag:s1] =	ssyncset.done $0x0  }
0x179: {  	s7 =	simm.s32 $0x7800;
	[sflag:s1] =	ssyncadd.s32 $0xFFFFCE00;
	s1 =	sadd.s32 $0x1100, s29  }
0x17a: {  	[tilespmem:s8], [sflag:$0x2] =	stream.indirect.gather [hbm4b:s2+s24], $0x80, s1, s24, $0xb8;
	v63 =	vld [tilespmem:$0x0]  }
0x17b: {  	s1 =	sadd.s32 $0x1180, s29;
	s8 =	simm.s32 $0x9400  }
0x17c: {  	[tilespmem:s10], [sflag:$0x2] =	stream.indirect.gather [hbm4b:s2+s24], $0x80, s1, s24, $0xb8;
	v63 =	vld [tilespmem:$0x0]  }
0x17d: {  	_ =	swait.ge [sflag:s19], $0x1900  }
0x17e: {  	[sflag:s19] =	ssyncset.done $0x0  }
0x17f: {  	[sflag:s19] =	ssyncadd.s32 $0xFFFFE700  }
0x180: {  	_ =	swait.ge [sflag:s19], $0x1900  }
0x181: {  	[sflag:s19] =	ssyncset.done $0x0  }
0x182: {  	s1 =	sadd.s32 $0x2A00, s31;
	[sflag:s19] =	ssyncadd.s32 $0xFFFFE700  }
0x183: {  	[hbm4b:s1+s3] =	stream.linear.scatter [tilespmem:s25], [sflag:$0xF], $0x1900, $0x38;
	v63 =	vld [tilespmem:$0x0]  }
0x184: {  	s1 =	sadd.s32 $0x2D80, s31  }
0x185: {  	[hbm4b:s1+s3] =	stream.linear.scatter [tilespmem:s28], [sflag:$0xF], $0x1900, $0x38;
	v63 =	vld [tilespmem:$0x0]  }
0x186: {  	s1 =	simm.s32 $0xB  }
0x187: {  	_ =	swait.ge [sflag:s1], $0x3200  }
0x188: {  	[sflag:s1] =	ssyncset.done $0x0  }
0x189: {  	s10 =	simm.s32 $0xB000;
	[sflag:s1] =	ssyncadd.s32 $0xFFFFCE00;
	s1 =	sadd.s32 $0x1200, s29  }
0x18a: {  	[tilespmem:s11], [sflag:$0x3] =	stream.indirect.gather [hbm4b:s2+s24], $0x80, s1, s24, $0xb8;
	v63 =	vld [tilespmem:$0x0]  }
0x18b: {  	s1 =	sadd.s32 $0x1280, s29;
	s11 =	simm.s32 $0xCC00  }
0x18c: {  	[tilespmem:s13], [sflag:$0x3] =	stream.indirect.gather [hbm4b:s2+s24], $0x80, s1, s24, $0xb8;
	v63 =	vld [tilespmem:$0x0]  }
0x18d: {  	_ =	swait.ge [sflag:s4], $0x1900  }
0x18e: {  	[sflag:s4] =	ssyncset.done $0x0  }
0x18f: {  	[sflag:s4] =	ssyncadd.s32 $0xFFFFE700  }
.Ltmp0:
0x190: {  	_ =	swait.ge [sflag:s4], $0x1900;
	(pc) =	sbr.rel @p0 .LBB2_2-.Ltmp0, $4  }
0x191: {  	[sflag:s4] =	ssyncset.done $0x0  }
0x192: {  	s1 =	sadd.s32 $0x3100, s31;
	[sflag:s4] =	ssyncadd.s32 $0xFFFFE700  }
0x193: {  	[hbm4b:s1+s3] =	stream.linear.scatter [tilespmem:s14], [sflag:$0x10], $0x1900, $0x38;
	v63 =	vld [tilespmem:$0x0]  }
0x194: {  	s29 =	sadd.s32 $0x3480, s31;
	s31 =	sadd.s32 $0x3800, s31  }
0x195: {  	s20 =	simm.s32 $0x1E400;
	s22 =	simm.s32 $0xC  }
0x196: {  	[hbm4b:s29+s3] =	stream.linear.scatter [tilespmem:s20], [sflag:$0x10], $0x1900, $0x38;
	v63 =	vld [tilespmem:$0x0]  }
0x197: {  	_ =	swait.ge [sflag:s22], $0x3200  }
0x198: {  	[sflag:s22] =	ssyncset.done $0x0  }
0x199: {  	s13 =	simm.s32 $0xE800;
	s1 =	simm.s32 $0x3B00;
	[sflag:s22] =	ssyncadd.s32 $0xFFFFCE00  }
0x19a: {  	[tilespmem:s13], [sflag:$0x4] =	stream.indirect.gather [hbm4b:s2+s24], $0x80, s1, s24, $0xb8;
	v63 =	vld [tilespmem:$0x0]  }
0x19b: {  	s14 =	simm.s32 $0x10400;
	s31 =	simm.s32 $0x3B80  }
0x19c: {  	[tilespmem:s14], [sflag:$0x4] =	stream.indirect.gather [hbm4b:s2+s24], $0x80, s31, s24, $0xb8;
	v63 =	vld [tilespmem:$0x0]  }
0x19d: {  	_ =	swait.ge [sflag:s5], $0x1900  }
0x19e: {  	[sflag:s5] =	ssyncset.done $0x0  }
0x19f: {  	[sflag:s5] =	ssyncadd.s32 $0xFFFFE700  }
0x1a0: {  	_ =	swait.ge [sflag:s5], $0x1900  }
0x1a1: {  	[sflag:s5] =	ssyncset.done $0x0  }
0x1a2: {  	s16 =	rddreg [dreg:$0xd];
	[sflag:s5] =	ssyncadd.s32 $0xFFFFE700  }
0x1a3: {  	[hbm4b:s16+s3] =	stream.linear.scatter [tilespmem:s23], [sflag:$0x9], $0x1900, $0x38;
	v63 =	vld [tilespmem:$0x0]  }
0x1a4: {  	s1 =	sadd.s32 $0x380, s16  }
0x1a5: {  	[hbm4b:s1+s3] =	stream.linear.scatter [tilespmem:s21], [sflag:$0x9], $0x1900, $0x38;
	v63 =	vld [tilespmem:$0x0]  }
0x1a6: {  	s21 =	simm.s32 $0xD  }
0x1a7: {  	_ =	swait.ge [sflag:s21], $0x3200  }
0x1a8: {  	[sflag:s21] =	ssyncset.done $0x0  }
0x1a9: {  	s18 =	simm.s32 $0x3C00;
	s16 =	simm.s32 $0x12000;
	[sflag:s21] =	ssyncadd.s32 $0xFFFFCE00  }
0x1aa: {  	[tilespmem:s16], [sflag:$0x5] =	stream.indirect.gather [hbm4b:s2+s24], $0x80, s18, s24, $0xb8;
	v63 =	vld [tilespmem:$0x0]  }
0x1ab: {  	s23 =	simm.s32 $0x3C80;
	s18 =	simm.s32 $0x13C00  }
0x1ac: {  	[tilespmem:s18], [sflag:$0x5] =	stream.indirect.gather [hbm4b:s2+s24], $0x80, s23, s24, $0xb8;
	v63 =	vld [tilespmem:$0x0]  }
0x1ad: {  	_ =	swait.ge [sflag:s6], $0x1900  }
0x1ae: {  	[sflag:s6] =	ssyncset.done $0x0  }
0x1af: {  	[sflag:s6] =	ssyncadd.s32 $0xFFFFE700  }
0x1b0: {  	_ =	swait.ge [sflag:s6], $0x1900  }
0x1b1: {  	[sflag:s6] =	ssyncset.done $0x0  }
0x1b2: {  	s25 =	rddreg [dreg:$0xe];
	[sflag:s6] =	ssyncadd.s32 $0xFFFFE700  }
0x1b3: {  	[hbm4b:s25+s3] =	stream.linear.scatter [tilespmem:s7], [sflag:$0xA], $0x1900, $0x38;
	v63 =	vld [tilespmem:$0x0]  }
0x1b4: {  	s23 =	simm.s32 $0xE;
	s1 =	sadd.s32 $0x380, s25  }
0x1b5: {  	[hbm4b:s1+s3] =	stream.linear.scatter [tilespmem:s8], [sflag:$0xA], $0x1900, $0x38;
	v63 =	vld [tilespmem:$0x0]  }
0x1b6: {  	_ =	swait.ge [sflag:s23], $0x3200  }
0x1b7: {  	[sflag:s23] =	ssyncset.done $0x0  }
0x1b8: {  	s26 =	simm.s32 $0x3D00;
	s7 =	simm.s32 $0x15800;
	[sflag:s23] =	ssyncadd.s32 $0xFFFFCE00  }
0x1b9: {  	[tilespmem:s7], [sflag:$0x6] =	stream.indirect.gather [hbm4b:s2+s24], $0x80, s26, s24, $0xb8;
	v63 =	vld [tilespmem:$0x0]  }
0x1ba: {  	s28 =	simm.s32 $0x3D80;
	s8 =	simm.s32 $0x17400  }
0x1bb: {  	[tilespmem:s8], [sflag:$0x6] =	stream.indirect.gather [hbm4b:s2+s24], $0x80, s28, s24, $0xb8;
	v63 =	vld [tilespmem:$0x0]  }
0x1bc: {  	_ =	swait.ge [sflag:s9], $0x1900  }
0x1bd: {  	[sflag:s9] =	ssyncset.done $0x0  }
0x1be: {  	[sflag:s9] =	ssyncadd.s32 $0xFFFFE700  }
0x1bf: {  	_ =	swait.ge [sflag:s9], $0x1900  }
0x1c0: {  	[sflag:s9] =	ssyncset.done $0x0  }
0x1c1: {  	s29 =	rddreg [dreg:$0xf];
	[sflag:s9] =	ssyncadd.s32 $0xFFFFE700  }
0x1c2: {  	[hbm4b:s29+s3] =	stream.linear.scatter [tilespmem:s10], [sflag:$0xB], $0x1900, $0x38;
	v63 =	vld [tilespmem:$0x0]  }
0x1c3: {  	s25 =	simm.s32 $0xF;
	s1 =	sadd.s32 $0x380, s29  }
0x1c4: {  	[hbm4b:s1+s3] =	stream.linear.scatter [tilespmem:s11], [sflag:$0xB], $0x1900, $0x38;
	v63 =	vld [tilespmem:$0x0]  }
0x1c5: {  	_ =	swait.ge [sflag:s25], $0x3200  }
0x1c6: {  	[sflag:s25] =	ssyncset.done $0x0  }
0x1c7: {  	s30 =	simm.s32 $0x3E00;
	s10 =	simm.s32 $0x19000;
	[sflag:s25] =	ssyncadd.s32 $0xFFFFCE00  }
0x1c8: {  	[tilespmem:s10], [sflag:$0x7] =	stream.indirect.gather [hbm4b:s2+s24], $0x80, s30, s24, $0xb8;
	v63 =	vld [tilespmem:$0x0]  }
0x1c9: {  	s31 =	simm.s32 $0x3E80;
	s11 =	simm.s32 $0x1AC00  }
0x1ca: {  	[tilespmem:s11], [sflag:$0x7] =	stream.indirect.gather [hbm4b:s2+s24], $0x80, s31, s24, $0xb8;
	v63 =	vld [tilespmem:$0x0]  }
0x1cb: {  	_ =	swait.ge [sflag:s12], $0x1900  }
0x1cc: {  	[sflag:s12] =	ssyncset.done $0x0  }
0x1cd: {  	[sflag:s12] =	ssyncadd.s32 $0xFFFFE700  }
0x1ce: {  	_ =	swait.ge [sflag:s12], $0x1900  }
0x1cf: {  	[sflag:s12] =	ssyncset.done $0x0  }
0x1d0: {  	s26 =	rddreg [dreg:$0x10];
	[sflag:s12] =	ssyncadd.s32 $0xFFFFE700  }
0x1d1: {  	[hbm4b:s26+s3] =	stream.linear.scatter [tilespmem:s13], [sflag:$0xC], $0x1900, $0x38;
	v63 =	vld [tilespmem:$0x0]  }
0x1d2: {  	s1 =	sadd.s32 $0x380, s26  }
0x1d3: {  	[hbm4b:s1+s3] =	stream.linear.scatter [tilespmem:s14], [sflag:$0xC], $0x1900, $0x38;
	v63 =	vld [tilespmem:$0x0]  }
0x1d4: {  	_ =	swait.ge [sflag:s0], $0x3200  }
0x1d5: {  	[sflag:s0] =	ssyncset.done $0x0  }
0x1d6: {  	s28 =	simm.s32 $0x1C800;
	s29 =	simm.s32 $0x3F00;
	[sflag:s0] =	ssyncadd.s32 $0xFFFFCE00  }
0x1d7: {  	[tilespmem:s28], [sflag:$0x8] =	stream.indirect.gather [hbm4b:s2+s24], $0x80, s29, s24, $0xb8;
	v63 =	vld [tilespmem:$0x0]  }
0x1d8: {  	s30 =	simm.s32 $0x3F80  }
0x1d9: {  	[tilespmem:s20], [sflag:$0x8] =	stream.indirect.gather [hbm4b:s2+s24], $0x80, s30, s24, $0xb8;
	v63 =	vld [tilespmem:$0x0]  }
0x1da: {  	_ =	swait.ge [sflag:s15], $0x1900  }
0x1db: {  	[sflag:s15] =	ssyncset.done $0x0  }
0x1dc: {  	[sflag:s15] =	ssyncadd.s32 $0xFFFFE700  }
0x1dd: {  	_ =	swait.ge [sflag:s15], $0x1900  }
0x1de: {  	[sflag:s15] =	ssyncset.done $0x0  }
0x1df: {  	s31 =	rddreg [dreg:$0x11];
	[sflag:s15] =	ssyncadd.s32 $0xFFFFE700  }
0x1e0: {  	[hbm4b:s31+s3] =	stream.linear.scatter [tilespmem:s16], [sflag:$0xD], $0x1900, $0x38;
	v63 =	vld [tilespmem:$0x0]  }
0x1e1: {  	s1 =	sadd.s32 $0x380, s31  }
0x1e2: {  	[hbm4b:s1+s3] =	stream.linear.scatter [tilespmem:s18], [sflag:$0xD], $0x1900, $0x38;
	v63 =	vld [tilespmem:$0x0]  }
0x1e3: {  	_ =	swait.ge [sflag:s17], $0x1900  }
0x1e4: {  	[sflag:s17] =	ssyncset.done $0x0  }
0x1e5: {  	[sflag:s17] =	ssyncadd.s32 $0xFFFFE700  }
0x1e6: {  	_ =	swait.ge [sflag:s17], $0x1900  }
0x1e7: {  	[sflag:s17] =	ssyncset.done $0x0  }
0x1e8: {  	s14 =	rddreg [dreg:$0x12];
	[sflag:s17] =	ssyncadd.s32 $0xFFFFE700  }
0x1e9: {  	[hbm4b:s14+s3] =	stream.linear.scatter [tilespmem:s7], [sflag:$0xE], $0x1900, $0x38;
	v63 =	vld [tilespmem:$0x0]  }
0x1ea: {  	s1 =	sadd.s32 $0x380, s14  }
0x1eb: {  	[hbm4b:s1+s3] =	stream.linear.scatter [tilespmem:s8], [sflag:$0xE], $0x1900, $0x38;
	v63 =	vld [tilespmem:$0x0]  }
0x1ec: {  	_ =	swait.ge [sflag:s19], $0x1900  }
0x1ed: {  	[sflag:s19] =	ssyncset.done $0x0  }
0x1ee: {  	[sflag:s19] =	ssyncadd.s32 $0xFFFFE700  }
0x1ef: {  	_ =	swait.ge [sflag:s19], $0x1900  }
0x1f0: {  	[sflag:s19] =	ssyncset.done $0x0  }
0x1f1: {  	s16 =	rddreg [dreg:$0x13];
	[sflag:s19] =	ssyncadd.s32 $0xFFFFE700  }
0x1f2: {  	[hbm4b:s16+s3] =	stream.linear.scatter [tilespmem:s10], [sflag:$0xF], $0x1900, $0x38;
	v63 =	vld [tilespmem:$0x0]  }
0x1f3: {  	s1 =	sadd.s32 $0x380, s16  }
0x1f4: {  	[hbm4b:s1+s3] =	stream.linear.scatter [tilespmem:s11], [sflag:$0xF], $0x1900, $0x38;
	v63 =	vld [tilespmem:$0x0]  }
0x1f5: {  	_ =	swait.ge [sflag:s4], $0x1900  }
0x1f6: {  	[sflag:s4] =	ssyncset.done $0x0  }
0x1f7: {  	[sflag:s4] =	ssyncadd.s32 $0xFFFFE700  }
0x1f8: {  	_ =	swait.ge [sflag:s4], $0x1900  }
0x1f9: {  	[sflag:s4] =	ssyncset.done $0x0  }
0x1fa: {  	s18 =	rddreg [dreg:$0x14];
	[sflag:s4] =	ssyncadd.s32 $0xFFFFE700  }
0x1fb: {  	[hbm4b:s18+s3] =	stream.linear.scatter [tilespmem:s28], [sflag:$0x10], $0x1900, $0x38;
	v63 =	vld [tilespmem:$0x0]  }
0x1fc: {  	s26 =	simm.s32 $0x9;
	s1 =	sadd.s32 $0x380, s18  }
0x1fd: {  	[hbm4b:s1+s3] =	stream.linear.scatter [tilespmem:s20], [sflag:$0x10], $0x1900, $0x38;
	v63 =	vld [tilespmem:$0x0]  }
0x1fe: {  	_ =	swait.ge [sflag:s26], $0x3200  }
0x1ff: {  	[sflag:s26] =	ssyncset.done $0x0  }
0x200: {  	s28 =	simm.s32 $0xA;
	[sflag:s26] =	ssyncadd.s32 $0xFFFFCE00  }
0x201: {  	_ =	swait.ge [sflag:s28], $0x3200  }
0x202: {  	[sflag:s28] =	ssyncset.done $0x0  }
0x203: {  	s29 =	simm.s32 $0xB;
	[sflag:s28] =	ssyncadd.s32 $0xFFFFCE00  }
0x204: {  	_ =	swait.ge [sflag:s29], $0x3200  }
0x205: {  	[sflag:s29] =	ssyncset.done $0x0  }
0x206: {  	[sflag:s29] =	ssyncadd.s32 $0xFFFFCE00  }
0x207: {  	_ =	swait.ge [sflag:s22], $0x3200  }
0x208: {  	[sflag:s22] =	ssyncset.done $0x0  }
0x209: {  	[sflag:s22] =	ssyncadd.s32 $0xFFFFCE00  }
0x20a: {  	_ =	swait.ge [sflag:s21], $0x3200  }
0x20b: {  	[sflag:s21] =	ssyncset.done $0x0  }
0x20c: {  	[sflag:s21] =	ssyncadd.s32 $0xFFFFCE00  }
0x20d: {  	_ =	swait.ge [sflag:s23], $0x3200  }
0x20e: {  	[sflag:s23] =	ssyncset.done $0x0  }
0x20f: {  	[sflag:s23] =	ssyncadd.s32 $0xFFFFCE00  }
0x210: {  	_ =	swait.ge [sflag:s25], $0x3200  }
0x211: {  	[sflag:s25] =	ssyncset.done $0x0  }
0x212: {  	[sflag:s25] =	ssyncadd.s32 $0xFFFFCE00  }
0x213: {  	_ =	swait.ge [sflag:s0], $0x3200  }
0x214: {  	s30 =	rddreg [dreg:$0x17]  }
0x215: {  	s31 =	rddreg [dreg:$0x15];
	s7 =	sadd.s32 $0x1, s30  }
0x216: {  	p0 =	sne.s32 s7, s31  }
.Ltmp1:
0x217: {  	_ = 	snop;
	(pc) =	sbr.rel @p0 .LBB2_1-.Ltmp1, $3  }
0x218: {  	_ =	sdelay $0x1  }
0x219: {  	[sflag:s0] =	ssyncset.done $0x0  }
0x21a: {  	[sflag:s0] =	ssyncadd.s32 $0xFFFFCE00  }
0x21b: {  	_ =	sfence.sel $0x180000  }
0x21c: {  	[bflag:$0x0] =	sbarrier.arrive $0xFFFF  }
0x21d: {  	_ =	strace $0x90000047  }
0x21e: {  	s0 =	stileid.u32;
	[bflag:$0x2] =	sbarrier.arrive $0xFFFF  }
0x21f: {  	p0 =	sne.s32 s0, $0x0;
	s0 =	rddreg [dreg:$0x3]  }
0x220: {  	s0 =	sadd.s32 @!p0 $0x100000, s0  }
0x221: {  	[sflag:s0] =	ssyncadd.tile.s32 @!p0 $0x1;
	_ =	shalt  }
.Lfunc_end2:
_tile_overlayer_lowered:
.L_overlay_start_2:
0x222: {  	(tag) =	ssettag $0x2  }
0x223: {  	s0 =	rddreg [dreg:$0x0];
	s2 =	stileid.u32  }
0x224: {  	s1 =	rddreg [dreg:$0x1];
	p0 =	sne.s32 s2, $0x0  }
0x225: {  	s3 =	rddreg [dreg:$0x2];
	[bflag:$0x3] =	sbarrier.arrive $0xFFFF;
	s2 =	simm.s32 @!p0 $0x1C11  }
0x226: {  	[timem:s3], [sflag:s2] =	dma.local @!p0 [hbm:s0], s1  }
0x227: {  	s0 =	simm.s32 @!p0 $0x11  }
0x228: {  	_ =	swait.ge @!p0 [sflag:s0], s1  }
0x229: {  	s1 =	ssub.s32 @!p0 $0x0, s1;
	[sflag:s0] =	ssyncset.done @!p0 $0x0  }
0x22a: {  	[sflag:s0] =	ssyncadd.s32 @!p0 s1  }
0x22b: {  	[bflag:$0x3] =	sbarrier.arrive $0xFFFF  }
0x22c: {  	_ =	shalt  }

</sc_bundles>
